<compile_context>
chip_gen: v7x
topology: tpu7x:2x2x1
jax: 0.10.2.dev20260603
libtpu: 0.0.44.dev20260713+nightly
codegen_flags: <defaults>
</compile_context>

<pallas_src>
import functools

import jax
import jax.numpy as jnp
from jax import lax
from jax.experimental import pallas as pl
from jax.experimental.pallas import tpu as pltpu
from jax.experimental.pallas import tpu_sc as plsc

_N = 10000
_E = 320000
_D = 128
_G = 16
_C = 4

_NC = 2
_NS = 16
_NW = _NC * _NS
_EPT = _E // _NW
_KCH = 100
_GRP = 25
_NGRP = _EPT // (_KCH * _GRP)
_NPAD = 10240
_ZPT = _NPAD // _NS

_BLK = 2000
_NB = _N // _BLK


def _sc_mesh():
  return plsc.VectorSubcoreMesh(
      core_axis_name="c", subcore_axis_name="s",
      num_cores=_NC, num_subcores=_NS)


def _sc_count(dst_tiles):

  @functools.partial(
      pl.kernel,
      out_type=jax.ShapeDtypeStruct((_NW, _N), jnp.float32),
      mesh=_sc_mesh(),
      scratch_types=[
          pltpu.VMEM((_EPT,), jnp.int32),
          pltpu.VMEM((_N,), jnp.float32),
      ],
      compiler_params=pltpu.CompilerParams(needs_layout_passes=False),
  )
  def body(dst_hbm, out_hbm, dbuf, cnt):
    cid = lax.axis_index("c")
    sid = lax.axis_index("s")
    wid = sid * _NC + cid
    pltpu.sync_copy(dst_hbm.at[wid], dbuf)
    zeros = jnp.zeros((16,), jnp.float32)

    def zbody(i, carry):
      cnt[pl.ds(i * 16, 16)] = zeros
      return carry

    lax.fori_loop(0, _N // 16, zbody, 0)
    ones = jnp.ones((16,), jnp.float32)

    def cbody(i, carry):
      d = dbuf[pl.ds(i * 16, 16)]
      plsc.addupdate_scatter(cnt, [d], ones)
      return carry

    lax.fori_loop(0, _EPT // 16, cbody, 0)
    pltpu.sync_copy(cnt, out_hbm.at[wid])

  return body(dst_tiles)


def _sc_agg(y, src_t, dst_t):

  @functools.partial(
      pl.kernel,
      out_type=jax.ShapeDtypeStruct((_NC, _NPAD, _D), jnp.float32),
      mesh=_sc_mesh(),
      scratch_types=[
          pltpu.VMEM((_GRP, _KCH), jnp.int32),
          pltpu.VMEM((_GRP, _KCH), jnp.int32),
          pltpu.VMEM((_KCH, _D), jnp.float32),
          pltpu.VMEM((_KCH, _D), jnp.float32),
          pltpu.VMEM((_KCH, _D), jnp.float32),
          pltpu.VMEM_SHARED((_NPAD, _D), jnp.float32),
          pltpu.SemaphoreType.DMA,
          pltpu.SemaphoreType.DMA,
          pltpu.SemaphoreType.DMA,
          pltpu.SemaphoreType.DMA,
          pltpu.SemaphoreType.DMA,
          pltpu.SemaphoreType.DMA,
      ],
  )
  def body(y_hbm, src_hbm, dst_hbm, out_hbm, sidx, didx, rows0, rows1, rows2,
           acc, sg0, sg1, sg2, ss0, ss1, ss2):
    cid = lax.axis_index("c")
    sid = lax.axis_index("s")
    wid = sid * _NC + cid
    zeros = jnp.zeros((16,), jnp.float32)

    def zb(i, carry):
      rows0[i // 8, pl.ds((i % 8) * 16, 16)] = zeros
      return carry

    lax.fori_loop(0, 16 * (_D // 16), zb, 0)

    def zs(i, carry):
      pltpu.sync_copy(rows0.at[pl.ds(0, 16)],
                      acc.at[pl.ds(sid * _ZPT + i * 16, 16)])
      return carry

    lax.fori_loop(0, _ZPT // 16, zs, 0)
    plsc.subcore_barrier()

    rows = (rows0, rows1, rows2)
    semg = (sg0, sg1, sg2)
    sems = (ss0, ss1, ss2)

    def fire_g(r):
      pltpu.async_copy(y_hbm.at[sidx.at[r]], rows[r % 3], semg[r % 3])

    def wait_g(r):
      pltpu.make_async_copy(y_hbm.at[sidx.at[r]], rows[r % 3],
                            semg[r % 3]).wait()

    def fire_s(r):
      pltpu.async_copy(rows[r % 3], acc.at[didx.at[r]], sems[r % 3], add=True)

    def wait_s(b):
      pltpu.make_async_copy(rows[b], acc.at[didx.at[0]], sems[b]).wait()

    def gbody(g, carry):
      pltpu.sync_copy(src_hbm.at[wid, g], sidx)

      @pl.when(g > 0)
      def _():
        wait_s(0)

      fire_g(0)

      @pl.when(g > 0)
      def _():
        wait_s(1)

      fire_g(1)

      @pl.when(g > 0)
      def _():
        wait_s(2)

      pltpu.sync_copy(dst_hbm.at[wid, g], didx)
      for r in range(_GRP):
        wait_g(r)
        fire_s(r)
        if r + 2 < _GRP:
          if r >= 1:
            wait_s((r + 2) % 3)
          fire_g(r + 2)
      return carry

    lax.fori_loop(0, _NGRP, gbody, 0)
    wait_s(0)
    wait_s(1)
    wait_s(2)
    plsc.subcore_barrier()
    pltpu.sync_copy(acc.at[pl.ds(sid * _ZPT, _ZPT)],
                    out_hbm.at[cid, pl.ds(sid * _ZPT, _ZPT)])

  return body(y, src_t, dst_t)


def _tc_prep(cnts, x):

  def body(c_ref, x_ref, y_ref, dv_ref):
    deg = 1.0 + jnp.sum(c_ref[...], axis=0)
    dinv = lax.rsqrt(deg)[:, None]
    y_ref[...] = x_ref[...] * dinv
    dv_ref[...] = dinv

  return pl.pallas_call(
      body,
      out_shape=[
          jax.ShapeDtypeStruct((_N, _D), jnp.float32),
          jax.ShapeDtypeStruct((_N, 1), jnp.float32),
      ],
  )(cnts, x)


def _tc_layer(p, y, dv, W, b):

  def body(p_ref, y_ref, dv_ref, w_ref, b_ref, o_ref):
    dinv = dv_ref[...]
    t = (p_ref[0, :_N] + p_ref[1, :_N] + y_ref[...]) * dinv
    h = jnp.dot(t, w_ref[...], preferred_element_type=jnp.float32)
    h = jnp.maximum(h + b_ref[...], 0.0)
    o_ref[...] = h * dinv

  return pl.pallas_call(
      body,
      out_shape=jax.ShapeDtypeStruct((_N, _D), jnp.float32),
  )(p, y, dv, W, b)


def _tc_final(p, y, dv, W, b, batch_r, Wl, bl):

  def body(p_ref, y_ref, dv_ref, w_ref, b_ref, bt_ref, wl_ref, bl_ref,
           o_ref):
    dinv = dv_ref[...]
    t = (p_ref[0, :_N] + p_ref[1, :_N] + y_ref[...]) * dinv
    h = jnp.dot(t, w_ref[...], preferred_element_type=jnp.float32)
    h = jnp.maximum(h + b_ref[...], 0.0)
    oh = (bt_ref[...] == lax.broadcasted_iota(jnp.int32, (_G, _N), 0))
    ohf = oh.astype(jnp.float32)
    acc = jnp.dot(ohf, h, preferred_element_type=jnp.float32)
    cnt = jnp.maximum(jnp.sum(ohf, axis=1), 1.0)[:, None]
    pooled = acc / cnt
    o_ref[...] = (jnp.dot(pooled, wl_ref[...],
                          preferred_element_type=jnp.float32) + bl_ref[...])

  return pl.pallas_call(
      body,
      out_shape=jax.ShapeDtypeStruct((_G, _C), jnp.float32),
  )(p, y, dv, W, b, batch_r, Wl, bl)


def kernel(x, edge_index, batch, W1, b1, W2, b2, Wl, bl):
  src_t = edge_index[0].reshape(_NW, _NGRP, _GRP, _KCH)
  dst_t = edge_index[1].reshape(_NW, _NGRP, _GRP, _KCH)
  dst_f = edge_index[1].reshape(_NW, _EPT)

  cnts = _sc_count(dst_f)
  y1, dv = _tc_prep(cnts, x)
  p1 = _sc_agg(y1, src_t, dst_t)
  y2 = _tc_layer(p1, y1, dv, W1, b1.reshape(1, _D))
  p2 = _sc_agg(y2, src_t, dst_t)
  return _tc_final(p2, y2, dv, W2, b2.reshape(1, _D),
                   batch.reshape(1, _N), Wl, bl.reshape(1, _C))

# --- scband reference (transcript-rebuilt; emitter-appended) ---
"""Pipeline reference for scband-gcnhead-76982993814213 (READ-ONLY COPY).

The authoritative reference and input builder live on the scoring server;
editing this copy changes nothing except your own understanding.
"""

import jax, jax.numpy as jnp
import numpy as np

N = 10000
E = 320000
D = 128
H = 128
C = 4
G = 16


def gcn_conv(x, W, b, src, dst, num_nodes):
    # GCN layer: symmetric-normalized message passing (self-loops added by caller).
    h = x @ W
    deg = jax.ops.segment_sum(jnp.ones_like(src, dtype=h.dtype), dst, num_segments=num_nodes)
    dinv = jnp.where(deg > 0, deg ** -0.5, 0.0)
    norm = dinv[src] * dinv[dst]
    msg = h[src] * norm[:, None]
    out = jax.ops.segment_sum(msg, dst, num_segments=num_nodes)
    return out + b


def setup_inputs(seed: int = 0) -> dict:
    key = jax.random.key(seed)
    ks = jax.random.split(key, 10)
    x = jax.random.normal(ks[0], (N, D), dtype=jnp.float32)
    edge_index = jax.random.randint(ks[1], (2, E), 0, N, dtype=jnp.int32)
    batch = jnp.sort(jax.random.randint(ks[2], (N,), 0, G, dtype=jnp.int32))
    W1 = jax.random.normal(ks[3], (D, H), dtype=jnp.float32) * (1.0 / np.sqrt(D))
    b1 = jnp.zeros((H,), dtype=jnp.float32)
    W2 = jax.random.normal(ks[4], (H, H), dtype=jnp.float32) * (1.0 / np.sqrt(H))
    b2 = jnp.zeros((H,), dtype=jnp.float32)
    Wl = jax.random.normal(ks[5], (H, C), dtype=jnp.float32) * (1.0 / np.sqrt(H))
    bl = jnp.zeros((C,), dtype=jnp.float32)
    return {"x": x, "edge_index": edge_index, "batch": batch,
            "W1": W1, "b1": b1, "W2": W2, "b2": b2, "Wl": Wl, "bl": bl}


def reference(x, edge_index, batch, W1, b1, W2, b2, Wl, bl):
    num_nodes = x.shape[0]
    loop = jnp.arange(num_nodes, dtype=edge_index.dtype)
    src = jnp.concatenate([edge_index[0], loop])
    dst = jnp.concatenate([edge_index[1], loop])
    h = jax.nn.relu(gcn_conv(x, W1, b1, src, dst, num_nodes))
    h = jax.nn.relu(gcn_conv(h, W2, b2, src, dst, num_nodes))
    summed = jax.ops.segment_sum(h, batch, num_segments=G)
    cnt = jax.ops.segment_sum(jnp.ones((num_nodes,), h.dtype), batch, num_segments=G)
    pooled = summed / jnp.clip(cnt, 1.0)[:, None]
    return pooled @ Wl + bl

if __name__ == "__main__":
    import jax
    _d = setup_inputs()
    print(jax.jit(kernel)(*tuple(_d.values())))

</pallas_src>

<mosaic_0001>
#map = affine_map<(d0, d1) -> (0, 0)>
module attributes {stable_mosaic.version = 14 : i64} {
  func.func @body(%arg0: i32, %arg1: i32, %arg2: memref<32x10000xi32, #tpu.memory_space<hbm>>, %arg3: memref<32x10000xf32, #tpu.memory_space<hbm>>, %arg4: memref<10000xi32, #tpu.memory_space<vmem>>, %arg5: memref<10000xf32, #tpu.memory_space<vmem>>) attributes {dimension_semantics = [#tpu.dimension_semantics<core_parallel>, #tpu.dimension_semantics<subcore_parallel>], iteration_bounds = array<i64: 2, 16>, scalar_prefetch = 0 : i64, scratch_operands = 2 : i64, tpu.core_type = #tpu.core_type<sc_vector_subcore>, window_params = [{transform_indices = #map}, {transform_indices = #map}]} {
    %mul3A = arith.constant 2 : i32
    %mul3A_0 = arith.muli %arg1, %mul3A : i32
    %add3A = arith.addi %mul3A_0, %arg0 : i32
    "tpu.region"() ({
      %run_scoped3A = tpu.sem_alloc : memref<!tpu.dma_semaphore, #tpu.memory_space<semaphore_mem>>
      %dma_start3A = arith.constant 0 : i32
      %dma_start3A_15 = tpu.memref_slice %arg2[%add3A, %dma_start3A] : memref<32x10000xi32, #tpu.memory_space<hbm>> -> memref<1x10000xi32, #tpu.memory_space<hbm>>
      %dma_start3A_16 = tpu.memref_squeeze %dma_start3A_15 : memref<1x10000xi32, #tpu.memory_space<hbm>> -> memref<10000xi32, #tpu.memory_space<hbm>>
      %dma_start3A_17 = arith.constant 0 : i32
      %dma_start3A_18 = tpu.memref_slice %arg2[%add3A, %dma_start3A_17] : memref<32x10000xi32, #tpu.memory_space<hbm>> -> memref<1x10000xi32, #tpu.memory_space<hbm>>
      %dma_start3A_19 = tpu.memref_squeeze %dma_start3A_18 : memref<1x10000xi32, #tpu.memory_space<hbm>> -> memref<10000xi32, #tpu.memory_space<hbm>>
      tpu.enqueue_dma source(%dma_start3A_19 : memref<10000xi32, #tpu.memory_space<hbm>>) target(%arg4 : memref<10000xi32, #tpu.memory_space<vmem>>) target_semaphore(%run_scoped3A : memref<!tpu.dma_semaphore, #tpu.memory_space<semaphore_mem>>)
      %dma_wait3A = arith.constant 0 : i32
      %dma_wait3A_20 = tpu.memref_slice %arg2[%add3A, %dma_wait3A] : memref<32x10000xi32, #tpu.memory_space<hbm>> -> memref<1x10000xi32, #tpu.memory_space<hbm>>
      %dma_wait3A_21 = tpu.memref_squeeze %dma_wait3A_20 : memref<1x10000xi32, #tpu.memory_space<hbm>> -> memref<10000xi32, #tpu.memory_space<hbm>>
      %dma_wait3A_22 = arith.constant 0 : i32
      %dma_wait3A_23 = tpu.memref_slice %arg2[%add3A, %dma_wait3A_22] : memref<32x10000xi32, #tpu.memory_space<hbm>> -> memref<1x10000xi32, #tpu.memory_space<hbm>>
      %dma_wait3A_24 = tpu.memref_squeeze %dma_wait3A_23 : memref<1x10000xi32, #tpu.memory_space<hbm>> -> memref<10000xi32, #tpu.memory_space<hbm>>
      tpu.wait_dma2 semaphore(%run_scoped3A : memref<!tpu.dma_semaphore, #tpu.memory_space<semaphore_mem>>) src(%dma_wait3A_24 : memref<10000xi32, #tpu.memory_space<hbm>>) dst(%arg4 : memref<10000xi32, #tpu.memory_space<vmem>>)
      tpu.yield
    }) : () -> ()
    %broadcast_in_dim3A = arith.constant 0.000000e+00 : f32
    %broadcast_in_dim3A_1 = vector.broadcast %broadcast_in_dim3A : f32 to vector<16xf32>
    %scan3A = arith.constant 0 : i32
    %scan3A_2 = arith.constant 0 : i32
    %scan3A_3 = arith.constant 625 : i32
    %scan3A_4 = arith.addi %scan3A_2, %scan3A_3 : i32
    %scan3A_5 = arith.constant 1 : i32
    scf.for %scan3A_15 = %scan3A_2 to %scan3A_4 step %scan3A_5  : i32 {
      %mul3A_16 = arith.constant 16 : i32
      %mul3A_17 = arith.muli %scan3A_15, %mul3A_16 : i32
      %swap3A = arith.index_cast %mul3A_17 : i32 to index
      %swap3A_18 = tpu.vector_load %arg5[%swap3A] {strides = array<i32>} : memref<10000xf32, #tpu.memory_space<vmem>>, vector<16xf32>,
      tpu.vector_store %arg5[%swap3A], %broadcast_in_dim3A_1 {strides = array<i32>} : memref<10000xf32, #tpu.memory_space<vmem>>, vector<16xf32>,
    }
    %scan3A_6 = arith.constant 625 : i32
    %broadcast_in_dim3A_7 = arith.constant 1.000000e+00 : f32
    %broadcast_in_dim3A_8 = vector.broadcast %broadcast_in_dim3A_7 : f32 to vector<16xf32>
    %scan3A_9 = arith.constant 0 : i32
    %scan3A_10 = arith.constant 0 : i32
    %scan3A_11 = arith.constant 625 : i32
    %scan3A_12 = arith.addi %scan3A_10, %scan3A_11 : i32
    %scan3A_13 = arith.constant 1 : i32
    scf.for %scan3A_15 = %scan3A_10 to %scan3A_12 step %scan3A_13  : i32 {
      %mul3A_16 = arith.constant 16 : i32
      %mul3A_17 = arith.muli %scan3A_15, %mul3A_16 : i32
      %get3A = arith.index_cast %mul3A_17 : i32 to index
      %get3A_18 = tpu.vector_load %arg4[%get3A] {strides = array<i32>} : memref<10000xi32, #tpu.memory_space<vmem>>, vector<16xi32>,
      tpu.vector_store_idx %arg5[%get3A_18], %broadcast_in_dim3A_8 {add = true} : memref<10000xf32, #tpu.memory_space<vmem>>[vector<16xi32>], vector<16xf32>,
    }
    %scan3A_14 = arith.constant 625 : i32
    "tpu.region"() ({
      %run_scoped3A = tpu.sem_alloc : memref<!tpu.dma_semaphore, #tpu.memory_space<semaphore_mem>>
      %dma_start3A = arith.constant 0 : i32
      %dma_start3A_15 = tpu.memref_slice %arg3[%add3A, %dma_start3A] : memref<32x10000xf32, #tpu.memory_space<hbm>> -> memref<1x10000xf32, #tpu.memory_space<hbm>>
      %dma_start3A_16 = tpu.memref_squeeze %dma_start3A_15 : memref<1x10000xf32, #tpu.memory_space<hbm>> -> memref<10000xf32, #tpu.memory_space<hbm>>
      %dma_start3A_17 = arith.constant 0 : i32
      %dma_start3A_18 = tpu.memref_slice %arg3[%add3A, %dma_start3A_17] : memref<32x10000xf32, #tpu.memory_space<hbm>> -> memref<1x10000xf32, #tpu.memory_space<hbm>>
      %dma_start3A_19 = tpu.memref_squeeze %dma_start3A_18 : memref<1x10000xf32, #tpu.memory_space<hbm>> -> memref<10000xf32, #tpu.memory_space<hbm>>
      tpu.enqueue_dma source(%arg5 : memref<10000xf32, #tpu.memory_space<vmem>>) target(%dma_start3A_19 : memref<10000xf32, #tpu.memory_space<hbm>>) target_semaphore(%run_scoped3A : memref<!tpu.dma_semaphore, #tpu.memory_space<semaphore_mem>>)
      %dma_wait3A = arith.constant 0 : i32
      %dma_wait3A_20 = tpu.memref_slice %arg3[%add3A, %dma_wait3A] : memref<32x10000xf32, #tpu.memory_space<hbm>> -> memref<1x10000xf32, #tpu.memory_space<hbm>>
      %dma_wait3A_21 = tpu.memref_squeeze %dma_wait3A_20 : memref<1x10000xf32, #tpu.memory_space<hbm>> -> memref<10000xf32, #tpu.memory_space<hbm>>
      %dma_wait3A_22 = arith.constant 0 : i32
      %dma_wait3A_23 = tpu.memref_slice %arg3[%add3A, %dma_wait3A_22] : memref<32x10000xf32, #tpu.memory_space<hbm>> -> memref<1x10000xf32, #tpu.memory_space<hbm>>
      %dma_wait3A_24 = tpu.memref_squeeze %dma_wait3A_23 : memref<1x10000xf32, #tpu.memory_space<hbm>> -> memref<10000xf32, #tpu.memory_space<hbm>>
      tpu.wait_dma2 semaphore(%run_scoped3A : memref<!tpu.dma_semaphore, #tpu.memory_space<semaphore_mem>>) src(%arg5 : memref<10000xf32, #tpu.memory_space<vmem>>) dst(%dma_wait3A_24 : memref<10000xf32, #tpu.memory_space<hbm>>)
      tpu.yield
    }) : () -> ()
    return
  }
}

#map = affine_map<(d0, d1) -> (0, 0)>
#map1 = affine_map<(d0, d1) -> (0, 0, 0, 0)>
#map2 = affine_map<(d0, d1) -> (0, 0, 0)>
module attributes {stable_mosaic.version = 14 : i64} {
  func.func @body(%arg0: i32, %arg1: i32, %arg2: memref<10000x128xf32, #tpu.memory_space<hbm>>, %arg3: memref<32x4x25x100xi32, #tpu.memory_space<hbm>>, %arg4: memref<32x4x25x100xi32, #tpu.memory_space<hbm>>, %arg5: memref<2x10240x128xf32, #tpu.memory_space<hbm>>, %arg6: memref<25x100xi32, #tpu.memory_space<vmem>>, %arg7: memref<25x100xi32, #tpu.memory_space<vmem>>, %arg8: memref<100x128xf32, #tpu.memory_space<vmem>>, %arg9: memref<100x128xf32, #tpu.memory_space<vmem>>, %arg10: memref<100x128xf32, #tpu.memory_space<vmem>>, %arg11: memref<10240x128xf32, #tpu.memory_space<vmem_shared>>, %arg12: memref<!tpu.dma_semaphore, #tpu.memory_space<semaphore_mem>>, %arg13: memref<!tpu.dma_semaphore, #tpu.memory_space<semaphore_mem>>, %arg14: memref<!tpu.dma_semaphore, #tpu.memory_space<semaphore_mem>>, %arg15: memref<!tpu.dma_semaphore, #tpu.memory_space<semaphore_mem>>, %arg16: memref<!tpu.dma_semaphore, #tpu.memory_space<semaphore_mem>>, %arg17: memref<!tpu.dma_semaphore, #tpu.memory_space<semaphore_mem>>) attributes {dimension_semantics = [#tpu.dimension_semantics<core_parallel>, #tpu.dimension_semantics<subcore_parallel>], iteration_bounds = array<i64: 2, 16>, scalar_prefetch = 0 : i64, scratch_operands = 12 : i64, tpu.core_type = #tpu.core_type<sc_vector_subcore>, window_params = [{transform_indices = #map}, {transform_indices = #map1}, {transform_indices = #map1}, {transform_indices = #map2}]} {
    %mul3A = arith.constant 2 : i32
    %mul3A_0 = arith.muli %arg1, %mul3A : i32
    %add3A = arith.addi %mul3A_0, %arg0 : i32
    %broadcast_in_dim3A = arith.constant 0.000000e+00 : f32
    %broadcast_in_dim3A_1 = vector.broadcast %broadcast_in_dim3A : f32 to vector<16xf32>
    %scan3A = arith.constant 0 : i32
    %scan3A_2 = arith.constant 0 : i32
    %scan3A_3 = arith.constant 128 : i32
    %scan3A_4 = arith.addi %scan3A_2, %scan3A_3 : i32
    %scan3A_5 = arith.constant 1 : i32
    scf.for %scan3A_44 = %scan3A_2 to %scan3A_4 step %scan3A_5  : i32 {
      %jit3A = arith.constant 8 : i32
      %div3A = arith.divsi %scan3A_44, %jit3A : i32
      %sign3A = arith.constant 0 : i32
      %sign3A_45 = arith.cmpi sgt, %scan3A_44, %sign3A : i32
      %sign3A_46 = arith.extui %sign3A_45 : i1 to i32
      %sign3A_47 = arith.constant 0 : i32
      %sign3A_48 = arith.cmpi slt, %scan3A_44, %sign3A_47 : i32
      %sign3A_49 = arith.extui %sign3A_48 : i1 to i32
      %sign3A_50 = arith.subi %sign3A_46, %sign3A_49 : i32
      %sign3A_51 = arith.constant 0 : i32
      %sign3A_52 = arith.cmpi sgt, %jit3A, %sign3A_51 : i32
      %sign3A_53 = arith.extui %sign3A_52 : i1 to i32
      %sign3A_54 = arith.constant 0 : i32
      %sign3A_55 = arith.cmpi slt, %jit3A, %sign3A_54 : i32
      %sign3A_56 = arith.extui %sign3A_55 : i1 to i32
      %sign3A_57 = arith.subi %sign3A_53, %sign3A_56 : i32
      %ne3A = arith.cmpi ne, %sign3A_50, %sign3A_57 : i32
      %rem3A = arith.remsi %scan3A_44, %jit3A : i32
      %ne3A_58 = arith.constant 0 : i32
      %ne3A_59 = arith.cmpi ne, %rem3A, %ne3A_58 : i32
      %and3A = arith.andi %ne3A, %ne3A_59 : i1
      %sub3A = arith.constant 1 : i32
      %sub3A_60 = arith.subi %div3A, %sub3A : i32
      %select_n3A = arith.select %and3A, %sub3A_60, %div3A : i32
      %jit3A_61 = arith.constant 8 : i32
      %eq3A = arith.constant 0 : i32
      %eq3A_62 = arith.cmpi eq, %jit3A_61, %eq3A : i32
      %jit3A_63 = arith.constant 1 : i32
      %select_n3A_64 = arith.select %eq3A_62, %jit3A_63, %jit3A_61 : i32
      %rem3A_65 = arith.remsi %scan3A_44, %select_n3A_64 : i32
      %ne3A_66 = arith.constant 0 : i32
      %ne3A_67 = arith.cmpi ne, %rem3A_65, %ne3A_66 : i32
      %lt3A = arith.constant 0 : i32
      %lt3A_68 = arith.cmpi slt, %rem3A_65, %lt3A : i32
      %lt3A_69 = arith.constant 0 : i32
      %lt3A_70 = arith.cmpi slt, %select_n3A_64, %lt3A_69 : i32
      %ne3A_71 = arith.xori %lt3A_68, %lt3A_70 : i1
      %and3A_72 = arith.andi %ne3A_71, %ne3A_67 : i1
      %add3A_73 = arith.addi %rem3A_65, %select_n3A_64 : i32
      %select_n3A_74 = arith.select %and3A_72, %add3A_73, %rem3A_65 : i32
      %mul3A_75 = arith.constant 16 : i32
      %mul3A_76 = arith.muli %select_n3A_74, %mul3A_75 : i32
      %swap3A = arith.index_cast %select_n3A : i32 to index
      %swap3A_77 = arith.index_cast %mul3A_76 : i32 to index
      %swap3A_78 = tpu.vector_load %arg8[%swap3A, %swap3A_77] {strides = array<i32>} : memref<100x128xf32, #tpu.memory_space<vmem>>, vector<1x16xf32>,
      %swap3A_79 = vector.shape_cast %swap3A_78 : vector<1x16xf32> to vector<16xf32>
      %swap3A_80 = vector.shape_cast %broadcast_in_dim3A_1 : vector<16xf32> to vector<1x16xf32>
      tpu.vector_store %arg8[%swap3A, %swap3A_77], %swap3A_80 {strides = array<i32>} : memref<100x128xf32, #tpu.memory_space<vmem>>, vector<1x16xf32>,
    }
    %scan3A_6 = arith.constant 128 : i32
    %scan3A_7 = arith.constant 0 : i32
    %scan3A_8 = arith.constant 0 : i32
    %scan3A_9 = arith.constant 40 : i32
    %scan3A_10 = arith.addi %scan3A_8, %scan3A_9 : i32
    %scan3A_11 = arith.constant 1 : i32
    scf.for %scan3A_44 = %scan3A_8 to %scan3A_10 step %scan3A_11  : i32 {
      %mul3A_45 = arith.constant 640 : i32
      %mul3A_46 = arith.muli %arg1, %mul3A_45 : i32
      %mul3A_47 = arith.constant 16 : i32
      %mul3A_48 = arith.muli %scan3A_44, %mul3A_47 : i32
      %add3A_49 = arith.addi %mul3A_46, %mul3A_48 : i32
      "tpu.region"() ({
        %run_scoped3A = tpu.sem_alloc : memref<!tpu.dma_semaphore, #tpu.memory_space<semaphore_mem>>
        %dma_start3A = arith.constant 0 : i32
        %dma_start3A_50 = arith.constant 0 : i32
        %dma_start3A_51 = tpu.memref_slice %arg8[%dma_start3A, %dma_start3A_50] : memref<100x128xf32, #tpu.memory_space<vmem>> -> memref<16x128xf32, #tpu.memory_space<vmem>>
        %dma_start3A_52 = arith.constant 0 : i32
        %dma_start3A_53 = tpu.memref_slice %arg11[%add3A_49, %dma_start3A_52] : memref<10240x128xf32, #tpu.memory_space<vmem_shared>> -> memref<16x128xf32, #tpu.memory_space<vmem_shared>>
        %dma_start3A_54 = arith.constant 0 : i32
        %dma_start3A_55 = tpu.memref_slice %arg11[%add3A_49, %dma_start3A_54] : memref<10240x128xf32, #tpu.memory_space<vmem_shared>> -> memref<16x128xf32, #tpu.memory_space<vmem_shared>>
        %dma_start3A_56 = arith.constant 0 : i32
        %dma_start3A_57 = arith.constant 0 : i32
        %dma_start3A_58 = tpu.memref_slice %arg8[%dma_start3A_56, %dma_start3A_57] : memref<100x128xf32, #tpu.memory_space<vmem>> -> memref<16x128xf32, #tpu.memory_space<vmem>>
        tpu.enqueue_dma source(%dma_start3A_58 : memref<16x128xf32, #tpu.memory_space<vmem>>) target(%dma_start3A_55 : memref<16x128xf32, #tpu.memory_space<vmem_shared>>) target_semaphore(%run_scoped3A : memref<!tpu.dma_semaphore, #tpu.memory_space<semaphore_mem>>)
        %dma_wait3A_59 = arith.constant 0 : i32
        %dma_wait3A_60 = arith.constant 0 : i32
        %dma_wait3A_61 = tpu.memref_slice %arg8[%dma_wait3A_59, %dma_wait3A_60] : memref<100x128xf32, #tpu.memory_space<vmem>> -> memref<16x128xf32, #tpu.memory_space<vmem>>
        %dma_wait3A_62 = arith.constant 0 : i32
        %dma_wait3A_63 = tpu.memref_slice %arg11[%add3A_49, %dma_wait3A_62] : memref<10240x128xf32, #tpu.memory_space<vmem_shared>> -> memref<16x128xf32, #tpu.memory_space<vmem_shared>>
        %dma_wait3A_64 = arith.constant 0 : i32
        %dma_wait3A_65 = tpu.memref_slice %arg11[%add3A_49, %dma_wait3A_64] : memref<10240x128xf32, #tpu.memory_space<vmem_shared>> -> memref<16x128xf32, #tpu.memory_space<vmem_shared>>
        %dma_wait3A_66 = arith.constant 0 : i32
        %dma_wait3A_67 = arith.constant 0 : i32
        %dma_wait3A_68 = tpu.memref_slice %arg8[%dma_wait3A_66, %dma_wait3A_67] : memref<100x128xf32, #tpu.memory_space<vmem>> -> memref<16x128xf32, #tpu.memory_space<vmem>>
        tpu.wait_dma2 semaphore(%run_scoped3A : memref<!tpu.dma_semaphore, #tpu.memory_space<semaphore_mem>>) src(%dma_wait3A_68 : memref<16x128xf32, #tpu.memory_space<vmem>>) dst(%dma_wait3A_65 : memref<16x128xf32, #tpu.memory_space<vmem_shared>>)
        tpu.yield
      }) : () -> ()
    }
    %scan3A_12 = arith.constant 40 : i32
    %barrier3A = arith.constant 0 : index
    tpu.barrier barrier_id(%barrier3A)
    %scan3A_13 = arith.constant 0 : i32
    %scan3A_14 = arith.constant 0 : i32
    %scan3A_15 = arith.constant 4 : i32
    %scan3A_16 = arith.addi %scan3A_14, %scan3A_15 : i32
    %scan3A_17 = arith.constant 1 : i32
    scf.for %scan3A_44 = %scan3A_14 to %scan3A_16 step %scan3A_17  : i32 {
      "tpu.region"() ({
        %run_scoped3A = tpu.sem_alloc : memref<!tpu.dma_semaphore, #tpu.memory_space<semaphore_mem>>
        %dma_start3A_735 = arith.constant 0 : i32
        %dma_start3A_736 = arith.constant 0 : i32
        %dma_start3A_737 = tpu.memref_slice %arg3[%add3A, %scan3A_44, %dma_start3A_735, %dma_start3A_736] : memref<32x4x25x100xi32, #tpu.memory_space<hbm>> -> memref<1x1x25x100xi32, #tpu.memory_space<hbm>>
        %dma_start3A_738 = tpu.memref_squeeze %dma_start3A_737 : memref<1x1x25x100xi32, #tpu.memory_space<hbm>> -> memref<25x100xi32, #tpu.memory_space<hbm>>
        %dma_start3A_739 = arith.constant 0 : i32
        %dma_start3A_740 = arith.constant 0 : i32
        %dma_start3A_741 = tpu.memref_slice %arg3[%add3A, %scan3A_44, %dma_start3A_739, %dma_start3A_740] : memref<32x4x25x100xi32, #tpu.memory_space<hbm>> -> memref<1x1x25x100xi32, #tpu.memory_space<hbm>>
        %dma_start3A_742 = tpu.memref_squeeze %dma_start3A_741 : memref<1x1x25x100xi32, #tpu.memory_space<hbm>> -> memref<25x100xi32, #tpu.memory_space<hbm>>
        tpu.enqueue_dma source(%dma_start3A_742 : memref<25x100xi32, #tpu.memory_space<hbm>>) target(%arg6 : memref<25x100xi32, #tpu.memory_space<vmem>>) target_semaphore(%run_scoped3A : memref<!tpu.dma_semaphore, #tpu.memory_space<semaphore_mem>>)
        %dma_wait3A_743 = arith.constant 0 : i32
        %dma_wait3A_744 = arith.constant 0 : i32
        %dma_wait3A_745 = tpu.memref_slice %arg3[%add3A, %scan3A_44, %dma_wait3A_743, %dma_wait3A_744] : memref<32x4x25x100xi32, #tpu.memory_space<hbm>> -> memref<1x1x25x100xi32, #tpu.memory_space<hbm>>
        %dma_wait3A_746 = tpu.memref_squeeze %dma_wait3A_745 : memref<1x1x25x100xi32, #tpu.memory_space<hbm>> -> memref<25x100xi32, #tpu.memory_space<hbm>>
        %dma_wait3A_747 = arith.constant 0 : i32
        %dma_wait3A_748 = arith.constant 0 : i32
        %dma_wait3A_749 = tpu.memref_slice %arg3[%add3A, %scan3A_44, %dma_wait3A_747, %dma_wait3A_748] : memref<32x4x25x100xi32, #tpu.memory_space<hbm>> -> memref<1x1x25x100xi32, #tpu.memory_space<hbm>>
        %dma_wait3A_750 = tpu.memref_squeeze %dma_wait3A_749 : memref<1x1x25x100xi32, #tpu.memory_space<hbm>> -> memref<25x100xi32, #tpu.memory_space<hbm>>
        tpu.wait_dma2 semaphore(%run_scoped3A : memref<!tpu.dma_semaphore, #tpu.memory_space<semaphore_mem>>) src(%dma_wait3A_750 : memref<25x100xi32, #tpu.memory_space<hbm>>) dst(%arg6 : memref<25x100xi32, #tpu.memory_space<vmem>>)
        tpu.yield
      }) : () -> ()
      %gt3A = arith.constant 0 : i32
      %gt3A_45 = arith.cmpi sgt, %scan3A_44, %gt3A : i32
      %convert_element_type3A = arith.extui %gt3A_45 : i1 to i32
      %cond3A = arith.constant 0 : i32
      %cond3A_46 = arith.cmpi ne, %convert_element_type3A, %cond3A : i32
      scf.if %cond3A_46 {
        %dma_wait3A_735 = arith.constant 0 : i32
        %dma_wait3A_736 = arith.constant 0 : i32
        %dma_wait3A_737 = tpu.memref_slice %arg7[%dma_wait3A_735, %dma_wait3A_736] : memref<25x100xi32, #tpu.memory_space<vmem>> -> memref<1x100xi32, #tpu.memory_space<vmem>>
        %dma_wait3A_738 = tpu.memref_squeeze %dma_wait3A_737 : memref<1x100xi32, #tpu.memory_space<vmem>> -> memref<100xi32, #tpu.memory_space<vmem>>
        %dma_wait3A_739 = arith.constant 0 : i32
        %dma_wait3A_740 = arith.constant 0 : i32
        %dma_wait3A_741 = tpu.memref_slice %arg11[%dma_wait3A_739, %dma_wait3A_740] : memref<10240x128xf32, #tpu.memory_space<vmem_shared>> -> memref<10240x128xf32, #tpu.memory_space<vmem_shared>>
        tpu.wait_indirect_dma semaphore(%arg15 : memref<!tpu.dma_semaphore, #tpu.memory_space<semaphore_mem>>) src(%arg8 : memref<100x128xf32, #tpu.memory_space<vmem>>) dst(%dma_wait3A_741 : memref<10240x128xf32, #tpu.memory_space<vmem_shared>>)
      } else {
      }
      %dma_start3A = arith.constant 0 : i32
      %dma_start3A_47 = arith.constant 0 : i32
      %dma_start3A_48 = tpu.memref_slice %arg6[%dma_start3A, %dma_start3A_47] : memref<25x100xi32, #tpu.memory_space<vmem>> -> memref<1x100xi32, #tpu.memory_space<vmem>>
      %dma_start3A_49 = tpu.memref_squeeze %dma_start3A_48 : memref<1x100xi32, #tpu.memory_space<vmem>> -> memref<100xi32, #tpu.memory_space<vmem>>
      %dma_start3A_50 = arith.constant 0 : i32
      %dma_start3A_51 = arith.constant 0 : i32
      %dma_start3A_52 = tpu.memref_slice %arg2[%dma_start3A_50, %dma_start3A_51] : memref<10000x128xf32, #tpu.memory_space<hbm>> -> memref<10000x128xf32, #tpu.memory_space<hbm>>
      tpu.enqueue_indirect_dma source(%dma_start3A_52 : memref<10000x128xf32, #tpu.memory_space<hbm>>) target(%arg8 : memref<100x128xf32, #tpu.memory_space<vmem>>) offsets(%dma_start3A_49 : memref<100xi32, #tpu.memory_space<vmem>>) semaphore(%arg12 : memref<!tpu.dma_semaphore, #tpu.memory_space<semaphore_mem>>)
      %gt3A_53 = arith.constant 0 : i32
      %gt3A_54 = arith.cmpi sgt, %scan3A_44, %gt3A_53 : i32
      %convert_element_type3A_55 = arith.extui %gt3A_54 : i1 to i32
      %cond3A_56 = arith.constant 0 : i32
      %cond3A_57 = arith.cmpi ne, %convert_element_type3A_55, %cond3A_56 : i32
      scf.if %cond3A_57 {
        %dma_wait3A_735 = arith.constant 0 : i32
        %dma_wait3A_736 = arith.constant 0 : i32
        %dma_wait3A_737 = tpu.memref_slice %arg7[%dma_wait3A_735, %dma_wait3A_736] : memref<25x100xi32, #tpu.memory_space<vmem>> -> memref<1x100xi32, #tpu.memory_space<vmem>>
        %dma_wait3A_738 = tpu.memref_squeeze %dma_wait3A_737 : memref<1x100xi32, #tpu.memory_space<vmem>> -> memref<100xi32, #tpu.memory_space<vmem>>
        %dma_wait3A_739 = arith.constant 0 : i32
        %dma_wait3A_740 = arith.constant 0 : i32
        %dma_wait3A_741 = tpu.memref_slice %arg11[%dma_wait3A_739, %dma_wait3A_740] : memref<10240x128xf32, #tpu.memory_space<vmem_shared>> -> memref<10240x128xf32, #tpu.memory_space<vmem_shared>>
        tpu.wait_indirect_dma semaphore(%arg16 : memref<!tpu.dma_semaphore, #tpu.memory_space<semaphore_mem>>) src(%arg9 : memref<100x128xf32, #tpu.memory_space<vmem>>) dst(%dma_wait3A_741 : memref<10240x128xf32, #tpu.memory_space<vmem_shared>>)
      } else {
      }
      %dma_start3A_58 = arith.constant 1 : i32
      %dma_start3A_59 = arith.constant 0 : i32
      %dma_start3A_60 = tpu.memref_slice %arg6[%dma_start3A_58, %dma_start3A_59] : memref<25x100xi32, #tpu.memory_space<vmem>> -> memref<1x100xi32, #tpu.memory_space<vmem>>
      %dma_start3A_61 = tpu.memref_squeeze %dma_start3A_60 : memref<1x100xi32, #tpu.memory_space<vmem>> -> memref<100xi32, #tpu.memory_space<vmem>>
      %dma_start3A_62 = arith.constant 0 : i32
      %dma_start3A_63 = arith.constant 0 : i32
      %dma_start3A_64 = tpu.memref_slice %arg2[%dma_start3A_62, %dma_start3A_63] : memref<10000x128xf32, #tpu.memory_space<hbm>> -> memref<10000x128xf32, #tpu.memory_space<hbm>>
      tpu.enqueue_indirect_dma source(%dma_start3A_64 : memref<10000x128xf32, #tpu.memory_space<hbm>>) target(%arg9 : memref<100x128xf32, #tpu.memory_space<vmem>>) offsets(%dma_start3A_61 : memref<100xi32, #tpu.memory_space<vmem>>) semaphore(%arg13 : memref<!tpu.dma_semaphore, #tpu.memory_space<semaphore_mem>>)
      %gt3A_65 = arith.constant 0 : i32
      %gt3A_66 = arith.cmpi sgt, %scan3A_44, %gt3A_65 : i32
      %convert_element_type3A_67 = arith.extui %gt3A_66 : i1 to i32
      %cond3A_68 = arith.constant 0 : i32
      %cond3A_69 = arith.cmpi ne, %convert_element_type3A_67, %cond3A_68 : i32
      scf.if %cond3A_69 {
        %dma_wait3A_735 = arith.constant 0 : i32
        %dma_wait3A_736 = arith.constant 0 : i32
        %dma_wait3A_737 = tpu.memref_slice %arg7[%dma_wait3A_735, %dma_wait3A_736] : memref<25x100xi32, #tpu.memory_space<vmem>> -> memref<1x100xi32, #tpu.memory_space<vmem>>
        %dma_wait3A_738 = tpu.memref_squeeze %dma_wait3A_737 : memref<1x100xi32, #tpu.memory_space<vmem>> -> memref<100xi32, #tpu.memory_space<vmem>>
        %dma_wait3A_739 = arith.constant 0 : i32
        %dma_wait3A_740 = arith.constant 0 : i32
        %dma_wait3A_741 = tpu.memref_slice %arg11[%dma_wait3A_739, %dma_wait3A_740] : memref<10240x128xf32, #tpu.memory_space<vmem_shared>> -> memref<10240x128xf32, #tpu.memory_space<vmem_shared>>
        tpu.wait_indirect_dma semaphore(%arg17 : memref<!tpu.dma_semaphore, #tpu.memory_space<semaphore_mem>>) src(%arg10 : memref<100x128xf32, #tpu.memory_space<vmem>>) dst(%dma_wait3A_741 : memref<10240x128xf32, #tpu.memory_space<vmem_shared>>)
      } else {
      }
      "tpu.region"() ({
        %run_scoped3A = tpu.sem_alloc : memref<!tpu.dma_semaphore, #tpu.memory_space<semaphore_mem>>
        %dma_start3A_735 = arith.constant 0 : i32
        %dma_start3A_736 = arith.constant 0 : i32
        %dma_start3A_737 = tpu.memref_slice %arg4[%add3A, %scan3A_44, %dma_start3A_735, %dma_start3A_736] : memref<32x4x25x100xi32, #tpu.memory_space<hbm>> -> memref<1x1x25x100xi32, #tpu.memory_space<hbm>>
        %dma_start3A_738 = tpu.memref_squeeze %dma_start3A_737 : memref<1x1x25x100xi32, #tpu.memory_space<hbm>> -> memref<25x100xi32, #tpu.memory_space<hbm>>
        %dma_start3A_739 = arith.constant 0 : i32
        %dma_start3A_740 = arith.constant 0 : i32
        %dma_start3A_741 = tpu.memref_slice %arg4[%add3A, %scan3A_44, %dma_start3A_739, %dma_start3A_740] : memref<32x4x25x100xi32, #tpu.memory_space<hbm>> -> memref<1x1x25x100xi32, #tpu.memory_space<hbm>>
        %dma_start3A_742 = tpu.memref_squeeze %dma_start3A_741 : memref<1x1x25x100xi32, #tpu.memory_space<hbm>> -> memref<25x100xi32, #tpu.memory_space<hbm>>
        tpu.enqueue_dma source(%dma_start3A_742 : memref<25x100xi32, #tpu.memory_space<hbm>>) target(%arg7 : memref<25x100xi32, #tpu.memory_space<vmem>>) target_semaphore(%run_scoped3A : memref<!tpu.dma_semaphore, #tpu.memory_space<semaphore_mem>>)
        %dma_wait3A_743 = arith.constant 0 : i32
        %dma_wait3A_744 = arith.constant 0 : i32
        %dma_wait3A_745 = tpu.memref_slice %arg4[%add3A, %scan3A_44, %dma_wait3A_743, %dma_wait3A_744] : memref<32x4x25x100xi32, #tpu.memory_space<hbm>> -> memref<1x1x25x100xi32, #tpu.memory_space<hbm>>
        %dma_wait3A_746 = tpu.memref_squeeze %dma_wait3A_745 : memref<1x1x25x100xi32, #tpu.memory_space<hbm>> -> memref<25x100xi32, #tpu.memory_space<hbm>>
        %dma_wait3A_747 = arith.constant 0 : i32
        %dma_wait3A_748 = arith.constant 0 : i32
        %dma_wait3A_749 = tpu.memref_slice %arg4[%add3A, %scan3A_44, %dma_wait3A_747, %dma_wait3A_748] : memref<32x4x25x100xi32, #tpu.memory_space<hbm>> -> memref<1x1x25x100xi32, #tpu.memory_space<hbm>>
        %dma_wait3A_750 = tpu.memref_squeeze %dma_wait3A_749 : memref<1x1x25x100xi32, #tpu.memory_space<hbm>> -> memref<25x100xi32, #tpu.memory_space<hbm>>
        tpu.wait_dma2 semaphore(%run_scoped3A : memref<!tpu.dma_semaphore, #tpu.memory_space<semaphore_mem>>) src(%dma_wait3A_750 : memref<25x100xi32, #tpu.memory_space<hbm>>) dst(%arg7 : memref<25x100xi32, #tpu.memory_space<vmem>>)
        tpu.yield
      }) : () -> ()
      %dma_wait3A_70 = arith.constant 0 : i32
      %dma_wait3A_71 = arith.constant 0 : i32
      %dma_wait3A_72 = tpu.memref_slice %arg6[%dma_wait3A_70, %dma_wait3A_71] : memref<25x100xi32, #tpu.memory_space<vmem>> -> memref<1x100xi32, #tpu.memory_space<vmem>>
      %dma_wait3A_73 = tpu.memref_squeeze %dma_wait3A_72 : memref<1x100xi32, #tpu.memory_space<vmem>> -> memref<100xi32, #tpu.memory_space<vmem>>
      %dma_wait3A_74 = arith.constant 0 : i32
      %dma_wait3A_75 = arith.constant 0 : i32
      %dma_wait3A_76 = tpu.memref_slice %arg2[%dma_wait3A_74, %dma_wait3A_75] : memref<10000x128xf32, #tpu.memory_space<hbm>> -> memref<10000x128xf32, #tpu.memory_space<hbm>>
      tpu.wait_indirect_dma semaphore(%arg12 : memref<!tpu.dma_semaphore, #tpu.memory_space<semaphore_mem>>) src(%dma_wait3A_76 : memref<10000x128xf32, #tpu.memory_space<hbm>>) dst(%arg8 : memref<100x128xf32, #tpu.memory_space<vmem>>)
      %dma_start3A_77 = arith.constant 0 : i32
      %dma_start3A_78 = arith.constant 0 : i32
      %dma_start3A_79 = tpu.memref_slice %arg7[%dma_start3A_77, %dma_start3A_78] : memref<25x100xi32, #tpu.memory_space<vmem>> -> memref<1x100xi32, #tpu.memory_space<vmem>>
      %dma_start3A_80 = tpu.memref_squeeze %dma_start3A_79 : memref<1x100xi32, #tpu.memory_space<vmem>> -> memref<100xi32, #tpu.memory_space<vmem>>
      %dma_start3A_81 = arith.constant 0 : i32
      %dma_start3A_82 = arith.constant 0 : i32
      %dma_start3A_83 = tpu.memref_slice %arg11[%dma_start3A_81, %dma_start3A_82] : memref<10240x128xf32, #tpu.memory_space<vmem_shared>> -> memref<10240x128xf32, #tpu.memory_space<vmem_shared>>
      tpu.enqueue_indirect_dma source(%arg8 : memref<100x128xf32, #tpu.memory_space<vmem>>) target(%dma_start3A_83 : memref<10240x128xf32, #tpu.memory_space<vmem_shared>>) offsets(%dma_start3A_80 : memref<100xi32, #tpu.memory_space<vmem>>) semaphore(%arg15 : memref<!tpu.dma_semaphore, #tpu.memory_space<semaphore_mem>>) {add = true}
      %dma_start3A_84 = arith.constant 2 : i32
      %dma_start3A_85 = arith.constant 0 : i32
      %dma_start3A_86 = tpu.memref_slice %arg6[%dma_start3A_84, %dma_start3A_85] : memref<25x100xi32, #tpu.memory_space<vmem>> -> memref<1x100xi32, #tpu.memory_space<vmem>>
      %dma_start3A_87 = tpu.memref_squeeze %dma_start3A_86 : memref<1x100xi32, #tpu.memory_space<vmem>> -> memref<100xi32, #tpu.memory_space<vmem>>
      %dma_start3A_88 = arith.constant 0 : i32
      %dma_start3A_89 = arith.constant 0 : i32
      %dma_start3A_90 = tpu.memref_slice %arg2[%dma_start3A_88, %dma_start3A_89] : memref<10000x128xf32, #tpu.memory_space<hbm>> -> memref<10000x128xf32, #tpu.memory_space<hbm>>
      tpu.enqueue_indirect_dma source(%dma_start3A_90 : memref<10000x128xf32, #tpu.memory_space<hbm>>) target(%arg10 : memref<100x128xf32, #tpu.memory_space<vmem>>) offsets(%dma_start3A_87 : memref<100xi32, #tpu.memory_space<vmem>>) semaphore(%arg14 : memref<!tpu.dma_semaphore, #tpu.memory_space<semaphore_mem>>)
      %dma_wait3A_91 = arith.constant 1 : i32
      %dma_wait3A_92 = arith.constant 0 : i32
      %dma_wait3A_93 = tpu.memref_slice %arg6[%dma_wait3A_91, %dma_wait3A_92] : memref<25x100xi32, #tpu.memory_space<vmem>> -> memref<1x100xi32, #tpu.memory_space<vmem>>
      %dma_wait3A_94 = tpu.memref_squeeze %dma_wait3A_93 : memref<1x100xi32, #tpu.memory_space<vmem>> -> memref<100xi32, #tpu.memory_space<vmem>>
      %dma_wait3A_95 = arith.constant 0 : i32
      %dma_wait3A_96 = arith.constant 0 : i32
      %dma_wait3A_97 = tpu.memref_slice %arg2[%dma_wait3A_95, %dma_wait3A_96] : memref<10000x128xf32, #tpu.memory_space<hbm>> -> memref<10000x128xf32, #tpu.memory_space<hbm>>
      tpu.wait_indirect_dma semaphore(%arg13 : memref<!tpu.dma_semaphore, #tpu.memory_space<semaphore_mem>>) src(%dma_wait3A_97 : memref<10000x128xf32, #tpu.memory_space<hbm>>) dst(%arg9 : memref<100x128xf32, #tpu.memory_space<vmem>>)
      %dma_start3A_98 = arith.constant 1 : i32
      %dma_start3A_99 = arith.constant 0 : i32
      %dma_start3A_100 = tpu.memref_slice %arg7[%dma_start3A_98, %dma_start3A_99] : memref<25x100xi32, #tpu.memory_space<vmem>> -> memref<1x100xi32, #tpu.memory_space<vmem>>
      %dma_start3A_101 = tpu.memref_squeeze %dma_start3A_100 : memref<1x100xi32, #tpu.memory_space<vmem>> -> memref<100xi32, #tpu.memory_space<vmem>>
      %dma_start3A_102 = arith.constant 0 : i32
      %dma_start3A_103 = arith.constant 0 : i32
      %dma_start3A_104 = tpu.memref_slice %arg11[%dma_start3A_102, %dma_start3A_103] : memref<10240x128xf32, #tpu.memory_space<vmem_shared>> -> memref<10240x128xf32, #tpu.memory_space<vmem_shared>>
      tpu.enqueue_indirect_dma source(%arg9 : memref<100x128xf32, #tpu.memory_space<vmem>>) target(%dma_start3A_104 : memref<10240x128xf32, #tpu.memory_space<vmem_shared>>) offsets(%dma_start3A_101 : memref<100xi32, #tpu.memory_space<vmem>>) semaphore(%arg16 : memref<!tpu.dma_semaphore, #tpu.memory_space<semaphore_mem>>) {add = true}
      %dma_wait3A_105 = arith.constant 0 : i32
      %dma_wait3A_106 = arith.constant 0 : i32
      %dma_wait3A_107 = tpu.memref_slice %arg7[%dma_wait3A_105, %dma_wait3A_106] : memref<25x100xi32, #tpu.memory_space<vmem>> -> memref<1x100xi32, #tpu.memory_space<vmem>>
      %dma_wait3A_108 = tpu.memref_squeeze %dma_wait3A_107 : memref<1x100xi32, #tpu.memory_space<vmem>> -> memref<100xi32, #tpu.memory_space<vmem>>
      %dma_wait3A_109 = arith.constant 0 : i32
      %dma_wait3A_110 = arith.constant 0 : i32
      %dma_wait3A_111 = tpu.memref_slice %arg11[%dma_wait3A_109, %dma_wait3A_110] : memref<10240x128xf32, #tpu.memory_space<vmem_shared>> -> memref<10240x128xf32, #tpu.memory_space<vmem_shared>>
      tpu.wait_indirect_dma semaphore(%arg15 : memref<!tpu.dma_semaphore, #tpu.memory_space<semaphore_mem>>) src(%arg8 : memref<100x128xf32, #tpu.memory_space<vmem>>) dst(%dma_wait3A_111 : memref<10240x128xf32, #tpu.memory_space<vmem_shared>>)
      %dma_start3A_112 = arith.constant 3 : i32
      %dma_start3A_113 = arith.constant 0 : i32
      %dma_start3A_114 = tpu.memref_slice %arg6[%dma_start3A_112, %dma_start3A_113] : memref<25x100xi32, #tpu.memory_space<vmem>> -> memref<1x100xi32, #tpu.memory_space<vmem>>
      %dma_start3A_115 = tpu.memref_squeeze %dma_start3A_114 : memref<1x100xi32, #tpu.memory_space<vmem>> -> memref<100xi32, #tpu.memory_space<vmem>>
      %dma_start3A_116 = arith.constant 0 : i32
      %dma_start3A_117 = arith.constant 0 : i32
      %dma_start3A_118 = tpu.memref_slice %arg2[%dma_start3A_116, %dma_start3A_117] : memref<10000x128xf32, #tpu.memory_space<hbm>> -> memref<10000x128xf32, #tpu.memory_space<hbm>>
      tpu.enqueue_indirect_dma source(%dma_start3A_118 : memref<10000x128xf32, #tpu.memory_space<hbm>>) target(%arg8 : memref<100x128xf32, #tpu.memory_space<vmem>>) offsets(%dma_start3A_115 : memref<100xi32, #tpu.memory_space<vmem>>) semaphore(%arg12 : memref<!tpu.dma_semaphore, #tpu.memory_space<semaphore_mem>>)
      %dma_wait3A_119 = arith.constant 2 : i32
      %dma_wait3A_120 = arith.constant 0 : i32
      %dma_wait3A_121 = tpu.memref_slice %arg6[%dma_wait3A_119, %dma_wait3A_120] : memref<25x100xi32, #tpu.memory_space<vmem>> -> memref<1x100xi32, #tpu.memory_space<vmem>>
      %dma_wait3A_122 = tpu.memref_squeeze %dma_wait3A_121 : memref<1x100xi32, #tpu.memory_space<vmem>> -> memref<100xi32, #tpu.memory_space<vmem>>
      %dma_wait3A_123 = arith.constant 0 : i32
      %dma_wait3A_124 = arith.constant 0 : i32
      %dma_wait3A_125 = tpu.memref_slice %arg2[%dma_wait3A_123, %dma_wait3A_124] : memref<10000x128xf32, #tpu.memory_space<hbm>> -> memref<10000x128xf32, #tpu.memory_space<hbm>>
      tpu.wait_indirect_dma semaphore(%arg14 : memref<!tpu.dma_semaphore, #tpu.memory_space<semaphore_mem>>) src(%dma_wait3A_125 : memref<10000x128xf32, #tpu.memory_space<hbm>>) dst(%arg10 : memref<100x128xf32, #tpu.memory_space<vmem>>)
      %dma_start3A_126 = arith.constant 2 : i32
      %dma_start3A_127 = arith.constant 0 : i32
      %dma_start3A_128 = tpu.memref_slice %arg7[%dma_start3A_126, %dma_start3A_127] : memref<25x100xi32, #tpu.memory_space<vmem>> -> memref<1x100xi32, #tpu.memory_space<vmem>>
      %dma_start3A_129 = tpu.memref_squeeze %dma_start3A_128 : memref<1x100xi32, #tpu.memory_space<vmem>> -> memref<100xi32, #tpu.memory_space<vmem>>
      %dma_start3A_130 = arith.constant 0 : i32
      %dma_start3A_131 = arith.constant 0 : i32
      %dma_start3A_132 = tpu.memref_slice %arg11[%dma_start3A_130, %dma_start3A_131] : memref<10240x128xf32, #tpu.memory_space<vmem_shared>> -> memref<10240x128xf32, #tpu.memory_space<vmem_shared>>
      tpu.enqueue_indirect_dma source(%arg10 : memref<100x128xf32, #tpu.memory_space<vmem>>) target(%dma_start3A_132 : memref<10240x128xf32, #tpu.memory_space<vmem_shared>>) offsets(%dma_start3A_129 : memref<100xi32, #tpu.memory_space<vmem>>) semaphore(%arg17 : memref<!tpu.dma_semaphore, #tpu.memory_space<semaphore_mem>>) {add = true}
      %dma_wait3A_133 = arith.constant 0 : i32
      %dma_wait3A_134 = arith.constant 0 : i32
      %dma_wait3A_135 = tpu.memref_slice %arg7[%dma_wait3A_133, %dma_wait3A_134] : memref<25x100xi32, #tpu.memory_space<vmem>> -> memref<1x100xi32, #tpu.memory_space<vmem>>
      %dma_wait3A_136 = tpu.memref_squeeze %dma_wait3A_135 : memref<1x100xi32, #tpu.memory_space<vmem>> -> memref<100xi32, #tpu.memory_space<vmem>>
      %dma_wait3A_137 = arith.constant 0 : i32
      %dma_wait3A_138 = arith.constant 0 : i32
      %dma_wait3A_139 = tpu.memref_slice %arg11[%dma_wait3A_137, %dma_wait3A_138] : memref<10240x128xf32, #tpu.memory_space<vmem_shared>> -> memref<10240x128xf32, #tpu.memory_space<vmem_shared>>
      tpu.wait_indirect_dma semaphore(%arg16 : memref<!tpu.dma_semaphore, #tpu.memory_space<semaphore_mem>>) src(%arg9 : memref<100x128xf32, #tpu.memory_space<vmem>>) dst(%dma_wait3A_139 : memref<10240x128xf32, #tpu.memory_space<vmem_shared>>)
      %dma_start3A_140 = arith.constant 4 : i32
      %dma_start3A_141 = arith.constant 0 : i32
      %dma_start3A_142 = tpu.memref_slice %arg6[%dma_start3A_140, %dma_start3A_141] : memref<25x100xi32, #tpu.memory_space<vmem>> -> memref<1x100xi32, #tpu.memory_space<vmem>>
      %dma_start3A_143 = tpu.memref_squeeze %dma_start3A_142 : memref<1x100xi32, #tpu.memory_space<vmem>> -> memref<100xi32, #tpu.memory_space<vmem>>
      %dma_start3A_144 = arith.constant 0 : i32
      %dma_start3A_145 = arith.constant 0 : i32
      %dma_start3A_146 = tpu.memref_slice %arg2[%dma_start3A_144, %dma_start3A_145] : memref<10000x128xf32, #tpu.memory_space<hbm>> -> memref<10000x128xf32, #tpu.memory_space<hbm>>
      tpu.enqueue_indirect_dma source(%dma_start3A_146 : memref<10000x128xf32, #tpu.memory_space<hbm>>) target(%arg9 : memref<100x128xf32, #tpu.memory_space<vmem>>) offsets(%dma_start3A_143 : memref<100xi32, #tpu.memory_space<vmem>>) semaphore(%arg13 : memref<!tpu.dma_semaphore, #tpu.memory_space<semaphore_mem>>)
      %dma_wait3A_147 = arith.constant 3 : i32
      %dma_wait3A_148 = arith.constant 0 : i32
      %dma_wait3A_149 = tpu.memref_slice %arg6[%dma_wait3A_147, %dma_wait3A_148] : memref<25x100xi32, #tpu.memory_space<vmem>> -> memref<1x100xi32, #tpu.memory_space<vmem>>
      %dma_wait3A_150 = tpu.memref_squeeze %dma_wait3A_149 : memref<1x100xi32, #tpu.memory_space<vmem>> -> memref<100xi32, #tpu.memory_space<vmem>>
      %dma_wait3A_151 = arith.constant 0 : i32
      %dma_wait3A_152 = arith.constant 0 : i32
      %dma_wait3A_153 = tpu.memref_slice %arg2[%dma_wait3A_151, %dma_wait3A_152] : memref<10000x128xf32, #tpu.memory_space<hbm>> -> memref<10000x128xf32, #tpu.memory_space<hbm>>
      tpu.wait_indirect_dma semaphore(%arg12 : memref<!tpu.dma_semaphore, #tpu.memory_space<semaphore_mem>>) src(%dma_wait3A_153 : memref<10000x128xf32, #tpu.memory_space<hbm>>) dst(%arg8 : memref<100x128xf32, #tpu.memory_space<vmem>>)
      %dma_start3A_154 = arith.constant 3 : i32
      %dma_start3A_155 = arith.constant 0 : i32
      %dma_start3A_156 = tpu.memref_slice %arg7[%dma_start3A_154, %dma_start3A_155] : memref<25x100xi32, #tpu.memory_space<vmem>> -> memref<1x100xi32, #tpu.memory_space<vmem>>
      %dma_start3A_157 = tpu.memref_squeeze %dma_start3A_156 : memref<1x100xi32, #tpu.memory_space<vmem>> -> memref<100xi32, #tpu.memory_space<vmem>>
      %dma_start3A_158 = arith.constant 0 : i32
      %dma_start3A_159 = arith.constant 0 : i32
      %dma_start3A_160 = tpu.memref_slice %arg11[%dma_start3A_158, %dma_start3A_159] : memref<10240x128xf32, #tpu.memory_space<vmem_shared>> -> memref<10240x128xf32, #tpu.memory_space<vmem_shared>>
      tpu.enqueue_indirect_dma source(%arg8 : memref<100x128xf32, #tpu.memory_space<vmem>>) target(%dma_start3A_160 : memref<10240x128xf32, #tpu.memory_space<vmem_shared>>) offsets(%dma_start3A_157 : memref<100xi32, #tpu.memory_space<vmem>>) semaphore(%arg15 : memref<!tpu.dma_semaphore, #tpu.memory_space<semaphore_mem>>) {add = true}
      %dma_wait3A_161 = arith.constant 0 : i32
      %dma_wait3A_162 = arith.constant 0 : i32
      %dma_wait3A_163 = tpu.memref_slice %arg7[%dma_wait3A_161, %dma_wait3A_162] : memref<25x100xi32, #tpu.memory_space<vmem>> -> memref<1x100xi32, #tpu.memory_space<vmem>>
      %dma_wait3A_164 = tpu.memref_squeeze %dma_wait3A_163 : memref<1x100xi32, #tpu.memory_space<vmem>> -> memref<100xi32, #tpu.memory_space<vmem>>
      %dma_wait3A_165 = arith.constant 0 : i32
      %dma_wait3A_166 = arith.constant 0 : i32
      %dma_wait3A_167 = tpu.memref_slice %arg11[%dma_wait3A_165, %dma_wait3A_166] : memref<10240x128xf32, #tpu.memory_space<vmem_shared>> -> memref<10240x128xf32, #tpu.memory_space<vmem_shared>>
      tpu.wait_indirect_dma semaphore(%arg17 : memref<!tpu.dma_semaphore, #tpu.memory_space<semaphore_mem>>) src(%arg10 : memref<100x128xf32, #tpu.memory_space<vmem>>) dst(%dma_wait3A_167 : memref<10240x128xf32, #tpu.memory_space<vmem_shared>>)
      %dma_start3A_168 = arith.constant 5 : i32
      %dma_start3A_169 = arith.constant 0 : i32
      %dma_start3A_170 = tpu.memref_slice %arg6[%dma_start3A_168, %dma_start3A_169] : memref<25x100xi32, #tpu.memory_space<vmem>> -> memref<1x100xi32, #tpu.memory_space<vmem>>
      %dma_start3A_171 = tpu.memref_squeeze %dma_start3A_170 : memref<1x100xi32, #tpu.memory_space<vmem>> -> memref<100xi32, #tpu.memory_space<vmem>>
      %dma_start3A_172 = arith.constant 0 : i32
      %dma_start3A_173 = arith.constant 0 : i32
      %dma_start3A_174 = tpu.memref_slice %arg2[%dma_start3A_172, %dma_start3A_173] : memref<10000x128xf32, #tpu.memory_space<hbm>> -> memref<10000x128xf32, #tpu.memory_space<hbm>>
      tpu.enqueue_indirect_dma source(%dma_start3A_174 : memref<10000x128xf32, #tpu.memory_space<hbm>>) target(%arg10 : memref<100x128xf32, #tpu.memory_space<vmem>>) offsets(%dma_start3A_171 : memref<100xi32, #tpu.memory_space<vmem>>) semaphore(%arg14 : memref<!tpu.dma_semaphore, #tpu.memory_space<semaphore_mem>>)
      %dma_wait3A_175 = arith.constant 4 : i32
      %dma_wait3A_176 = arith.constant 0 : i32
      %dma_wait3A_177 = tpu.memref_slice %arg6[%dma_wait3A_175, %dma_wait3A_176] : memref<25x100xi32, #tpu.memory_space<vmem>> -> memref<1x100xi32, #tpu.memory_space<vmem>>
      %dma_wait3A_178 = tpu.memref_squeeze %dma_wait3A_177 : memref<1x100xi32, #tpu.memory_space<vmem>> -> memref<100xi32, #tpu.memory_space<vmem>>
      %dma_wait3A_179 = arith.constant 0 : i32
      %dma_wait3A_180 = arith.constant 0 : i32
      %dma_wait3A_181 = tpu.memref_slice %arg2[%dma_wait3A_179, %dma_wait3A_180] : memref<10000x128xf32, #tpu.memory_space<hbm>> -> memref<10000x128xf32, #tpu.memory_space<hbm>>
      tpu.wait_indirect_dma semaphore(%arg13 : memref<!tpu.dma_semaphore, #tpu.memory_space<semaphore_mem>>) src(%dma_wait3A_181 : memref<10000x128xf32, #tpu.memory_space<hbm>>) dst(%arg9 : memref<100x128xf32, #tpu.memory_space<vmem>>)
      %dma_start3A_182 = arith.constant 4 : i32
      %dma_start3A_183 = arith.constant 0 : i32
      %dma_start3A_184 = tpu.memref_slice %arg7[%dma_start3A_182, %dma_start3A_183] : memref<25x100xi32, #tpu.memory_space<vmem>> -> memref<1x100xi32, #tpu.memory_space<vmem>>
      %dma_start3A_185 = tpu.memref_squeeze %dma_start3A_184 : memref<1x100xi32, #tpu.memory_space<vmem>> -> memref<100xi32, #tpu.memory_space<vmem>>
      %dma_start3A_186 = arith.constant 0 : i32
      %dma_start3A_187 = arith.constant 0 : i32
      %dma_start3A_188 = tpu.memref_slice %arg11[%dma_start3A_186, %dma_start3A_187] : memref<10240x128xf32, #tpu.memory_space<vmem_shared>> -> memref<10240x128xf32, #tpu.memory_space<vmem_shared>>
      tpu.enqueue_indirect_dma source(%arg9 : memref<100x128xf32, #tpu.memory_space<vmem>>) target(%dma_start3A_188 : memref<10240x128xf32, #tpu.memory_space<vmem_shared>>) offsets(%dma_start3A_185 : memref<100xi32, #tpu.memory_space<vmem>>) semaphore(%arg16 : memref<!tpu.dma_semaphore, #tpu.memory_space<semaphore_mem>>) {add = true}
      %dma_wait3A_189 = arith.constant 0 : i32
      %dma_wait3A_190 = arith.constant 0 : i32
      %dma_wait3A_191 = tpu.memref_slice %arg7[%dma_wait3A_189, %dma_wait3A_190] : memref<25x100xi32, #tpu.memory_space<vmem>> -> memref<1x100xi32, #tpu.memory_space<vmem>>
      %dma_wait3A_192 = tpu.memref_squeeze %dma_wait3A_191 : memref<1x100xi32, #tpu.memory_space<vmem>> -> memref<100xi32, #tpu.memory_space<vmem>>
      %dma_wait3A_193 = arith.constant 0 : i32
      %dma_wait3A_194 = arith.constant 0 : i32
      %dma_wait3A_195 = tpu.memref_slice %arg11[%dma_wait3A_193, %dma_wait3A_194] : memref<10240x128xf32, #tpu.memory_space<vmem_shared>> -> memref<10240x128xf32, #tpu.memory_space<vmem_shared>>
      tpu.wait_indirect_dma semaphore(%arg15 : memref<!tpu.dma_semaphore, #tpu.memory_space<semaphore_mem>>) src(%arg8 : memref<100x128xf32, #tpu.memory_space<vmem>>) dst(%dma_wait3A_195 : memref<10240x128xf32, #tpu.memory_space<vmem_shared>>)
      %dma_start3A_196 = arith.constant 6 : i32
      %dma_start3A_197 = arith.constant 0 : i32
      %dma_start3A_198 = tpu.memref_slice %arg6[%dma_start3A_196, %dma_start3A_197] : memref<25x100xi32, #tpu.memory_space<vmem>> -> memref<1x100xi32, #tpu.memory_space<vmem>>
      %dma_start3A_199 = tpu.memref_squeeze %dma_start3A_198 : memref<1x100xi32, #tpu.memory_space<vmem>> -> memref<100xi32, #tpu.memory_space<vmem>>
      %dma_start3A_200 = arith.constant 0 : i32
      %dma_start3A_201 = arith.constant 0 : i32
      %dma_start3A_202 = tpu.memref_slice %arg2[%dma_start3A_200, %dma_start3A_201] : memref<10000x128xf32, #tpu.memory_space<hbm>> -> memref<10000x128xf32, #tpu.memory_space<hbm>>
      tpu.enqueue_indirect_dma source(%dma_start3A_202 : memref<10000x128xf32, #tpu.memory_space<hbm>>) target(%arg8 : memref<100x128xf32, #tpu.memory_space<vmem>>) offsets(%dma_start3A_199 : memref<100xi32, #tpu.memory_space<vmem>>) semaphore(%arg12 : memref<!tpu.dma_semaphore, #tpu.memory_space<semaphore_mem>>)
      %dma_wait3A_203 = arith.constant 5 : i32
      %dma_wait3A_204 = arith.constant 0 : i32
      %dma_wait3A_205 = tpu.memref_slice %arg6[%dma_wait3A_203, %dma_wait3A_204] : memref<25x100xi32, #tpu.memory_space<vmem>> -> memref<1x100xi32, #tpu.memory_space<vmem>>
      %dma_wait3A_206 = tpu.memref_squeeze %dma_wait3A_205 : memref<1x100xi32, #tpu.memory_space<vmem>> -> memref<100xi32, #tpu.memory_space<vmem>>
      %dma_wait3A_207 = arith.constant 0 : i32
      %dma_wait3A_208 = arith.constant 0 : i32
      %dma_wait3A_209 = tpu.memref_slice %arg2[%dma_wait3A_207, %dma_wait3A_208] : memref<10000x128xf32, #tpu.memory_space<hbm>> -> memref<10000x128xf32, #tpu.memory_space<hbm>>
      tpu.wait_indirect_dma semaphore(%arg14 : memref<!tpu.dma_semaphore, #tpu.memory_space<semaphore_mem>>) src(%dma_wait3A_209 : memref<10000x128xf32, #tpu.memory_space<hbm>>) dst(%arg10 : memref<100x128xf32, #tpu.memory_space<vmem>>)
      %dma_start3A_210 = arith.constant 5 : i32
      %dma_start3A_211 = arith.constant 0 : i32
      %dma_start3A_212 = tpu.memref_slice %arg7[%dma_start3A_210, %dma_start3A_211] : memref<25x100xi32, #tpu.memory_space<vmem>> -> memref<1x100xi32, #tpu.memory_space<vmem>>
      %dma_start3A_213 = tpu.memref_squeeze %dma_start3A_212 : memref<1x100xi32, #tpu.memory_space<vmem>> -> memref<100xi32, #tpu.memory_space<vmem>>
      %dma_start3A_214 = arith.constant 0 : i32
      %dma_start3A_215 = arith.constant 0 : i32
      %dma_start3A_216 = tpu.memref_slice %arg11[%dma_start3A_214, %dma_start3A_215] : memref<10240x128xf32, #tpu.memory_space<vmem_shared>> -> memref<10240x128xf32, #tpu.memory_space<vmem_shared>>
      tpu.enqueue_indirect_dma source(%arg10 : memref<100x128xf32, #tpu.memory_space<vmem>>) target(%dma_start3A_216 : memref<10240x128xf32, #tpu.memory_space<vmem_shared>>) offsets(%dma_start3A_213 : memref<100xi32, #tpu.memory_space<vmem>>) semaphore(%arg17 : memref<!tpu.dma_semaphore, #tpu.memory_space<semaphore_mem>>) {add = true}
      %dma_wait3A_217 = arith.constant 0 : i32
      %dma_wait3A_218 = arith.constant 0 : i32
      %dma_wait3A_219 = tpu.memref_slice %arg7[%dma_wait3A_217, %dma_wait3A_218] : memref<25x100xi32, #tpu.memory_space<vmem>> -> memref<1x100xi32, #tpu.memory_space<vmem>>
      %dma_wait3A_220 = tpu.memref_squeeze %dma_wait3A_219 : memref<1x100xi32, #tpu.memory_space<vmem>> -> memref<100xi32, #tpu.memory_space<vmem>>
      %dma_wait3A_221 = arith.constant 0 : i32
      %dma_wait3A_222 = arith.constant 0 : i32
      %dma_wait3A_223 = tpu.memref_slice %arg11[%dma_wait3A_221, %dma_wait3A_222] : memref<10240x128xf32, #tpu.memory_space<vmem_shared>> -> memref<10240x128xf32, #tpu.memory_space<vmem_shared>>
      tpu.wait_indirect_dma semaphore(%arg16 : memref<!tpu.dma_semaphore, #tpu.memory_space<semaphore_mem>>) src(%arg9 : memref<100x128xf32, #tpu.memory_space<vmem>>) dst(%dma_wait3A_223 : memref<10240x128xf32, #tpu.memory_space<vmem_shared>>)
      %dma_start3A_224 = arith.constant 7 : i32
      %dma_start3A_225 = arith.constant 0 : i32
      %dma_start3A_226 = tpu.memref_slice %arg6[%dma_start3A_224, %dma_start3A_225] : memref<25x100xi32, #tpu.memory_space<vmem>> -> memref<1x100xi32, #tpu.memory_space<vmem>>
      %dma_start3A_227 = tpu.memref_squeeze %dma_start3A_226 : memref<1x100xi32, #tpu.memory_space<vmem>> -> memref<100xi32, #tpu.memory_space<vmem>>
      %dma_start3A_228 = arith.constant 0 : i32
      %dma_start3A_229 = arith.constant 0 : i32
      %dma_start3A_230 = tpu.memref_slice %arg2[%dma_start3A_228, %dma_start3A_229] : memref<10000x128xf32, #tpu.memory_space<hbm>> -> memref<10000x128xf32, #tpu.memory_space<hbm>>
      tpu.enqueue_indirect_dma source(%dma_start3A_230 : memref<10000x128xf32, #tpu.memory_space<hbm>>) target(%arg9 : memref<100x128xf32, #tpu.memory_space<vmem>>) offsets(%dma_start3A_227 : memref<100xi32, #tpu.memory_space<vmem>>) semaphore(%arg13 : memref<!tpu.dma_semaphore, #tpu.memory_space<semaphore_mem>>)
      %dma_wait3A_231 = arith.constant 6 : i32
      %dma_wait3A_232 = arith.constant 0 : i32
      %dma_wait3A_233 = tpu.memref_slice %arg6[%dma_wait3A_231, %dma_wait3A_232] : memref<25x100xi32, #tpu.memory_space<vmem>> -> memref<1x100xi32, #tpu.memory_space<vmem>>
      %dma_wait3A_234 = tpu.memref_squeeze %dma_wait3A_233 : memref<1x100xi32, #tpu.memory_space<vmem>> -> memref<100xi32, #tpu.memory_space<vmem>>
      %dma_wait3A_235 = arith.constant 0 : i32
      %dma_wait3A_236 = arith.constant 0 : i32
      %dma_wait3A_237 = tpu.memref_slice %arg2[%dma_wait3A_235, %dma_wait3A_236] : memref<10000x128xf32, #tpu.memory_space<hbm>> -> memref<10000x128xf32, #tpu.memory_space<hbm>>
      tpu.wait_indirect_dma semaphore(%arg12 : memref<!tpu.dma_semaphore, #tpu.memory_space<semaphore_mem>>) src(%dma_wait3A_237 : memref<10000x128xf32, #tpu.memory_space<hbm>>) dst(%arg8 : memref<100x128xf32, #tpu.memory_space<vmem>>)
      %dma_start3A_238 = arith.constant 6 : i32
      %dma_start3A_239 = arith.constant 0 : i32
      %dma_start3A_240 = tpu.memref_slice %arg7[%dma_start3A_238, %dma_start3A_239] : memref<25x100xi32, #tpu.memory_space<vmem>> -> memref<1x100xi32, #tpu.memory_space<vmem>>
      %dma_start3A_241 = tpu.memref_squeeze %dma_start3A_240 : memref<1x100xi32, #tpu.memory_space<vmem>> -> memref<100xi32, #tpu.memory_space<vmem>>
      %dma_start3A_242 = arith.constant 0 : i32
      %dma_start3A_243 = arith.constant 0 : i32
      %dma_start3A_244 = tpu.memref_slice %arg11[%dma_start3A_242, %dma_start3A_243] : memref<10240x128xf32, #tpu.memory_space<vmem_shared>> -> memref<10240x128xf32, #tpu.memory_space<vmem_shared>>
      tpu.enqueue_indirect_dma source(%arg8 : memref<100x128xf32, #tpu.memory_space<vmem>>) target(%dma_start3A_244 : memref<10240x128xf32, #tpu.memory_space<vmem_shared>>) offsets(%dma_start3A_241 : memref<100xi32, #tpu.memory_space<vmem>>) semaphore(%arg15 : memref<!tpu.dma_semaphore, #tpu.memory_space<semaphore_mem>>) {add = true}
      %dma_wait3A_245 = arith.constant 0 : i32
      %dma_wait3A_246 = arith.constant 0 : i32
      %dma_wait3A_247 = tpu.memref_slice %arg7[%dma_wait3A_245, %dma_wait3A_246] : memref<25x100xi32, #tpu.memory_space<vmem>> -> memref<1x100xi32, #tpu.memory_space<vmem>>
      %dma_wait3A_248 = tpu.memref_squeeze %dma_wait3A_247 : memref<1x100xi32, #tpu.memory_space<vmem>> -> memref<100xi32, #tpu.memory_space<vmem>>
      %dma_wait3A_249 = arith.constant 0 : i32
      %dma_wait3A_250 = arith.constant 0 : i32
      %dma_wait3A_251 = tpu.memref_slice %arg11[%dma_wait3A_249, %dma_wait3A_250] : memref<10240x128xf32, #tpu.memory_space<vmem_shared>> -> memref<10240x128xf32, #tpu.memory_space<vmem_shared>>
      tpu.wait_indirect_dma semaphore(%arg17 : memref<!tpu.dma_semaphore, #tpu.memory_space<semaphore_mem>>) src(%arg10 : memref<100x128xf32, #tpu.memory_space<vmem>>) dst(%dma_wait3A_251 : memref<10240x128xf32, #tpu.memory_space<vmem_shared>>)
      %dma_start3A_252 = arith.constant 8 : i32
      %dma_start3A_253 = arith.constant 0 : i32
      %dma_start3A_254 = tpu.memref_slice %arg6[%dma_start3A_252, %dma_start3A_253] : memref<25x100xi32, #tpu.memory_space<vmem>> -> memref<1x100xi32, #tpu.memory_space<vmem>>
      %dma_start3A_255 = tpu.memref_squeeze %dma_start3A_254 : memref<1x100xi32, #tpu.memory_space<vmem>> -> memref<100xi32, #tpu.memory_space<vmem>>
      %dma_start3A_256 = arith.constant 0 : i32
      %dma_start3A_257 = arith.constant 0 : i32
      %dma_start3A_258 = tpu.memref_slice %arg2[%dma_start3A_256, %dma_start3A_257] : memref<10000x128xf32, #tpu.memory_space<hbm>> -> memref<10000x128xf32, #tpu.memory_space<hbm>>
      tpu.enqueue_indirect_dma source(%dma_start3A_258 : memref<10000x128xf32, #tpu.memory_space<hbm>>) target(%arg10 : memref<100x128xf32, #tpu.memory_space<vmem>>) offsets(%dma_start3A_255 : memref<100xi32, #tpu.memory_space<vmem>>) semaphore(%arg14 : memref<!tpu.dma_semaphore, #tpu.memory_space<semaphore_mem>>)
      %dma_wait3A_259 = arith.constant 7 : i32
      %dma_wait3A_260 = arith.constant 0 : i32
      %dma_wait3A_261 = tpu.memref_slice %arg6[%dma_wait3A_259, %dma_wait3A_260] : memref<25x100xi32, #tpu.memory_space<vmem>> -> memref<1x100xi32, #tpu.memory_space<vmem>>
      %dma_wait3A_262 = tpu.memref_squeeze %dma_wait3A_261 : memref<1x100xi32, #tpu.memory_space<vmem>> -> memref<100xi32, #tpu.memory_space<vmem>>
      %dma_wait3A_263 = arith.constant 0 : i32
      %dma_wait3A_264 = arith.constant 0 : i32
      %dma_wait3A_265 = tpu.memref_slice %arg2[%dma_wait3A_263, %dma_wait3A_264] : memref<10000x128xf32, #tpu.memory_space<hbm>> -> memref<10000x128xf32, #tpu.memory_space<hbm>>
      tpu.wait_indirect_dma semaphore(%arg13 : memref<!tpu.dma_semaphore, #tpu.memory_space<semaphore_mem>>) src(%dma_wait3A_265 : memref<10000x128xf32, #tpu.memory_space<hbm>>) dst(%arg9 : memref<100x128xf32, #tpu.memory_space<vmem>>)
      %dma_start3A_266 = arith.constant 7 : i32
      %dma_start3A_267 = arith.constant 0 : i32
      %dma_start3A_268 = tpu.memref_slice %arg7[%dma_start3A_266, %dma_start3A_267] : memref<25x100xi32, #tpu.memory_space<vmem>> -> memref<1x100xi32, #tpu.memory_space<vmem>>
      %dma_start3A_269 = tpu.memref_squeeze %dma_start3A_268 : memref<1x100xi32, #tpu.memory_space<vmem>> -> memref<100xi32, #tpu.memory_space<vmem>>
      %dma_start3A_270 = arith.constant 0 : i32
      %dma_start3A_271 = arith.constant 0 : i32
      %dma_start3A_272 = tpu.memref_slice %arg11[%dma_start3A_270, %dma_start3A_271] : memref<10240x128xf32, #tpu.memory_space<vmem_shared>> -> memref<10240x128xf32, #tpu.memory_space<vmem_shared>>
      tpu.enqueue_indirect_dma source(%arg9 : memref<100x128xf32, #tpu.memory_space<vmem>>) target(%dma_start3A_272 : memref<10240x128xf32, #tpu.memory_space<vmem_shared>>) offsets(%dma_start3A_269 : memref<100xi32, #tpu.memory_space<vmem>>) semaphore(%arg16 : memref<!tpu.dma_semaphore, #tpu.memory_space<semaphore_mem>>) {add = true}
      %dma_wait3A_273 = arith.constant 0 : i32
      %dma_wait3A_274 = arith.constant 0 : i32
      %dma_wait3A_275 = tpu.memref_slice %arg7[%dma_wait3A_273, %dma_wait3A_274] : memref<25x100xi32, #tpu.memory_space<vmem>> -> memref<1x100xi32, #tpu.memory_space<vmem>>
      %dma_wait3A_276 = tpu.memref_squeeze %dma_wait3A_275 : memref<1x100xi32, #tpu.memory_space<vmem>> -> memref<100xi32, #tpu.memory_space<vmem>>
      %dma_wait3A_277 = arith.constant 0 : i32
      %dma_wait3A_278 = arith.constant 0 : i32
      %dma_wait3A_279 = tpu.memref_slice %arg11[%dma_wait3A_277, %dma_wait3A_278] : memref<10240x128xf32, #tpu.memory_space<vmem_shared>> -> memref<10240x128xf32, #tpu.memory_space<vmem_shared>>
      tpu.wait_indirect_dma semaphore(%arg15 : memref<!tpu.dma_semaphore, #tpu.memory_space<semaphore_mem>>) src(%arg8 : memref<100x128xf32, #tpu.memory_space<vmem>>) dst(%dma_wait3A_279 : memref<10240x128xf32, #tpu.memory_space<vmem_shared>>)
      %dma_start3A_280 = arith.constant 9 : i32
      %dma_start3A_281 = arith.constant 0 : i32
      %dma_start3A_282 = tpu.memref_slice %arg6[%dma_start3A_280, %dma_start3A_281] : memref<25x100xi32, #tpu.memory_space<vmem>> -> memref<1x100xi32, #tpu.memory_space<vmem>>
      %dma_start3A_283 = tpu.memref_squeeze %dma_start3A_282 : memref<1x100xi32, #tpu.memory_space<vmem>> -> memref<100xi32, #tpu.memory_space<vmem>>
      %dma_start3A_284 = arith.constant 0 : i32
      %dma_start3A_285 = arith.constant 0 : i32
      %dma_start3A_286 = tpu.memref_slice %arg2[%dma_start3A_284, %dma_start3A_285] : memref<10000x128xf32, #tpu.memory_space<hbm>> -> memref<10000x128xf32, #tpu.memory_space<hbm>>
      tpu.enqueue_indirect_dma source(%dma_start3A_286 : memref<10000x128xf32, #tpu.memory_space<hbm>>) target(%arg8 : memref<100x128xf32, #tpu.memory_space<vmem>>) offsets(%dma_start3A_283 : memref<100xi32, #tpu.memory_space<vmem>>) semaphore(%arg12 : memref<!tpu.dma_semaphore, #tpu.memory_space<semaphore_mem>>)
      %dma_wait3A_287 = arith.constant 8 : i32
      %dma_wait3A_288 = arith.constant 0 : i32
      %dma_wait3A_289 = tpu.memref_slice %arg6[%dma_wait3A_287, %dma_wait3A_288] : memref<25x100xi32, #tpu.memory_space<vmem>> -> memref<1x100xi32, #tpu.memory_space<vmem>>
      %dma_wait3A_290 = tpu.memref_squeeze %dma_wait3A_289 : memref<1x100xi32, #tpu.memory_space<vmem>> -> memref<100xi32, #tpu.memory_space<vmem>>
      %dma_wait3A_291 = arith.constant 0 : i32
      %dma_wait3A_292 = arith.constant 0 : i32
      %dma_wait3A_293 = tpu.memref_slice %arg2[%dma_wait3A_291, %dma_wait3A_292] : memref<10000x128xf32, #tpu.memory_space<hbm>> -> memref<10000x128xf32, #tpu.memory_space<hbm>>
      tpu.wait_indirect_dma semaphore(%arg14 : memref<!tpu.dma_semaphore, #tpu.memory_space<semaphore_mem>>) src(%dma_wait3A_293 : memref<10000x128xf32, #tpu.memory_space<hbm>>) dst(%arg10 : memref<100x128xf32, #tpu.memory_space<vmem>>)
      %dma_start3A_294 = arith.constant 8 : i32
      %dma_start3A_295 = arith.constant 0 : i32
      %dma_start3A_296 = tpu.memref_slice %arg7[%dma_start3A_294, %dma_start3A_295] : memref<25x100xi32, #tpu.memory_space<vmem>> -> memref<1x100xi32, #tpu.memory_space<vmem>>
      %dma_start3A_297 = tpu.memref_squeeze %dma_start3A_296 : memref<1x100xi32, #tpu.memory_space<vmem>> -> memref<100xi32, #tpu.memory_space<vmem>>
      %dma_start3A_298 = arith.constant 0 : i32
      %dma_start3A_299 = arith.constant 0 : i32
      %dma_start3A_300 = tpu.memref_slice %arg11[%dma_start3A_298, %dma_start3A_299] : memref<10240x128xf32, #tpu.memory_space<vmem_shared>> -> memref<10240x128xf32, #tpu.memory_space<vmem_shared>>
      tpu.enqueue_indirect_dma source(%arg10 : memref<100x128xf32, #tpu.memory_space<vmem>>) target(%dma_start3A_300 : memref<10240x128xf32, #tpu.memory_space<vmem_shared>>) offsets(%dma_start3A_297 : memref<100xi32, #tpu.memory_space<vmem>>) semaphore(%arg17 : memref<!tpu.dma_semaphore, #tpu.memory_space<semaphore_mem>>) {add = true}
      %dma_wait3A_301 = arith.constant 0 : i32
      %dma_wait3A_302 = arith.constant 0 : i32
      %dma_wait3A_303 = tpu.memref_slice %arg7[%dma_wait3A_301, %dma_wait3A_302] : memref<25x100xi32, #tpu.memory_space<vmem>> -> memref<1x100xi32, #tpu.memory_space<vmem>>
      %dma_wait3A_304 = tpu.memref_squeeze %dma_wait3A_303 : memref<1x100xi32, #tpu.memory_space<vmem>> -> memref<100xi32, #tpu.memory_space<vmem>>
      %dma_wait3A_305 = arith.constant 0 : i32
      %dma_wait3A_306 = arith.constant 0 : i32
      %dma_wait3A_307 = tpu.memref_slice %arg11[%dma_wait3A_305, %dma_wait3A_306] : memref<10240x128xf32, #tpu.memory_space<vmem_shared>> -> memref<10240x128xf32, #tpu.memory_space<vmem_shared>>
      tpu.wait_indirect_dma semaphore(%arg16 : memref<!tpu.dma_semaphore, #tpu.memory_space<semaphore_mem>>) src(%arg9 : memref<100x128xf32, #tpu.memory_space<vmem>>) dst(%dma_wait3A_307 : memref<10240x128xf32, #tpu.memory_space<vmem_shared>>)
      %dma_start3A_308 = arith.constant 10 : i32
      %dma_start3A_309 = arith.constant 0 : i32
      %dma_start3A_310 = tpu.memref_slice %arg6[%dma_start3A_308, %dma_start3A_309] : memref<25x100xi32, #tpu.memory_space<vmem>> -> memref<1x100xi32, #tpu.memory_space<vmem>>
      %dma_start3A_311 = tpu.memref_squeeze %dma_start3A_310 : memref<1x100xi32, #tpu.memory_space<vmem>> -> memref<100xi32, #tpu.memory_space<vmem>>
      %dma_start3A_312 = arith.constant 0 : i32
      %dma_start3A_313 = arith.constant 0 : i32
      %dma_start3A_314 = tpu.memref_slice %arg2[%dma_start3A_312, %dma_start3A_313] : memref<10000x128xf32, #tpu.memory_space<hbm>> -> memref<10000x128xf32, #tpu.memory_space<hbm>>
      tpu.enqueue_indirect_dma source(%dma_start3A_314 : memref<10000x128xf32, #tpu.memory_space<hbm>>) target(%arg9 : memref<100x128xf32, #tpu.memory_space<vmem>>) offsets(%dma_start3A_311 : memref<100xi32, #tpu.memory_space<vmem>>) semaphore(%arg13 : memref<!tpu.dma_semaphore, #tpu.memory_space<semaphore_mem>>)
      %dma_wait3A_315 = arith.constant 9 : i32
      %dma_wait3A_316 = arith.constant 0 : i32
      %dma_wait3A_317 = tpu.memref_slice %arg6[%dma_wait3A_315, %dma_wait3A_316] : memref<25x100xi32, #tpu.memory_space<vmem>> -> memref<1x100xi32, #tpu.memory_space<vmem>>
      %dma_wait3A_318 = tpu.memref_squeeze %dma_wait3A_317 : memref<1x100xi32, #tpu.memory_space<vmem>> -> memref<100xi32, #tpu.memory_space<vmem>>
      %dma_wait3A_319 = arith.constant 0 : i32
      %dma_wait3A_320 = arith.constant 0 : i32
      %dma_wait3A_321 = tpu.memref_slice %arg2[%dma_wait3A_319, %dma_wait3A_320] : memref<10000x128xf32, #tpu.memory_space<hbm>> -> memref<10000x128xf32, #tpu.memory_space<hbm>>
      tpu.wait_indirect_dma semaphore(%arg12 : memref<!tpu.dma_semaphore, #tpu.memory_space<semaphore_mem>>) src(%dma_wait3A_321 : memref<10000x128xf32, #tpu.memory_space<hbm>>) dst(%arg8 : memref<100x128xf32, #tpu.memory_space<vmem>>)
      %dma_start3A_322 = arith.constant 9 : i32
      %dma_start3A_323 = arith.constant 0 : i32
      %dma_start3A_324 = tpu.memref_slice %arg7[%dma_start3A_322, %dma_start3A_323] : memref<25x100xi32, #tpu.memory_space<vmem>> -> memref<1x100xi32, #tpu.memory_space<vmem>>
      %dma_start3A_325 = tpu.memref_squeeze %dma_start3A_324 : memref<1x100xi32, #tpu.memory_space<vmem>> -> memref<100xi32, #tpu.memory_space<vmem>>
      %dma_start3A_326 = arith.constant 0 : i32
      %dma_start3A_327 = arith.constant 0 : i32
      %dma_start3A_328 = tpu.memref_slice %arg11[%dma_start3A_326, %dma_start3A_327] : memref<10240x128xf32, #tpu.memory_space<vmem_shared>> -> memref<10240x128xf32, #tpu.memory_space<vmem_shared>>
      tpu.enqueue_indirect_dma source(%arg8 : memref<100x128xf32, #tpu.memory_space<vmem>>) target(%dma_start3A_328 : memref<10240x128xf32, #tpu.memory_space<vmem_shared>>) offsets(%dma_start3A_325 : memref<100xi32, #tpu.memory_space<vmem>>) semaphore(%arg15 : memref<!tpu.dma_semaphore, #tpu.memory_space<semaphore_mem>>) {add = true}
      %dma_wait3A_329 = arith.constant 0 : i32
      %dma_wait3A_330 = arith.constant 0 : i32
      %dma_wait3A_331 = tpu.memref_slice %arg7[%dma_wait3A_329, %dma_wait3A_330] : memref<25x100xi32, #tpu.memory_space<vmem>> -> memref<1x100xi32, #tpu.memory_space<vmem>>
      %dma_wait3A_332 = tpu.memref_squeeze %dma_wait3A_331 : memref<1x100xi32, #tpu.memory_space<vmem>> -> memref<100xi32, #tpu.memory_space<vmem>>
      %dma_wait3A_333 = arith.constant 0 : i32
      %dma_wait3A_334 = arith.constant 0 : i32
      %dma_wait3A_335 = tpu.memref_slice %arg11[%dma_wait3A_333, %dma_wait3A_334] : memref<10240x128xf32, #tpu.memory_space<vmem_shared>> -> memref<10240x128xf32, #tpu.memory_space<vmem_shared>>
      tpu.wait_indirect_dma semaphore(%arg17 : memref<!tpu.dma_semaphore, #tpu.memory_space<semaphore_mem>>) src(%arg10 : memref<100x128xf32, #tpu.memory_space<vmem>>) dst(%dma_wait3A_335 : memref<10240x128xf32, #tpu.memory_space<vmem_shared>>)
      %dma_start3A_336 = arith.constant 11 : i32
      %dma_start3A_337 = arith.constant 0 : i32
      %dma_start3A_338 = tpu.memref_slice %arg6[%dma_start3A_336, %dma_start3A_337] : memref<25x100xi32, #tpu.memory_space<vmem>> -> memref<1x100xi32, #tpu.memory_space<vmem>>
      %dma_start3A_339 = tpu.memref_squeeze %dma_start3A_338 : memref<1x100xi32, #tpu.memory_space<vmem>> -> memref<100xi32, #tpu.memory_space<vmem>>
      %dma_start3A_340 = arith.constant 0 : i32
      %dma_start3A_341 = arith.constant 0 : i32
      %dma_start3A_342 = tpu.memref_slice %arg2[%dma_start3A_340, %dma_start3A_341] : memref<10000x128xf32, #tpu.memory_space<hbm>> -> memref<10000x128xf32, #tpu.memory_space<hbm>>
      tpu.enqueue_indirect_dma source(%dma_start3A_342 : memref<10000x128xf32, #tpu.memory_space<hbm>>) target(%arg10 : memref<100x128xf32, #tpu.memory_space<vmem>>) offsets(%dma_start3A_339 : memref<100xi32, #tpu.memory_space<vmem>>) semaphore(%arg14 : memref<!tpu.dma_semaphore, #tpu.memory_space<semaphore_mem>>)
      %dma_wait3A_343 = arith.constant 10 : i32
      %dma_wait3A_344 = arith.constant 0 : i32
      %dma_wait3A_345 = tpu.memref_slice %arg6[%dma_wait3A_343, %dma_wait3A_344] : memref<25x100xi32, #tpu.memory_space<vmem>> -> memref<1x100xi32, #tpu.memory_space<vmem>>
      %dma_wait3A_346 = tpu.memref_squeeze %dma_wait3A_345 : memref<1x100xi32, #tpu.memory_space<vmem>> -> memref<100xi32, #tpu.memory_space<vmem>>
      %dma_wait3A_347 = arith.constant 0 : i32
      %dma_wait3A_348 = arith.constant 0 : i32
      %dma_wait3A_349 = tpu.memref_slice %arg2[%dma_wait3A_347, %dma_wait3A_348] : memref<10000x128xf32, #tpu.memory_space<hbm>> -> memref<10000x128xf32, #tpu.memory_space<hbm>>
      tpu.wait_indirect_dma semaphore(%arg13 : memref<!tpu.dma_semaphore, #tpu.memory_space<semaphore_mem>>) src(%dma_wait3A_349 : memref<10000x128xf32, #tpu.memory_space<hbm>>) dst(%arg9 : memref<100x128xf32, #tpu.memory_space<vmem>>)
      %dma_start3A_350 = arith.constant 10 : i32
      %dma_start3A_351 = arith.constant 0 : i32
      %dma_start3A_352 = tpu.memref_slice %arg7[%dma_start3A_350, %dma_start3A_351] : memref<25x100xi32, #tpu.memory_space<vmem>> -> memref<1x100xi32, #tpu.memory_space<vmem>>
      %dma_start3A_353 = tpu.memref_squeeze %dma_start3A_352 : memref<1x100xi32, #tpu.memory_space<vmem>> -> memref<100xi32, #tpu.memory_space<vmem>>
      %dma_start3A_354 = arith.constant 0 : i32
      %dma_start3A_355 = arith.constant 0 : i32
      %dma_start3A_356 = tpu.memref_slice %arg11[%dma_start3A_354, %dma_start3A_355] : memref<10240x128xf32, #tpu.memory_space<vmem_shared>> -> memref<10240x128xf32, #tpu.memory_space<vmem_shared>>
      tpu.enqueue_indirect_dma source(%arg9 : memref<100x128xf32, #tpu.memory_space<vmem>>) target(%dma_start3A_356 : memref<10240x128xf32, #tpu.memory_space<vmem_shared>>) offsets(%dma_start3A_353 : memref<100xi32, #tpu.memory_space<vmem>>) semaphore(%arg16 : memref<!tpu.dma_semaphore, #tpu.memory_space<semaphore_mem>>) {add = true}
      %dma_wait3A_357 = arith.constant 0 : i32
      %dma_wait3A_358 = arith.constant 0 : i32
      %dma_wait3A_359 = tpu.memref_slice %arg7[%dma_wait3A_357, %dma_wait3A_358] : memref<25x100xi32, #tpu.memory_space<vmem>> -> memref<1x100xi32, #tpu.memory_space<vmem>>
      %dma_wait3A_360 = tpu.memref_squeeze %dma_wait3A_359 : memref<1x100xi32, #tpu.memory_space<vmem>> -> memref<100xi32, #tpu.memory_space<vmem>>
      %dma_wait3A_361 = arith.constant 0 : i32
      %dma_wait3A_362 = arith.constant 0 : i32
      %dma_wait3A_363 = tpu.memref_slice %arg11[%dma_wait3A_361, %dma_wait3A_362] : memref<10240x128xf32, #tpu.memory_space<vmem_shared>> -> memref<10240x128xf32, #tpu.memory_space<vmem_shared>>
      tpu.wait_indirect_dma semaphore(%arg15 : memref<!tpu.dma_semaphore, #tpu.memory_space<semaphore_mem>>) src(%arg8 : memref<100x128xf32, #tpu.memory_space<vmem>>) dst(%dma_wait3A_363 : memref<10240x128xf32, #tpu.memory_space<vmem_shared>>)
      %dma_start3A_364 = arith.constant 12 : i32
      %dma_start3A_365 = arith.constant 0 : i32
      %dma_start3A_366 = tpu.memref_slice %arg6[%dma_start3A_364, %dma_start3A_365] : memref<25x100xi32, #tpu.memory_space<vmem>> -> memref<1x100xi32, #tpu.memory_space<vmem>>
      %dma_start3A_367 = tpu.memref_squeeze %dma_start3A_366 : memref<1x100xi32, #tpu.memory_space<vmem>> -> memref<100xi32, #tpu.memory_space<vmem>>
      %dma_start3A_368 = arith.constant 0 : i32
      %dma_start3A_369 = arith.constant 0 : i32
      %dma_start3A_370 = tpu.memref_slice %arg2[%dma_start3A_368, %dma_start3A_369] : memref<10000x128xf32, #tpu.memory_space<hbm>> -> memref<10000x128xf32, #tpu.memory_space<hbm>>
      tpu.enqueue_indirect_dma source(%dma_start3A_370 : memref<10000x128xf32, #tpu.memory_space<hbm>>) target(%arg8 : memref<100x128xf32, #tpu.memory_space<vmem>>) offsets(%dma_start3A_367 : memref<100xi32, #tpu.memory_space<vmem>>) semaphore(%arg12 : memref<!tpu.dma_semaphore, #tpu.memory_space<semaphore_mem>>)
      %dma_wait3A_371 = arith.constant 11 : i32
      %dma_wait3A_372 = arith.constant 0 : i32
      %dma_wait3A_373 = tpu.memref_slice %arg6[%dma_wait3A_371, %dma_wait3A_372] : memref<25x100xi32, #tpu.memory_space<vmem>> -> memref<1x100xi32, #tpu.memory_space<vmem>>
      %dma_wait3A_374 = tpu.memref_squeeze %dma_wait3A_373 : memref<1x100xi32, #tpu.memory_space<vmem>> -> memref<100xi32, #tpu.memory_space<vmem>>
      %dma_wait3A_375 = arith.constant 0 : i32
      %dma_wait3A_376 = arith.constant 0 : i32
      %dma_wait3A_377 = tpu.memref_slice %arg2[%dma_wait3A_375, %dma_wait3A_376] : memref<10000x128xf32, #tpu.memory_space<hbm>> -> memref<10000x128xf32, #tpu.memory_space<hbm>>
      tpu.wait_indirect_dma semaphore(%arg14 : memref<!tpu.dma_semaphore, #tpu.memory_space<semaphore_mem>>) src(%dma_wait3A_377 : memref<10000x128xf32, #tpu.memory_space<hbm>>) dst(%arg10 : memref<100x128xf32, #tpu.memory_space<vmem>>)
      %dma_start3A_378 = arith.constant 11 : i32
      %dma_start3A_379 = arith.constant 0 : i32
      %dma_start3A_380 = tpu.memref_slice %arg7[%dma_start3A_378, %dma_start3A_379] : memref<25x100xi32, #tpu.memory_space<vmem>> -> memref<1x100xi32, #tpu.memory_space<vmem>>
      %dma_start3A_381 = tpu.memref_squeeze %dma_start3A_380 : memref<1x100xi32, #tpu.memory_space<vmem>> -> memref<100xi32, #tpu.memory_space<vmem>>
      %dma_start3A_382 = arith.constant 0 : i32
      %dma_start3A_383 = arith.constant 0 : i32
      %dma_start3A_384 = tpu.memref_slice %arg11[%dma_start3A_382, %dma_start3A_383] : memref<10240x128xf32, #tpu.memory_space<vmem_shared>> -> memref<10240x128xf32, #tpu.memory_space<vmem_shared>>
      tpu.enqueue_indirect_dma source(%arg10 : memref<100x128xf32, #tpu.memory_space<vmem>>) target(%dma_start3A_384 : memref<10240x128xf32, #tpu.memory_space<vmem_shared>>) offsets(%dma_start3A_381 : memref<100xi32, #tpu.memory_space<vmem>>) semaphore(%arg17 : memref<!tpu.dma_semaphore, #tpu.memory_space<semaphore_mem>>) {add = true}
      %dma_wait3A_385 = arith.constant 0 : i32
      %dma_wait3A_386 = arith.constant 0 : i32
      %dma_wait3A_387 = tpu.memref_slice %arg7[%dma_wait3A_385, %dma_wait3A_386] : memref<25x100xi32, #tpu.memory_space<vmem>> -> memref<1x100xi32, #tpu.memory_space<vmem>>
      %dma_wait3A_388 = tpu.memref_squeeze %dma_wait3A_387 : memref<1x100xi32, #tpu.memory_space<vmem>> -> memref<100xi32, #tpu.memory_space<vmem>>
      %dma_wait3A_389 = arith.constant 0 : i32
      %dma_wait3A_390 = arith.constant 0 : i32
      %dma_wait3A_391 = tpu.memref_slice %arg11[%dma_wait3A_389, %dma_wait3A_390] : memref<10240x128xf32, #tpu.memory_space<vmem_shared>> -> memref<10240x128xf32, #tpu.memory_space<vmem_shared>>
      tpu.wait_indirect_dma semaphore(%arg16 : memref<!tpu.dma_semaphore, #tpu.memory_space<semaphore_mem>>) src(%arg9 : memref<100x128xf32, #tpu.memory_space<vmem>>) dst(%dma_wait3A_391 : memref<10240x128xf32, #tpu.memory_space<vmem_shared>>)
      %dma_start3A_392 = arith.constant 13 : i32
      %dma_start3A_393 = arith.constant 0 : i32
      %dma_start3A_394 = tpu.memref_slice %arg6[%dma_start3A_392, %dma_start3A_393] : memref<25x100xi32, #tpu.memory_space<vmem>> -> memref<1x100xi32, #tpu.memory_space<vmem>>
      %dma_start3A_395 = tpu.memref_squeeze %dma_start3A_394 : memref<1x100xi32, #tpu.memory_space<vmem>> -> memref<100xi32, #tpu.memory_space<vmem>>
      %dma_start3A_396 = arith.constant 0 : i32
      %dma_start3A_397 = arith.constant 0 : i32
      %dma_start3A_398 = tpu.memref_slice %arg2[%dma_start3A_396, %dma_start3A_397] : memref<10000x128xf32, #tpu.memory_space<hbm>> -> memref<10000x128xf32, #tpu.memory_space<hbm>>
      tpu.enqueue_indirect_dma source(%dma_start3A_398 : memref<10000x128xf32, #tpu.memory_space<hbm>>) target(%arg9 : memref<100x128xf32, #tpu.memory_space<vmem>>) offsets(%dma_start3A_395 : memref<100xi32, #tpu.memory_space<vmem>>) semaphore(%arg13 : memref<!tpu.dma_semaphore, #tpu.memory_space<semaphore_mem>>)
      %dma_wait3A_399 = arith.constant 12 : i32
      %dma_wait3A_400 = arith.constant 0 : i32
      %dma_wait3A_401 = tpu.memref_slice %arg6[%dma_wait3A_399, %dma_wait3A_400] : memref<25x100xi32, #tpu.memory_space<vmem>> -> memref<1x100xi32, #tpu.memory_space<vmem>>
      %dma_wait3A_402 = tpu.memref_squeeze %dma_wait3A_401 : memref<1x100xi32, #tpu.memory_space<vmem>> -> memref<100xi32, #tpu.memory_space<vmem>>
      %dma_wait3A_403 = arith.constant 0 : i32
      %dma_wait3A_404 = arith.constant 0 : i32
      %dma_wait3A_405 = tpu.memref_slice %arg2[%dma_wait3A_403, %dma_wait3A_404] : memref<10000x128xf32, #tpu.memory_space<hbm>> -> memref<10000x128xf32, #tpu.memory_space<hbm>>
      tpu.wait_indirect_dma semaphore(%arg12 : memref<!tpu.dma_semaphore, #tpu.memory_space<semaphore_mem>>) src(%dma_wait3A_405 : memref<10000x128xf32, #tpu.memory_space<hbm>>) dst(%arg8 : memref<100x128xf32, #tpu.memory_space<vmem>>)
      %dma_start3A_406 = arith.constant 12 : i32
      %dma_start3A_407 = arith.constant 0 : i32
      %dma_start3A_408 = tpu.memref_slice %arg7[%dma_start3A_406, %dma_start3A_407] : memref<25x100xi32, #tpu.memory_space<vmem>> -> memref<1x100xi32, #tpu.memory_space<vmem>>
      %dma_start3A_409 = tpu.memref_squeeze %dma_start3A_408 : memref<1x100xi32, #tpu.memory_space<vmem>> -> memref<100xi32, #tpu.memory_space<vmem>>
      %dma_start3A_410 = arith.constant 0 : i32
      %dma_start3A_411 = arith.constant 0 : i32
      %dma_start3A_412 = tpu.memref_slice %arg11[%dma_start3A_410, %dma_start3A_411] : memref<10240x128xf32, #tpu.memory_space<vmem_shared>> -> memref<10240x128xf32, #tpu.memory_space<vmem_shared>>
      tpu.enqueue_indirect_dma source(%arg8 : memref<100x128xf32, #tpu.memory_space<vmem>>) target(%dma_start3A_412 : memref<10240x128xf32, #tpu.memory_space<vmem_shared>>) offsets(%dma_start3A_409 : memref<100xi32, #tpu.memory_space<vmem>>) semaphore(%arg15 : memref<!tpu.dma_semaphore, #tpu.memory_space<semaphore_mem>>) {add = true}
      %dma_wait3A_413 = arith.constant 0 : i32
      %dma_wait3A_414 = arith.constant 0 : i32
      %dma_wait3A_415 = tpu.memref_slice %arg7[%dma_wait3A_413, %dma_wait3A_414] : memref<25x100xi32, #tpu.memory_space<vmem>> -> memref<1x100xi32, #tpu.memory_space<vmem>>
      %dma_wait3A_416 = tpu.memref_squeeze %dma_wait3A_415 : memref<1x100xi32, #tpu.memory_space<vmem>> -> memref<100xi32, #tpu.memory_space<vmem>>
      %dma_wait3A_417 = arith.constant 0 : i32
      %dma_wait3A_418 = arith.constant 0 : i32
      %dma_wait3A_419 = tpu.memref_slice %arg11[%dma_wait3A_417, %dma_wait3A_418] : memref<10240x128xf32, #tpu.memory_space<vmem_shared>> -> memref<10240x128xf32, #tpu.memory_space<vmem_shared>>
      tpu.wait_indirect_dma semaphore(%arg17 : memref<!tpu.dma_semaphore, #tpu.memory_space<semaphore_mem>>) src(%arg10 : memref<100x128xf32, #tpu.memory_space<vmem>>) dst(%dma_wait3A_419 : memref<10240x128xf32, #tpu.memory_space<vmem_shared>>)
      %dma_start3A_420 = arith.constant 14 : i32
      %dma_start3A_421 = arith.constant 0 : i32
      %dma_start3A_422 = tpu.memref_slice %arg6[%dma_start3A_420, %dma_start3A_421] : memref<25x100xi32, #tpu.memory_space<vmem>> -> memref<1x100xi32, #tpu.memory_space<vmem>>
      %dma_start3A_423 = tpu.memref_squeeze %dma_start3A_422 : memref<1x100xi32, #tpu.memory_space<vmem>> -> memref<100xi32, #tpu.memory_space<vmem>>
      %dma_start3A_424 = arith.constant 0 : i32
      %dma_start3A_425 = arith.constant 0 : i32
      %dma_start3A_426 = tpu.memref_slice %arg2[%dma_start3A_424, %dma_start3A_425] : memref<10000x128xf32, #tpu.memory_space<hbm>> -> memref<10000x128xf32, #tpu.memory_space<hbm>>
      tpu.enqueue_indirect_dma source(%dma_start3A_426 : memref<10000x128xf32, #tpu.memory_space<hbm>>) target(%arg10 : memref<100x128xf32, #tpu.memory_space<vmem>>) offsets(%dma_start3A_423 : memref<100xi32, #tpu.memory_space<vmem>>) semaphore(%arg14 : memref<!tpu.dma_semaphore, #tpu.memory_space<semaphore_mem>>)
      %dma_wait3A_427 = arith.constant 13 : i32
      %dma_wait3A_428 = arith.constant 0 : i32
      %dma_wait3A_429 = tpu.memref_slice %arg6[%dma_wait3A_427, %dma_wait3A_428] : memref<25x100xi32, #tpu.memory_space<vmem>> -> memref<1x100xi32, #tpu.memory_space<vmem>>
      %dma_wait3A_430 = tpu.memref_squeeze %dma_wait3A_429 : memref<1x100xi32, #tpu.memory_space<vmem>> -> memref<100xi32, #tpu.memory_space<vmem>>
      %dma_wait3A_431 = arith.constant 0 : i32
      %dma_wait3A_432 = arith.constant 0 : i32
      %dma_wait3A_433 = tpu.memref_slice %arg2[%dma_wait3A_431, %dma_wait3A_432] : memref<10000x128xf32, #tpu.memory_space<hbm>> -> memref<10000x128xf32, #tpu.memory_space<hbm>>
      tpu.wait_indirect_dma semaphore(%arg13 : memref<!tpu.dma_semaphore, #tpu.memory_space<semaphore_mem>>) src(%dma_wait3A_433 : memref<10000x128xf32, #tpu.memory_space<hbm>>) dst(%arg9 : memref<100x128xf32, #tpu.memory_space<vmem>>)
      %dma_start3A_434 = arith.constant 13 : i32
      %dma_start3A_435 = arith.constant 0 : i32
      %dma_start3A_436 = tpu.memref_slice %arg7[%dma_start3A_434, %dma_start3A_435] : memref<25x100xi32, #tpu.memory_space<vmem>> -> memref<1x100xi32, #tpu.memory_space<vmem>>
      %dma_start3A_437 = tpu.memref_squeeze %dma_start3A_436 : memref<1x100xi32, #tpu.memory_space<vmem>> -> memref<100xi32, #tpu.memory_space<vmem>>
      %dma_start3A_438 = arith.constant 0 : i32
      %dma_start3A_439 = arith.constant 0 : i32
      %dma_start3A_440 = tpu.memref_slice %arg11[%dma_start3A_438, %dma_start3A_439] : memref<10240x128xf32, #tpu.memory_space<vmem_shared>> -> memref<10240x128xf32, #tpu.memory_space<vmem_shared>>
      tpu.enqueue_indirect_dma source(%arg9 : memref<100x128xf32, #tpu.memory_space<vmem>>) target(%dma_start3A_440 : memref<10240x128xf32, #tpu.memory_space<vmem_shared>>) offsets(%dma_start3A_437 : memref<100xi32, #tpu.memory_space<vmem>>) semaphore(%arg16 : memref<!tpu.dma_semaphore, #tpu.memory_space<semaphore_mem>>) {add = true}
      %dma_wait3A_441 = arith.constant 0 : i32
      %dma_wait3A_442 = arith.constant 0 : i32
      %dma_wait3A_443 = tpu.memref_slice %arg7[%dma_wait3A_441, %dma_wait3A_442] : memref<25x100xi32, #tpu.memory_space<vmem>> -> memref<1x100xi32, #tpu.memory_space<vmem>>
      %dma_wait3A_444 = tpu.memref_squeeze %dma_wait3A_443 : memref<1x100xi32, #tpu.memory_space<vmem>> -> memref<100xi32, #tpu.memory_space<vmem>>
      %dma_wait3A_445 = arith.constant 0 : i32
      %dma_wait3A_446 = arith.constant 0 : i32
      %dma_wait3A_447 = tpu.memref_slice %arg11[%dma_wait3A_445, %dma_wait3A_446] : memref<10240x128xf32, #tpu.memory_space<vmem_shared>> -> memref<10240x128xf32, #tpu.memory_space<vmem_shared>>
      tpu.wait_indirect_dma semaphore(%arg15 : memref<!tpu.dma_semaphore, #tpu.memory_space<semaphore_mem>>) src(%arg8 : memref<100x128xf32, #tpu.memory_space<vmem>>) dst(%dma_wait3A_447 : memref<10240x128xf32, #tpu.memory_space<vmem_shared>>)
      %dma_start3A_448 = arith.constant 15 : i32
      %dma_start3A_449 = arith.constant 0 : i32
      %dma_start3A_450 = tpu.memref_slice %arg6[%dma_start3A_448, %dma_start3A_449] : memref<25x100xi32, #tpu.memory_space<vmem>> -> memref<1x100xi32, #tpu.memory_space<vmem>>
      %dma_start3A_451 = tpu.memref_squeeze %dma_start3A_450 : memref<1x100xi32, #tpu.memory_space<vmem>> -> memref<100xi32, #tpu.memory_space<vmem>>
      %dma_start3A_452 = arith.constant 0 : i32
      %dma_start3A_453 = arith.constant 0 : i32
      %dma_start3A_454 = tpu.memref_slice %arg2[%dma_start3A_452, %dma_start3A_453] : memref<10000x128xf32, #tpu.memory_space<hbm>> -> memref<10000x128xf32, #tpu.memory_space<hbm>>
      tpu.enqueue_indirect_dma source(%dma_start3A_454 : memref<10000x128xf32, #tpu.memory_space<hbm>>) target(%arg8 : memref<100x128xf32, #tpu.memory_space<vmem>>) offsets(%dma_start3A_451 : memref<100xi32, #tpu.memory_space<vmem>>) semaphore(%arg12 : memref<!tpu.dma_semaphore, #tpu.memory_space<semaphore_mem>>)
      %dma_wait3A_455 = arith.constant 14 : i32
      %dma_wait3A_456 = arith.constant 0 : i32
      %dma_wait3A_457 = tpu.memref_slice %arg6[%dma_wait3A_455, %dma_wait3A_456] : memref<25x100xi32, #tpu.memory_space<vmem>> -> memref<1x100xi32, #tpu.memory_space<vmem>>
      %dma_wait3A_458 = tpu.memref_squeeze %dma_wait3A_457 : memref<1x100xi32, #tpu.memory_space<vmem>> -> memref<100xi32, #tpu.memory_space<vmem>>
      %dma_wait3A_459 = arith.constant 0 : i32
      %dma_wait3A_460 = arith.constant 0 : i32
      %dma_wait3A_461 = tpu.memref_slice %arg2[%dma_wait3A_459, %dma_wait3A_460] : memref<10000x128xf32, #tpu.memory_space<hbm>> -> memref<10000x128xf32, #tpu.memory_space<hbm>>
      tpu.wait_indirect_dma semaphore(%arg14 : memref<!tpu.dma_semaphore, #tpu.memory_space<semaphore_mem>>) src(%dma_wait3A_461 : memref<10000x128xf32, #tpu.memory_space<hbm>>) dst(%arg10 : memref<100x128xf32, #tpu.memory_space<vmem>>)
      %dma_start3A_462 = arith.constant 14 : i32
      %dma_start3A_463 = arith.constant 0 : i32
      %dma_start3A_464 = tpu.memref_slice %arg7[%dma_start3A_462, %dma_start3A_463] : memref<25x100xi32, #tpu.memory_space<vmem>> -> memref<1x100xi32, #tpu.memory_space<vmem>>
      %dma_start3A_465 = tpu.memref_squeeze %dma_start3A_464 : memref<1x100xi32, #tpu.memory_space<vmem>> -> memref<100xi32, #tpu.memory_space<vmem>>
      %dma_start3A_466 = arith.constant 0 : i32
      %dma_start3A_467 = arith.constant 0 : i32
      %dma_start3A_468 = tpu.memref_slice %arg11[%dma_start3A_466, %dma_start3A_467] : memref<10240x128xf32, #tpu.memory_space<vmem_shared>> -> memref<10240x128xf32, #tpu.memory_space<vmem_shared>>
      tpu.enqueue_indirect_dma source(%arg10 : memref<100x128xf32, #tpu.memory_space<vmem>>) target(%dma_start3A_468 : memref<10240x128xf32, #tpu.memory_space<vmem_shared>>) offsets(%dma_start3A_465 : memref<100xi32, #tpu.memory_space<vmem>>) semaphore(%arg17 : memref<!tpu.dma_semaphore, #tpu.memory_space<semaphore_mem>>) {add = true}
      %dma_wait3A_469 = arith.constant 0 : i32
      %dma_wait3A_470 = arith.constant 0 : i32
      %dma_wait3A_471 = tpu.memref_slice %arg7[%dma_wait3A_469, %dma_wait3A_470] : memref<25x100xi32, #tpu.memory_space<vmem>> -> memref<1x100xi32, #tpu.memory_space<vmem>>
      %dma_wait3A_472 = tpu.memref_squeeze %dma_wait3A_471 : memref<1x100xi32, #tpu.memory_space<vmem>> -> memref<100xi32, #tpu.memory_space<vmem>>
      %dma_wait3A_473 = arith.constant 0 : i32
      %dma_wait3A_474 = arith.constant 0 : i32
      %dma_wait3A_475 = tpu.memref_slice %arg11[%dma_wait3A_473, %dma_wait3A_474] : memref<10240x128xf32, #tpu.memory_space<vmem_shared>> -> memref<10240x128xf32, #tpu.memory_space<vmem_shared>>
      tpu.wait_indirect_dma semaphore(%arg16 : memref<!tpu.dma_semaphore, #tpu.memory_space<semaphore_mem>>) src(%arg9 : memref<100x128xf32, #tpu.memory_space<vmem>>) dst(%dma_wait3A_475 : memref<10240x128xf32, #tpu.memory_space<vmem_shared>>)
      %dma_start3A_476 = arith.constant 16 : i32
      %dma_start3A_477 = arith.constant 0 : i32
      %dma_start3A_478 = tpu.memref_slice %arg6[%dma_start3A_476, %dma_start3A_477] : memref<25x100xi32, #tpu.memory_space<vmem>> -> memref<1x100xi32, #tpu.memory_space<vmem>>
      %dma_start3A_479 = tpu.memref_squeeze %dma_start3A_478 : memref<1x100xi32, #tpu.memory_space<vmem>> -> memref<100xi32, #tpu.memory_space<vmem>>
      %dma_start3A_480 = arith.constant 0 : i32
      %dma_start3A_481 = arith.constant 0 : i32
      %dma_start3A_482 = tpu.memref_slice %arg2[%dma_start3A_480, %dma_start3A_481] : memref<10000x128xf32, #tpu.memory_space<hbm>> -> memref<10000x128xf32, #tpu.memory_space<hbm>>
      tpu.enqueue_indirect_dma source(%dma_start3A_482 : memref<10000x128xf32, #tpu.memory_space<hbm>>) target(%arg9 : memref<100x128xf32, #tpu.memory_space<vmem>>) offsets(%dma_start3A_479 : memref<100xi32, #tpu.memory_space<vmem>>) semaphore(%arg13 : memref<!tpu.dma_semaphore, #tpu.memory_space<semaphore_mem>>)
      %dma_wait3A_483 = arith.constant 15 : i32
      %dma_wait3A_484 = arith.constant 0 : i32
      %dma_wait3A_485 = tpu.memref_slice %arg6[%dma_wait3A_483, %dma_wait3A_484] : memref<25x100xi32, #tpu.memory_space<vmem>> -> memref<1x100xi32, #tpu.memory_space<vmem>>
      %dma_wait3A_486 = tpu.memref_squeeze %dma_wait3A_485 : memref<1x100xi32, #tpu.memory_space<vmem>> -> memref<100xi32, #tpu.memory_space<vmem>>
      %dma_wait3A_487 = arith.constant 0 : i32
      %dma_wait3A_488 = arith.constant 0 : i32
      %dma_wait3A_489 = tpu.memref_slice %arg2[%dma_wait3A_487, %dma_wait3A_488] : memref<10000x128xf32, #tpu.memory_space<hbm>> -> memref<10000x128xf32, #tpu.memory_space<hbm>>
      tpu.wait_indirect_dma semaphore(%arg12 : memref<!tpu.dma_semaphore, #tpu.memory_space<semaphore_mem>>) src(%dma_wait3A_489 : memref<10000x128xf32, #tpu.memory_space<hbm>>) dst(%arg8 : memref<100x128xf32, #tpu.memory_space<vmem>>)
      %dma_start3A_490 = arith.constant 15 : i32
      %dma_start3A_491 = arith.constant 0 : i32
      %dma_start3A_492 = tpu.memref_slice %arg7[%dma_start3A_490, %dma_start3A_491] : memref<25x100xi32, #tpu.memory_space<vmem>> -> memref<1x100xi32, #tpu.memory_space<vmem>>
      %dma_start3A_493 = tpu.memref_squeeze %dma_start3A_492 : memref<1x100xi32, #tpu.memory_space<vmem>> -> memref<100xi32, #tpu.memory_space<vmem>>
      %dma_start3A_494 = arith.constant 0 : i32
      %dma_start3A_495 = arith.constant 0 : i32
      %dma_start3A_496 = tpu.memref_slice %arg11[%dma_start3A_494, %dma_start3A_495] : memref<10240x128xf32, #tpu.memory_space<vmem_shared>> -> memref<10240x128xf32, #tpu.memory_space<vmem_shared>>
      tpu.enqueue_indirect_dma source(%arg8 : memref<100x128xf32, #tpu.memory_space<vmem>>) target(%dma_start3A_496 : memref<10240x128xf32, #tpu.memory_space<vmem_shared>>) offsets(%dma_start3A_493 : memref<100xi32, #tpu.memory_space<vmem>>) semaphore(%arg15 : memref<!tpu.dma_semaphore, #tpu.memory_space<semaphore_mem>>) {add = true}
      %dma_wait3A_497 = arith.constant 0 : i32
      %dma_wait3A_498 = arith.constant 0 : i32
      %dma_wait3A_499 = tpu.memref_slice %arg7[%dma_wait3A_497, %dma_wait3A_498] : memref<25x100xi32, #tpu.memory_space<vmem>> -> memref<1x100xi32, #tpu.memory_space<vmem>>
      %dma_wait3A_500 = tpu.memref_squeeze %dma_wait3A_499 : memref<1x100xi32, #tpu.memory_space<vmem>> -> memref<100xi32, #tpu.memory_space<vmem>>
      %dma_wait3A_501 = arith.constant 0 : i32
      %dma_wait3A_502 = arith.constant 0 : i32
      %dma_wait3A_503 = tpu.memref_slice %arg11[%dma_wait3A_501, %dma_wait3A_502] : memref<10240x128xf32, #tpu.memory_space<vmem_shared>> -> memref<10240x128xf32, #tpu.memory_space<vmem_shared>>
      tpu.wait_indirect_dma semaphore(%arg17 : memref<!tpu.dma_semaphore, #tpu.memory_space<semaphore_mem>>) src(%arg10 : memref<100x128xf32, #tpu.memory_space<vmem>>) dst(%dma_wait3A_503 : memref<10240x128xf32, #tpu.memory_space<vmem_shared>>)
      %dma_start3A_504 = arith.constant 17 : i32
      %dma_start3A_505 = arith.constant 0 : i32
      %dma_start3A_506 = tpu.memref_slice %arg6[%dma_start3A_504, %dma_start3A_505] : memref<25x100xi32, #tpu.memory_space<vmem>> -> memref<1x100xi32, #tpu.memory_space<vmem>>
      %dma_start3A_507 = tpu.memref_squeeze %dma_start3A_506 : memref<1x100xi32, #tpu.memory_space<vmem>> -> memref<100xi32, #tpu.memory_space<vmem>>
      %dma_start3A_508 = arith.constant 0 : i32
      %dma_start3A_509 = arith.constant 0 : i32
      %dma_start3A_510 = tpu.memref_slice %arg2[%dma_start3A_508, %dma_start3A_509] : memref<10000x128xf32, #tpu.memory_space<hbm>> -> memref<10000x128xf32, #tpu.memory_space<hbm>>
      tpu.enqueue_indirect_dma source(%dma_start3A_510 : memref<10000x128xf32, #tpu.memory_space<hbm>>) target(%arg10 : memref<100x128xf32, #tpu.memory_space<vmem>>) offsets(%dma_start3A_507 : memref<100xi32, #tpu.memory_space<vmem>>) semaphore(%arg14 : memref<!tpu.dma_semaphore, #tpu.memory_space<semaphore_mem>>)
      %dma_wait3A_511 = arith.constant 16 : i32
      %dma_wait3A_512 = arith.constant 0 : i32
      %dma_wait3A_513 = tpu.memref_slice %arg6[%dma_wait3A_511, %dma_wait3A_512] : memref<25x100xi32, #tpu.memory_space<vmem>> -> memref<1x100xi32, #tpu.memory_space<vmem>>
      %dma_wait3A_514 = tpu.memref_squeeze %dma_wait3A_513 : memref<1x100xi32, #tpu.memory_space<vmem>> -> memref<100xi32, #tpu.memory_space<vmem>>
      %dma_wait3A_515 = arith.constant 0 : i32
      %dma_wait3A_516 = arith.constant 0 : i32
      %dma_wait3A_517 = tpu.memref_slice %arg2[%dma_wait3A_515, %dma_wait3A_516] : memref<10000x128xf32, #tpu.memory_space<hbm>> -> memref<10000x128xf32, #tpu.memory_space<hbm>>
      tpu.wait_indirect_dma semaphore(%arg13 : memref<!tpu.dma_semaphore, #tpu.memory_space<semaphore_mem>>) src(%dma_wait3A_517 : memref<10000x128xf32, #tpu.memory_space<hbm>>) dst(%arg9 : memref<100x128xf32, #tpu.memory_space<vmem>>)
      %dma_start3A_518 = arith.constant 16 : i32
      %dma_start3A_519 = arith.constant 0 : i32
      %dma_start3A_520 = tpu.memref_slice %arg7[%dma_start3A_518, %dma_start3A_519] : memref<25x100xi32, #tpu.memory_space<vmem>> -> memref<1x100xi32, #tpu.memory_space<vmem>>
      %dma_start3A_521 = tpu.memref_squeeze %dma_start3A_520 : memref<1x100xi32, #tpu.memory_space<vmem>> -> memref<100xi32, #tpu.memory_space<vmem>>
      %dma_start3A_522 = arith.constant 0 : i32
      %dma_start3A_523 = arith.constant 0 : i32
      %dma_start3A_524 = tpu.memref_slice %arg11[%dma_start3A_522, %dma_start3A_523] : memref<10240x128xf32, #tpu.memory_space<vmem_shared>> -> memref<10240x128xf32, #tpu.memory_space<vmem_shared>>
      tpu.enqueue_indirect_dma source(%arg9 : memref<100x128xf32, #tpu.memory_space<vmem>>) target(%dma_start3A_524 : memref<10240x128xf32, #tpu.memory_space<vmem_shared>>) offsets(%dma_start3A_521 : memref<100xi32, #tpu.memory_space<vmem>>) semaphore(%arg16 : memref<!tpu.dma_semaphore, #tpu.memory_space<semaphore_mem>>) {add = true}
      %dma_wait3A_525 = arith.constant 0 : i32
      %dma_wait3A_526 = arith.constant 0 : i32
      %dma_wait3A_527 = tpu.memref_slice %arg7[%dma_wait3A_525, %dma_wait3A_526] : memref<25x100xi32, #tpu.memory_space<vmem>> -> memref<1x100xi32, #tpu.memory_space<vmem>>
      %dma_wait3A_528 = tpu.memref_squeeze %dma_wait3A_527 : memref<1x100xi32, #tpu.memory_space<vmem>> -> memref<100xi32, #tpu.memory_space<vmem>>
      %dma_wait3A_529 = arith.constant 0 : i32
      %dma_wait3A_530 = arith.constant 0 : i32
      %dma_wait3A_531 = tpu.memref_slice %arg11[%dma_wait3A_529, %dma_wait3A_530] : memref<10240x128xf32, #tpu.memory_space<vmem_shared>> -> memref<10240x128xf32, #tpu.memory_space<vmem_shared>>
      tpu.wait_indirect_dma semaphore(%arg15 : memref<!tpu.dma_semaphore, #tpu.memory_space<semaphore_mem>>) src(%arg8 : memref<100x128xf32, #tpu.memory_space<vmem>>) dst(%dma_wait3A_531 : memref<10240x128xf32, #tpu.memory_space<vmem_shared>>)
      %dma_start3A_532 = arith.constant 18 : i32
      %dma_start3A_533 = arith.constant 0 : i32
      %dma_start3A_534 = tpu.memref_slice %arg6[%dma_start3A_532, %dma_start3A_533] : memref<25x100xi32, #tpu.memory_space<vmem>> -> memref<1x100xi32, #tpu.memory_space<vmem>>
      %dma_start3A_535 = tpu.memref_squeeze %dma_start3A_534 : memref<1x100xi32, #tpu.memory_space<vmem>> -> memref<100xi32, #tpu.memory_space<vmem>>
      %dma_start3A_536 = arith.constant 0 : i32
      %dma_start3A_537 = arith.constant 0 : i32
      %dma_start3A_538 = tpu.memref_slice %arg2[%dma_start3A_536, %dma_start3A_537] : memref<10000x128xf32, #tpu.memory_space<hbm>> -> memref<10000x128xf32, #tpu.memory_space<hbm>>
      tpu.enqueue_indirect_dma source(%dma_start3A_538 : memref<10000x128xf32, #tpu.memory_space<hbm>>) target(%arg8 : memref<100x128xf32, #tpu.memory_space<vmem>>) offsets(%dma_start3A_535 : memref<100xi32, #tpu.memory_space<vmem>>) semaphore(%arg12 : memref<!tpu.dma_semaphore, #tpu.memory_space<semaphore_mem>>)
      %dma_wait3A_539 = arith.constant 17 : i32
      %dma_wait3A_540 = arith.constant 0 : i32
      %dma_wait3A_541 = tpu.memref_slice %arg6[%dma_wait3A_539, %dma_wait3A_540] : memref<25x100xi32, #tpu.memory_space<vmem>> -> memref<1x100xi32, #tpu.memory_space<vmem>>
      %dma_wait3A_542 = tpu.memref_squeeze %dma_wait3A_541 : memref<1x100xi32, #tpu.memory_space<vmem>> -> memref<100xi32, #tpu.memory_space<vmem>>
      %dma_wait3A_543 = arith.constant 0 : i32
      %dma_wait3A_544 = arith.constant 0 : i32
      %dma_wait3A_545 = tpu.memref_slice %arg2[%dma_wait3A_543, %dma_wait3A_544] : memref<10000x128xf32, #tpu.memory_space<hbm>> -> memref<10000x128xf32, #tpu.memory_space<hbm>>
      tpu.wait_indirect_dma semaphore(%arg14 : memref<!tpu.dma_semaphore, #tpu.memory_space<semaphore_mem>>) src(%dma_wait3A_545 : memref<10000x128xf32, #tpu.memory_space<hbm>>) dst(%arg10 : memref<100x128xf32, #tpu.memory_space<vmem>>)
      %dma_start3A_546 = arith.constant 17 : i32
      %dma_start3A_547 = arith.constant 0 : i32
      %dma_start3A_548 = tpu.memref_slice %arg7[%dma_start3A_546, %dma_start3A_547] : memref<25x100xi32, #tpu.memory_space<vmem>> -> memref<1x100xi32, #tpu.memory_space<vmem>>
      %dma_start3A_549 = tpu.memref_squeeze %dma_start3A_548 : memref<1x100xi32, #tpu.memory_space<vmem>> -> memref<100xi32, #tpu.memory_space<vmem>>
      %dma_start3A_550 = arith.constant 0 : i32
      %dma_start3A_551 = arith.constant 0 : i32
      %dma_start3A_552 = tpu.memref_slice %arg11[%dma_start3A_550, %dma_start3A_551] : memref<10240x128xf32, #tpu.memory_space<vmem_shared>> -> memref<10240x128xf32, #tpu.memory_space<vmem_shared>>
      tpu.enqueue_indirect_dma source(%arg10 : memref<100x128xf32, #tpu.memory_space<vmem>>) target(%dma_start3A_552 : memref<10240x128xf32, #tpu.memory_space<vmem_shared>>) offsets(%dma_start3A_549 : memref<100xi32, #tpu.memory_space<vmem>>) semaphore(%arg17 : memref<!tpu.dma_semaphore, #tpu.memory_space<semaphore_mem>>) {add = true}
      %dma_wait3A_553 = arith.constant 0 : i32
      %dma_wait3A_554 = arith.constant 0 : i32
      %dma_wait3A_555 = tpu.memref_slice %arg7[%dma_wait3A_553, %dma_wait3A_554] : memref<25x100xi32, #tpu.memory_space<vmem>> -> memref<1x100xi32, #tpu.memory_space<vmem>>
      %dma_wait3A_556 = tpu.memref_squeeze %dma_wait3A_555 : memref<1x100xi32, #tpu.memory_space<vmem>> -> memref<100xi32, #tpu.memory_space<vmem>>
      %dma_wait3A_557 = arith.constant 0 : i32
      %dma_wait3A_558 = arith.constant 0 : i32
      %dma_wait3A_559 = tpu.memref_slice %arg11[%dma_wait3A_557, %dma_wait3A_558] : memref<10240x128xf32, #tpu.memory_space<vmem_shared>> -> memref<10240x128xf32, #tpu.memory_space<vmem_shared>>
      tpu.wait_indirect_dma semaphore(%arg16 : memref<!tpu.dma_semaphore, #tpu.memory_space<semaphore_mem>>) src(%arg9 : memref<100x128xf32, #tpu.memory_space<vmem>>) dst(%dma_wait3A_559 : memref<10240x128xf32, #tpu.memory_space<vmem_shared>>)
      %dma_start3A_560 = arith.constant 19 : i32
      %dma_start3A_561 = arith.constant 0 : i32
      %dma_start3A_562 = tpu.memref_slice %arg6[%dma_start3A_560, %dma_start3A_561] : memref<25x100xi32, #tpu.memory_space<vmem>> -> memref<1x100xi32, #tpu.memory_space<vmem>>
      %dma_start3A_563 = tpu.memref_squeeze %dma_start3A_562 : memref<1x100xi32, #tpu.memory_space<vmem>> -> memref<100xi32, #tpu.memory_space<vmem>>
      %dma_start3A_564 = arith.constant 0 : i32
      %dma_start3A_565 = arith.constant 0 : i32
      %dma_start3A_566 = tpu.memref_slice %arg2[%dma_start3A_564, %dma_start3A_565] : memref<10000x128xf32, #tpu.memory_space<hbm>> -> memref<10000x128xf32, #tpu.memory_space<hbm>>
      tpu.enqueue_indirect_dma source(%dma_start3A_566 : memref<10000x128xf32, #tpu.memory_space<hbm>>) target(%arg9 : memref<100x128xf32, #tpu.memory_space<vmem>>) offsets(%dma_start3A_563 : memref<100xi32, #tpu.memory_space<vmem>>) semaphore(%arg13 : memref<!tpu.dma_semaphore, #tpu.memory_space<semaphore_mem>>)
      %dma_wait3A_567 = arith.constant 18 : i32
      %dma_wait3A_568 = arith.constant 0 : i32
      %dma_wait3A_569 = tpu.memref_slice %arg6[%dma_wait3A_567, %dma_wait3A_568] : memref<25x100xi32, #tpu.memory_space<vmem>> -> memref<1x100xi32, #tpu.memory_space<vmem>>
      %dma_wait3A_570 = tpu.memref_squeeze %dma_wait3A_569 : memref<1x100xi32, #tpu.memory_space<vmem>> -> memref<100xi32, #tpu.memory_space<vmem>>
      %dma_wait3A_571 = arith.constant 0 : i32
      %dma_wait3A_572 = arith.constant 0 : i32
      %dma_wait3A_573 = tpu.memref_slice %arg2[%dma_wait3A_571, %dma_wait3A_572] : memref<10000x128xf32, #tpu.memory_space<hbm>> -> memref<10000x128xf32, #tpu.memory_space<hbm>>
      tpu.wait_indirect_dma semaphore(%arg12 : memref<!tpu.dma_semaphore, #tpu.memory_space<semaphore_mem>>) src(%dma_wait3A_573 : memref<10000x128xf32, #tpu.memory_space<hbm>>) dst(%arg8 : memref<100x128xf32, #tpu.memory_space<vmem>>)
      %dma_start3A_574 = arith.constant 18 : i32
      %dma_start3A_575 = arith.constant 0 : i32
      %dma_start3A_576 = tpu.memref_slice %arg7[%dma_start3A_574, %dma_start3A_575] : memref<25x100xi32, #tpu.memory_space<vmem>> -> memref<1x100xi32, #tpu.memory_space<vmem>>
      %dma_start3A_577 = tpu.memref_squeeze %dma_start3A_576 : memref<1x100xi32, #tpu.memory_space<vmem>> -> memref<100xi32, #tpu.memory_space<vmem>>
      %dma_start3A_578 = arith.constant 0 : i32
      %dma_start3A_579 = arith.constant 0 : i32
      %dma_start3A_580 = tpu.memref_slice %arg11[%dma_start3A_578, %dma_start3A_579] : memref<10240x128xf32, #tpu.memory_space<vmem_shared>> -> memref<10240x128xf32, #tpu.memory_space<vmem_shared>>
      tpu.enqueue_indirect_dma source(%arg8 : memref<100x128xf32, #tpu.memory_space<vmem>>) target(%dma_start3A_580 : memref<10240x128xf32, #tpu.memory_space<vmem_shared>>) offsets(%dma_start3A_577 : memref<100xi32, #tpu.memory_space<vmem>>) semaphore(%arg15 : memref<!tpu.dma_semaphore, #tpu.memory_space<semaphore_mem>>) {add = true}
      %dma_wait3A_581 = arith.constant 0 : i32
      %dma_wait3A_582 = arith.constant 0 : i32
      %dma_wait3A_583 = tpu.memref_slice %arg7[%dma_wait3A_581, %dma_wait3A_582] : memref<25x100xi32, #tpu.memory_space<vmem>> -> memref<1x100xi32, #tpu.memory_space<vmem>>
      %dma_wait3A_584 = tpu.memref_squeeze %dma_wait3A_583 : memref<1x100xi32, #tpu.memory_space<vmem>> -> memref<100xi32, #tpu.memory_space<vmem>>
      %dma_wait3A_585 = arith.constant 0 : i32
      %dma_wait3A_586 = arith.constant 0 : i32
      %dma_wait3A_587 = tpu.memref_slice %arg11[%dma_wait3A_585, %dma_wait3A_586] : memref<10240x128xf32, #tpu.memory_space<vmem_shared>> -> memref<10240x128xf32, #tpu.memory_space<vmem_shared>>
      tpu.wait_indirect_dma semaphore(%arg17 : memref<!tpu.dma_semaphore, #tpu.memory_space<semaphore_mem>>) src(%arg10 : memref<100x128xf32, #tpu.memory_space<vmem>>) dst(%dma_wait3A_587 : memref<10240x128xf32, #tpu.memory_space<vmem_shared>>)
      %dma_start3A_588 = arith.constant 20 : i32
      %dma_start3A_589 = arith.constant 0 : i32
      %dma_start3A_590 = tpu.memref_slice %arg6[%dma_start3A_588, %dma_start3A_589] : memref<25x100xi32, #tpu.memory_space<vmem>> -> memref<1x100xi32, #tpu.memory_space<vmem>>
      %dma_start3A_591 = tpu.memref_squeeze %dma_start3A_590 : memref<1x100xi32, #tpu.memory_space<vmem>> -> memref<100xi32, #tpu.memory_space<vmem>>
      %dma_start3A_592 = arith.constant 0 : i32
      %dma_start3A_593 = arith.constant 0 : i32
      %dma_start3A_594 = tpu.memref_slice %arg2[%dma_start3A_592, %dma_start3A_593] : memref<10000x128xf32, #tpu.memory_space<hbm>> -> memref<10000x128xf32, #tpu.memory_space<hbm>>
      tpu.enqueue_indirect_dma source(%dma_start3A_594 : memref<10000x128xf32, #tpu.memory_space<hbm>>) target(%arg10 : memref<100x128xf32, #tpu.memory_space<vmem>>) offsets(%dma_start3A_591 : memref<100xi32, #tpu.memory_space<vmem>>) semaphore(%arg14 : memref<!tpu.dma_semaphore, #tpu.memory_space<semaphore_mem>>)
      %dma_wait3A_595 = arith.constant 19 : i32
      %dma_wait3A_596 = arith.constant 0 : i32
      %dma_wait3A_597 = tpu.memref_slice %arg6[%dma_wait3A_595, %dma_wait3A_596] : memref<25x100xi32, #tpu.memory_space<vmem>> -> memref<1x100xi32, #tpu.memory_space<vmem>>
      %dma_wait3A_598 = tpu.memref_squeeze %dma_wait3A_597 : memref<1x100xi32, #tpu.memory_space<vmem>> -> memref<100xi32, #tpu.memory_space<vmem>>
      %dma_wait3A_599 = arith.constant 0 : i32
      %dma_wait3A_600 = arith.constant 0 : i32
      %dma_wait3A_601 = tpu.memref_slice %arg2[%dma_wait3A_599, %dma_wait3A_600] : memref<10000x128xf32, #tpu.memory_space<hbm>> -> memref<10000x128xf32, #tpu.memory_space<hbm>>
      tpu.wait_indirect_dma semaphore(%arg13 : memref<!tpu.dma_semaphore, #tpu.memory_space<semaphore_mem>>) src(%dma_wait3A_601 : memref<10000x128xf32, #tpu.memory_space<hbm>>) dst(%arg9 : memref<100x128xf32, #tpu.memory_space<vmem>>)
      %dma_start3A_602 = arith.constant 19 : i32
      %dma_start3A_603 = arith.constant 0 : i32
      %dma_start3A_604 = tpu.memref_slice %arg7[%dma_start3A_602, %dma_start3A_603] : memref<25x100xi32, #tpu.memory_space<vmem>> -> memref<1x100xi32, #tpu.memory_space<vmem>>
      %dma_start3A_605 = tpu.memref_squeeze %dma_start3A_604 : memref<1x100xi32, #tpu.memory_space<vmem>> -> memref<100xi32, #tpu.memory_space<vmem>>
      %dma_start3A_606 = arith.constant 0 : i32
      %dma_start3A_607 = arith.constant 0 : i32
      %dma_start3A_608 = tpu.memref_slice %arg11[%dma_start3A_606, %dma_start3A_607] : memref<10240x128xf32, #tpu.memory_space<vmem_shared>> -> memref<10240x128xf32, #tpu.memory_space<vmem_shared>>
      tpu.enqueue_indirect_dma source(%arg9 : memref<100x128xf32, #tpu.memory_space<vmem>>) target(%dma_start3A_608 : memref<10240x128xf32, #tpu.memory_space<vmem_shared>>) offsets(%dma_start3A_605 : memref<100xi32, #tpu.memory_space<vmem>>) semaphore(%arg16 : memref<!tpu.dma_semaphore, #tpu.memory_space<semaphore_mem>>) {add = true}
      %dma_wait3A_609 = arith.constant 0 : i32
      %dma_wait3A_610 = arith.constant 0 : i32
      %dma_wait3A_611 = tpu.memref_slice %arg7[%dma_wait3A_609, %dma_wait3A_610] : memref<25x100xi32, #tpu.memory_space<vmem>> -> memref<1x100xi32, #tpu.memory_space<vmem>>
      %dma_wait3A_612 = tpu.memref_squeeze %dma_wait3A_611 : memref<1x100xi32, #tpu.memory_space<vmem>> -> memref<100xi32, #tpu.memory_space<vmem>>
      %dma_wait3A_613 = arith.constant 0 : i32
      %dma_wait3A_614 = arith.constant 0 : i32
      %dma_wait3A_615 = tpu.memref_slice %arg11[%dma_wait3A_613, %dma_wait3A_614] : memref<10240x128xf32, #tpu.memory_space<vmem_shared>> -> memref<10240x128xf32, #tpu.memory_space<vmem_shared>>
      tpu.wait_indirect_dma semaphore(%arg15 : memref<!tpu.dma_semaphore, #tpu.memory_space<semaphore_mem>>) src(%arg8 : memref<100x128xf32, #tpu.memory_space<vmem>>) dst(%dma_wait3A_615 : memref<10240x128xf32, #tpu.memory_space<vmem_shared>>)
      %dma_start3A_616 = arith.constant 21 : i32
      %dma_start3A_617 = arith.constant 0 : i32
      %dma_start3A_618 = tpu.memref_slice %arg6[%dma_start3A_616, %dma_start3A_617] : memref<25x100xi32, #tpu.memory_space<vmem>> -> memref<1x100xi32, #tpu.memory_space<vmem>>
      %dma_start3A_619 = tpu.memref_squeeze %dma_start3A_618 : memref<1x100xi32, #tpu.memory_space<vmem>> -> memref<100xi32, #tpu.memory_space<vmem>>
      %dma_start3A_620 = arith.constant 0 : i32
      %dma_start3A_621 = arith.constant 0 : i32
      %dma_start3A_622 = tpu.memref_slice %arg2[%dma_start3A_620, %dma_start3A_621] : memref<10000x128xf32, #tpu.memory_space<hbm>> -> memref<10000x128xf32, #tpu.memory_space<hbm>>
      tpu.enqueue_indirect_dma source(%dma_start3A_622 : memref<10000x128xf32, #tpu.memory_space<hbm>>) target(%arg8 : memref<100x128xf32, #tpu.memory_space<vmem>>) offsets(%dma_start3A_619 : memref<100xi32, #tpu.memory_space<vmem>>) semaphore(%arg12 : memref<!tpu.dma_semaphore, #tpu.memory_space<semaphore_mem>>)
      %dma_wait3A_623 = arith.constant 20 : i32
      %dma_wait3A_624 = arith.constant 0 : i32
      %dma_wait3A_625 = tpu.memref_slice %arg6[%dma_wait3A_623, %dma_wait3A_624] : memref<25x100xi32, #tpu.memory_space<vmem>> -> memref<1x100xi32, #tpu.memory_space<vmem>>
      %dma_wait3A_626 = tpu.memref_squeeze %dma_wait3A_625 : memref<1x100xi32, #tpu.memory_space<vmem>> -> memref<100xi32, #tpu.memory_space<vmem>>
      %dma_wait3A_627 = arith.constant 0 : i32
      %dma_wait3A_628 = arith.constant 0 : i32
      %dma_wait3A_629 = tpu.memref_slice %arg2[%dma_wait3A_627, %dma_wait3A_628] : memref<10000x128xf32, #tpu.memory_space<hbm>> -> memref<10000x128xf32, #tpu.memory_space<hbm>>
      tpu.wait_indirect_dma semaphore(%arg14 : memref<!tpu.dma_semaphore, #tpu.memory_space<semaphore_mem>>) src(%dma_wait3A_629 : memref<10000x128xf32, #tpu.memory_space<hbm>>) dst(%arg10 : memref<100x128xf32, #tpu.memory_space<vmem>>)
      %dma_start3A_630 = arith.constant 20 : i32
      %dma_start3A_631 = arith.constant 0 : i32
      %dma_start3A_632 = tpu.memref_slice %arg7[%dma_start3A_630, %dma_start3A_631] : memref<25x100xi32, #tpu.memory_space<vmem>> -> memref<1x100xi32, #tpu.memory_space<vmem>>
      %dma_start3A_633 = tpu.memref_squeeze %dma_start3A_632 : memref<1x100xi32, #tpu.memory_space<vmem>> -> memref<100xi32, #tpu.memory_space<vmem>>
      %dma_start3A_634 = arith.constant 0 : i32
      %dma_start3A_635 = arith.constant 0 : i32
      %dma_start3A_636 = tpu.memref_slice %arg11[%dma_start3A_634, %dma_start3A_635] : memref<10240x128xf32, #tpu.memory_space<vmem_shared>> -> memref<10240x128xf32, #tpu.memory_space<vmem_shared>>
      tpu.enqueue_indirect_dma source(%arg10 : memref<100x128xf32, #tpu.memory_space<vmem>>) target(%dma_start3A_636 : memref<10240x128xf32, #tpu.memory_space<vmem_shared>>) offsets(%dma_start3A_633 : memref<100xi32, #tpu.memory_space<vmem>>) semaphore(%arg17 : memref<!tpu.dma_semaphore, #tpu.memory_space<semaphore_mem>>) {add = true}
      %dma_wait3A_637 = arith.constant 0 : i32
      %dma_wait3A_638 = arith.constant 0 : i32
      %dma_wait3A_639 = tpu.memref_slice %arg7[%dma_wait3A_637, %dma_wait3A_638] : memref<25x100xi32, #tpu.memory_space<vmem>> -> memref<1x100xi32, #tpu.memory_space<vmem>>
      %dma_wait3A_640 = tpu.memref_squeeze %dma_wait3A_639 : memref<1x100xi32, #tpu.memory_space<vmem>> -> memref<100xi32, #tpu.memory_space<vmem>>
      %dma_wait3A_641 = arith.constant 0 : i32
      %dma_wait3A_642 = arith.constant 0 : i32
      %dma_wait3A_643 = tpu.memref_slice %arg11[%dma_wait3A_641, %dma_wait3A_642] : memref<10240x128xf32, #tpu.memory_space<vmem_shared>> -> memref<10240x128xf32, #tpu.memory_space<vmem_shared>>
      tpu.wait_indirect_dma semaphore(%arg16 : memref<!tpu.dma_semaphore, #tpu.memory_space<semaphore_mem>>) src(%arg9 : memref<100x128xf32, #tpu.memory_space<vmem>>) dst(%dma_wait3A_643 : memref<10240x128xf32, #tpu.memory_space<vmem_shared>>)
      %dma_start3A_644 = arith.constant 22 : i32
      %dma_start3A_645 = arith.constant 0 : i32
      %dma_start3A_646 = tpu.memref_slice %arg6[%dma_start3A_644, %dma_start3A_645] : memref<25x100xi32, #tpu.memory_space<vmem>> -> memref<1x100xi32, #tpu.memory_space<vmem>>
      %dma_start3A_647 = tpu.memref_squeeze %dma_start3A_646 : memref<1x100xi32, #tpu.memory_space<vmem>> -> memref<100xi32, #tpu.memory_space<vmem>>
      %dma_start3A_648 = arith.constant 0 : i32
      %dma_start3A_649 = arith.constant 0 : i32
      %dma_start3A_650 = tpu.memref_slice %arg2[%dma_start3A_648, %dma_start3A_649] : memref<10000x128xf32, #tpu.memory_space<hbm>> -> memref<10000x128xf32, #tpu.memory_space<hbm>>
      tpu.enqueue_indirect_dma source(%dma_start3A_650 : memref<10000x128xf32, #tpu.memory_space<hbm>>) target(%arg9 : memref<100x128xf32, #tpu.memory_space<vmem>>) offsets(%dma_start3A_647 : memref<100xi32, #tpu.memory_space<vmem>>) semaphore(%arg13 : memref<!tpu.dma_semaphore, #tpu.memory_space<semaphore_mem>>)
      %dma_wait3A_651 = arith.constant 21 : i32
      %dma_wait3A_652 = arith.constant 0 : i32
      %dma_wait3A_653 = tpu.memref_slice %arg6[%dma_wait3A_651, %dma_wait3A_652] : memref<25x100xi32, #tpu.memory_space<vmem>> -> memref<1x100xi32, #tpu.memory_space<vmem>>
      %dma_wait3A_654 = tpu.memref_squeeze %dma_wait3A_653 : memref<1x100xi32, #tpu.memory_space<vmem>> -> memref<100xi32, #tpu.memory_space<vmem>>
      %dma_wait3A_655 = arith.constant 0 : i32
      %dma_wait3A_656 = arith.constant 0 : i32
      %dma_wait3A_657 = tpu.memref_slice %arg2[%dma_wait3A_655, %dma_wait3A_656] : memref<10000x128xf32, #tpu.memory_space<hbm>> -> memref<10000x128xf32, #tpu.memory_space<hbm>>
      tpu.wait_indirect_dma semaphore(%arg12 : memref<!tpu.dma_semaphore, #tpu.memory_space<semaphore_mem>>) src(%dma_wait3A_657 : memref<10000x128xf32, #tpu.memory_space<hbm>>) dst(%arg8 : memref<100x128xf32, #tpu.memory_space<vmem>>)
      %dma_start3A_658 = arith.constant 21 : i32
      %dma_start3A_659 = arith.constant 0 : i32
      %dma_start3A_660 = tpu.memref_slice %arg7[%dma_start3A_658, %dma_start3A_659] : memref<25x100xi32, #tpu.memory_space<vmem>> -> memref<1x100xi32, #tpu.memory_space<vmem>>
      %dma_start3A_661 = tpu.memref_squeeze %dma_start3A_660 : memref<1x100xi32, #tpu.memory_space<vmem>> -> memref<100xi32, #tpu.memory_space<vmem>>
      %dma_start3A_662 = arith.constant 0 : i32
      %dma_start3A_663 = arith.constant 0 : i32
      %dma_start3A_664 = tpu.memref_slice %arg11[%dma_start3A_662, %dma_start3A_663] : memref<10240x128xf32, #tpu.memory_space<vmem_shared>> -> memref<10240x128xf32, #tpu.memory_space<vmem_shared>>
      tpu.enqueue_indirect_dma source(%arg8 : memref<100x128xf32, #tpu.memory_space<vmem>>) target(%dma_start3A_664 : memref<10240x128xf32, #tpu.memory_space<vmem_shared>>) offsets(%dma_start3A_661 : memref<100xi32, #tpu.memory_space<vmem>>) semaphore(%arg15 : memref<!tpu.dma_semaphore, #tpu.memory_space<semaphore_mem>>) {add = true}
      %dma_wait3A_665 = arith.constant 0 : i32
      %dma_wait3A_666 = arith.constant 0 : i32
      %dma_wait3A_667 = tpu.memref_slice %arg7[%dma_wait3A_665, %dma_wait3A_666] : memref<25x100xi32, #tpu.memory_space<vmem>> -> memref<1x100xi32, #tpu.memory_space<vmem>>
      %dma_wait3A_668 = tpu.memref_squeeze %dma_wait3A_667 : memref<1x100xi32, #tpu.memory_space<vmem>> -> memref<100xi32, #tpu.memory_space<vmem>>
      %dma_wait3A_669 = arith.constant 0 : i32
      %dma_wait3A_670 = arith.constant 0 : i32
      %dma_wait3A_671 = tpu.memref_slice %arg11[%dma_wait3A_669, %dma_wait3A_670] : memref<10240x128xf32, #tpu.memory_space<vmem_shared>> -> memref<10240x128xf32, #tpu.memory_space<vmem_shared>>
      tpu.wait_indirect_dma semaphore(%arg17 : memref<!tpu.dma_semaphore, #tpu.memory_space<semaphore_mem>>) src(%arg10 : memref<100x128xf32, #tpu.memory_space<vmem>>) dst(%dma_wait3A_671 : memref<10240x128xf32, #tpu.memory_space<vmem_shared>>)
      %dma_start3A_672 = arith.constant 23 : i32
      %dma_start3A_673 = arith.constant 0 : i32
      %dma_start3A_674 = tpu.memref_slice %arg6[%dma_start3A_672, %dma_start3A_673] : memref<25x100xi32, #tpu.memory_space<vmem>> -> memref<1x100xi32, #tpu.memory_space<vmem>>
      %dma_start3A_675 = tpu.memref_squeeze %dma_start3A_674 : memref<1x100xi32, #tpu.memory_space<vmem>> -> memref<100xi32, #tpu.memory_space<vmem>>
      %dma_start3A_676 = arith.constant 0 : i32
      %dma_start3A_677 = arith.constant 0 : i32
      %dma_start3A_678 = tpu.memref_slice %arg2[%dma_start3A_676, %dma_start3A_677] : memref<10000x128xf32, #tpu.memory_space<hbm>> -> memref<10000x128xf32, #tpu.memory_space<hbm>>
      tpu.enqueue_indirect_dma source(%dma_start3A_678 : memref<10000x128xf32, #tpu.memory_space<hbm>>) target(%arg10 : memref<100x128xf32, #tpu.memory_space<vmem>>) offsets(%dma_start3A_675 : memref<100xi32, #tpu.memory_space<vmem>>) semaphore(%arg14 : memref<!tpu.dma_semaphore, #tpu.memory_space<semaphore_mem>>)
      %dma_wait3A_679 = arith.constant 22 : i32
      %dma_wait3A_680 = arith.constant 0 : i32
      %dma_wait3A_681 = tpu.memref_slice %arg6[%dma_wait3A_679, %dma_wait3A_680] : memref<25x100xi32, #tpu.memory_space<vmem>> -> memref<1x100xi32, #tpu.memory_space<vmem>>
      %dma_wait3A_682 = tpu.memref_squeeze %dma_wait3A_681 : memref<1x100xi32, #tpu.memory_space<vmem>> -> memref<100xi32, #tpu.memory_space<vmem>>
      %dma_wait3A_683 = arith.constant 0 : i32
      %dma_wait3A_684 = arith.constant 0 : i32
      %dma_wait3A_685 = tpu.memref_slice %arg2[%dma_wait3A_683, %dma_wait3A_684] : memref<10000x128xf32, #tpu.memory_space<hbm>> -> memref<10000x128xf32, #tpu.memory_space<hbm>>
      tpu.wait_indirect_dma semaphore(%arg13 : memref<!tpu.dma_semaphore, #tpu.memory_space<semaphore_mem>>) src(%dma_wait3A_685 : memref<10000x128xf32, #tpu.memory_space<hbm>>) dst(%arg9 : memref<100x128xf32, #tpu.memory_space<vmem>>)
      %dma_start3A_686 = arith.constant 22 : i32
      %dma_start3A_687 = arith.constant 0 : i32
      %dma_start3A_688 = tpu.memref_slice %arg7[%dma_start3A_686, %dma_start3A_687] : memref<25x100xi32, #tpu.memory_space<vmem>> -> memref<1x100xi32, #tpu.memory_space<vmem>>
      %dma_start3A_689 = tpu.memref_squeeze %dma_start3A_688 : memref<1x100xi32, #tpu.memory_space<vmem>> -> memref<100xi32, #tpu.memory_space<vmem>>
      %dma_start3A_690 = arith.constant 0 : i32
      %dma_start3A_691 = arith.constant 0 : i32
      %dma_start3A_692 = tpu.memref_slice %arg11[%dma_start3A_690, %dma_start3A_691] : memref<10240x128xf32, #tpu.memory_space<vmem_shared>> -> memref<10240x128xf32, #tpu.memory_space<vmem_shared>>
      tpu.enqueue_indirect_dma source(%arg9 : memref<100x128xf32, #tpu.memory_space<vmem>>) target(%dma_start3A_692 : memref<10240x128xf32, #tpu.memory_space<vmem_shared>>) offsets(%dma_start3A_689 : memref<100xi32, #tpu.memory_space<vmem>>) semaphore(%arg16 : memref<!tpu.dma_semaphore, #tpu.memory_space<semaphore_mem>>) {add = true}
      %dma_wait3A_693 = arith.constant 0 : i32
      %dma_wait3A_694 = arith.constant 0 : i32
      %dma_wait3A_695 = tpu.memref_slice %arg7[%dma_wait3A_693, %dma_wait3A_694] : memref<25x100xi32, #tpu.memory_space<vmem>> -> memref<1x100xi32, #tpu.memory_space<vmem>>
      %dma_wait3A_696 = tpu.memref_squeeze %dma_wait3A_695 : memref<1x100xi32, #tpu.memory_space<vmem>> -> memref<100xi32, #tpu.memory_space<vmem>>
      %dma_wait3A_697 = arith.constant 0 : i32
      %dma_wait3A_698 = arith.constant 0 : i32
      %dma_wait3A_699 = tpu.memref_slice %arg11[%dma_wait3A_697, %dma_wait3A_698] : memref<10240x128xf32, #tpu.memory_space<vmem_shared>> -> memref<10240x128xf32, #tpu.memory_space<vmem_shared>>
      tpu.wait_indirect_dma semaphore(%arg15 : memref<!tpu.dma_semaphore, #tpu.memory_space<semaphore_mem>>) src(%arg8 : memref<100x128xf32, #tpu.memory_space<vmem>>) dst(%dma_wait3A_699 : memref<10240x128xf32, #tpu.memory_space<vmem_shared>>)
      %dma_start3A_700 = arith.constant 24 : i32
      %dma_start3A_701 = arith.constant 0 : i32
      %dma_start3A_702 = tpu.memref_slice %arg6[%dma_start3A_700, %dma_start3A_701] : memref<25x100xi32, #tpu.memory_space<vmem>> -> memref<1x100xi32, #tpu.memory_space<vmem>>
      %dma_start3A_703 = tpu.memref_squeeze %dma_start3A_702 : memref<1x100xi32, #tpu.memory_space<vmem>> -> memref<100xi32, #tpu.memory_space<vmem>>
      %dma_start3A_704 = arith.constant 0 : i32
      %dma_start3A_705 = arith.constant 0 : i32
      %dma_start3A_706 = tpu.memref_slice %arg2[%dma_start3A_704, %dma_start3A_705] : memref<10000x128xf32, #tpu.memory_space<hbm>> -> memref<10000x128xf32, #tpu.memory_space<hbm>>
      tpu.enqueue_indirect_dma source(%dma_start3A_706 : memref<10000x128xf32, #tpu.memory_space<hbm>>) target(%arg8 : memref<100x128xf32, #tpu.memory_space<vmem>>) offsets(%dma_start3A_703 : memref<100xi32, #tpu.memory_space<vmem>>) semaphore(%arg12 : memref<!tpu.dma_semaphore, #tpu.memory_space<semaphore_mem>>)
      %dma_wait3A_707 = arith.constant 23 : i32
      %dma_wait3A_708 = arith.constant 0 : i32
      %dma_wait3A_709 = tpu.memref_slice %arg6[%dma_wait3A_707, %dma_wait3A_708] : memref<25x100xi32, #tpu.memory_space<vmem>> -> memref<1x100xi32, #tpu.memory_space<vmem>>
      %dma_wait3A_710 = tpu.memref_squeeze %dma_wait3A_709 : memref<1x100xi32, #tpu.memory_space<vmem>> -> memref<100xi32, #tpu.memory_space<vmem>>
      %dma_wait3A_711 = arith.constant 0 : i32
      %dma_wait3A_712 = arith.constant 0 : i32
      %dma_wait3A_713 = tpu.memref_slice %arg2[%dma_wait3A_711, %dma_wait3A_712] : memref<10000x128xf32, #tpu.memory_space<hbm>> -> memref<10000x128xf32, #tpu.memory_space<hbm>>
      tpu.wait_indirect_dma semaphore(%arg14 : memref<!tpu.dma_semaphore, #tpu.memory_space<semaphore_mem>>) src(%dma_wait3A_713 : memref<10000x128xf32, #tpu.memory_space<hbm>>) dst(%arg10 : memref<100x128xf32, #tpu.memory_space<vmem>>)
      %dma_start3A_714 = arith.constant 23 : i32
      %dma_start3A_715 = arith.constant 0 : i32
      %dma_start3A_716 = tpu.memref_slice %arg7[%dma_start3A_714, %dma_start3A_715] : memref<25x100xi32, #tpu.memory_space<vmem>> -> memref<1x100xi32, #tpu.memory_space<vmem>>
      %dma_start3A_717 = tpu.memref_squeeze %dma_start3A_716 : memref<1x100xi32, #tpu.memory_space<vmem>> -> memref<100xi32, #tpu.memory_space<vmem>>
      %dma_start3A_718 = arith.constant 0 : i32
      %dma_start3A_719 = arith.constant 0 : i32
      %dma_start3A_720 = tpu.memref_slice %arg11[%dma_start3A_718, %dma_start3A_719] : memref<10240x128xf32, #tpu.memory_space<vmem_shared>> -> memref<10240x128xf32, #tpu.memory_space<vmem_shared>>
      tpu.enqueue_indirect_dma source(%arg10 : memref<100x128xf32, #tpu.memory_space<vmem>>) target(%dma_start3A_720 : memref<10240x128xf32, #tpu.memory_space<vmem_shared>>) offsets(%dma_start3A_717 : memref<100xi32, #tpu.memory_space<vmem>>) semaphore(%arg17 : memref<!tpu.dma_semaphore, #tpu.memory_space<semaphore_mem>>) {add = true}
      %dma_wait3A_721 = arith.constant 24 : i32
      %dma_wait3A_722 = arith.constant 0 : i32
      %dma_wait3A_723 = tpu.memref_slice %arg6[%dma_wait3A_721, %dma_wait3A_722] : memref<25x100xi32, #tpu.memory_space<vmem>> -> memref<1x100xi32, #tpu.memory_space<vmem>>
      %dma_wait3A_724 = tpu.memref_squeeze %dma_wait3A_723 : memref<1x100xi32, #tpu.memory_space<vmem>> -> memref<100xi32, #tpu.memory_space<vmem>>
      %dma_wait3A_725 = arith.constant 0 : i32
      %dma_wait3A_726 = arith.constant 0 : i32
      %dma_wait3A_727 = tpu.memref_slice %arg2[%dma_wait3A_725, %dma_wait3A_726] : memref<10000x128xf32, #tpu.memory_space<hbm>> -> memref<10000x128xf32, #tpu.memory_space<hbm>>
      tpu.wait_indirect_dma semaphore(%arg12 : memref<!tpu.dma_semaphore, #tpu.memory_space<semaphore_mem>>) src(%dma_wait3A_727 : memref<10000x128xf32, #tpu.memory_space<hbm>>) dst(%arg8 : memref<100x128xf32, #tpu.memory_space<vmem>>)
      %dma_start3A_728 = arith.constant 24 : i32
      %dma_start3A_729 = arith.constant 0 : i32
      %dma_start3A_730 = tpu.memref_slice %arg7[%dma_start3A_728, %dma_start3A_729] : memref<25x100xi32, #tpu.memory_space<vmem>> -> memref<1x100xi32, #tpu.memory_space<vmem>>
      %dma_start3A_731 = tpu.memref_squeeze %dma_start3A_730 : memref<1x100xi32, #tpu.memory_space<vmem>> -> memref<100xi32, #tpu.memory_space<vmem>>
      %dma_start3A_732 = arith.constant 0 : i32
      %dma_start3A_733 = arith.constant 0 : i32
      %dma_start3A_734 = tpu.memref_slice %arg11[%dma_start3A_732, %dma_start3A_733] : memref<10240x128xf32, #tpu.memory_space<vmem_shared>> -> memref<10240x128xf32, #tpu.memory_space<vmem_shared>>
      tpu.enqueue_indirect_dma source(%arg8 : memref<100x128xf32, #tpu.memory_space<vmem>>) target(%dma_start3A_734 : memref<10240x128xf32, #tpu.memory_space<vmem_shared>>) offsets(%dma_start3A_731 : memref<100xi32, #tpu.memory_space<vmem>>) semaphore(%arg15 : memref<!tpu.dma_semaphore, #tpu.memory_space<semaphore_mem>>) {add = true}
    }
    %scan3A_18 = arith.constant 4 : i32
    %dma_wait3A = arith.constant 0 : i32
    %dma_wait3A_19 = arith.constant 0 : i32
    %dma_wait3A_20 = tpu.memref_slice %arg7[%dma_wait3A, %dma_wait3A_19] : memref<25x100xi32, #tpu.memory_space<vmem>> -> memref<1x100xi32, #tpu.memory_space<vmem>>
    %dma_wait3A_21 = tpu.memref_squeeze %dma_wait3A_20 : memref<1x100xi32, #tpu.memory_space<vmem>> -> memref<100xi32, #tpu.memory_space<vmem>>
    %dma_wait3A_22 = arith.constant 0 : i32
    %dma_wait3A_23 = arith.constant 0 : i32
    %dma_wait3A_24 = tpu.memref_slice %arg11[%dma_wait3A_22, %dma_wait3A_23] : memref<10240x128xf32, #tpu.memory_space<vmem_shared>> -> memref<10240x128xf32, #tpu.memory_space<vmem_shared>>
    tpu.wait_indirect_dma semaphore(%arg15 : memref<!tpu.dma_semaphore, #tpu.memory_space<semaphore_mem>>) src(%arg8 : memref<100x128xf32, #tpu.memory_space<vmem>>) dst(%dma_wait3A_24 : memref<10240x128xf32, #tpu.memory_space<vmem_shared>>)
    %dma_wait3A_25 = arith.constant 0 : i32
    %dma_wait3A_26 = arith.constant 0 : i32
    %dma_wait3A_27 = tpu.memref_slice %arg7[%dma_wait3A_25, %dma_wait3A_26] : memref<25x100xi32, #tpu.memory_space<vmem>> -> memref<1x100xi32, #tpu.memory_space<vmem>>
    %dma_wait3A_28 = tpu.memref_squeeze %dma_wait3A_27 : memref<1x100xi32, #tpu.memory_space<vmem>> -> memref<100xi32, #tpu.memory_space<vmem>>
    %dma_wait3A_29 = arith.constant 0 : i32
    %dma_wait3A_30 = arith.constant 0 : i32
    %dma_wait3A_31 = tpu.memref_slice %arg11[%dma_wait3A_29, %dma_wait3A_30] : memref<10240x128xf32, #tpu.memory_space<vmem_shared>> -> memref<10240x128xf32, #tpu.memory_space<vmem_shared>>
    tpu.wait_indirect_dma semaphore(%arg16 : memref<!tpu.dma_semaphore, #tpu.memory_space<semaphore_mem>>) src(%arg9 : memref<100x128xf32, #tpu.memory_space<vmem>>) dst(%dma_wait3A_31 : memref<10240x128xf32, #tpu.memory_space<vmem_shared>>)
    %dma_wait3A_32 = arith.constant 0 : i32
    %dma_wait3A_33 = arith.constant 0 : i32
    %dma_wait3A_34 = tpu.memref_slice %arg7[%dma_wait3A_32, %dma_wait3A_33] : memref<25x100xi32, #tpu.memory_space<vmem>> -> memref<1x100xi32, #tpu.memory_space<vmem>>
    %dma_wait3A_35 = tpu.memref_squeeze %dma_wait3A_34 : memref<1x100xi32, #tpu.memory_space<vmem>> -> memref<100xi32, #tpu.memory_space<vmem>>
    %dma_wait3A_36 = arith.constant 0 : i32
    %dma_wait3A_37 = arith.constant 0 : i32
    %dma_wait3A_38 = tpu.memref_slice %arg11[%dma_wait3A_36, %dma_wait3A_37] : memref<10240x128xf32, #tpu.memory_space<vmem_shared>> -> memref<10240x128xf32, #tpu.memory_space<vmem_shared>>
    tpu.wait_indirect_dma semaphore(%arg17 : memref<!tpu.dma_semaphore, #tpu.memory_space<semaphore_mem>>) src(%arg10 : memref<100x128xf32, #tpu.memory_space<vmem>>) dst(%dma_wait3A_38 : memref<10240x128xf32, #tpu.memory_space<vmem_shared>>)
    %barrier3A_39 = arith.constant 0 : index
    tpu.barrier barrier_id(%barrier3A_39)
    %mul3A_40 = arith.constant 640 : i32
    %mul3A_41 = arith.muli %arg1, %mul3A_40 : i32
    %mul3A_42 = arith.constant 640 : i32
    %mul3A_43 = arith.muli %arg1, %mul3A_42 : i32
    "tpu.region"() ({
      %run_scoped3A = tpu.sem_alloc : memref<!tpu.dma_semaphore, #tpu.memory_space<semaphore_mem>>
      %dma_start3A = arith.constant 0 : i32
      %dma_start3A_44 = tpu.memref_slice %arg5[%arg0, %mul3A_43, %dma_start3A] : memref<2x10240x128xf32, #tpu.memory_space<hbm>> -> memref<1x640x128xf32, #tpu.memory_space<hbm>>
      %dma_start3A_45 = tpu.memref_squeeze %dma_start3A_44 : memref<1x640x128xf32, #tpu.memory_space<hbm>> -> memref<640x128xf32, #tpu.memory_space<hbm>>
      %dma_start3A_46 = arith.constant 0 : i32
      %dma_start3A_47 = tpu.memref_slice %arg11[%mul3A_41, %dma_start3A_46] : memref<10240x128xf32, #tpu.memory_space<vmem_shared>> -> memref<640x128xf32, #tpu.memory_space<vmem_shared>>
      tpu.enqueue_dma source(%dma_start3A_47 : memref<640x128xf32, #tpu.memory_space<vmem_shared>>) target(%dma_start3A_45 : memref<640x128xf32, #tpu.memory_space<hbm>>) target_semaphore(%run_scoped3A : memref<!tpu.dma_semaphore, #tpu.memory_space<semaphore_mem>>)
      %dma_wait3A_48 = arith.constant 0 : i32
      %dma_wait3A_49 = tpu.memref_slice %arg5[%arg0, %mul3A_43, %dma_wait3A_48] : memref<2x10240x128xf32, #tpu.memory_space<hbm>> -> memref<1x640x128xf32, #tpu.memory_space<hbm>>
      %dma_wait3A_50 = tpu.memref_squeeze %dma_wait3A_49 : memref<1x640x128xf32, #tpu.memory_space<hbm>> -> memref<640x128xf32, #tpu.memory_space<hbm>>
      %dma_wait3A_51 = arith.constant 0 : i32
      %dma_wait3A_52 = tpu.memref_slice %arg11[%mul3A_41, %dma_wait3A_51] : memref<10240x128xf32, #tpu.memory_space<vmem_shared>> -> memref<640x128xf32, #tpu.memory_space<vmem_shared>>
      tpu.wait_dma2 semaphore(%run_scoped3A : memref<!tpu.dma_semaphore, #tpu.memory_space<semaphore_mem>>) src(%dma_wait3A_52 : memref<640x128xf32, #tpu.memory_space<vmem_shared>>) dst(%dma_wait3A_50 : memref<640x128xf32, #tpu.memory_space<hbm>>)
      tpu.yield
    }) : () -> ()
    return
  }
}

#map = affine_map<(d0, d1) -> (0, 0)>
#map1 = affine_map<(d0, d1) -> (0, 0, 0, 0)>
#map2 = affine_map<(d0, d1) -> (0, 0, 0)>
module attributes {stable_mosaic.version = 14 : i64} {
  func.func @body(%arg0: i32, %arg1: i32, %arg2: memref<10000x128xf32, #tpu.memory_space<hbm>>, %arg3: memref<32x4x25x100xi32, #tpu.memory_space<hbm>>, %arg4: memref<32x4x25x100xi32, #tpu.memory_space<hbm>>, %arg5: memref<2x10240x128xf32, #tpu.memory_space<hbm>>, %arg6: memref<25x100xi32, #tpu.memory_space<vmem>>, %arg7: memref<25x100xi32, #tpu.memory_space<vmem>>, %arg8: memref<100x128xf32, #tpu.memory_space<vmem>>, %arg9: memref<100x128xf32, #tpu.memory_space<vmem>>, %arg10: memref<100x128xf32, #tpu.memory_space<vmem>>, %arg11: memref<10240x128xf32, #tpu.memory_space<vmem_shared>>, %arg12: memref<!tpu.dma_semaphore, #tpu.memory_space<semaphore_mem>>, %arg13: memref<!tpu.dma_semaphore, #tpu.memory_space<semaphore_mem>>, %arg14: memref<!tpu.dma_semaphore, #tpu.memory_space<semaphore_mem>>, %arg15: memref<!tpu.dma_semaphore, #tpu.memory_space<semaphore_mem>>, %arg16: memref<!tpu.dma_semaphore, #tpu.memory_space<semaphore_mem>>, %arg17: memref<!tpu.dma_semaphore, #tpu.memory_space<semaphore_mem>>) attributes {dimension_semantics = [#tpu.dimension_semantics<core_parallel>, #tpu.dimension_semantics<subcore_parallel>], iteration_bounds = array<i64: 2, 16>, scalar_prefetch = 0 : i64, scratch_operands = 12 : i64, tpu.core_type = #tpu.core_type<sc_vector_subcore>, window_params = [{transform_indices = #map}, {transform_indices = #map1}, {transform_indices = #map1}, {transform_indices = #map2}]} {
    %mul3A = arith.constant 2 : i32
    %mul3A_0 = arith.muli %arg1, %mul3A : i32
    %add3A = arith.addi %mul3A_0, %arg0 : i32
    %broadcast_in_dim3A = arith.constant 0.000000e+00 : f32
    %broadcast_in_dim3A_1 = vector.broadcast %broadcast_in_dim3A : f32 to vector<16xf32>
    %scan3A = arith.constant 0 : i32
    %scan3A_2 = arith.constant 0 : i32
    %scan3A_3 = arith.constant 128 : i32
    %scan3A_4 = arith.addi %scan3A_2, %scan3A_3 : i32
    %scan3A_5 = arith.constant 1 : i32
    scf.for %scan3A_44 = %scan3A_2 to %scan3A_4 step %scan3A_5  : i32 {
      %jit3A = arith.constant 8 : i32
      %div3A = arith.divsi %scan3A_44, %jit3A : i32
      %sign3A = arith.constant 0 : i32
      %sign3A_45 = arith.cmpi sgt, %scan3A_44, %sign3A : i32
      %sign3A_46 = arith.extui %sign3A_45 : i1 to i32
      %sign3A_47 = arith.constant 0 : i32
      %sign3A_48 = arith.cmpi slt, %scan3A_44, %sign3A_47 : i32
      %sign3A_49 = arith.extui %sign3A_48 : i1 to i32
      %sign3A_50 = arith.subi %sign3A_46, %sign3A_49 : i32
      %sign3A_51 = arith.constant 0 : i32
      %sign3A_52 = arith.cmpi sgt, %jit3A, %sign3A_51 : i32
      %sign3A_53 = arith.extui %sign3A_52 : i1 to i32
      %sign3A_54 = arith.constant 0 : i32
      %sign3A_55 = arith.cmpi slt, %jit3A, %sign3A_54 : i32
      %sign3A_56 = arith.extui %sign3A_55 : i1 to i32
      %sign3A_57 = arith.subi %sign3A_53, %sign3A_56 : i32
      %ne3A = arith.cmpi ne, %sign3A_50, %sign3A_57 : i32
      %rem3A = arith.remsi %scan3A_44, %jit3A : i32
      %ne3A_58 = arith.constant 0 : i32
      %ne3A_59 = arith.cmpi ne, %rem3A, %ne3A_58 : i32
      %and3A = arith.andi %ne3A, %ne3A_59 : i1
      %sub3A = arith.constant 1 : i32
      %sub3A_60 = arith.subi %div3A, %sub3A : i32
      %select_n3A = arith.select %and3A, %sub3A_60, %div3A : i32
      %jit3A_61 = arith.constant 8 : i32
      %eq3A = arith.constant 0 : i32
      %eq3A_62 = arith.cmpi eq, %jit3A_61, %eq3A : i32
      %jit3A_63 = arith.constant 1 : i32
      %select_n3A_64 = arith.select %eq3A_62, %jit3A_63, %jit3A_61 : i32
      %rem3A_65 = arith.remsi %scan3A_44, %select_n3A_64 : i32
      %ne3A_66 = arith.constant 0 : i32
      %ne3A_67 = arith.cmpi ne, %rem3A_65, %ne3A_66 : i32
      %lt3A = arith.constant 0 : i32
      %lt3A_68 = arith.cmpi slt, %rem3A_65, %lt3A : i32
      %lt3A_69 = arith.constant 0 : i32
      %lt3A_70 = arith.cmpi slt, %select_n3A_64, %lt3A_69 : i32
      %ne3A_71 = arith.xori %lt3A_68, %lt3A_70 : i1
      %and3A_72 = arith.andi %ne3A_71, %ne3A_67 : i1
      %add3A_73 = arith.addi %rem3A_65, %select_n3A_64 : i32
      %select_n3A_74 = arith.select %and3A_72, %add3A_73, %rem3A_65 : i32
      %mul3A_75 = arith.constant 16 : i32
      %mul3A_76 = arith.muli %select_n3A_74, %mul3A_75 : i32
      %swap3A = arith.index_cast %select_n3A : i32 to index
      %swap3A_77 = arith.index_cast %mul3A_76 : i32 to index
      %swap3A_78 = tpu.vector_load %arg8[%swap3A, %swap3A_77] {strides = array<i32>} : memref<100x128xf32, #tpu.memory_space<vmem>>, vector<1x16xf32>,
      %swap3A_79 = vector.shape_cast %swap3A_78 : vector<1x16xf32> to vector<16xf32>
      %swap3A_80 = vector.shape_cast %broadcast_in_dim3A_1 : vector<16xf32> to vector<1x16xf32>
      tpu.vector_store %arg8[%swap3A, %swap3A_77], %swap3A_80 {strides = array<i32>} : memref<100x128xf32, #tpu.memory_space<vmem>>, vector<1x16xf32>,
    }
    %scan3A_6 = arith.constant 128 : i32
    %scan3A_7 = arith.constant 0 : i32
    %scan3A_8 = arith.constant 0 : i32
    %scan3A_9 = arith.constant 40 : i32
    %scan3A_10 = arith.addi %scan3A_8, %scan3A_9 : i32
    %scan3A_11 = arith.constant 1 : i32
    scf.for %scan3A_44 = %scan3A_8 to %scan3A_10 step %scan3A_11  : i32 {
      %mul3A_45 = arith.constant 640 : i32
      %mul3A_46 = arith.muli %arg1, %mul3A_45 : i32
      %mul3A_47 = arith.constant 16 : i32
      %mul3A_48 = arith.muli %scan3A_44, %mul3A_47 : i32
      %add3A_49 = arith.addi %mul3A_46, %mul3A_48 : i32
      "tpu.region"() ({
        %run_scoped3A = tpu.sem_alloc : memref<!tpu.dma_semaphore, #tpu.memory_space<semaphore_mem>>
        %dma_start3A = arith.constant 0 : i32
        %dma_start3A_50 = arith.constant 0 : i32
        %dma_start3A_51 = tpu.memref_slice %arg8[%dma_start3A, %dma_start3A_50] : memref<100x128xf32, #tpu.memory_space<vmem>> -> memref<16x128xf32, #tpu.memory_space<vmem>>
        %dma_start3A_52 = arith.constant 0 : i32
        %dma_start3A_53 = tpu.memref_slice %arg11[%add3A_49, %dma_start3A_52] : memref<10240x128xf32, #tpu.memory_space<vmem_shared>> -> memref<16x128xf32, #tpu.memory_space<vmem_shared>>
        %dma_start3A_54 = arith.constant 0 : i32
        %dma_start3A_55 = tpu.memref_slice %arg11[%add3A_49, %dma_start3A_54] : memref<10240x128xf32, #tpu.memory_space<vmem_shared>> -> memref<16x128xf32, #tpu.memory_space<vmem_shared>>
        %dma_start3A_56 = arith.constant 0 : i32
        %dma_start3A_57 = arith.constant 0 : i32
        %dma_start3A_58 = tpu.memref_slice %arg8[%dma_start3A_56, %dma_start3A_57] : memref<100x128xf32, #tpu.memory_space<vmem>> -> memref<16x128xf32, #tpu.memory_space<vmem>>
        tpu.enqueue_dma source(%dma_start3A_58 : memref<16x128xf32, #tpu.memory_space<vmem>>) target(%dma_start3A_55 : memref<16x128xf32, #tpu.memory_space<vmem_shared>>) target_semaphore(%run_scoped3A : memref<!tpu.dma_semaphore, #tpu.memory_space<semaphore_mem>>)
        %dma_wait3A_59 = arith.constant 0 : i32
        %dma_wait3A_60 = arith.constant 0 : i32
        %dma_wait3A_61 = tpu.memref_slice %arg8[%dma_wait3A_59, %dma_wait3A_60] : memref<100x128xf32, #tpu.memory_space<vmem>> -> memref<16x128xf32, #tpu.memory_space<vmem>>
        %dma_wait3A_62 = arith.constant 0 : i32
        %dma_wait3A_63 = tpu.memref_slice %arg11[%add3A_49, %dma_wait3A_62] : memref<10240x128xf32, #tpu.memory_space<vmem_shared>> -> memref<16x128xf32, #tpu.memory_space<vmem_shared>>
        %dma_wait3A_64 = arith.constant 0 : i32
        %dma_wait3A_65 = tpu.memref_slice %arg11[%add3A_49, %dma_wait3A_64] : memref<10240x128xf32, #tpu.memory_space<vmem_shared>> -> memref<16x128xf32, #tpu.memory_space<vmem_shared>>
        %dma_wait3A_66 = arith.constant 0 : i32
        %dma_wait3A_67 = arith.constant 0 : i32
        %dma_wait3A_68 = tpu.memref_slice %arg8[%dma_wait3A_66, %dma_wait3A_67] : memref<100x128xf32, #tpu.memory_space<vmem>> -> memref<16x128xf32, #tpu.memory_space<vmem>>
        tpu.wait_dma2 semaphore(%run_scoped3A : memref<!tpu.dma_semaphore, #tpu.memory_space<semaphore_mem>>) src(%dma_wait3A_68 : memref<16x128xf32, #tpu.memory_space<vmem>>) dst(%dma_wait3A_65 : memref<16x128xf32, #tpu.memory_space<vmem_shared>>)
        tpu.yield
      }) : () -> ()
    }
    %scan3A_12 = arith.constant 40 : i32
    %barrier3A = arith.constant 0 : index
    tpu.barrier barrier_id(%barrier3A)
    %scan3A_13 = arith.constant 0 : i32
    %scan3A_14 = arith.constant 0 : i32
    %scan3A_15 = arith.constant 4 : i32
    %scan3A_16 = arith.addi %scan3A_14, %scan3A_15 : i32
    %scan3A_17 = arith.constant 1 : i32
    scf.for %scan3A_44 = %scan3A_14 to %scan3A_16 step %scan3A_17  : i32 {
      "tpu.region"() ({
        %run_scoped3A = tpu.sem_alloc : memref<!tpu.dma_semaphore, #tpu.memory_space<semaphore_mem>>
        %dma_start3A_735 = arith.constant 0 : i32
        %dma_start3A_736 = arith.constant 0 : i32
        %dma_start3A_737 = tpu.memref_slice %arg3[%add3A, %scan3A_44, %dma_start3A_735, %dma_start3A_736] : memref<32x4x25x100xi32, #tpu.memory_space<hbm>> -> memref<1x1x25x100xi32, #tpu.memory_space<hbm>>
        %dma_start3A_738 = tpu.memref_squeeze %dma_start3A_737 : memref<1x1x25x100xi32, #tpu.memory_space<hbm>> -> memref<25x100xi32, #tpu.memory_space<hbm>>
        %dma_start3A_739 = arith.constant 0 : i32
        %dma_start3A_740 = arith.constant 0 : i32
        %dma_start3A_741 = tpu.memref_slice %arg3[%add3A, %scan3A_44, %dma_start3A_739, %dma_start3A_740] : memref<32x4x25x100xi32, #tpu.memory_space<hbm>> -> memref<1x1x25x100xi32, #tpu.memory_space<hbm>>
        %dma_start3A_742 = tpu.memref_squeeze %dma_start3A_741 : memref<1x1x25x100xi32, #tpu.memory_space<hbm>> -> memref<25x100xi32, #tpu.memory_space<hbm>>
        tpu.enqueue_dma source(%dma_start3A_742 : memref<25x100xi32, #tpu.memory_space<hbm>>) target(%arg6 : memref<25x100xi32, #tpu.memory_space<vmem>>) target_semaphore(%run_scoped3A : memref<!tpu.dma_semaphore, #tpu.memory_space<semaphore_mem>>)
        %dma_wait3A_743 = arith.constant 0 : i32
        %dma_wait3A_744 = arith.constant 0 : i32
        %dma_wait3A_745 = tpu.memref_slice %arg3[%add3A, %scan3A_44, %dma_wait3A_743, %dma_wait3A_744] : memref<32x4x25x100xi32, #tpu.memory_space<hbm>> -> memref<1x1x25x100xi32, #tpu.memory_space<hbm>>
        %dma_wait3A_746 = tpu.memref_squeeze %dma_wait3A_745 : memref<1x1x25x100xi32, #tpu.memory_space<hbm>> -> memref<25x100xi32, #tpu.memory_space<hbm>>
        %dma_wait3A_747 = arith.constant 0 : i32
        %dma_wait3A_748 = arith.constant 0 : i32
        %dma_wait3A_749 = tpu.memref_slice %arg3[%add3A, %scan3A_44, %dma_wait3A_747, %dma_wait3A_748] : memref<32x4x25x100xi32, #tpu.memory_space<hbm>> -> memref<1x1x25x100xi32, #tpu.memory_space<hbm>>
        %dma_wait3A_750 = tpu.memref_squeeze %dma_wait3A_749 : memref<1x1x25x100xi32, #tpu.memory_space<hbm>> -> memref<25x100xi32, #tpu.memory_space<hbm>>
        tpu.wait_dma2 semaphore(%run_scoped3A : memref<!tpu.dma_semaphore, #tpu.memory_space<semaphore_mem>>) src(%dma_wait3A_750 : memref<25x100xi32, #tpu.memory_space<hbm>>) dst(%arg6 : memref<25x100xi32, #tpu.memory_space<vmem>>)
        tpu.yield
      }) : () -> ()
      %gt3A = arith.constant 0 : i32
      %gt3A_45 = arith.cmpi sgt, %scan3A_44, %gt3A : i32
      %convert_element_type3A = arith.extui %gt3A_45 : i1 to i32
      %cond3A = arith.constant 0 : i32
      %cond3A_46 = arith.cmpi ne, %convert_element_type3A, %cond3A : i32
      scf.if %cond3A_46 {
        %dma_wait3A_735 = arith.constant 0 : i32
        %dma_wait3A_736 = arith.constant 0 : i32
        %dma_wait3A_737 = tpu.memref_slice %arg7[%dma_wait3A_735, %dma_wait3A_736] : memref<25x100xi32, #tpu.memory_space<vmem>> -> memref<1x100xi32, #tpu.memory_space<vmem>>
        %dma_wait3A_738 = tpu.memref_squeeze %dma_wait3A_737 : memref<1x100xi32, #tpu.memory_space<vmem>> -> memref<100xi32, #tpu.memory_space<vmem>>
        %dma_wait3A_739 = arith.constant 0 : i32
        %dma_wait3A_740 = arith.constant 0 : i32
        %dma_wait3A_741 = tpu.memref_slice %arg11[%dma_wait3A_739, %dma_wait3A_740] : memref<10240x128xf32, #tpu.memory_space<vmem_shared>> -> memref<10240x128xf32, #tpu.memory_space<vmem_shared>>
        tpu.wait_indirect_dma semaphore(%arg15 : memref<!tpu.dma_semaphore, #tpu.memory_space<semaphore_mem>>) src(%arg8 : memref<100x128xf32, #tpu.memory_space<vmem>>) dst(%dma_wait3A_741 : memref<10240x128xf32, #tpu.memory_space<vmem_shared>>)
      } else {
      }
      %dma_start3A = arith.constant 0 : i32
      %dma_start3A_47 = arith.constant 0 : i32
      %dma_start3A_48 = tpu.memref_slice %arg6[%dma_start3A, %dma_start3A_47] : memref<25x100xi32, #tpu.memory_space<vmem>> -> memref<1x100xi32, #tpu.memory_space<vmem>>
      %dma_start3A_49 = tpu.memref_squeeze %dma_start3A_48 : memref<1x100xi32, #tpu.memory_space<vmem>> -> memref<100xi32, #tpu.memory_space<vmem>>
      %dma_start3A_50 = arith.constant 0 : i32
      %dma_start3A_51 = arith.constant 0 : i32
      %dma_start3A_52 = tpu.memref_slice %arg2[%dma_start3A_50, %dma_start3A_51] : memref<10000x128xf32, #tpu.memory_space<hbm>> -> memref<10000x128xf32, #tpu.memory_space<hbm>>
      tpu.enqueue_indirect_dma source(%dma_start3A_52 : memref<10000x128xf32, #tpu.memory_space<hbm>>) target(%arg8 : memref<100x128xf32, #tpu.memory_space<vmem>>) offsets(%dma_start3A_49 : memref<100xi32, #tpu.memory_space<vmem>>) semaphore(%arg12 : memref<!tpu.dma_semaphore, #tpu.memory_space<semaphore_mem>>)
      %gt3A_53 = arith.constant 0 : i32
      %gt3A_54 = arith.cmpi sgt, %scan3A_44, %gt3A_53 : i32
      %convert_element_type3A_55 = arith.extui %gt3A_54 : i1 to i32
      %cond3A_56 = arith.constant 0 : i32
      %cond3A_57 = arith.cmpi ne, %convert_element_type3A_55, %cond3A_56 : i32
      scf.if %cond3A_57 {
        %dma_wait3A_735 = arith.constant 0 : i32
        %dma_wait3A_736 = arith.constant 0 : i32
        %dma_wait3A_737 = tpu.memref_slice %arg7[%dma_wait3A_735, %dma_wait3A_736] : memref<25x100xi32, #tpu.memory_space<vmem>> -> memref<1x100xi32, #tpu.memory_space<vmem>>
        %dma_wait3A_738 = tpu.memref_squeeze %dma_wait3A_737 : memref<1x100xi32, #tpu.memory_space<vmem>> -> memref<100xi32, #tpu.memory_space<vmem>>
        %dma_wait3A_739 = arith.constant 0 : i32
        %dma_wait3A_740 = arith.constant 0 : i32
        %dma_wait3A_741 = tpu.memref_slice %arg11[%dma_wait3A_739, %dma_wait3A_740] : memref<10240x128xf32, #tpu.memory_space<vmem_shared>> -> memref<10240x128xf32, #tpu.memory_space<vmem_shared>>
        tpu.wait_indirect_dma semaphore(%arg16 : memref<!tpu.dma_semaphore, #tpu.memory_space<semaphore_mem>>) src(%arg9 : memref<100x128xf32, #tpu.memory_space<vmem>>) dst(%dma_wait3A_741 : memref<10240x128xf32, #tpu.memory_space<vmem_shared>>)
      } else {
      }
      %dma_start3A_58 = arith.constant 1 : i32
      %dma_start3A_59 = arith.constant 0 : i32
      %dma_start3A_60 = tpu.memref_slice %arg6[%dma_start3A_58, %dma_start3A_59] : memref<25x100xi32, #tpu.memory_space<vmem>> -> memref<1x100xi32, #tpu.memory_space<vmem>>
      %dma_start3A_61 = tpu.memref_squeeze %dma_start3A_60 : memref<1x100xi32, #tpu.memory_space<vmem>> -> memref<100xi32, #tpu.memory_space<vmem>>
      %dma_start3A_62 = arith.constant 0 : i32
      %dma_start3A_63 = arith.constant 0 : i32
      %dma_start3A_64 = tpu.memref_slice %arg2[%dma_start3A_62, %dma_start3A_63] : memref<10000x128xf32, #tpu.memory_space<hbm>> -> memref<10000x128xf32, #tpu.memory_space<hbm>>
      tpu.enqueue_indirect_dma source(%dma_start3A_64 : memref<10000x128xf32, #tpu.memory_space<hbm>>) target(%arg9 : memref<100x128xf32, #tpu.memory_space<vmem>>) offsets(%dma_start3A_61 : memref<100xi32, #tpu.memory_space<vmem>>) semaphore(%arg13 : memref<!tpu.dma_semaphore, #tpu.memory_space<semaphore_mem>>)
      %gt3A_65 = arith.constant 0 : i32
      %gt3A_66 = arith.cmpi sgt, %scan3A_44, %gt3A_65 : i32
      %convert_element_type3A_67 = arith.extui %gt3A_66 : i1 to i32
      %cond3A_68 = arith.constant 0 : i32
      %cond3A_69 = arith.cmpi ne, %convert_element_type3A_67, %cond3A_68 : i32
      scf.if %cond3A_69 {
        %dma_wait3A_735 = arith.constant 0 : i32
        %dma_wait3A_736 = arith.constant 0 : i32
        %dma_wait3A_737 = tpu.memref_slice %arg7[%dma_wait3A_735, %dma_wait3A_736] : memref<25x100xi32, #tpu.memory_space<vmem>> -> memref<1x100xi32, #tpu.memory_space<vmem>>
        %dma_wait3A_738 = tpu.memref_squeeze %dma_wait3A_737 : memref<1x100xi32, #tpu.memory_space<vmem>> -> memref<100xi32, #tpu.memory_space<vmem>>
        %dma_wait3A_739 = arith.constant 0 : i32
        %dma_wait3A_740 = arith.constant 0 : i32
        %dma_wait3A_741 = tpu.memref_slice %arg11[%dma_wait3A_739, %dma_wait3A_740] : memref<10240x128xf32, #tpu.memory_space<vmem_shared>> -> memref<10240x128xf32, #tpu.memory_space<vmem_shared>>
        tpu.wait_indirect_dma semaphore(%arg17 : memref<!tpu.dma_semaphore, #tpu.memory_space<semaphore_mem>>) src(%arg10 : memref<100x128xf32, #tpu.memory_space<vmem>>) dst(%dma_wait3A_741 : memref<10240x128xf32, #tpu.memory_space<vmem_shared>>)
      } else {
      }
      "tpu.region"() ({
        %run_scoped3A = tpu.sem_alloc : memref<!tpu.dma_semaphore, #tpu.memory_space<semaphore_mem>>
        %dma_start3A_735 = arith.constant 0 : i32
        %dma_start3A_736 = arith.constant 0 : i32
        %dma_start3A_737 = tpu.memref_slice %arg4[%add3A, %scan3A_44, %dma_start3A_735, %dma_start3A_736] : memref<32x4x25x100xi32, #tpu.memory_space<hbm>> -> memref<1x1x25x100xi32, #tpu.memory_space<hbm>>
        %dma_start3A_738 = tpu.memref_squeeze %dma_start3A_737 : memref<1x1x25x100xi32, #tpu.memory_space<hbm>> -> memref<25x100xi32, #tpu.memory_space<hbm>>
        %dma_start3A_739 = arith.constant 0 : i32
        %dma_start3A_740 = arith.constant 0 : i32
        %dma_start3A_741 = tpu.memref_slice %arg4[%add3A, %scan3A_44, %dma_start3A_739, %dma_start3A_740] : memref<32x4x25x100xi32, #tpu.memory_space<hbm>> -> memref<1x1x25x100xi32, #tpu.memory_space<hbm>>
        %dma_start3A_742 = tpu.memref_squeeze %dma_start3A_741 : memref<1x1x25x100xi32, #tpu.memory_space<hbm>> -> memref<25x100xi32, #tpu.memory_space<hbm>>
        tpu.enqueue_dma source(%dma_start3A_742 : memref<25x100xi32, #tpu.memory_space<hbm>>) target(%arg7 : memref<25x100xi32, #tpu.memory_space<vmem>>) target_semaphore(%run_scoped3A : memref<!tpu.dma_semaphore, #tpu.memory_space<semaphore_mem>>)
        %dma_wait3A_743 = arith.constant 0 : i32
        %dma_wait3A_744 = arith.constant 0 : i32
        %dma_wait3A_745 = tpu.memref_slice %arg4[%add3A, %scan3A_44, %dma_wait3A_743, %dma_wait3A_744] : memref<32x4x25x100xi32, #tpu.memory_space<hbm>> -> memref<1x1x25x100xi32, #tpu.memory_space<hbm>>
        %dma_wait3A_746 = tpu.memref_squeeze %dma_wait3A_745 : memref<1x1x25x100xi32, #tpu.memory_space<hbm>> -> memref<25x100xi32, #tpu.memory_space<hbm>>
        %dma_wait3A_747 = arith.constant 0 : i32
        %dma_wait3A_748 = arith.constant 0 : i32
        %dma_wait3A_749 = tpu.memref_slice %arg4[%add3A, %scan3A_44, %dma_wait3A_747, %dma_wait3A_748] : memref<32x4x25x100xi32, #tpu.memory_space<hbm>> -> memref<1x1x25x100xi32, #tpu.memory_space<hbm>>
        %dma_wait3A_750 = tpu.memref_squeeze %dma_wait3A_749 : memref<1x1x25x100xi32, #tpu.memory_space<hbm>> -> memref<25x100xi32, #tpu.memory_space<hbm>>
        tpu.wait_dma2 semaphore(%run_scoped3A : memref<!tpu.dma_semaphore, #tpu.memory_space<semaphore_mem>>) src(%dma_wait3A_750 : memref<25x100xi32, #tpu.memory_space<hbm>>) dst(%arg7 : memref<25x100xi32, #tpu.memory_space<vmem>>)
        tpu.yield
      }) : () -> ()
      %dma_wait3A_70 = arith.constant 0 : i32
      %dma_wait3A_71 = arith.constant 0 : i32
      %dma_wait3A_72 = tpu.memref_slice %arg6[%dma_wait3A_70, %dma_wait3A_71] : memref<25x100xi32, #tpu.memory_space<vmem>> -> memref<1x100xi32, #tpu.memory_space<vmem>>
      %dma_wait3A_73 = tpu.memref_squeeze %dma_wait3A_72 : memref<1x100xi32, #tpu.memory_space<vmem>> -> memref<100xi32, #tpu.memory_space<vmem>>
      %dma_wait3A_74 = arith.constant 0 : i32
      %dma_wait3A_75 = arith.constant 0 : i32
      %dma_wait3A_76 = tpu.memref_slice %arg2[%dma_wait3A_74, %dma_wait3A_75] : memref<10000x128xf32, #tpu.memory_space<hbm>> -> memref<10000x128xf32, #tpu.memory_space<hbm>>
      tpu.wait_indirect_dma semaphore(%arg12 : memref<!tpu.dma_semaphore, #tpu.memory_space<semaphore_mem>>) src(%dma_wait3A_76 : memref<10000x128xf32, #tpu.memory_space<hbm>>) dst(%arg8 : memref<100x128xf32, #tpu.memory_space<vmem>>)
      %dma_start3A_77 = arith.constant 0 : i32
      %dma_start3A_78 = arith.constant 0 : i32
      %dma_start3A_79 = tpu.memref_slice %arg7[%dma_start3A_77, %dma_start3A_78] : memref<25x100xi32, #tpu.memory_space<vmem>> -> memref<1x100xi32, #tpu.memory_space<vmem>>
      %dma_start3A_80 = tpu.memref_squeeze %dma_start3A_79 : memref<1x100xi32, #tpu.memory_space<vmem>> -> memref<100xi32, #tpu.memory_space<vmem>>
      %dma_start3A_81 = arith.constant 0 : i32
      %dma_start3A_82 = arith.constant 0 : i32
      %dma_start3A_83 = tpu.memref_slice %arg11[%dma_start3A_81, %dma_start3A_82] : memref<10240x128xf32, #tpu.memory_space<vmem_shared>> -> memref<10240x128xf32, #tpu.memory_space<vmem_shared>>
      tpu.enqueue_indirect_dma source(%arg8 : memref<100x128xf32, #tpu.memory_space<vmem>>) target(%dma_start3A_83 : memref<10240x128xf32, #tpu.memory_space<vmem_shared>>) offsets(%dma_start3A_80 : memref<100xi32, #tpu.memory_space<vmem>>) semaphore(%arg15 : memref<!tpu.dma_semaphore, #tpu.memory_space<semaphore_mem>>) {add = true}
      %dma_start3A_84 = arith.constant 2 : i32
      %dma_start3A_85 = arith.constant 0 : i32
      %dma_start3A_86 = tpu.memref_slice %arg6[%dma_start3A_84, %dma_start3A_85] : memref<25x100xi32, #tpu.memory_space<vmem>> -> memref<1x100xi32, #tpu.memory_space<vmem>>
      %dma_start3A_87 = tpu.memref_squeeze %dma_start3A_86 : memref<1x100xi32, #tpu.memory_space<vmem>> -> memref<100xi32, #tpu.memory_space<vmem>>
      %dma_start3A_88 = arith.constant 0 : i32
      %dma_start3A_89 = arith.constant 0 : i32
      %dma_start3A_90 = tpu.memref_slice %arg2[%dma_start3A_88, %dma_start3A_89] : memref<10000x128xf32, #tpu.memory_space<hbm>> -> memref<10000x128xf32, #tpu.memory_space<hbm>>
      tpu.enqueue_indirect_dma source(%dma_start3A_90 : memref<10000x128xf32, #tpu.memory_space<hbm>>) target(%arg10 : memref<100x128xf32, #tpu.memory_space<vmem>>) offsets(%dma_start3A_87 : memref<100xi32, #tpu.memory_space<vmem>>) semaphore(%arg14 : memref<!tpu.dma_semaphore, #tpu.memory_space<semaphore_mem>>)
      %dma_wait3A_91 = arith.constant 1 : i32
      %dma_wait3A_92 = arith.constant 0 : i32
      %dma_wait3A_93 = tpu.memref_slice %arg6[%dma_wait3A_91, %dma_wait3A_92] : memref<25x100xi32, #tpu.memory_space<vmem>> -> memref<1x100xi32, #tpu.memory_space<vmem>>
      %dma_wait3A_94 = tpu.memref_squeeze %dma_wait3A_93 : memref<1x100xi32, #tpu.memory_space<vmem>> -> memref<100xi32, #tpu.memory_space<vmem>>
      %dma_wait3A_95 = arith.constant 0 : i32
      %dma_wait3A_96 = arith.constant 0 : i32
      %dma_wait3A_97 = tpu.memref_slice %arg2[%dma_wait3A_95, %dma_wait3A_96] : memref<10000x128xf32, #tpu.memory_space<hbm>> -> memref<10000x128xf32, #tpu.memory_space<hbm>>
      tpu.wait_indirect_dma semaphore(%arg13 : memref<!tpu.dma_semaphore, #tpu.memory_space<semaphore_mem>>) src(%dma_wait3A_97 : memref<10000x128xf32, #tpu.memory_space<hbm>>) dst(%arg9 : memref<100x128xf32, #tpu.memory_space<vmem>>)
      %dma_start3A_98 = arith.constant 1 : i32
      %dma_start3A_99 = arith.constant 0 : i32
      %dma_start3A_100 = tpu.memref_slice %arg7[%dma_start3A_98, %dma_start3A_99] : memref<25x100xi32, #tpu.memory_space<vmem>> -> memref<1x100xi32, #tpu.memory_space<vmem>>
      %dma_start3A_101 = tpu.memref_squeeze %dma_start3A_100 : memref<1x100xi32, #tpu.memory_space<vmem>> -> memref<100xi32, #tpu.memory_space<vmem>>
      %dma_start3A_102 = arith.constant 0 : i32
      %dma_start3A_103 = arith.constant 0 : i32
      %dma_start3A_104 = tpu.memref_slice %arg11[%dma_start3A_102, %dma_start3A_103] : memref<10240x128xf32, #tpu.memory_space<vmem_shared>> -> memref<10240x128xf32, #tpu.memory_space<vmem_shared>>
      tpu.enqueue_indirect_dma source(%arg9 : memref<100x128xf32, #tpu.memory_space<vmem>>) target(%dma_start3A_104 : memref<10240x128xf32, #tpu.memory_space<vmem_shared>>) offsets(%dma_start3A_101 : memref<100xi32, #tpu.memory_space<vmem>>) semaphore(%arg16 : memref<!tpu.dma_semaphore, #tpu.memory_space<semaphore_mem>>) {add = true}
      %dma_wait3A_105 = arith.constant 0 : i32
      %dma_wait3A_106 = arith.constant 0 : i32
      %dma_wait3A_107 = tpu.memref_slice %arg7[%dma_wait3A_105, %dma_wait3A_106] : memref<25x100xi32, #tpu.memory_space<vmem>> -> memref<1x100xi32, #tpu.memory_space<vmem>>
      %dma_wait3A_108 = tpu.memref_squeeze %dma_wait3A_107 : memref<1x100xi32, #tpu.memory_space<vmem>> -> memref<100xi32, #tpu.memory_space<vmem>>
      %dma_wait3A_109 = arith.constant 0 : i32
      %dma_wait3A_110 = arith.constant 0 : i32
      %dma_wait3A_111 = tpu.memref_slice %arg11[%dma_wait3A_109, %dma_wait3A_110] : memref<10240x128xf32, #tpu.memory_space<vmem_shared>> -> memref<10240x128xf32, #tpu.memory_space<vmem_shared>>
      tpu.wait_indirect_dma semaphore(%arg15 : memref<!tpu.dma_semaphore, #tpu.memory_space<semaphore_mem>>) src(%arg8 : memref<100x128xf32, #tpu.memory_space<vmem>>) dst(%dma_wait3A_111 : memref<10240x128xf32, #tpu.memory_space<vmem_shared>>)
      %dma_start3A_112 = arith.constant 3 : i32
      %dma_start3A_113 = arith.constant 0 : i32
      %dma_start3A_114 = tpu.memref_slice %arg6[%dma_start3A_112, %dma_start3A_113] : memref<25x100xi32, #tpu.memory_space<vmem>> -> memref<1x100xi32, #tpu.memory_space<vmem>>
      %dma_start3A_115 = tpu.memref_squeeze %dma_start3A_114 : memref<1x100xi32, #tpu.memory_space<vmem>> -> memref<100xi32, #tpu.memory_space<vmem>>
      %dma_start3A_116 = arith.constant 0 : i32
      %dma_start3A_117 = arith.constant 0 : i32
      %dma_start3A_118 = tpu.memref_slice %arg2[%dma_start3A_116, %dma_start3A_117] : memref<10000x128xf32, #tpu.memory_space<hbm>> -> memref<10000x128xf32, #tpu.memory_space<hbm>>
      tpu.enqueue_indirect_dma source(%dma_start3A_118 : memref<10000x128xf32, #tpu.memory_space<hbm>>) target(%arg8 : memref<100x128xf32, #tpu.memory_space<vmem>>) offsets(%dma_start3A_115 : memref<100xi32, #tpu.memory_space<vmem>>) semaphore(%arg12 : memref<!tpu.dma_semaphore, #tpu.memory_space<semaphore_mem>>)
      %dma_wait3A_119 = arith.constant 2 : i32
      %dma_wait3A_120 = arith.constant 0 : i32
      %dma_wait3A_121 = tpu.memref_slice %arg6[%dma_wait3A_119, %dma_wait3A_120] : memref<25x100xi32, #tpu.memory_space<vmem>> -> memref<1x100xi32, #tpu.memory_space<vmem>>
      %dma_wait3A_122 = tpu.memref_squeeze %dma_wait3A_121 : memref<1x100xi32, #tpu.memory_space<vmem>> -> memref<100xi32, #tpu.memory_space<vmem>>
      %dma_wait3A_123 = arith.constant 0 : i32
      %dma_wait3A_124 = arith.constant 0 : i32
      %dma_wait3A_125 = tpu.memref_slice %arg2[%dma_wait3A_123, %dma_wait3A_124] : memref<10000x128xf32, #tpu.memory_space<hbm>> -> memref<10000x128xf32, #tpu.memory_space<hbm>>
      tpu.wait_indirect_dma semaphore(%arg14 : memref<!tpu.dma_semaphore, #tpu.memory_space<semaphore_mem>>) src(%dma_wait3A_125 : memref<10000x128xf32, #tpu.memory_space<hbm>>) dst(%arg10 : memref<100x128xf32, #tpu.memory_space<vmem>>)
      %dma_start3A_126 = arith.constant 2 : i32
      %dma_start3A_127 = arith.constant 0 : i32
      %dma_start3A_128 = tpu.memref_slice %arg7[%dma_start3A_126, %dma_start3A_127] : memref<25x100xi32, #tpu.memory_space<vmem>> -> memref<1x100xi32, #tpu.memory_space<vmem>>
      %dma_start3A_129 = tpu.memref_squeeze %dma_start3A_128 : memref<1x100xi32, #tpu.memory_space<vmem>> -> memref<100xi32, #tpu.memory_space<vmem>>
      %dma_start3A_130 = arith.constant 0 : i32
      %dma_start3A_131 = arith.constant 0 : i32
      %dma_start3A_132 = tpu.memref_slice %arg11[%dma_start3A_130, %dma_start3A_131] : memref<10240x128xf32, #tpu.memory_space<vmem_shared>> -> memref<10240x128xf32, #tpu.memory_space<vmem_shared>>
      tpu.enqueue_indirect_dma source(%arg10 : memref<100x128xf32, #tpu.memory_space<vmem>>) target(%dma_start3A_132 : memref<10240x128xf32, #tpu.memory_space<vmem_shared>>) offsets(%dma_start3A_129 : memref<100xi32, #tpu.memory_space<vmem>>) semaphore(%arg17 : memref<!tpu.dma_semaphore, #tpu.memory_space<semaphore_mem>>) {add = true}
      %dma_wait3A_133 = arith.constant 0 : i32
      %dma_wait3A_134 = arith.constant 0 : i32
      %dma_wait3A_135 = tpu.memref_slice %arg7[%dma_wait3A_133, %dma_wait3A_134] : memref<25x100xi32, #tpu.memory_space<vmem>> -> memref<1x100xi32, #tpu.memory_space<vmem>>
      %dma_wait3A_136 = tpu.memref_squeeze %dma_wait3A_135 : memref<1x100xi32, #tpu.memory_space<vmem>> -> memref<100xi32, #tpu.memory_space<vmem>>
      %dma_wait3A_137 = arith.constant 0 : i32
      %dma_wait3A_138 = arith.constant 0 : i32
      %dma_wait3A_139 = tpu.memref_slice %arg11[%dma_wait3A_137, %dma_wait3A_138] : memref<10240x128xf32, #tpu.memory_space<vmem_shared>> -> memref<10240x128xf32, #tpu.memory_space<vmem_shared>>
      tpu.wait_indirect_dma semaphore(%arg16 : memref<!tpu.dma_semaphore, #tpu.memory_space<semaphore_mem>>) src(%arg9 : memref<100x128xf32, #tpu.memory_space<vmem>>) dst(%dma_wait3A_139 : memref<10240x128xf32, #tpu.memory_space<vmem_shared>>)
      %dma_start3A_140 = arith.constant 4 : i32
      %dma_start3A_141 = arith.constant 0 : i32
      %dma_start3A_142 = tpu.memref_slice %arg6[%dma_start3A_140, %dma_start3A_141] : memref<25x100xi32, #tpu.memory_space<vmem>> -> memref<1x100xi32, #tpu.memory_space<vmem>>
      %dma_start3A_143 = tpu.memref_squeeze %dma_start3A_142 : memref<1x100xi32, #tpu.memory_space<vmem>> -> memref<100xi32, #tpu.memory_space<vmem>>
      %dma_start3A_144 = arith.constant 0 : i32
      %dma_start3A_145 = arith.constant 0 : i32
      %dma_start3A_146 = tpu.memref_slice %arg2[%dma_start3A_144, %dma_start3A_145] : memref<10000x128xf32, #tpu.memory_space<hbm>> -> memref<10000x128xf32, #tpu.memory_space<hbm>>
      tpu.enqueue_indirect_dma source(%dma_start3A_146 : memref<10000x128xf32, #tpu.memory_space<hbm>>) target(%arg9 : memref<100x128xf32, #tpu.memory_space<vmem>>) offsets(%dma_start3A_143 : memref<100xi32, #tpu.memory_space<vmem>>) semaphore(%arg13 : memref<!tpu.dma_semaphore, #tpu.memory_space<semaphore_mem>>)
      %dma_wait3A_147 = arith.constant 3 : i32
      %dma_wait3A_148 = arith.constant 0 : i32
      %dma_wait3A_149 = tpu.memref_slice %arg6[%dma_wait3A_147, %dma_wait3A_148] : memref<25x100xi32, #tpu.memory_space<vmem>> -> memref<1x100xi32, #tpu.memory_space<vmem>>
      %dma_wait3A_150 = tpu.memref_squeeze %dma_wait3A_149 : memref<1x100xi32, #tpu.memory_space<vmem>> -> memref<100xi32, #tpu.memory_space<vmem>>
      %dma_wait3A_151 = arith.constant 0 : i32
      %dma_wait3A_152 = arith.constant 0 : i32
      %dma_wait3A_153 = tpu.memref_slice %arg2[%dma_wait3A_151, %dma_wait3A_152] : memref<10000x128xf32, #tpu.memory_space<hbm>> -> memref<10000x128xf32, #tpu.memory_space<hbm>>
      tpu.wait_indirect_dma semaphore(%arg12 : memref<!tpu.dma_semaphore, #tpu.memory_space<semaphore_mem>>) src(%dma_wait3A_153 : memref<10000x128xf32, #tpu.memory_space<hbm>>) dst(%arg8 : memref<100x128xf32, #tpu.memory_space<vmem>>)
      %dma_start3A_154 = arith.constant 3 : i32
      %dma_start3A_155 = arith.constant 0 : i32
      %dma_start3A_156 = tpu.memref_slice %arg7[%dma_start3A_154, %dma_start3A_155] : memref<25x100xi32, #tpu.memory_space<vmem>> -> memref<1x100xi32, #tpu.memory_space<vmem>>
      %dma_start3A_157 = tpu.memref_squeeze %dma_start3A_156 : memref<1x100xi32, #tpu.memory_space<vmem>> -> memref<100xi32, #tpu.memory_space<vmem>>
      %dma_start3A_158 = arith.constant 0 : i32
      %dma_start3A_159 = arith.constant 0 : i32
      %dma_start3A_160 = tpu.memref_slice %arg11[%dma_start3A_158, %dma_start3A_159] : memref<10240x128xf32, #tpu.memory_space<vmem_shared>> -> memref<10240x128xf32, #tpu.memory_space<vmem_shared>>
      tpu.enqueue_indirect_dma source(%arg8 : memref<100x128xf32, #tpu.memory_space<vmem>>) target(%dma_start3A_160 : memref<10240x128xf32, #tpu.memory_space<vmem_shared>>) offsets(%dma_start3A_157 : memref<100xi32, #tpu.memory_space<vmem>>) semaphore(%arg15 : memref<!tpu.dma_semaphore, #tpu.memory_space<semaphore_mem>>) {add = true}
      %dma_wait3A_161 = arith.constant 0 : i32
      %dma_wait3A_162 = arith.constant 0 : i32
      %dma_wait3A_163 = tpu.memref_slice %arg7[%dma_wait3A_161, %dma_wait3A_162] : memref<25x100xi32, #tpu.memory_space<vmem>> -> memref<1x100xi32, #tpu.memory_space<vmem>>
      %dma_wait3A_164 = tpu.memref_squeeze %dma_wait3A_163 : memref<1x100xi32, #tpu.memory_space<vmem>> -> memref<100xi32, #tpu.memory_space<vmem>>
      %dma_wait3A_165 = arith.constant 0 : i32
      %dma_wait3A_166 = arith.constant 0 : i32
      %dma_wait3A_167 = tpu.memref_slice %arg11[%dma_wait3A_165, %dma_wait3A_166] : memref<10240x128xf32, #tpu.memory_space<vmem_shared>> -> memref<10240x128xf32, #tpu.memory_space<vmem_shared>>
      tpu.wait_indirect_dma semaphore(%arg17 : memref<!tpu.dma_semaphore, #tpu.memory_space<semaphore_mem>>) src(%arg10 : memref<100x128xf32, #tpu.memory_space<vmem>>) dst(%dma_wait3A_167 : memref<10240x128xf32, #tpu.memory_space<vmem_shared>>)
      %dma_start3A_168 = arith.constant 5 : i32
      %dma_start3A_169 = arith.constant 0 : i32
      %dma_start3A_170 = tpu.memref_slice %arg6[%dma_start3A_168, %dma_start3A_169] : memref<25x100xi32, #tpu.memory_space<vmem>> -> memref<1x100xi32, #tpu.memory_space<vmem>>
      %dma_start3A_171 = tpu.memref_squeeze %dma_start3A_170 : memref<1x100xi32, #tpu.memory_space<vmem>> -> memref<100xi32, #tpu.memory_space<vmem>>
      %dma_start3A_172 = arith.constant 0 : i32
      %dma_start3A_173 = arith.constant 0 : i32
      %dma_start3A_174 = tpu.memref_slice %arg2[%dma_start3A_172, %dma_start3A_173] : memref<10000x128xf32, #tpu.memory_space<hbm>> -> memref<10000x128xf32, #tpu.memory_space<hbm>>
      tpu.enqueue_indirect_dma source(%dma_start3A_174 : memref<10000x128xf32, #tpu.memory_space<hbm>>) target(%arg10 : memref<100x128xf32, #tpu.memory_space<vmem>>) offsets(%dma_start3A_171 : memref<100xi32, #tpu.memory_space<vmem>>) semaphore(%arg14 : memref<!tpu.dma_semaphore, #tpu.memory_space<semaphore_mem>>)
      %dma_wait3A_175 = arith.constant 4 : i32
      %dma_wait3A_176 = arith.constant 0 : i32
      %dma_wait3A_177 = tpu.memref_slice %arg6[%dma_wait3A_175, %dma_wait3A_176] : memref<25x100xi32, #tpu.memory_space<vmem>> -> memref<1x100xi32, #tpu.memory_space<vmem>>
      %dma_wait3A_178 = tpu.memref_squeeze %dma_wait3A_177 : memref<1x100xi32, #tpu.memory_space<vmem>> -> memref<100xi32, #tpu.memory_space<vmem>>
      %dma_wait3A_179 = arith.constant 0 : i32
      %dma_wait3A_180 = arith.constant 0 : i32
      %dma_wait3A_181 = tpu.memref_slice %arg2[%dma_wait3A_179, %dma_wait3A_180] : memref<10000x128xf32, #tpu.memory_space<hbm>> -> memref<10000x128xf32, #tpu.memory_space<hbm>>
      tpu.wait_indirect_dma semaphore(%arg13 : memref<!tpu.dma_semaphore, #tpu.memory_space<semaphore_mem>>) src(%dma_wait3A_181 : memref<10000x128xf32, #tpu.memory_space<hbm>>) dst(%arg9 : memref<100x128xf32, #tpu.memory_space<vmem>>)
      %dma_start3A_182 = arith.constant 4 : i32
      %dma_start3A_183 = arith.constant 0 : i32
      %dma_start3A_184 = tpu.memref_slice %arg7[%dma_start3A_182, %dma_start3A_183] : memref<25x100xi32, #tpu.memory_space<vmem>> -> memref<1x100xi32, #tpu.memory_space<vmem>>
      %dma_start3A_185 = tpu.memref_squeeze %dma_start3A_184 : memref<1x100xi32, #tpu.memory_space<vmem>> -> memref<100xi32, #tpu.memory_space<vmem>>
      %dma_start3A_186 = arith.constant 0 : i32
      %dma_start3A_187 = arith.constant 0 : i32
      %dma_start3A_188 = tpu.memref_slice %arg11[%dma_start3A_186, %dma_start3A_187] : memref<10240x128xf32, #tpu.memory_space<vmem_shared>> -> memref<10240x128xf32, #tpu.memory_space<vmem_shared>>
      tpu.enqueue_indirect_dma source(%arg9 : memref<100x128xf32, #tpu.memory_space<vmem>>) target(%dma_start3A_188 : memref<10240x128xf32, #tpu.memory_space<vmem_shared>>) offsets(%dma_start3A_185 : memref<100xi32, #tpu.memory_space<vmem>>) semaphore(%arg16 : memref<!tpu.dma_semaphore, #tpu.memory_space<semaphore_mem>>) {add = true}
      %dma_wait3A_189 = arith.constant 0 : i32
      %dma_wait3A_190 = arith.constant 0 : i32
      %dma_wait3A_191 = tpu.memref_slice %arg7[%dma_wait3A_189, %dma_wait3A_190] : memref<25x100xi32, #tpu.memory_space<vmem>> -> memref<1x100xi32, #tpu.memory_space<vmem>>
      %dma_wait3A_192 = tpu.memref_squeeze %dma_wait3A_191 : memref<1x100xi32, #tpu.memory_space<vmem>> -> memref<100xi32, #tpu.memory_space<vmem>>
      %dma_wait3A_193 = arith.constant 0 : i32
      %dma_wait3A_194 = arith.constant 0 : i32
      %dma_wait3A_195 = tpu.memref_slice %arg11[%dma_wait3A_193, %dma_wait3A_194] : memref<10240x128xf32, #tpu.memory_space<vmem_shared>> -> memref<10240x128xf32, #tpu.memory_space<vmem_shared>>
      tpu.wait_indirect_dma semaphore(%arg15 : memref<!tpu.dma_semaphore, #tpu.memory_space<semaphore_mem>>) src(%arg8 : memref<100x128xf32, #tpu.memory_space<vmem>>) dst(%dma_wait3A_195 : memref<10240x128xf32, #tpu.memory_space<vmem_shared>>)
      %dma_start3A_196 = arith.constant 6 : i32
      %dma_start3A_197 = arith.constant 0 : i32
      %dma_start3A_198 = tpu.memref_slice %arg6[%dma_start3A_196, %dma_start3A_197] : memref<25x100xi32, #tpu.memory_space<vmem>> -> memref<1x100xi32, #tpu.memory_space<vmem>>
      %dma_start3A_199 = tpu.memref_squeeze %dma_start3A_198 : memref<1x100xi32, #tpu.memory_space<vmem>> -> memref<100xi32, #tpu.memory_space<vmem>>
      %dma_start3A_200 = arith.constant 0 : i32
      %dma_start3A_201 = arith.constant 0 : i32
      %dma_start3A_202 = tpu.memref_slice %arg2[%dma_start3A_200, %dma_start3A_201] : memref<10000x128xf32, #tpu.memory_space<hbm>> -> memref<10000x128xf32, #tpu.memory_space<hbm>>
      tpu.enqueue_indirect_dma source(%dma_start3A_202 : memref<10000x128xf32, #tpu.memory_space<hbm>>) target(%arg8 : memref<100x128xf32, #tpu.memory_space<vmem>>) offsets(%dma_start3A_199 : memref<100xi32, #tpu.memory_space<vmem>>) semaphore(%arg12 : memref<!tpu.dma_semaphore, #tpu.memory_space<semaphore_mem>>)
      %dma_wait3A_203 = arith.constant 5 : i32
      %dma_wait3A_204 = arith.constant 0 : i32
      %dma_wait3A_205 = tpu.memref_slice %arg6[%dma_wait3A_203, %dma_wait3A_204] : memref<25x100xi32, #tpu.memory_space<vmem>> -> memref<1x100xi32, #tpu.memory_space<vmem>>
      %dma_wait3A_206 = tpu.memref_squeeze %dma_wait3A_205 : memref<1x100xi32, #tpu.memory_space<vmem>> -> memref<100xi32, #tpu.memory_space<vmem>>
      %dma_wait3A_207 = arith.constant 0 : i32
      %dma_wait3A_208 = arith.constant 0 : i32
      %dma_wait3A_209 = tpu.memref_slice %arg2[%dma_wait3A_207, %dma_wait3A_208] : memref<10000x128xf32, #tpu.memory_space<hbm>> -> memref<10000x128xf32, #tpu.memory_space<hbm>>
      tpu.wait_indirect_dma semaphore(%arg14 : memref<!tpu.dma_semaphore, #tpu.memory_space<semaphore_mem>>) src(%dma_wait3A_209 : memref<10000x128xf32, #tpu.memory_space<hbm>>) dst(%arg10 : memref<100x128xf32, #tpu.memory_space<vmem>>)
      %dma_start3A_210 = arith.constant 5 : i32
      %dma_start3A_211 = arith.constant 0 : i32
      %dma_start3A_212 = tpu.memref_slice %arg7[%dma_start3A_210, %dma_start3A_211] : memref<25x100xi32, #tpu.memory_space<vmem>> -> memref<1x100xi32, #tpu.memory_space<vmem>>
      %dma_start3A_213 = tpu.memref_squeeze %dma_start3A_212 : memref<1x100xi32, #tpu.memory_space<vmem>> -> memref<100xi32, #tpu.memory_space<vmem>>
      %dma_start3A_214 = arith.constant 0 : i32
      %dma_start3A_215 = arith.constant 0 : i32
      %dma_start3A_216 = tpu.memref_slice %arg11[%dma_start3A_214, %dma_start3A_215] : memref<10240x128xf32, #tpu.memory_space<vmem_shared>> -> memref<10240x128xf32, #tpu.memory_space<vmem_shared>>
      tpu.enqueue_indirect_dma source(%arg10 : memref<100x128xf32, #tpu.memory_space<vmem>>) target(%dma_start3A_216 : memref<10240x128xf32, #tpu.memory_space<vmem_shared>>) offsets(%dma_start3A_213 : memref<100xi32, #tpu.memory_space<vmem>>) semaphore(%arg17 : memref<!tpu.dma_semaphore, #tpu.memory_space<semaphore_mem>>) {add = true}
      %dma_wait3A_217 = arith.constant 0 : i32
      %dma_wait3A_218 = arith.constant 0 : i32
      %dma_wait3A_219 = tpu.memref_slice %arg7[%dma_wait3A_217, %dma_wait3A_218] : memref<25x100xi32, #tpu.memory_space<vmem>> -> memref<1x100xi32, #tpu.memory_space<vmem>>
      %dma_wait3A_220 = tpu.memref_squeeze %dma_wait3A_219 : memref<1x100xi32, #tpu.memory_space<vmem>> -> memref<100xi32, #tpu.memory_space<vmem>>
      %dma_wait3A_221 = arith.constant 0 : i32
      %dma_wait3A_222 = arith.constant 0 : i32
      %dma_wait3A_223 = tpu.memref_slice %arg11[%dma_wait3A_221, %dma_wait3A_222] : memref<10240x128xf32, #tpu.memory_space<vmem_shared>> -> memref<10240x128xf32, #tpu.memory_space<vmem_shared>>
      tpu.wait_indirect_dma semaphore(%arg16 : memref<!tpu.dma_semaphore, #tpu.memory_space<semaphore_mem>>) src(%arg9 : memref<100x128xf32, #tpu.memory_space<vmem>>) dst(%dma_wait3A_223 : memref<10240x128xf32, #tpu.memory_space<vmem_shared>>)
      %dma_start3A_224 = arith.constant 7 : i32
      %dma_start3A_225 = arith.constant 0 : i32
      %dma_start3A_226 = tpu.memref_slice %arg6[%dma_start3A_224, %dma_start3A_225] : memref<25x100xi32, #tpu.memory_space<vmem>> -> memref<1x100xi32, #tpu.memory_space<vmem>>
      %dma_start3A_227 = tpu.memref_squeeze %dma_start3A_226 : memref<1x100xi32, #tpu.memory_space<vmem>> -> memref<100xi32, #tpu.memory_space<vmem>>
      %dma_start3A_228 = arith.constant 0 : i32
      %dma_start3A_229 = arith.constant 0 : i32
      %dma_start3A_230 = tpu.memref_slice %arg2[%dma_start3A_228, %dma_start3A_229] : memref<10000x128xf32, #tpu.memory_space<hbm>> -> memref<10000x128xf32, #tpu.memory_space<hbm>>
      tpu.enqueue_indirect_dma source(%dma_start3A_230 : memref<10000x128xf32, #tpu.memory_space<hbm>>) target(%arg9 : memref<100x128xf32, #tpu.memory_space<vmem>>) offsets(%dma_start3A_227 : memref<100xi32, #tpu.memory_space<vmem>>) semaphore(%arg13 : memref<!tpu.dma_semaphore, #tpu.memory_space<semaphore_mem>>)
      %dma_wait3A_231 = arith.constant 6 : i32
      %dma_wait3A_232 = arith.constant 0 : i32
      %dma_wait3A_233 = tpu.memref_slice %arg6[%dma_wait3A_231, %dma_wait3A_232] : memref<25x100xi32, #tpu.memory_space<vmem>> -> memref<1x100xi32, #tpu.memory_space<vmem>>
      %dma_wait3A_234 = tpu.memref_squeeze %dma_wait3A_233 : memref<1x100xi32, #tpu.memory_space<vmem>> -> memref<100xi32, #tpu.memory_space<vmem>>
      %dma_wait3A_235 = arith.constant 0 : i32
      %dma_wait3A_236 = arith.constant 0 : i32
      %dma_wait3A_237 = tpu.memref_slice %arg2[%dma_wait3A_235, %dma_wait3A_236] : memref<10000x128xf32, #tpu.memory_space<hbm>> -> memref<10000x128xf32, #tpu.memory_space<hbm>>
      tpu.wait_indirect_dma semaphore(%arg12 : memref<!tpu.dma_semaphore, #tpu.memory_space<semaphore_mem>>) src(%dma_wait3A_237 : memref<10000x128xf32, #tpu.memory_space<hbm>>) dst(%arg8 : memref<100x128xf32, #tpu.memory_space<vmem>>)
      %dma_start3A_238 = arith.constant 6 : i32
      %dma_start3A_239 = arith.constant 0 : i32
      %dma_start3A_240 = tpu.memref_slice %arg7[%dma_start3A_238, %dma_start3A_239] : memref<25x100xi32, #tpu.memory_space<vmem>> -> memref<1x100xi32, #tpu.memory_space<vmem>>
      %dma_start3A_241 = tpu.memref_squeeze %dma_start3A_240 : memref<1x100xi32, #tpu.memory_space<vmem>> -> memref<100xi32, #tpu.memory_space<vmem>>
      %dma_start3A_242 = arith.constant 0 : i32
      %dma_start3A_243 = arith.constant 0 : i32
      %dma_start3A_244 = tpu.memref_slice %arg11[%dma_start3A_242, %dma_start3A_243] : memref<10240x128xf32, #tpu.memory_space<vmem_shared>> -> memref<10240x128xf32, #tpu.memory_space<vmem_shared>>
      tpu.enqueue_indirect_dma source(%arg8 : memref<100x128xf32, #tpu.memory_space<vmem>>) target(%dma_start3A_244 : memref<10240x128xf32, #tpu.memory_space<vmem_shared>>) offsets(%dma_start3A_241 : memref<100xi32, #tpu.memory_space<vmem>>) semaphore(%arg15 : memref<!tpu.dma_semaphore, #tpu.memory_space<semaphore_mem>>) {add = true}
      %dma_wait3A_245 = arith.constant 0 : i32
      %dma_wait3A_246 = arith.constant 0 : i32
      %dma_wait3A_247 = tpu.memref_slice %arg7[%dma_wait3A_245, %dma_wait3A_246] : memref<25x100xi32, #tpu.memory_space<vmem>> -> memref<1x100xi32, #tpu.memory_space<vmem>>
      %dma_wait3A_248 = tpu.memref_squeeze %dma_wait3A_247 : memref<1x100xi32, #tpu.memory_space<vmem>> -> memref<100xi32, #tpu.memory_space<vmem>>
      %dma_wait3A_249 = arith.constant 0 : i32
      %dma_wait3A_250 = arith.constant 0 : i32
      %dma_wait3A_251 = tpu.memref_slice %arg11[%dma_wait3A_249, %dma_wait3A_250] : memref<10240x128xf32, #tpu.memory_space<vmem_shared>> -> memref<10240x128xf32, #tpu.memory_space<vmem_shared>>
      tpu.wait_indirect_dma semaphore(%arg17 : memref<!tpu.dma_semaphore, #tpu.memory_space<semaphore_mem>>) src(%arg10 : memref<100x128xf32, #tpu.memory_space<vmem>>) dst(%dma_wait3A_251 : memref<10240x128xf32, #tpu.memory_space<vmem_shared>>)
      %dma_start3A_252 = arith.constant 8 : i32
      %dma_start3A_253 = arith.constant 0 : i32
      %dma_start3A_254 = tpu.memref_slice %arg6[%dma_start3A_252, %dma_start3A_253] : memref<25x100xi32, #tpu.memory_space<vmem>> -> memref<1x100xi32, #tpu.memory_space<vmem>>
      %dma_start3A_255 = tpu.memref_squeeze %dma_start3A_254 : memref<1x100xi32, #tpu.memory_space<vmem>> -> memref<100xi32, #tpu.memory_space<vmem>>
      %dma_start3A_256 = arith.constant 0 : i32
      %dma_start3A_257 = arith.constant 0 : i32
      %dma_start3A_258 = tpu.memref_slice %arg2[%dma_start3A_256, %dma_start3A_257] : memref<10000x128xf32, #tpu.memory_space<hbm>> -> memref<10000x128xf32, #tpu.memory_space<hbm>>
      tpu.enqueue_indirect_dma source(%dma_start3A_258 : memref<10000x128xf32, #tpu.memory_space<hbm>>) target(%arg10 : memref<100x128xf32, #tpu.memory_space<vmem>>) offsets(%dma_start3A_255 : memref<100xi32, #tpu.memory_space<vmem>>) semaphore(%arg14 : memref<!tpu.dma_semaphore, #tpu.memory_space<semaphore_mem>>)
      %dma_wait3A_259 = arith.constant 7 : i32
      %dma_wait3A_260 = arith.constant 0 : i32
      %dma_wait3A_261 = tpu.memref_slice %arg6[%dma_wait3A_259, %dma_wait3A_260] : memref<25x100xi32, #tpu.memory_space<vmem>> -> memref<1x100xi32, #tpu.memory_space<vmem>>
      %dma_wait3A_262 = tpu.memref_squeeze %dma_wait3A_261 : memref<1x100xi32, #tpu.memory_space<vmem>> -> memref<100xi32, #tpu.memory_space<vmem>>
      %dma_wait3A_263 = arith.constant 0 : i32
      %dma_wait3A_264 = arith.constant 0 : i32
      %dma_wait3A_265 = tpu.memref_slice %arg2[%dma_wait3A_263, %dma_wait3A_264] : memref<10000x128xf32, #tpu.memory_space<hbm>> -> memref<10000x128xf32, #tpu.memory_space<hbm>>
      tpu.wait_indirect_dma semaphore(%arg13 : memref<!tpu.dma_semaphore, #tpu.memory_space<semaphore_mem>>) src(%dma_wait3A_265 : memref<10000x128xf32, #tpu.memory_space<hbm>>) dst(%arg9 : memref<100x128xf32, #tpu.memory_space<vmem>>)
      %dma_start3A_266 = arith.constant 7 : i32
      %dma_start3A_267 = arith.constant 0 : i32
      %dma_start3A_268 = tpu.memref_slice %arg7[%dma_start3A_266, %dma_start3A_267] : memref<25x100xi32, #tpu.memory_space<vmem>> -> memref<1x100xi32, #tpu.memory_space<vmem>>
      %dma_start3A_269 = tpu.memref_squeeze %dma_start3A_268 : memref<1x100xi32, #tpu.memory_space<vmem>> -> memref<100xi32, #tpu.memory_space<vmem>>
      %dma_start3A_270 = arith.constant 0 : i32
      %dma_start3A_271 = arith.constant 0 : i32
      %dma_start3A_272 = tpu.memref_slice %arg11[%dma_start3A_270, %dma_start3A_271] : memref<10240x128xf32, #tpu.memory_space<vmem_shared>> -> memref<10240x128xf32, #tpu.memory_space<vmem_shared>>
      tpu.enqueue_indirect_dma source(%arg9 : memref<100x128xf32, #tpu.memory_space<vmem>>) target(%dma_start3A_272 : memref<10240x128xf32, #tpu.memory_space<vmem_shared>>) offsets(%dma_start3A_269 : memref<100xi32, #tpu.memory_space<vmem>>) semaphore(%arg16 : memref<!tpu.dma_semaphore, #tpu.memory_space<semaphore_mem>>) {add = true}
      %dma_wait3A_273 = arith.constant 0 : i32
      %dma_wait3A_274 = arith.constant 0 : i32
      %dma_wait3A_275 = tpu.memref_slice %arg7[%dma_wait3A_273, %dma_wait3A_274] : memref<25x100xi32, #tpu.memory_space<vmem>> -> memref<1x100xi32, #tpu.memory_space<vmem>>
      %dma_wait3A_276 = tpu.memref_squeeze %dma_wait3A_275 : memref<1x100xi32, #tpu.memory_space<vmem>> -> memref<100xi32, #tpu.memory_space<vmem>>
      %dma_wait3A_277 = arith.constant 0 : i32
      %dma_wait3A_278 = arith.constant 0 : i32
      %dma_wait3A_279 = tpu.memref_slice %arg11[%dma_wait3A_277, %dma_wait3A_278] : memref<10240x128xf32, #tpu.memory_space<vmem_shared>> -> memref<10240x128xf32, #tpu.memory_space<vmem_shared>>
      tpu.wait_indirect_dma semaphore(%arg15 : memref<!tpu.dma_semaphore, #tpu.memory_space<semaphore_mem>>) src(%arg8 : memref<100x128xf32, #tpu.memory_space<vmem>>) dst(%dma_wait3A_279 : memref<10240x128xf32, #tpu.memory_space<vmem_shared>>)
      %dma_start3A_280 = arith.constant 9 : i32
      %dma_start3A_281 = arith.constant 0 : i32
      %dma_start3A_282 = tpu.memref_slice %arg6[%dma_start3A_280, %dma_start3A_281] : memref<25x100xi32, #tpu.memory_space<vmem>> -> memref<1x100xi32, #tpu.memory_space<vmem>>
      %dma_start3A_283 = tpu.memref_squeeze %dma_start3A_282 : memref<1x100xi32, #tpu.memory_space<vmem>> -> memref<100xi32, #tpu.memory_space<vmem>>
      %dma_start3A_284 = arith.constant 0 : i32
      %dma_start3A_285 = arith.constant 0 : i32
      %dma_start3A_286 = tpu.memref_slice %arg2[%dma_start3A_284, %dma_start3A_285] : memref<10000x128xf32, #tpu.memory_space<hbm>> -> memref<10000x128xf32, #tpu.memory_space<hbm>>
      tpu.enqueue_indirect_dma source(%dma_start3A_286 : memref<10000x128xf32, #tpu.memory_space<hbm>>) target(%arg8 : memref<100x128xf32, #tpu.memory_space<vmem>>) offsets(%dma_start3A_283 : memref<100xi32, #tpu.memory_space<vmem>>) semaphore(%arg12 : memref<!tpu.dma_semaphore, #tpu.memory_space<semaphore_mem>>)
      %dma_wait3A_287 = arith.constant 8 : i32
      %dma_wait3A_288 = arith.constant 0 : i32
      %dma_wait3A_289 = tpu.memref_slice %arg6[%dma_wait3A_287, %dma_wait3A_288] : memref<25x100xi32, #tpu.memory_space<vmem>> -> memref<1x100xi32, #tpu.memory_space<vmem>>
      %dma_wait3A_290 = tpu.memref_squeeze %dma_wait3A_289 : memref<1x100xi32, #tpu.memory_space<vmem>> -> memref<100xi32, #tpu.memory_space<vmem>>
      %dma_wait3A_291 = arith.constant 0 : i32
      %dma_wait3A_292 = arith.constant 0 : i32
      %dma_wait3A_293 = tpu.memref_slice %arg2[%dma_wait3A_291, %dma_wait3A_292] : memref<10000x128xf32, #tpu.memory_space<hbm>> -> memref<10000x128xf32, #tpu.memory_space<hbm>>
      tpu.wait_indirect_dma semaphore(%arg14 : memref<!tpu.dma_semaphore, #tpu.memory_space<semaphore_mem>>) src(%dma_wait3A_293 : memref<10000x128xf32, #tpu.memory_space<hbm>>) dst(%arg10 : memref<100x128xf32, #tpu.memory_space<vmem>>)
      %dma_start3A_294 = arith.constant 8 : i32
      %dma_start3A_295 = arith.constant 0 : i32
      %dma_start3A_296 = tpu.memref_slice %arg7[%dma_start3A_294, %dma_start3A_295] : memref<25x100xi32, #tpu.memory_space<vmem>> -> memref<1x100xi32, #tpu.memory_space<vmem>>
      %dma_start3A_297 = tpu.memref_squeeze %dma_start3A_296 : memref<1x100xi32, #tpu.memory_space<vmem>> -> memref<100xi32, #tpu.memory_space<vmem>>
      %dma_start3A_298 = arith.constant 0 : i32
      %dma_start3A_299 = arith.constant 0 : i32
      %dma_start3A_300 = tpu.memref_slice %arg11[%dma_start3A_298, %dma_start3A_299] : memref<10240x128xf32, #tpu.memory_space<vmem_shared>> -> memref<10240x128xf32, #tpu.memory_space<vmem_shared>>
      tpu.enqueue_indirect_dma source(%arg10 : memref<100x128xf32, #tpu.memory_space<vmem>>) target(%dma_start3A_300 : memref<10240x128xf32, #tpu.memory_space<vmem_shared>>) offsets(%dma_start3A_297 : memref<100xi32, #tpu.memory_space<vmem>>) semaphore(%arg17 : memref<!tpu.dma_semaphore, #tpu.memory_space<semaphore_mem>>) {add = true}
      %dma_wait3A_301 = arith.constant 0 : i32
      %dma_wait3A_302 = arith.constant 0 : i32
      %dma_wait3A_303 = tpu.memref_slice %arg7[%dma_wait3A_301, %dma_wait3A_302] : memref<25x100xi32, #tpu.memory_space<vmem>> -> memref<1x100xi32, #tpu.memory_space<vmem>>
      %dma_wait3A_304 = tpu.memref_squeeze %dma_wait3A_303 : memref<1x100xi32, #tpu.memory_space<vmem>> -> memref<100xi32, #tpu.memory_space<vmem>>
      %dma_wait3A_305 = arith.constant 0 : i32
      %dma_wait3A_306 = arith.constant 0 : i32
      %dma_wait3A_307 = tpu.memref_slice %arg11[%dma_wait3A_305, %dma_wait3A_306] : memref<10240x128xf32, #tpu.memory_space<vmem_shared>> -> memref<10240x128xf32, #tpu.memory_space<vmem_shared>>
      tpu.wait_indirect_dma semaphore(%arg16 : memref<!tpu.dma_semaphore, #tpu.memory_space<semaphore_mem>>) src(%arg9 : memref<100x128xf32, #tpu.memory_space<vmem>>) dst(%dma_wait3A_307 : memref<10240x128xf32, #tpu.memory_space<vmem_shared>>)
      %dma_start3A_308 = arith.constant 10 : i32
      %dma_start3A_309 = arith.constant 0 : i32
      %dma_start3A_310 = tpu.memref_slice %arg6[%dma_start3A_308, %dma_start3A_309] : memref<25x100xi32, #tpu.memory_space<vmem>> -> memref<1x100xi32, #tpu.memory_space<vmem>>
      %dma_start3A_311 = tpu.memref_squeeze %dma_start3A_310 : memref<1x100xi32, #tpu.memory_space<vmem>> -> memref<100xi32, #tpu.memory_space<vmem>>
      %dma_start3A_312 = arith.constant 0 : i32
      %dma_start3A_313 = arith.constant 0 : i32
      %dma_start3A_314 = tpu.memref_slice %arg2[%dma_start3A_312, %dma_start3A_313] : memref<10000x128xf32, #tpu.memory_space<hbm>> -> memref<10000x128xf32, #tpu.memory_space<hbm>>
      tpu.enqueue_indirect_dma source(%dma_start3A_314 : memref<10000x128xf32, #tpu.memory_space<hbm>>) target(%arg9 : memref<100x128xf32, #tpu.memory_space<vmem>>) offsets(%dma_start3A_311 : memref<100xi32, #tpu.memory_space<vmem>>) semaphore(%arg13 : memref<!tpu.dma_semaphore, #tpu.memory_space<semaphore_mem>>)
      %dma_wait3A_315 = arith.constant 9 : i32
      %dma_wait3A_316 = arith.constant 0 : i32
      %dma_wait3A_317 = tpu.memref_slice %arg6[%dma_wait3A_315, %dma_wait3A_316] : memref<25x100xi32, #tpu.memory_space<vmem>> -> memref<1x100xi32, #tpu.memory_space<vmem>>
      %dma_wait3A_318 = tpu.memref_squeeze %dma_wait3A_317 : memref<1x100xi32, #tpu.memory_space<vmem>> -> memref<100xi32, #tpu.memory_space<vmem>>
      %dma_wait3A_319 = arith.constant 0 : i32
      %dma_wait3A_320 = arith.constant 0 : i32
      %dma_wait3A_321 = tpu.memref_slice %arg2[%dma_wait3A_319, %dma_wait3A_320] : memref<10000x128xf32, #tpu.memory_space<hbm>> -> memref<10000x128xf32, #tpu.memory_space<hbm>>
      tpu.wait_indirect_dma semaphore(%arg12 : memref<!tpu.dma_semaphore, #tpu.memory_space<semaphore_mem>>) src(%dma_wait3A_321 : memref<10000x128xf32, #tpu.memory_space<hbm>>) dst(%arg8 : memref<100x128xf32, #tpu.memory_space<vmem>>)
      %dma_start3A_322 = arith.constant 9 : i32
      %dma_start3A_323 = arith.constant 0 : i32
      %dma_start3A_324 = tpu.memref_slice %arg7[%dma_start3A_322, %dma_start3A_323] : memref<25x100xi32, #tpu.memory_space<vmem>> -> memref<1x100xi32, #tpu.memory_space<vmem>>
      %dma_start3A_325 = tpu.memref_squeeze %dma_start3A_324 : memref<1x100xi32, #tpu.memory_space<vmem>> -> memref<100xi32, #tpu.memory_space<vmem>>
      %dma_start3A_326 = arith.constant 0 : i32
      %dma_start3A_327 = arith.constant 0 : i32
      %dma_start3A_328 = tpu.memref_slice %arg11[%dma_start3A_326, %dma_start3A_327] : memref<10240x128xf32, #tpu.memory_space<vmem_shared>> -> memref<10240x128xf32, #tpu.memory_space<vmem_shared>>
      tpu.enqueue_indirect_dma source(%arg8 : memref<100x128xf32, #tpu.memory_space<vmem>>) target(%dma_start3A_328 : memref<10240x128xf32, #tpu.memory_space<vmem_shared>>) offsets(%dma_start3A_325 : memref<100xi32, #tpu.memory_space<vmem>>) semaphore(%arg15 : memref<!tpu.dma_semaphore, #tpu.memory_space<semaphore_mem>>) {add = true}
      %dma_wait3A_329 = arith.constant 0 : i32
      %dma_wait3A_330 = arith.constant 0 : i32
      %dma_wait3A_331 = tpu.memref_slice %arg7[%dma_wait3A_329, %dma_wait3A_330] : memref<25x100xi32, #tpu.memory_space<vmem>> -> memref<1x100xi32, #tpu.memory_space<vmem>>
      %dma_wait3A_332 = tpu.memref_squeeze %dma_wait3A_331 : memref<1x100xi32, #tpu.memory_space<vmem>> -> memref<100xi32, #tpu.memory_space<vmem>>
      %dma_wait3A_333 = arith.constant 0 : i32
      %dma_wait3A_334 = arith.constant 0 : i32
      %dma_wait3A_335 = tpu.memref_slice %arg11[%dma_wait3A_333, %dma_wait3A_334] : memref<10240x128xf32, #tpu.memory_space<vmem_shared>> -> memref<10240x128xf32, #tpu.memory_space<vmem_shared>>
      tpu.wait_indirect_dma semaphore(%arg17 : memref<!tpu.dma_semaphore, #tpu.memory_space<semaphore_mem>>) src(%arg10 : memref<100x128xf32, #tpu.memory_space<vmem>>) dst(%dma_wait3A_335 : memref<10240x128xf32, #tpu.memory_space<vmem_shared>>)
      %dma_start3A_336 = arith.constant 11 : i32
      %dma_start3A_337 = arith.constant 0 : i32
      %dma_start3A_338 = tpu.memref_slice %arg6[%dma_start3A_336, %dma_start3A_337] : memref<25x100xi32, #tpu.memory_space<vmem>> -> memref<1x100xi32, #tpu.memory_space<vmem>>
      %dma_start3A_339 = tpu.memref_squeeze %dma_start3A_338 : memref<1x100xi32, #tpu.memory_space<vmem>> -> memref<100xi32, #tpu.memory_space<vmem>>
      %dma_start3A_340 = arith.constant 0 : i32
      %dma_start3A_341 = arith.constant 0 : i32
      %dma_start3A_342 = tpu.memref_slice %arg2[%dma_start3A_340, %dma_start3A_341] : memref<10000x128xf32, #tpu.memory_space<hbm>> -> memref<10000x128xf32, #tpu.memory_space<hbm>>
      tpu.enqueue_indirect_dma source(%dma_start3A_342 : memref<10000x128xf32, #tpu.memory_space<hbm>>) target(%arg10 : memref<100x128xf32, #tpu.memory_space<vmem>>) offsets(%dma_start3A_339 : memref<100xi32, #tpu.memory_space<vmem>>) semaphore(%arg14 : memref<!tpu.dma_semaphore, #tpu.memory_space<semaphore_mem>>)
      %dma_wait3A_343 = arith.constant 10 : i32
      %dma_wait3A_344 = arith.constant 0 : i32
      %dma_wait3A_345 = tpu.memref_slice %arg6[%dma_wait3A_343, %dma_wait3A_344] : memref<25x100xi32, #tpu.memory_space<vmem>> -> memref<1x100xi32, #tpu.memory_space<vmem>>
      %dma_wait3A_346 = tpu.memref_squeeze %dma_wait3A_345 : memref<1x100xi32, #tpu.memory_space<vmem>> -> memref<100xi32, #tpu.memory_space<vmem>>
      %dma_wait3A_347 = arith.constant 0 : i32
      %dma_wait3A_348 = arith.constant 0 : i32
      %dma_wait3A_349 = tpu.memref_slice %arg2[%dma_wait3A_347, %dma_wait3A_348] : memref<10000x128xf32, #tpu.memory_space<hbm>> -> memref<10000x128xf32, #tpu.memory_space<hbm>>
      tpu.wait_indirect_dma semaphore(%arg13 : memref<!tpu.dma_semaphore, #tpu.memory_space<semaphore_mem>>) src(%dma_wait3A_349 : memref<10000x128xf32, #tpu.memory_space<hbm>>) dst(%arg9 : memref<100x128xf32, #tpu.memory_space<vmem>>)
      %dma_start3A_350 = arith.constant 10 : i32
      %dma_start3A_351 = arith.constant 0 : i32
      %dma_start3A_352 = tpu.memref_slice %arg7[%dma_start3A_350, %dma_start3A_351] : memref<25x100xi32, #tpu.memory_space<vmem>> -> memref<1x100xi32, #tpu.memory_space<vmem>>
      %dma_start3A_353 = tpu.memref_squeeze %dma_start3A_352 : memref<1x100xi32, #tpu.memory_space<vmem>> -> memref<100xi32, #tpu.memory_space<vmem>>
      %dma_start3A_354 = arith.constant 0 : i32
      %dma_start3A_355 = arith.constant 0 : i32
      %dma_start3A_356 = tpu.memref_slice %arg11[%dma_start3A_354, %dma_start3A_355] : memref<10240x128xf32, #tpu.memory_space<vmem_shared>> -> memref<10240x128xf32, #tpu.memory_space<vmem_shared>>
      tpu.enqueue_indirect_dma source(%arg9 : memref<100x128xf32, #tpu.memory_space<vmem>>) target(%dma_start3A_356 : memref<10240x128xf32, #tpu.memory_space<vmem_shared>>) offsets(%dma_start3A_353 : memref<100xi32, #tpu.memory_space<vmem>>) semaphore(%arg16 : memref<!tpu.dma_semaphore, #tpu.memory_space<semaphore_mem>>) {add = true}
      %dma_wait3A_357 = arith.constant 0 : i32
      %dma_wait3A_358 = arith.constant 0 : i32
      %dma_wait3A_359 = tpu.memref_slice %arg7[%dma_wait3A_357, %dma_wait3A_358] : memref<25x100xi32, #tpu.memory_space<vmem>> -> memref<1x100xi32, #tpu.memory_space<vmem>>
      %dma_wait3A_360 = tpu.memref_squeeze %dma_wait3A_359 : memref<1x100xi32, #tpu.memory_space<vmem>> -> memref<100xi32, #tpu.memory_space<vmem>>
      %dma_wait3A_361 = arith.constant 0 : i32
      %dma_wait3A_362 = arith.constant 0 : i32
      %dma_wait3A_363 = tpu.memref_slice %arg11[%dma_wait3A_361, %dma_wait3A_362] : memref<10240x128xf32, #tpu.memory_space<vmem_shared>> -> memref<10240x128xf32, #tpu.memory_space<vmem_shared>>
      tpu.wait_indirect_dma semaphore(%arg15 : memref<!tpu.dma_semaphore, #tpu.memory_space<semaphore_mem>>) src(%arg8 : memref<100x128xf32, #tpu.memory_space<vmem>>) dst(%dma_wait3A_363 : memref<10240x128xf32, #tpu.memory_space<vmem_shared>>)
      %dma_start3A_364 = arith.constant 12 : i32
      %dma_start3A_365 = arith.constant 0 : i32
      %dma_start3A_366 = tpu.memref_slice %arg6[%dma_start3A_364, %dma_start3A_365] : memref<25x100xi32, #tpu.memory_space<vmem>> -> memref<1x100xi32, #tpu.memory_space<vmem>>
      %dma_start3A_367 = tpu.memref_squeeze %dma_start3A_366 : memref<1x100xi32, #tpu.memory_space<vmem>> -> memref<100xi32, #tpu.memory_space<vmem>>
      %dma_start3A_368 = arith.constant 0 : i32
      %dma_start3A_369 = arith.constant 0 : i32
      %dma_start3A_370 = tpu.memref_slice %arg2[%dma_start3A_368, %dma_start3A_369] : memref<10000x128xf32, #tpu.memory_space<hbm>> -> memref<10000x128xf32, #tpu.memory_space<hbm>>
      tpu.enqueue_indirect_dma source(%dma_start3A_370 : memref<10000x128xf32, #tpu.memory_space<hbm>>) target(%arg8 : memref<100x128xf32, #tpu.memory_space<vmem>>) offsets(%dma_start3A_367 : memref<100xi32, #tpu.memory_space<vmem>>) semaphore(%arg12 : memref<!tpu.dma_semaphore, #tpu.memory_space<semaphore_mem>>)
      %dma_wait3A_371 = arith.constant 11 : i32
      %dma_wait3A_372 = arith.constant 0 : i32
      %dma_wait3A_373 = tpu.memref_slice %arg6[%dma_wait3A_371, %dma_wait3A_372] : memref<25x100xi32, #tpu.memory_space<vmem>> -> memref<1x100xi32, #tpu.memory_space<vmem>>
      %dma_wait3A_374 = tpu.memref_squeeze %dma_wait3A_373 : memref<1x100xi32, #tpu.memory_space<vmem>> -> memref<100xi32, #tpu.memory_space<vmem>>
      %dma_wait3A_375 = arith.constant 0 : i32
      %dma_wait3A_376 = arith.constant 0 : i32
      %dma_wait3A_377 = tpu.memref_slice %arg2[%dma_wait3A_375, %dma_wait3A_376] : memref<10000x128xf32, #tpu.memory_space<hbm>> -> memref<10000x128xf32, #tpu.memory_space<hbm>>
      tpu.wait_indirect_dma semaphore(%arg14 : memref<!tpu.dma_semaphore, #tpu.memory_space<semaphore_mem>>) src(%dma_wait3A_377 : memref<10000x128xf32, #tpu.memory_space<hbm>>) dst(%arg10 : memref<100x128xf32, #tpu.memory_space<vmem>>)
      %dma_start3A_378 = arith.constant 11 : i32
      %dma_start3A_379 = arith.constant 0 : i32
      %dma_start3A_380 = tpu.memref_slice %arg7[%dma_start3A_378, %dma_start3A_379] : memref<25x100xi32, #tpu.memory_space<vmem>> -> memref<1x100xi32, #tpu.memory_space<vmem>>
      %dma_start3A_381 = tpu.memref_squeeze %dma_start3A_380 : memref<1x100xi32, #tpu.memory_space<vmem>> -> memref<100xi32, #tpu.memory_space<vmem>>
      %dma_start3A_382 = arith.constant 0 : i32
      %dma_start3A_383 = arith.constant 0 : i32
      %dma_start3A_384 = tpu.memref_slice %arg11[%dma_start3A_382, %dma_start3A_383] : memref<10240x128xf32, #tpu.memory_space<vmem_shared>> -> memref<10240x128xf32, #tpu.memory_space<vmem_shared>>
      tpu.enqueue_indirect_dma source(%arg10 : memref<100x128xf32, #tpu.memory_space<vmem>>) target(%dma_start3A_384 : memref<10240x128xf32, #tpu.memory_space<vmem_shared>>) offsets(%dma_start3A_381 : memref<100xi32, #tpu.memory_space<vmem>>) semaphore(%arg17 : memref<!tpu.dma_semaphore, #tpu.memory_space<semaphore_mem>>) {add = true}
      %dma_wait3A_385 = arith.constant 0 : i32
      %dma_wait3A_386 = arith.constant 0 : i32
      %dma_wait3A_387 = tpu.memref_slice %arg7[%dma_wait3A_385, %dma_wait3A_386] : memref<25x100xi32, #tpu.memory_space<vmem>> -> memref<1x100xi32, #tpu.memory_space<vmem>>
      %dma_wait3A_388 = tpu.memref_squeeze %dma_wait3A_387 : memref<1x100xi32, #tpu.memory_space<vmem>> -> memref<100xi32, #tpu.memory_space<vmem>>
      %dma_wait3A_389 = arith.constant 0 : i32
      %dma_wait3A_390 = arith.constant 0 : i32
      %dma_wait3A_391 = tpu.memref_slice %arg11[%dma_wait3A_389, %dma_wait3A_390] : memref<10240x128xf32, #tpu.memory_space<vmem_shared>> -> memref<10240x128xf32, #tpu.memory_space<vmem_shared>>
      tpu.wait_indirect_dma semaphore(%arg16 : memref<!tpu.dma_semaphore, #tpu.memory_space<semaphore_mem>>) src(%arg9 : memref<100x128xf32, #tpu.memory_space<vmem>>) dst(%dma_wait3A_391 : memref<10240x128xf32, #tpu.memory_space<vmem_shared>>)
      %dma_start3A_392 = arith.constant 13 : i32
      %dma_start3A_393 = arith.constant 0 : i32
      %dma_start3A_394 = tpu.memref_slice %arg6[%dma_start3A_392, %dma_start3A_393] : memref<25x100xi32, #tpu.memory_space<vmem>> -> memref<1x100xi32, #tpu.memory_space<vmem>>
      %dma_start3A_395 = tpu.memref_squeeze %dma_start3A_394 : memref<1x100xi32, #tpu.memory_space<vmem>> -> memref<100xi32, #tpu.memory_space<vmem>>
      %dma_start3A_396 = arith.constant 0 : i32
      %dma_start3A_397 = arith.constant 0 : i32
      %dma_start3A_398 = tpu.memref_slice %arg2[%dma_start3A_396, %dma_start3A_397] : memref<10000x128xf32, #tpu.memory_space<hbm>> -> memref<10000x128xf32, #tpu.memory_space<hbm>>
      tpu.enqueue_indirect_dma source(%dma_start3A_398 : memref<10000x128xf32, #tpu.memory_space<hbm>>) target(%arg9 : memref<100x128xf32, #tpu.memory_space<vmem>>) offsets(%dma_start3A_395 : memref<100xi32, #tpu.memory_space<vmem>>) semaphore(%arg13 : memref<!tpu.dma_semaphore, #tpu.memory_space<semaphore_mem>>)
      %dma_wait3A_399 = arith.constant 12 : i32
      %dma_wait3A_400 = arith.constant 0 : i32
      %dma_wait3A_401 = tpu.memref_slice %arg6[%dma_wait3A_399, %dma_wait3A_400] : memref<25x100xi32, #tpu.memory_space<vmem>> -> memref<1x100xi32, #tpu.memory_space<vmem>>
      %dma_wait3A_402 = tpu.memref_squeeze %dma_wait3A_401 : memref<1x100xi32, #tpu.memory_space<vmem>> -> memref<100xi32, #tpu.memory_space<vmem>>
      %dma_wait3A_403 = arith.constant 0 : i32
      %dma_wait3A_404 = arith.constant 0 : i32
      %dma_wait3A_405 = tpu.memref_slice %arg2[%dma_wait3A_403, %dma_wait3A_404] : memref<10000x128xf32, #tpu.memory_space<hbm>> -> memref<10000x128xf32, #tpu.memory_space<hbm>>
      tpu.wait_indirect_dma semaphore(%arg12 : memref<!tpu.dma_semaphore, #tpu.memory_space<semaphore_mem>>) src(%dma_wait3A_405 : memref<10000x128xf32, #tpu.memory_space<hbm>>) dst(%arg8 : memref<100x128xf32, #tpu.memory_space<vmem>>)
      %dma_start3A_406 = arith.constant 12 : i32
      %dma_start3A_407 = arith.constant 0 : i32
      %dma_start3A_408 = tpu.memref_slice %arg7[%dma_start3A_406, %dma_start3A_407] : memref<25x100xi32, #tpu.memory_space<vmem>> -> memref<1x100xi32, #tpu.memory_space<vmem>>
      %dma_start3A_409 = tpu.memref_squeeze %dma_start3A_408 : memref<1x100xi32, #tpu.memory_space<vmem>> -> memref<100xi32, #tpu.memory_space<vmem>>
      %dma_start3A_410 = arith.constant 0 : i32
      %dma_start3A_411 = arith.constant 0 : i32
      %dma_start3A_412 = tpu.memref_slice %arg11[%dma_start3A_410, %dma_start3A_411] : memref<10240x128xf32, #tpu.memory_space<vmem_shared>> -> memref<10240x128xf32, #tpu.memory_space<vmem_shared>>
      tpu.enqueue_indirect_dma source(%arg8 : memref<100x128xf32, #tpu.memory_space<vmem>>) target(%dma_start3A_412 : memref<10240x128xf32, #tpu.memory_space<vmem_shared>>) offsets(%dma_start3A_409 : memref<100xi32, #tpu.memory_space<vmem>>) semaphore(%arg15 : memref<!tpu.dma_semaphore, #tpu.memory_space<semaphore_mem>>) {add = true}
      %dma_wait3A_413 = arith.constant 0 : i32
      %dma_wait3A_414 = arith.constant 0 : i32
      %dma_wait3A_415 = tpu.memref_slice %arg7[%dma_wait3A_413, %dma_wait3A_414] : memref<25x100xi32, #tpu.memory_space<vmem>> -> memref<1x100xi32, #tpu.memory_space<vmem>>
      %dma_wait3A_416 = tpu.memref_squeeze %dma_wait3A_415 : memref<1x100xi32, #tpu.memory_space<vmem>> -> memref<100xi32, #tpu.memory_space<vmem>>
      %dma_wait3A_417 = arith.constant 0 : i32
      %dma_wait3A_418 = arith.constant 0 : i32
      %dma_wait3A_419 = tpu.memref_slice %arg11[%dma_wait3A_417, %dma_wait3A_418] : memref<10240x128xf32, #tpu.memory_space<vmem_shared>> -> memref<10240x128xf32, #tpu.memory_space<vmem_shared>>
      tpu.wait_indirect_dma semaphore(%arg17 : memref<!tpu.dma_semaphore, #tpu.memory_space<semaphore_mem>>) src(%arg10 : memref<100x128xf32, #tpu.memory_space<vmem>>) dst(%dma_wait3A_419 : memref<10240x128xf32, #tpu.memory_space<vmem_shared>>)
      %dma_start3A_420 = arith.constant 14 : i32
      %dma_start3A_421 = arith.constant 0 : i32
      %dma_start3A_422 = tpu.memref_slice %arg6[%dma_start3A_420, %dma_start3A_421] : memref<25x100xi32, #tpu.memory_space<vmem>> -> memref<1x100xi32, #tpu.memory_space<vmem>>
      %dma_start3A_423 = tpu.memref_squeeze %dma_start3A_422 : memref<1x100xi32, #tpu.memory_space<vmem>> -> memref<100xi32, #tpu.memory_space<vmem>>
      %dma_start3A_424 = arith.constant 0 : i32
      %dma_start3A_425 = arith.constant 0 : i32
      %dma_start3A_426 = tpu.memref_slice %arg2[%dma_start3A_424, %dma_start3A_425] : memref<10000x128xf32, #tpu.memory_space<hbm>> -> memref<10000x128xf32, #tpu.memory_space<hbm>>
      tpu.enqueue_indirect_dma source(%dma_start3A_426 : memref<10000x128xf32, #tpu.memory_space<hbm>>) target(%arg10 : memref<100x128xf32, #tpu.memory_space<vmem>>) offsets(%dma_start3A_423 : memref<100xi32, #tpu.memory_space<vmem>>) semaphore(%arg14 : memref<!tpu.dma_semaphore, #tpu.memory_space<semaphore_mem>>)
      %dma_wait3A_427 = arith.constant 13 : i32
      %dma_wait3A_428 = arith.constant 0 : i32
      %dma_wait3A_429 = tpu.memref_slice %arg6[%dma_wait3A_427, %dma_wait3A_428] : memref<25x100xi32, #tpu.memory_space<vmem>> -> memref<1x100xi32, #tpu.memory_space<vmem>>
      %dma_wait3A_430 = tpu.memref_squeeze %dma_wait3A_429 : memref<1x100xi32, #tpu.memory_space<vmem>> -> memref<100xi32, #tpu.memory_space<vmem>>
      %dma_wait3A_431 = arith.constant 0 : i32
      %dma_wait3A_432 = arith.constant 0 : i32
      %dma_wait3A_433 = tpu.memref_slice %arg2[%dma_wait3A_431, %dma_wait3A_432] : memref<10000x128xf32, #tpu.memory_space<hbm>> -> memref<10000x128xf32, #tpu.memory_space<hbm>>
      tpu.wait_indirect_dma semaphore(%arg13 : memref<!tpu.dma_semaphore, #tpu.memory_space<semaphore_mem>>) src(%dma_wait3A_433 : memref<10000x128xf32, #tpu.memory_space<hbm>>) dst(%arg9 : memref<100x128xf32, #tpu.memory_space<vmem>>)
      %dma_start3A_434 = arith.constant 13 : i32
      %dma_start3A_435 = arith.constant 0 : i32
      %dma_start3A_436 = tpu.memref_slice %arg7[%dma_start3A_434, %dma_start3A_435] : memref<25x100xi32, #tpu.memory_space<vmem>> -> memref<1x100xi32, #tpu.memory_space<vmem>>
      %dma_start3A_437 = tpu.memref_squeeze %dma_start3A_436 : memref<1x100xi32, #tpu.memory_space<vmem>> -> memref<100xi32, #tpu.memory_space<vmem>>
      %dma_start3A_438 = arith.constant 0 : i32
      %dma_start3A_439 = arith.constant 0 : i32
      %dma_start3A_440 = tpu.memref_slice %arg11[%dma_start3A_438, %dma_start3A_439] : memref<10240x128xf32, #tpu.memory_space<vmem_shared>> -> memref<10240x128xf32, #tpu.memory_space<vmem_shared>>
      tpu.enqueue_indirect_dma source(%arg9 : memref<100x128xf32, #tpu.memory_space<vmem>>) target(%dma_start3A_440 : memref<10240x128xf32, #tpu.memory_space<vmem_shared>>) offsets(%dma_start3A_437 : memref<100xi32, #tpu.memory_space<vmem>>) semaphore(%arg16 : memref<!tpu.dma_semaphore, #tpu.memory_space<semaphore_mem>>) {add = true}
      %dma_wait3A_441 = arith.constant 0 : i32
      %dma_wait3A_442 = arith.constant 0 : i32
      %dma_wait3A_443 = tpu.memref_slice %arg7[%dma_wait3A_441, %dma_wait3A_442] : memref<25x100xi32, #tpu.memory_space<vmem>> -> memref<1x100xi32, #tpu.memory_space<vmem>>
      %dma_wait3A_444 = tpu.memref_squeeze %dma_wait3A_443 : memref<1x100xi32, #tpu.memory_space<vmem>> -> memref<100xi32, #tpu.memory_space<vmem>>
      %dma_wait3A_445 = arith.constant 0 : i32
      %dma_wait3A_446 = arith.constant 0 : i32
      %dma_wait3A_447 = tpu.memref_slice %arg11[%dma_wait3A_445, %dma_wait3A_446] : memref<10240x128xf32, #tpu.memory_space<vmem_shared>> -> memref<10240x128xf32, #tpu.memory_space<vmem_shared>>
      tpu.wait_indirect_dma semaphore(%arg15 : memref<!tpu.dma_semaphore, #tpu.memory_space<semaphore_mem>>) src(%arg8 : memref<100x128xf32, #tpu.memory_space<vmem>>) dst(%dma_wait3A_447 : memref<10240x128xf32, #tpu.memory_space<vmem_shared>>)
      %dma_start3A_448 = arith.constant 15 : i32
      %dma_start3A_449 = arith.constant 0 : i32
      %dma_start3A_450 = tpu.memref_slice %arg6[%dma_start3A_448, %dma_start3A_449] : memref<25x100xi32, #tpu.memory_space<vmem>> -> memref<1x100xi32, #tpu.memory_space<vmem>>
      %dma_start3A_451 = tpu.memref_squeeze %dma_start3A_450 : memref<1x100xi32, #tpu.memory_space<vmem>> -> memref<100xi32, #tpu.memory_space<vmem>>
      %dma_start3A_452 = arith.constant 0 : i32
      %dma_start3A_453 = arith.constant 0 : i32
      %dma_start3A_454 = tpu.memref_slice %arg2[%dma_start3A_452, %dma_start3A_453] : memref<10000x128xf32, #tpu.memory_space<hbm>> -> memref<10000x128xf32, #tpu.memory_space<hbm>>
      tpu.enqueue_indirect_dma source(%dma_start3A_454 : memref<10000x128xf32, #tpu.memory_space<hbm>>) target(%arg8 : memref<100x128xf32, #tpu.memory_space<vmem>>) offsets(%dma_start3A_451 : memref<100xi32, #tpu.memory_space<vmem>>) semaphore(%arg12 : memref<!tpu.dma_semaphore, #tpu.memory_space<semaphore_mem>>)
      %dma_wait3A_455 = arith.constant 14 : i32
      %dma_wait3A_456 = arith.constant 0 : i32
      %dma_wait3A_457 = tpu.memref_slice %arg6[%dma_wait3A_455, %dma_wait3A_456] : memref<25x100xi32, #tpu.memory_space<vmem>> -> memref<1x100xi32, #tpu.memory_space<vmem>>
      %dma_wait3A_458 = tpu.memref_squeeze %dma_wait3A_457 : memref<1x100xi32, #tpu.memory_space<vmem>> -> memref<100xi32, #tpu.memory_space<vmem>>
      %dma_wait3A_459 = arith.constant 0 : i32
      %dma_wait3A_460 = arith.constant 0 : i32
      %dma_wait3A_461 = tpu.memref_slice %arg2[%dma_wait3A_459, %dma_wait3A_460] : memref<10000x128xf32, #tpu.memory_space<hbm>> -> memref<10000x128xf32, #tpu.memory_space<hbm>>
      tpu.wait_indirect_dma semaphore(%arg14 : memref<!tpu.dma_semaphore, #tpu.memory_space<semaphore_mem>>) src(%dma_wait3A_461 : memref<10000x128xf32, #tpu.memory_space<hbm>>) dst(%arg10 : memref<100x128xf32, #tpu.memory_space<vmem>>)
      %dma_start3A_462 = arith.constant 14 : i32
      %dma_start3A_463 = arith.constant 0 : i32
      %dma_start3A_464 = tpu.memref_slice %arg7[%dma_start3A_462, %dma_start3A_463] : memref<25x100xi32, #tpu.memory_space<vmem>> -> memref<1x100xi32, #tpu.memory_space<vmem>>
      %dma_start3A_465 = tpu.memref_squeeze %dma_start3A_464 : memref<1x100xi32, #tpu.memory_space<vmem>> -> memref<100xi32, #tpu.memory_space<vmem>>
      %dma_start3A_466 = arith.constant 0 : i32
      %dma_start3A_467 = arith.constant 0 : i32
      %dma_start3A_468 = tpu.memref_slice %arg11[%dma_start3A_466, %dma_start3A_467] : memref<10240x128xf32, #tpu.memory_space<vmem_shared>> -> memref<10240x128xf32, #tpu.memory_space<vmem_shared>>
      tpu.enqueue_indirect_dma source(%arg10 : memref<100x128xf32, #tpu.memory_space<vmem>>) target(%dma_start3A_468 : memref<10240x128xf32, #tpu.memory_space<vmem_shared>>) offsets(%dma_start3A_465 : memref<100xi32, #tpu.memory_space<vmem>>) semaphore(%arg17 : memref<!tpu.dma_semaphore, #tpu.memory_space<semaphore_mem>>) {add = true}
      %dma_wait3A_469 = arith.constant 0 : i32
      %dma_wait3A_470 = arith.constant 0 : i32
      %dma_wait3A_471 = tpu.memref_slice %arg7[%dma_wait3A_469, %dma_wait3A_470] : memref<25x100xi32, #tpu.memory_space<vmem>> -> memref<1x100xi32, #tpu.memory_space<vmem>>
      %dma_wait3A_472 = tpu.memref_squeeze %dma_wait3A_471 : memref<1x100xi32, #tpu.memory_space<vmem>> -> memref<100xi32, #tpu.memory_space<vmem>>
      %dma_wait3A_473 = arith.constant 0 : i32
      %dma_wait3A_474 = arith.constant 0 : i32
      %dma_wait3A_475 = tpu.memref_slice %arg11[%dma_wait3A_473, %dma_wait3A_474] : memref<10240x128xf32, #tpu.memory_space<vmem_shared>> -> memref<10240x128xf32, #tpu.memory_space<vmem_shared>>
      tpu.wait_indirect_dma semaphore(%arg16 : memref<!tpu.dma_semaphore, #tpu.memory_space<semaphore_mem>>) src(%arg9 : memref<100x128xf32, #tpu.memory_space<vmem>>) dst(%dma_wait3A_475 : memref<10240x128xf32, #tpu.memory_space<vmem_shared>>)
      %dma_start3A_476 = arith.constant 16 : i32
      %dma_start3A_477 = arith.constant 0 : i32
      %dma_start3A_478 = tpu.memref_slice %arg6[%dma_start3A_476, %dma_start3A_477] : memref<25x100xi32, #tpu.memory_space<vmem>> -> memref<1x100xi32, #tpu.memory_space<vmem>>
      %dma_start3A_479 = tpu.memref_squeeze %dma_start3A_478 : memref<1x100xi32, #tpu.memory_space<vmem>> -> memref<100xi32, #tpu.memory_space<vmem>>
      %dma_start3A_480 = arith.constant 0 : i32
      %dma_start3A_481 = arith.constant 0 : i32
      %dma_start3A_482 = tpu.memref_slice %arg2[%dma_start3A_480, %dma_start3A_481] : memref<10000x128xf32, #tpu.memory_space<hbm>> -> memref<10000x128xf32, #tpu.memory_space<hbm>>
      tpu.enqueue_indirect_dma source(%dma_start3A_482 : memref<10000x128xf32, #tpu.memory_space<hbm>>) target(%arg9 : memref<100x128xf32, #tpu.memory_space<vmem>>) offsets(%dma_start3A_479 : memref<100xi32, #tpu.memory_space<vmem>>) semaphore(%arg13 : memref<!tpu.dma_semaphore, #tpu.memory_space<semaphore_mem>>)
      %dma_wait3A_483 = arith.constant 15 : i32
      %dma_wait3A_484 = arith.constant 0 : i32
      %dma_wait3A_485 = tpu.memref_slice %arg6[%dma_wait3A_483, %dma_wait3A_484] : memref<25x100xi32, #tpu.memory_space<vmem>> -> memref<1x100xi32, #tpu.memory_space<vmem>>
      %dma_wait3A_486 = tpu.memref_squeeze %dma_wait3A_485 : memref<1x100xi32, #tpu.memory_space<vmem>> -> memref<100xi32, #tpu.memory_space<vmem>>
      %dma_wait3A_487 = arith.constant 0 : i32
      %dma_wait3A_488 = arith.constant 0 : i32
      %dma_wait3A_489 = tpu.memref_slice %arg2[%dma_wait3A_487, %dma_wait3A_488] : memref<10000x128xf32, #tpu.memory_space<hbm>> -> memref<10000x128xf32, #tpu.memory_space<hbm>>
      tpu.wait_indirect_dma semaphore(%arg12 : memref<!tpu.dma_semaphore, #tpu.memory_space<semaphore_mem>>) src(%dma_wait3A_489 : memref<10000x128xf32, #tpu.memory_space<hbm>>) dst(%arg8 : memref<100x128xf32, #tpu.memory_space<vmem>>)
      %dma_start3A_490 = arith.constant 15 : i32
      %dma_start3A_491 = arith.constant 0 : i32
      %dma_start3A_492 = tpu.memref_slice %arg7[%dma_start3A_490, %dma_start3A_491] : memref<25x100xi32, #tpu.memory_space<vmem>> -> memref<1x100xi32, #tpu.memory_space<vmem>>
      %dma_start3A_493 = tpu.memref_squeeze %dma_start3A_492 : memref<1x100xi32, #tpu.memory_space<vmem>> -> memref<100xi32, #tpu.memory_space<vmem>>
      %dma_start3A_494 = arith.constant 0 : i32
      %dma_start3A_495 = arith.constant 0 : i32
      %dma_start3A_496 = tpu.memref_slice %arg11[%dma_start3A_494, %dma_start3A_495] : memref<10240x128xf32, #tpu.memory_space<vmem_shared>> -> memref<10240x128xf32, #tpu.memory_space<vmem_shared>>
      tpu.enqueue_indirect_dma source(%arg8 : memref<100x128xf32, #tpu.memory_space<vmem>>) target(%dma_start3A_496 : memref<10240x128xf32, #tpu.memory_space<vmem_shared>>) offsets(%dma_start3A_493 : memref<100xi32, #tpu.memory_space<vmem>>) semaphore(%arg15 : memref<!tpu.dma_semaphore, #tpu.memory_space<semaphore_mem>>) {add = true}
      %dma_wait3A_497 = arith.constant 0 : i32
      %dma_wait3A_498 = arith.constant 0 : i32
      %dma_wait3A_499 = tpu.memref_slice %arg7[%dma_wait3A_497, %dma_wait3A_498] : memref<25x100xi32, #tpu.memory_space<vmem>> -> memref<1x100xi32, #tpu.memory_space<vmem>>
      %dma_wait3A_500 = tpu.memref_squeeze %dma_wait3A_499 : memref<1x100xi32, #tpu.memory_space<vmem>> -> memref<100xi32, #tpu.memory_space<vmem>>
      %dma_wait3A_501 = arith.constant 0 : i32
      %dma_wait3A_502 = arith.constant 0 : i32
      %dma_wait3A_503 = tpu.memref_slice %arg11[%dma_wait3A_501, %dma_wait3A_502] : memref<10240x128xf32, #tpu.memory_space<vmem_shared>> -> memref<10240x128xf32, #tpu.memory_space<vmem_shared>>
      tpu.wait_indirect_dma semaphore(%arg17 : memref<!tpu.dma_semaphore, #tpu.memory_space<semaphore_mem>>) src(%arg10 : memref<100x128xf32, #tpu.memory_space<vmem>>) dst(%dma_wait3A_503 : memref<10240x128xf32, #tpu.memory_space<vmem_shared>>)
      %dma_start3A_504 = arith.constant 17 : i32
      %dma_start3A_505 = arith.constant 0 : i32
      %dma_start3A_506 = tpu.memref_slice %arg6[%dma_start3A_504, %dma_start3A_505] : memref<25x100xi32, #tpu.memory_space<vmem>> -> memref<1x100xi32, #tpu.memory_space<vmem>>
      %dma_start3A_507 = tpu.memref_squeeze %dma_start3A_506 : memref<1x100xi32, #tpu.memory_space<vmem>> -> memref<100xi32, #tpu.memory_space<vmem>>
      %dma_start3A_508 = arith.constant 0 : i32
      %dma_start3A_509 = arith.constant 0 : i32
      %dma_start3A_510 = tpu.memref_slice %arg2[%dma_start3A_508, %dma_start3A_509] : memref<10000x128xf32, #tpu.memory_space<hbm>> -> memref<10000x128xf32, #tpu.memory_space<hbm>>
      tpu.enqueue_indirect_dma source(%dma_start3A_510 : memref<10000x128xf32, #tpu.memory_space<hbm>>) target(%arg10 : memref<100x128xf32, #tpu.memory_space<vmem>>) offsets(%dma_start3A_507 : memref<100xi32, #tpu.memory_space<vmem>>) semaphore(%arg14 : memref<!tpu.dma_semaphore, #tpu.memory_space<semaphore_mem>>)
      %dma_wait3A_511 = arith.constant 16 : i32
      %dma_wait3A_512 = arith.constant 0 : i32
      %dma_wait3A_513 = tpu.memref_slice %arg6[%dma_wait3A_511, %dma_wait3A_512] : memref<25x100xi32, #tpu.memory_space<vmem>> -> memref<1x100xi32, #tpu.memory_space<vmem>>
      %dma_wait3A_514 = tpu.memref_squeeze %dma_wait3A_513 : memref<1x100xi32, #tpu.memory_space<vmem>> -> memref<100xi32, #tpu.memory_space<vmem>>
      %dma_wait3A_515 = arith.constant 0 : i32
      %dma_wait3A_516 = arith.constant 0 : i32
      %dma_wait3A_517 = tpu.memref_slice %arg2[%dma_wait3A_515, %dma_wait3A_516] : memref<10000x128xf32, #tpu.memory_space<hbm>> -> memref<10000x128xf32, #tpu.memory_space<hbm>>
      tpu.wait_indirect_dma semaphore(%arg13 : memref<!tpu.dma_semaphore, #tpu.memory_space<semaphore_mem>>) src(%dma_wait3A_517 : memref<10000x128xf32, #tpu.memory_space<hbm>>) dst(%arg9 : memref<100x128xf32, #tpu.memory_space<vmem>>)
      %dma_start3A_518 = arith.constant 16 : i32
      %dma_start3A_519 = arith.constant 0 : i32
      %dma_start3A_520 = tpu.memref_slice %arg7[%dma_start3A_518, %dma_start3A_519] : memref<25x100xi32, #tpu.memory_space<vmem>> -> memref<1x100xi32, #tpu.memory_space<vmem>>
      %dma_start3A_521 = tpu.memref_squeeze %dma_start3A_520 : memref<1x100xi32, #tpu.memory_space<vmem>> -> memref<100xi32, #tpu.memory_space<vmem>>
      %dma_start3A_522 = arith.constant 0 : i32
      %dma_start3A_523 = arith.constant 0 : i32
      %dma_start3A_524 = tpu.memref_slice %arg11[%dma_start3A_522, %dma_start3A_523] : memref<10240x128xf32, #tpu.memory_space<vmem_shared>> -> memref<10240x128xf32, #tpu.memory_space<vmem_shared>>
      tpu.enqueue_indirect_dma source(%arg9 : memref<100x128xf32, #tpu.memory_space<vmem>>) target(%dma_start3A_524 : memref<10240x128xf32, #tpu.memory_space<vmem_shared>>) offsets(%dma_start3A_521 : memref<100xi32, #tpu.memory_space<vmem>>) semaphore(%arg16 : memref<!tpu.dma_semaphore, #tpu.memory_space<semaphore_mem>>) {add = true}
      %dma_wait3A_525 = arith.constant 0 : i32
      %dma_wait3A_526 = arith.constant 0 : i32
      %dma_wait3A_527 = tpu.memref_slice %arg7[%dma_wait3A_525, %dma_wait3A_526] : memref<25x100xi32, #tpu.memory_space<vmem>> -> memref<1x100xi32, #tpu.memory_space<vmem>>
      %dma_wait3A_528 = tpu.memref_squeeze %dma_wait3A_527 : memref<1x100xi32, #tpu.memory_space<vmem>> -> memref<100xi32, #tpu.memory_space<vmem>>
      %dma_wait3A_529 = arith.constant 0 : i32
      %dma_wait3A_530 = arith.constant 0 : i32
      %dma_wait3A_531 = tpu.memref_slice %arg11[%dma_wait3A_529, %dma_wait3A_530] : memref<10240x128xf32, #tpu.memory_space<vmem_shared>> -> memref<10240x128xf32, #tpu.memory_space<vmem_shared>>
      tpu.wait_indirect_dma semaphore(%arg15 : memref<!tpu.dma_semaphore, #tpu.memory_space<semaphore_mem>>) src(%arg8 : memref<100x128xf32, #tpu.memory_space<vmem>>) dst(%dma_wait3A_531 : memref<10240x128xf32, #tpu.memory_space<vmem_shared>>)
      %dma_start3A_532 = arith.constant 18 : i32
      %dma_start3A_533 = arith.constant 0 : i32
      %dma_start3A_534 = tpu.memref_slice %arg6[%dma_start3A_532, %dma_start3A_533] : memref<25x100xi32, #tpu.memory_space<vmem>> -> memref<1x100xi32, #tpu.memory_space<vmem>>
      %dma_start3A_535 = tpu.memref_squeeze %dma_start3A_534 : memref<1x100xi32, #tpu.memory_space<vmem>> -> memref<100xi32, #tpu.memory_space<vmem>>
      %dma_start3A_536 = arith.constant 0 : i32
      %dma_start3A_537 = arith.constant 0 : i32
      %dma_start3A_538 = tpu.memref_slice %arg2[%dma_start3A_536, %dma_start3A_537] : memref<10000x128xf32, #tpu.memory_space<hbm>> -> memref<10000x128xf32, #tpu.memory_space<hbm>>
      tpu.enqueue_indirect_dma source(%dma_start3A_538 : memref<10000x128xf32, #tpu.memory_space<hbm>>) target(%arg8 : memref<100x128xf32, #tpu.memory_space<vmem>>) offsets(%dma_start3A_535 : memref<100xi32, #tpu.memory_space<vmem>>) semaphore(%arg12 : memref<!tpu.dma_semaphore, #tpu.memory_space<semaphore_mem>>)
      %dma_wait3A_539 = arith.constant 17 : i32
      %dma_wait3A_540 = arith.constant 0 : i32
      %dma_wait3A_541 = tpu.memref_slice %arg6[%dma_wait3A_539, %dma_wait3A_540] : memref<25x100xi32, #tpu.memory_space<vmem>> -> memref<1x100xi32, #tpu.memory_space<vmem>>
      %dma_wait3A_542 = tpu.memref_squeeze %dma_wait3A_541 : memref<1x100xi32, #tpu.memory_space<vmem>> -> memref<100xi32, #tpu.memory_space<vmem>>
      %dma_wait3A_543 = arith.constant 0 : i32
      %dma_wait3A_544 = arith.constant 0 : i32
      %dma_wait3A_545 = tpu.memref_slice %arg2[%dma_wait3A_543, %dma_wait3A_544] : memref<10000x128xf32, #tpu.memory_space<hbm>> -> memref<10000x128xf32, #tpu.memory_space<hbm>>
      tpu.wait_indirect_dma semaphore(%arg14 : memref<!tpu.dma_semaphore, #tpu.memory_space<semaphore_mem>>) src(%dma_wait3A_545 : memref<10000x128xf32, #tpu.memory_space<hbm>>) dst(%arg10 : memref<100x128xf32, #tpu.memory_space<vmem>>)
      %dma_start3A_546 = arith.constant 17 : i32
      %dma_start3A_547 = arith.constant 0 : i32
      %dma_start3A_548 = tpu.memref_slice %arg7[%dma_start3A_546, %dma_start3A_547] : memref<25x100xi32, #tpu.memory_space<vmem>> -> memref<1x100xi32, #tpu.memory_space<vmem>>
      %dma_start3A_549 = tpu.memref_squeeze %dma_start3A_548 : memref<1x100xi32, #tpu.memory_space<vmem>> -> memref<100xi32, #tpu.memory_space<vmem>>
      %dma_start3A_550 = arith.constant 0 : i32
      %dma_start3A_551 = arith.constant 0 : i32
      %dma_start3A_552 = tpu.memref_slice %arg11[%dma_start3A_550, %dma_start3A_551] : memref<10240x128xf32, #tpu.memory_space<vmem_shared>> -> memref<10240x128xf32, #tpu.memory_space<vmem_shared>>
      tpu.enqueue_indirect_dma source(%arg10 : memref<100x128xf32, #tpu.memory_space<vmem>>) target(%dma_start3A_552 : memref<10240x128xf32, #tpu.memory_space<vmem_shared>>) offsets(%dma_start3A_549 : memref<100xi32, #tpu.memory_space<vmem>>) semaphore(%arg17 : memref<!tpu.dma_semaphore, #tpu.memory_space<semaphore_mem>>) {add = true}
      %dma_wait3A_553 = arith.constant 0 : i32
      %dma_wait3A_554 = arith.constant 0 : i32
      %dma_wait3A_555 = tpu.memref_slice %arg7[%dma_wait3A_553, %dma_wait3A_554] : memref<25x100xi32, #tpu.memory_space<vmem>> -> memref<1x100xi32, #tpu.memory_space<vmem>>
      %dma_wait3A_556 = tpu.memref_squeeze %dma_wait3A_555 : memref<1x100xi32, #tpu.memory_space<vmem>> -> memref<100xi32, #tpu.memory_space<vmem>>
      %dma_wait3A_557 = arith.constant 0 : i32
      %dma_wait3A_558 = arith.constant 0 : i32
      %dma_wait3A_559 = tpu.memref_slice %arg11[%dma_wait3A_557, %dma_wait3A_558] : memref<10240x128xf32, #tpu.memory_space<vmem_shared>> -> memref<10240x128xf32, #tpu.memory_space<vmem_shared>>
      tpu.wait_indirect_dma semaphore(%arg16 : memref<!tpu.dma_semaphore, #tpu.memory_space<semaphore_mem>>) src(%arg9 : memref<100x128xf32, #tpu.memory_space<vmem>>) dst(%dma_wait3A_559 : memref<10240x128xf32, #tpu.memory_space<vmem_shared>>)
      %dma_start3A_560 = arith.constant 19 : i32
      %dma_start3A_561 = arith.constant 0 : i32
      %dma_start3A_562 = tpu.memref_slice %arg6[%dma_start3A_560, %dma_start3A_561] : memref<25x100xi32, #tpu.memory_space<vmem>> -> memref<1x100xi32, #tpu.memory_space<vmem>>
      %dma_start3A_563 = tpu.memref_squeeze %dma_start3A_562 : memref<1x100xi32, #tpu.memory_space<vmem>> -> memref<100xi32, #tpu.memory_space<vmem>>
      %dma_start3A_564 = arith.constant 0 : i32
      %dma_start3A_565 = arith.constant 0 : i32
      %dma_start3A_566 = tpu.memref_slice %arg2[%dma_start3A_564, %dma_start3A_565] : memref<10000x128xf32, #tpu.memory_space<hbm>> -> memref<10000x128xf32, #tpu.memory_space<hbm>>
      tpu.enqueue_indirect_dma source(%dma_start3A_566 : memref<10000x128xf32, #tpu.memory_space<hbm>>) target(%arg9 : memref<100x128xf32, #tpu.memory_space<vmem>>) offsets(%dma_start3A_563 : memref<100xi32, #tpu.memory_space<vmem>>) semaphore(%arg13 : memref<!tpu.dma_semaphore, #tpu.memory_space<semaphore_mem>>)
      %dma_wait3A_567 = arith.constant 18 : i32
      %dma_wait3A_568 = arith.constant 0 : i32
      %dma_wait3A_569 = tpu.memref_slice %arg6[%dma_wait3A_567, %dma_wait3A_568] : memref<25x100xi32, #tpu.memory_space<vmem>> -> memref<1x100xi32, #tpu.memory_space<vmem>>
      %dma_wait3A_570 = tpu.memref_squeeze %dma_wait3A_569 : memref<1x100xi32, #tpu.memory_space<vmem>> -> memref<100xi32, #tpu.memory_space<vmem>>
      %dma_wait3A_571 = arith.constant 0 : i32
      %dma_wait3A_572 = arith.constant 0 : i32
      %dma_wait3A_573 = tpu.memref_slice %arg2[%dma_wait3A_571, %dma_wait3A_572] : memref<10000x128xf32, #tpu.memory_space<hbm>> -> memref<10000x128xf32, #tpu.memory_space<hbm>>
      tpu.wait_indirect_dma semaphore(%arg12 : memref<!tpu.dma_semaphore, #tpu.memory_space<semaphore_mem>>) src(%dma_wait3A_573 : memref<10000x128xf32, #tpu.memory_space<hbm>>) dst(%arg8 : memref<100x128xf32, #tpu.memory_space<vmem>>)
      %dma_start3A_574 = arith.constant 18 : i32
      %dma_start3A_575 = arith.constant 0 : i32
      %dma_start3A_576 = tpu.memref_slice %arg7[%dma_start3A_574, %dma_start3A_575] : memref<25x100xi32, #tpu.memory_space<vmem>> -> memref<1x100xi32, #tpu.memory_space<vmem>>
      %dma_start3A_577 = tpu.memref_squeeze %dma_start3A_576 : memref<1x100xi32, #tpu.memory_space<vmem>> -> memref<100xi32, #tpu.memory_space<vmem>>
      %dma_start3A_578 = arith.constant 0 : i32
      %dma_start3A_579 = arith.constant 0 : i32
      %dma_start3A_580 = tpu.memref_slice %arg11[%dma_start3A_578, %dma_start3A_579] : memref<10240x128xf32, #tpu.memory_space<vmem_shared>> -> memref<10240x128xf32, #tpu.memory_space<vmem_shared>>
      tpu.enqueue_indirect_dma source(%arg8 : memref<100x128xf32, #tpu.memory_space<vmem>>) target(%dma_start3A_580 : memref<10240x128xf32, #tpu.memory_space<vmem_shared>>) offsets(%dma_start3A_577 : memref<100xi32, #tpu.memory_space<vmem>>) semaphore(%arg15 : memref<!tpu.dma_semaphore, #tpu.memory_space<semaphore_mem>>) {add = true}
      %dma_wait3A_581 = arith.constant 0 : i32
      %dma_wait3A_582 = arith.constant 0 : i32
      %dma_wait3A_583 = tpu.memref_slice %arg7[%dma_wait3A_581, %dma_wait3A_582] : memref<25x100xi32, #tpu.memory_space<vmem>> -> memref<1x100xi32, #tpu.memory_space<vmem>>
      %dma_wait3A_584 = tpu.memref_squeeze %dma_wait3A_583 : memref<1x100xi32, #tpu.memory_space<vmem>> -> memref<100xi32, #tpu.memory_space<vmem>>
      %dma_wait3A_585 = arith.constant 0 : i32
      %dma_wait3A_586 = arith.constant 0 : i32
      %dma_wait3A_587 = tpu.memref_slice %arg11[%dma_wait3A_585, %dma_wait3A_586] : memref<10240x128xf32, #tpu.memory_space<vmem_shared>> -> memref<10240x128xf32, #tpu.memory_space<vmem_shared>>
      tpu.wait_indirect_dma semaphore(%arg17 : memref<!tpu.dma_semaphore, #tpu.memory_space<semaphore_mem>>) src(%arg10 : memref<100x128xf32, #tpu.memory_space<vmem>>) dst(%dma_wait3A_587 : memref<10240x128xf32, #tpu.memory_space<vmem_shared>>)
      %dma_start3A_588 = arith.constant 20 : i32
      %dma_start3A_589 = arith.constant 0 : i32
      %dma_start3A_590 = tpu.memref_slice %arg6[%dma_start3A_588, %dma_start3A_589] : memref<25x100xi32, #tpu.memory_space<vmem>> -> memref<1x100xi32, #tpu.memory_space<vmem>>
      %dma_start3A_591 = tpu.memref_squeeze %dma_start3A_590 : memref<1x100xi32, #tpu.memory_space<vmem>> -> memref<100xi32, #tpu.memory_space<vmem>>
      %dma_start3A_592 = arith.constant 0 : i32
      %dma_start3A_593 = arith.constant 0 : i32
      %dma_start3A_594 = tpu.memref_slice %arg2[%dma_start3A_592, %dma_start3A_593] : memref<10000x128xf32, #tpu.memory_space<hbm>> -> memref<10000x128xf32, #tpu.memory_space<hbm>>
      tpu.enqueue_indirect_dma source(%dma_start3A_594 : memref<10000x128xf32, #tpu.memory_space<hbm>>) target(%arg10 : memref<100x128xf32, #tpu.memory_space<vmem>>) offsets(%dma_start3A_591 : memref<100xi32, #tpu.memory_space<vmem>>) semaphore(%arg14 : memref<!tpu.dma_semaphore, #tpu.memory_space<semaphore_mem>>)
      %dma_wait3A_595 = arith.constant 19 : i32
      %dma_wait3A_596 = arith.constant 0 : i32
      %dma_wait3A_597 = tpu.memref_slice %arg6[%dma_wait3A_595, %dma_wait3A_596] : memref<25x100xi32, #tpu.memory_space<vmem>> -> memref<1x100xi32, #tpu.memory_space<vmem>>
      %dma_wait3A_598 = tpu.memref_squeeze %dma_wait3A_597 : memref<1x100xi32, #tpu.memory_space<vmem>> -> memref<100xi32, #tpu.memory_space<vmem>>
      %dma_wait3A_599 = arith.constant 0 : i32
      %dma_wait3A_600 = arith.constant 0 : i32
      %dma_wait3A_601 = tpu.memref_slice %arg2[%dma_wait3A_599, %dma_wait3A_600] : memref<10000x128xf32, #tpu.memory_space<hbm>> -> memref<10000x128xf32, #tpu.memory_space<hbm>>
      tpu.wait_indirect_dma semaphore(%arg13 : memref<!tpu.dma_semaphore, #tpu.memory_space<semaphore_mem>>) src(%dma_wait3A_601 : memref<10000x128xf32, #tpu.memory_space<hbm>>) dst(%arg9 : memref<100x128xf32, #tpu.memory_space<vmem>>)
      %dma_start3A_602 = arith.constant 19 : i32
      %dma_start3A_603 = arith.constant 0 : i32
      %dma_start3A_604 = tpu.memref_slice %arg7[%dma_start3A_602, %dma_start3A_603] : memref<25x100xi32, #tpu.memory_space<vmem>> -> memref<1x100xi32, #tpu.memory_space<vmem>>
      %dma_start3A_605 = tpu.memref_squeeze %dma_start3A_604 : memref<1x100xi32, #tpu.memory_space<vmem>> -> memref<100xi32, #tpu.memory_space<vmem>>
      %dma_start3A_606 = arith.constant 0 : i32
      %dma_start3A_607 = arith.constant 0 : i32
      %dma_start3A_608 = tpu.memref_slice %arg11[%dma_start3A_606, %dma_start3A_607] : memref<10240x128xf32, #tpu.memory_space<vmem_shared>> -> memref<10240x128xf32, #tpu.memory_space<vmem_shared>>
      tpu.enqueue_indirect_dma source(%arg9 : memref<100x128xf32, #tpu.memory_space<vmem>>) target(%dma_start3A_608 : memref<10240x128xf32, #tpu.memory_space<vmem_shared>>) offsets(%dma_start3A_605 : memref<100xi32, #tpu.memory_space<vmem>>) semaphore(%arg16 : memref<!tpu.dma_semaphore, #tpu.memory_space<semaphore_mem>>) {add = true}
      %dma_wait3A_609 = arith.constant 0 : i32
      %dma_wait3A_610 = arith.constant 0 : i32
      %dma_wait3A_611 = tpu.memref_slice %arg7[%dma_wait3A_609, %dma_wait3A_610] : memref<25x100xi32, #tpu.memory_space<vmem>> -> memref<1x100xi32, #tpu.memory_space<vmem>>
      %dma_wait3A_612 = tpu.memref_squeeze %dma_wait3A_611 : memref<1x100xi32, #tpu.memory_space<vmem>> -> memref<100xi32, #tpu.memory_space<vmem>>
      %dma_wait3A_613 = arith.constant 0 : i32
      %dma_wait3A_614 = arith.constant 0 : i32
      %dma_wait3A_615 = tpu.memref_slice %arg11[%dma_wait3A_613, %dma_wait3A_614] : memref<10240x128xf32, #tpu.memory_space<vmem_shared>> -> memref<10240x128xf32, #tpu.memory_space<vmem_shared>>
      tpu.wait_indirect_dma semaphore(%arg15 : memref<!tpu.dma_semaphore, #tpu.memory_space<semaphore_mem>>) src(%arg8 : memref<100x128xf32, #tpu.memory_space<vmem>>) dst(%dma_wait3A_615 : memref<10240x128xf32, #tpu.memory_space<vmem_shared>>)
      %dma_start3A_616 = arith.constant 21 : i32
      %dma_start3A_617 = arith.constant 0 : i32
      %dma_start3A_618 = tpu.memref_slice %arg6[%dma_start3A_616, %dma_start3A_617] : memref<25x100xi32, #tpu.memory_space<vmem>> -> memref<1x100xi32, #tpu.memory_space<vmem>>
      %dma_start3A_619 = tpu.memref_squeeze %dma_start3A_618 : memref<1x100xi32, #tpu.memory_space<vmem>> -> memref<100xi32, #tpu.memory_space<vmem>>
      %dma_start3A_620 = arith.constant 0 : i32
      %dma_start3A_621 = arith.constant 0 : i32
      %dma_start3A_622 = tpu.memref_slice %arg2[%dma_start3A_620, %dma_start3A_621] : memref<10000x128xf32, #tpu.memory_space<hbm>> -> memref<10000x128xf32, #tpu.memory_space<hbm>>
      tpu.enqueue_indirect_dma source(%dma_start3A_622 : memref<10000x128xf32, #tpu.memory_space<hbm>>) target(%arg8 : memref<100x128xf32, #tpu.memory_space<vmem>>) offsets(%dma_start3A_619 : memref<100xi32, #tpu.memory_space<vmem>>) semaphore(%arg12 : memref<!tpu.dma_semaphore, #tpu.memory_space<semaphore_mem>>)
      %dma_wait3A_623 = arith.constant 20 : i32
      %dma_wait3A_624 = arith.constant 0 : i32
      %dma_wait3A_625 = tpu.memref_slice %arg6[%dma_wait3A_623, %dma_wait3A_624] : memref<25x100xi32, #tpu.memory_space<vmem>> -> memref<1x100xi32, #tpu.memory_space<vmem>>
      %dma_wait3A_626 = tpu.memref_squeeze %dma_wait3A_625 : memref<1x100xi32, #tpu.memory_space<vmem>> -> memref<100xi32, #tpu.memory_space<vmem>>
      %dma_wait3A_627 = arith.constant 0 : i32
      %dma_wait3A_628 = arith.constant 0 : i32
      %dma_wait3A_629 = tpu.memref_slice %arg2[%dma_wait3A_627, %dma_wait3A_628] : memref<10000x128xf32, #tpu.memory_space<hbm>> -> memref<10000x128xf32, #tpu.memory_space<hbm>>
      tpu.wait_indirect_dma semaphore(%arg14 : memref<!tpu.dma_semaphore, #tpu.memory_space<semaphore_mem>>) src(%dma_wait3A_629 : memref<10000x128xf32, #tpu.memory_space<hbm>>) dst(%arg10 : memref<100x128xf32, #tpu.memory_space<vmem>>)
      %dma_start3A_630 = arith.constant 20 : i32
      %dma_start3A_631 = arith.constant 0 : i32
      %dma_start3A_632 = tpu.memref_slice %arg7[%dma_start3A_630, %dma_start3A_631] : memref<25x100xi32, #tpu.memory_space<vmem>> -> memref<1x100xi32, #tpu.memory_space<vmem>>
      %dma_start3A_633 = tpu.memref_squeeze %dma_start3A_632 : memref<1x100xi32, #tpu.memory_space<vmem>> -> memref<100xi32, #tpu.memory_space<vmem>>
      %dma_start3A_634 = arith.constant 0 : i32
      %dma_start3A_635 = arith.constant 0 : i32
      %dma_start3A_636 = tpu.memref_slice %arg11[%dma_start3A_634, %dma_start3A_635] : memref<10240x128xf32, #tpu.memory_space<vmem_shared>> -> memref<10240x128xf32, #tpu.memory_space<vmem_shared>>
      tpu.enqueue_indirect_dma source(%arg10 : memref<100x128xf32, #tpu.memory_space<vmem>>) target(%dma_start3A_636 : memref<10240x128xf32, #tpu.memory_space<vmem_shared>>) offsets(%dma_start3A_633 : memref<100xi32, #tpu.memory_space<vmem>>) semaphore(%arg17 : memref<!tpu.dma_semaphore, #tpu.memory_space<semaphore_mem>>) {add = true}
      %dma_wait3A_637 = arith.constant 0 : i32
      %dma_wait3A_638 = arith.constant 0 : i32
      %dma_wait3A_639 = tpu.memref_slice %arg7[%dma_wait3A_637, %dma_wait3A_638] : memref<25x100xi32, #tpu.memory_space<vmem>> -> memref<1x100xi32, #tpu.memory_space<vmem>>
      %dma_wait3A_640 = tpu.memref_squeeze %dma_wait3A_639 : memref<1x100xi32, #tpu.memory_space<vmem>> -> memref<100xi32, #tpu.memory_space<vmem>>
      %dma_wait3A_641 = arith.constant 0 : i32
      %dma_wait3A_642 = arith.constant 0 : i32
      %dma_wait3A_643 = tpu.memref_slice %arg11[%dma_wait3A_641, %dma_wait3A_642] : memref<10240x128xf32, #tpu.memory_space<vmem_shared>> -> memref<10240x128xf32, #tpu.memory_space<vmem_shared>>
      tpu.wait_indirect_dma semaphore(%arg16 : memref<!tpu.dma_semaphore, #tpu.memory_space<semaphore_mem>>) src(%arg9 : memref<100x128xf32, #tpu.memory_space<vmem>>) dst(%dma_wait3A_643 : memref<10240x128xf32, #tpu.memory_space<vmem_shared>>)
      %dma_start3A_644 = arith.constant 22 : i32
      %dma_start3A_645 = arith.constant 0 : i32
      %dma_start3A_646 = tpu.memref_slice %arg6[%dma_start3A_644, %dma_start3A_645] : memref<25x100xi32, #tpu.memory_space<vmem>> -> memref<1x100xi32, #tpu.memory_space<vmem>>
      %dma_start3A_647 = tpu.memref_squeeze %dma_start3A_646 : memref<1x100xi32, #tpu.memory_space<vmem>> -> memref<100xi32, #tpu.memory_space<vmem>>
      %dma_start3A_648 = arith.constant 0 : i32
      %dma_start3A_649 = arith.constant 0 : i32
      %dma_start3A_650 = tpu.memref_slice %arg2[%dma_start3A_648, %dma_start3A_649] : memref<10000x128xf32, #tpu.memory_space<hbm>> -> memref<10000x128xf32, #tpu.memory_space<hbm>>
      tpu.enqueue_indirect_dma source(%dma_start3A_650 : memref<10000x128xf32, #tpu.memory_space<hbm>>) target(%arg9 : memref<100x128xf32, #tpu.memory_space<vmem>>) offsets(%dma_start3A_647 : memref<100xi32, #tpu.memory_space<vmem>>) semaphore(%arg13 : memref<!tpu.dma_semaphore, #tpu.memory_space<semaphore_mem>>)
      %dma_wait3A_651 = arith.constant 21 : i32
      %dma_wait3A_652 = arith.constant 0 : i32
      %dma_wait3A_653 = tpu.memref_slice %arg6[%dma_wait3A_651, %dma_wait3A_652] : memref<25x100xi32, #tpu.memory_space<vmem>> -> memref<1x100xi32, #tpu.memory_space<vmem>>
      %dma_wait3A_654 = tpu.memref_squeeze %dma_wait3A_653 : memref<1x100xi32, #tpu.memory_space<vmem>> -> memref<100xi32, #tpu.memory_space<vmem>>
      %dma_wait3A_655 = arith.constant 0 : i32
      %dma_wait3A_656 = arith.constant 0 : i32
      %dma_wait3A_657 = tpu.memref_slice %arg2[%dma_wait3A_655, %dma_wait3A_656] : memref<10000x128xf32, #tpu.memory_space<hbm>> -> memref<10000x128xf32, #tpu.memory_space<hbm>>
      tpu.wait_indirect_dma semaphore(%arg12 : memref<!tpu.dma_semaphore, #tpu.memory_space<semaphore_mem>>) src(%dma_wait3A_657 : memref<10000x128xf32, #tpu.memory_space<hbm>>) dst(%arg8 : memref<100x128xf32, #tpu.memory_space<vmem>>)
      %dma_start3A_658 = arith.constant 21 : i32
      %dma_start3A_659 = arith.constant 0 : i32
      %dma_start3A_660 = tpu.memref_slice %arg7[%dma_start3A_658, %dma_start3A_659] : memref<25x100xi32, #tpu.memory_space<vmem>> -> memref<1x100xi32, #tpu.memory_space<vmem>>
      %dma_start3A_661 = tpu.memref_squeeze %dma_start3A_660 : memref<1x100xi32, #tpu.memory_space<vmem>> -> memref<100xi32, #tpu.memory_space<vmem>>
      %dma_start3A_662 = arith.constant 0 : i32
      %dma_start3A_663 = arith.constant 0 : i32
      %dma_start3A_664 = tpu.memref_slice %arg11[%dma_start3A_662, %dma_start3A_663] : memref<10240x128xf32, #tpu.memory_space<vmem_shared>> -> memref<10240x128xf32, #tpu.memory_space<vmem_shared>>
      tpu.enqueue_indirect_dma source(%arg8 : memref<100x128xf32, #tpu.memory_space<vmem>>) target(%dma_start3A_664 : memref<10240x128xf32, #tpu.memory_space<vmem_shared>>) offsets(%dma_start3A_661 : memref<100xi32, #tpu.memory_space<vmem>>) semaphore(%arg15 : memref<!tpu.dma_semaphore, #tpu.memory_space<semaphore_mem>>) {add = true}
      %dma_wait3A_665 = arith.constant 0 : i32
      %dma_wait3A_666 = arith.constant 0 : i32
      %dma_wait3A_667 = tpu.memref_slice %arg7[%dma_wait3A_665, %dma_wait3A_666] : memref<25x100xi32, #tpu.memory_space<vmem>> -> memref<1x100xi32, #tpu.memory_space<vmem>>
      %dma_wait3A_668 = tpu.memref_squeeze %dma_wait3A_667 : memref<1x100xi32, #tpu.memory_space<vmem>> -> memref<100xi32, #tpu.memory_space<vmem>>
      %dma_wait3A_669 = arith.constant 0 : i32
      %dma_wait3A_670 = arith.constant 0 : i32
      %dma_wait3A_671 = tpu.memref_slice %arg11[%dma_wait3A_669, %dma_wait3A_670] : memref<10240x128xf32, #tpu.memory_space<vmem_shared>> -> memref<10240x128xf32, #tpu.memory_space<vmem_shared>>
      tpu.wait_indirect_dma semaphore(%arg17 : memref<!tpu.dma_semaphore, #tpu.memory_space<semaphore_mem>>) src(%arg10 : memref<100x128xf32, #tpu.memory_space<vmem>>) dst(%dma_wait3A_671 : memref<10240x128xf32, #tpu.memory_space<vmem_shared>>)
      %dma_start3A_672 = arith.constant 23 : i32
      %dma_start3A_673 = arith.constant 0 : i32
      %dma_start3A_674 = tpu.memref_slice %arg6[%dma_start3A_672, %dma_start3A_673] : memref<25x100xi32, #tpu.memory_space<vmem>> -> memref<1x100xi32, #tpu.memory_space<vmem>>
      %dma_start3A_675 = tpu.memref_squeeze %dma_start3A_674 : memref<1x100xi32, #tpu.memory_space<vmem>> -> memref<100xi32, #tpu.memory_space<vmem>>
      %dma_start3A_676 = arith.constant 0 : i32
      %dma_start3A_677 = arith.constant 0 : i32
      %dma_start3A_678 = tpu.memref_slice %arg2[%dma_start3A_676, %dma_start3A_677] : memref<10000x128xf32, #tpu.memory_space<hbm>> -> memref<10000x128xf32, #tpu.memory_space<hbm>>
      tpu.enqueue_indirect_dma source(%dma_start3A_678 : memref<10000x128xf32, #tpu.memory_space<hbm>>) target(%arg10 : memref<100x128xf32, #tpu.memory_space<vmem>>) offsets(%dma_start3A_675 : memref<100xi32, #tpu.memory_space<vmem>>) semaphore(%arg14 : memref<!tpu.dma_semaphore, #tpu.memory_space<semaphore_mem>>)
      %dma_wait3A_679 = arith.constant 22 : i32
      %dma_wait3A_680 = arith.constant 0 : i32
      %dma_wait3A_681 = tpu.memref_slice %arg6[%dma_wait3A_679, %dma_wait3A_680] : memref<25x100xi32, #tpu.memory_space<vmem>> -> memref<1x100xi32, #tpu.memory_space<vmem>>
      %dma_wait3A_682 = tpu.memref_squeeze %dma_wait3A_681 : memref<1x100xi32, #tpu.memory_space<vmem>> -> memref<100xi32, #tpu.memory_space<vmem>>
      %dma_wait3A_683 = arith.constant 0 : i32
      %dma_wait3A_684 = arith.constant 0 : i32
      %dma_wait3A_685 = tpu.memref_slice %arg2[%dma_wait3A_683, %dma_wait3A_684] : memref<10000x128xf32, #tpu.memory_space<hbm>> -> memref<10000x128xf32, #tpu.memory_space<hbm>>
      tpu.wait_indirect_dma semaphore(%arg13 : memref<!tpu.dma_semaphore, #tpu.memory_space<semaphore_mem>>) src(%dma_wait3A_685 : memref<10000x128xf32, #tpu.memory_space<hbm>>) dst(%arg9 : memref<100x128xf32, #tpu.memory_space<vmem>>)
      %dma_start3A_686 = arith.constant 22 : i32
      %dma_start3A_687 = arith.constant 0 : i32
      %dma_start3A_688 = tpu.memref_slice %arg7[%dma_start3A_686, %dma_start3A_687] : memref<25x100xi32, #tpu.memory_space<vmem>> -> memref<1x100xi32, #tpu.memory_space<vmem>>
      %dma_start3A_689 = tpu.memref_squeeze %dma_start3A_688 : memref<1x100xi32, #tpu.memory_space<vmem>> -> memref<100xi32, #tpu.memory_space<vmem>>
      %dma_start3A_690 = arith.constant 0 : i32
      %dma_start3A_691 = arith.constant 0 : i32
      %dma_start3A_692 = tpu.memref_slice %arg11[%dma_start3A_690, %dma_start3A_691] : memref<10240x128xf32, #tpu.memory_space<vmem_shared>> -> memref<10240x128xf32, #tpu.memory_space<vmem_shared>>
      tpu.enqueue_indirect_dma source(%arg9 : memref<100x128xf32, #tpu.memory_space<vmem>>) target(%dma_start3A_692 : memref<10240x128xf32, #tpu.memory_space<vmem_shared>>) offsets(%dma_start3A_689 : memref<100xi32, #tpu.memory_space<vmem>>) semaphore(%arg16 : memref<!tpu.dma_semaphore, #tpu.memory_space<semaphore_mem>>) {add = true}
      %dma_wait3A_693 = arith.constant 0 : i32
      %dma_wait3A_694 = arith.constant 0 : i32
      %dma_wait3A_695 = tpu.memref_slice %arg7[%dma_wait3A_693, %dma_wait3A_694] : memref<25x100xi32, #tpu.memory_space<vmem>> -> memref<1x100xi32, #tpu.memory_space<vmem>>
      %dma_wait3A_696 = tpu.memref_squeeze %dma_wait3A_695 : memref<1x100xi32, #tpu.memory_space<vmem>> -> memref<100xi32, #tpu.memory_space<vmem>>
      %dma_wait3A_697 = arith.constant 0 : i32
      %dma_wait3A_698 = arith.constant 0 : i32
      %dma_wait3A_699 = tpu.memref_slice %arg11[%dma_wait3A_697, %dma_wait3A_698] : memref<10240x128xf32, #tpu.memory_space<vmem_shared>> -> memref<10240x128xf32, #tpu.memory_space<vmem_shared>>
      tpu.wait_indirect_dma semaphore(%arg15 : memref<!tpu.dma_semaphore, #tpu.memory_space<semaphore_mem>>) src(%arg8 : memref<100x128xf32, #tpu.memory_space<vmem>>) dst(%dma_wait3A_699 : memref<10240x128xf32, #tpu.memory_space<vmem_shared>>)
      %dma_start3A_700 = arith.constant 24 : i32
      %dma_start3A_701 = arith.constant 0 : i32
      %dma_start3A_702 = tpu.memref_slice %arg6[%dma_start3A_700, %dma_start3A_701] : memref<25x100xi32, #tpu.memory_space<vmem>> -> memref<1x100xi32, #tpu.memory_space<vmem>>
      %dma_start3A_703 = tpu.memref_squeeze %dma_start3A_702 : memref<1x100xi32, #tpu.memory_space<vmem>> -> memref<100xi32, #tpu.memory_space<vmem>>
      %dma_start3A_704 = arith.constant 0 : i32
      %dma_start3A_705 = arith.constant 0 : i32
      %dma_start3A_706 = tpu.memref_slice %arg2[%dma_start3A_704, %dma_start3A_705] : memref<10000x128xf32, #tpu.memory_space<hbm>> -> memref<10000x128xf32, #tpu.memory_space<hbm>>
      tpu.enqueue_indirect_dma source(%dma_start3A_706 : memref<10000x128xf32, #tpu.memory_space<hbm>>) target(%arg8 : memref<100x128xf32, #tpu.memory_space<vmem>>) offsets(%dma_start3A_703 : memref<100xi32, #tpu.memory_space<vmem>>) semaphore(%arg12 : memref<!tpu.dma_semaphore, #tpu.memory_space<semaphore_mem>>)
      %dma_wait3A_707 = arith.constant 23 : i32
      %dma_wait3A_708 = arith.constant 0 : i32
      %dma_wait3A_709 = tpu.memref_slice %arg6[%dma_wait3A_707, %dma_wait3A_708] : memref<25x100xi32, #tpu.memory_space<vmem>> -> memref<1x100xi32, #tpu.memory_space<vmem>>
      %dma_wait3A_710 = tpu.memref_squeeze %dma_wait3A_709 : memref<1x100xi32, #tpu.memory_space<vmem>> -> memref<100xi32, #tpu.memory_space<vmem>>
      %dma_wait3A_711 = arith.constant 0 : i32
      %dma_wait3A_712 = arith.constant 0 : i32
      %dma_wait3A_713 = tpu.memref_slice %arg2[%dma_wait3A_711, %dma_wait3A_712] : memref<10000x128xf32, #tpu.memory_space<hbm>> -> memref<10000x128xf32, #tpu.memory_space<hbm>>
      tpu.wait_indirect_dma semaphore(%arg14 : memref<!tpu.dma_semaphore, #tpu.memory_space<semaphore_mem>>) src(%dma_wait3A_713 : memref<10000x128xf32, #tpu.memory_space<hbm>>) dst(%arg10 : memref<100x128xf32, #tpu.memory_space<vmem>>)
      %dma_start3A_714 = arith.constant 23 : i32
      %dma_start3A_715 = arith.constant 0 : i32
      %dma_start3A_716 = tpu.memref_slice %arg7[%dma_start3A_714, %dma_start3A_715] : memref<25x100xi32, #tpu.memory_space<vmem>> -> memref<1x100xi32, #tpu.memory_space<vmem>>
      %dma_start3A_717 = tpu.memref_squeeze %dma_start3A_716 : memref<1x100xi32, #tpu.memory_space<vmem>> -> memref<100xi32, #tpu.memory_space<vmem>>
      %dma_start3A_718 = arith.constant 0 : i32
      %dma_start3A_719 = arith.constant 0 : i32
      %dma_start3A_720 = tpu.memref_slice %arg11[%dma_start3A_718, %dma_start3A_719] : memref<10240x128xf32, #tpu.memory_space<vmem_shared>> -> memref<10240x128xf32, #tpu.memory_space<vmem_shared>>
      tpu.enqueue_indirect_dma source(%arg10 : memref<100x128xf32, #tpu.memory_space<vmem>>) target(%dma_start3A_720 : memref<10240x128xf32, #tpu.memory_space<vmem_shared>>) offsets(%dma_start3A_717 : memref<100xi32, #tpu.memory_space<vmem>>) semaphore(%arg17 : memref<!tpu.dma_semaphore, #tpu.memory_space<semaphore_mem>>) {add = true}
      %dma_wait3A_721 = arith.constant 24 : i32
      %dma_wait3A_722 = arith.constant 0 : i32
      %dma_wait3A_723 = tpu.memref_slice %arg6[%dma_wait3A_721, %dma_wait3A_722] : memref<25x100xi32, #tpu.memory_space<vmem>> -> memref<1x100xi32, #tpu.memory_space<vmem>>
      %dma_wait3A_724 = tpu.memref_squeeze %dma_wait3A_723 : memref<1x100xi32, #tpu.memory_space<vmem>> -> memref<100xi32, #tpu.memory_space<vmem>>
      %dma_wait3A_725 = arith.constant 0 : i32
      %dma_wait3A_726 = arith.constant 0 : i32
      %dma_wait3A_727 = tpu.memref_slice %arg2[%dma_wait3A_725, %dma_wait3A_726] : memref<10000x128xf32, #tpu.memory_space<hbm>> -> memref<10000x128xf32, #tpu.memory_space<hbm>>
      tpu.wait_indirect_dma semaphore(%arg12 : memref<!tpu.dma_semaphore, #tpu.memory_space<semaphore_mem>>) src(%dma_wait3A_727 : memref<10000x128xf32, #tpu.memory_space<hbm>>) dst(%arg8 : memref<100x128xf32, #tpu.memory_space<vmem>>)
      %dma_start3A_728 = arith.constant 24 : i32
      %dma_start3A_729 = arith.constant 0 : i32
      %dma_start3A_730 = tpu.memref_slice %arg7[%dma_start3A_728, %dma_start3A_729] : memref<25x100xi32, #tpu.memory_space<vmem>> -> memref<1x100xi32, #tpu.memory_space<vmem>>
      %dma_start3A_731 = tpu.memref_squeeze %dma_start3A_730 : memref<1x100xi32, #tpu.memory_space<vmem>> -> memref<100xi32, #tpu.memory_space<vmem>>
      %dma_start3A_732 = arith.constant 0 : i32
      %dma_start3A_733 = arith.constant 0 : i32
      %dma_start3A_734 = tpu.memref_slice %arg11[%dma_start3A_732, %dma_start3A_733] : memref<10240x128xf32, #tpu.memory_space<vmem_shared>> -> memref<10240x128xf32, #tpu.memory_space<vmem_shared>>
      tpu.enqueue_indirect_dma source(%arg8 : memref<100x128xf32, #tpu.memory_space<vmem>>) target(%dma_start3A_734 : memref<10240x128xf32, #tpu.memory_space<vmem_shared>>) offsets(%dma_start3A_731 : memref<100xi32, #tpu.memory_space<vmem>>) semaphore(%arg15 : memref<!tpu.dma_semaphore, #tpu.memory_space<semaphore_mem>>) {add = true}
    }
    %scan3A_18 = arith.constant 4 : i32
    %dma_wait3A = arith.constant 0 : i32
    %dma_wait3A_19 = arith.constant 0 : i32
    %dma_wait3A_20 = tpu.memref_slice %arg7[%dma_wait3A, %dma_wait3A_19] : memref<25x100xi32, #tpu.memory_space<vmem>> -> memref<1x100xi32, #tpu.memory_space<vmem>>
    %dma_wait3A_21 = tpu.memref_squeeze %dma_wait3A_20 : memref<1x100xi32, #tpu.memory_space<vmem>> -> memref<100xi32, #tpu.memory_space<vmem>>
    %dma_wait3A_22 = arith.constant 0 : i32
    %dma_wait3A_23 = arith.constant 0 : i32
    %dma_wait3A_24 = tpu.memref_slice %arg11[%dma_wait3A_22, %dma_wait3A_23] : memref<10240x128xf32, #tpu.memory_space<vmem_shared>> -> memref<10240x128xf32, #tpu.memory_space<vmem_shared>>
    tpu.wait_indirect_dma semaphore(%arg15 : memref<!tpu.dma_semaphore, #tpu.memory_space<semaphore_mem>>) src(%arg8 : memref<100x128xf32, #tpu.memory_space<vmem>>) dst(%dma_wait3A_24 : memref<10240x128xf32, #tpu.memory_space<vmem_shared>>)
    %dma_wait3A_25 = arith.constant 0 : i32
    %dma_wait3A_26 = arith.constant 0 : i32
    %dma_wait3A_27 = tpu.memref_slice %arg7[%dma_wait3A_25, %dma_wait3A_26] : memref<25x100xi32, #tpu.memory_space<vmem>> -> memref<1x100xi32, #tpu.memory_space<vmem>>
    %dma_wait3A_28 = tpu.memref_squeeze %dma_wait3A_27 : memref<1x100xi32, #tpu.memory_space<vmem>> -> memref<100xi32, #tpu.memory_space<vmem>>
    %dma_wait3A_29 = arith.constant 0 : i32
    %dma_wait3A_30 = arith.constant 0 : i32
    %dma_wait3A_31 = tpu.memref_slice %arg11[%dma_wait3A_29, %dma_wait3A_30] : memref<10240x128xf32, #tpu.memory_space<vmem_shared>> -> memref<10240x128xf32, #tpu.memory_space<vmem_shared>>
    tpu.wait_indirect_dma semaphore(%arg16 : memref<!tpu.dma_semaphore, #tpu.memory_space<semaphore_mem>>) src(%arg9 : memref<100x128xf32, #tpu.memory_space<vmem>>) dst(%dma_wait3A_31 : memref<10240x128xf32, #tpu.memory_space<vmem_shared>>)
    %dma_wait3A_32 = arith.constant 0 : i32
    %dma_wait3A_33 = arith.constant 0 : i32
    %dma_wait3A_34 = tpu.memref_slice %arg7[%dma_wait3A_32, %dma_wait3A_33] : memref<25x100xi32, #tpu.memory_space<vmem>> -> memref<1x100xi32, #tpu.memory_space<vmem>>
    %dma_wait3A_35 = tpu.memref_squeeze %dma_wait3A_34 : memref<1x100xi32, #tpu.memory_space<vmem>> -> memref<100xi32, #tpu.memory_space<vmem>>
    %dma_wait3A_36 = arith.constant 0 : i32
    %dma_wait3A_37 = arith.constant 0 : i32
    %dma_wait3A_38 = tpu.memref_slice %arg11[%dma_wait3A_36, %dma_wait3A_37] : memref<10240x128xf32, #tpu.memory_space<vmem_shared>> -> memref<10240x128xf32, #tpu.memory_space<vmem_shared>>
    tpu.wait_indirect_dma semaphore(%arg17 : memref<!tpu.dma_semaphore, #tpu.memory_space<semaphore_mem>>) src(%arg10 : memref<100x128xf32, #tpu.memory_space<vmem>>) dst(%dma_wait3A_38 : memref<10240x128xf32, #tpu.memory_space<vmem_shared>>)
    %barrier3A_39 = arith.constant 0 : index
    tpu.barrier barrier_id(%barrier3A_39)
    %mul3A_40 = arith.constant 640 : i32
    %mul3A_41 = arith.muli %arg1, %mul3A_40 : i32
    %mul3A_42 = arith.constant 640 : i32
    %mul3A_43 = arith.muli %arg1, %mul3A_42 : i32
    "tpu.region"() ({
      %run_scoped3A = tpu.sem_alloc : memref<!tpu.dma_semaphore, #tpu.memory_space<semaphore_mem>>
      %dma_start3A = arith.constant 0 : i32
      %dma_start3A_44 = tpu.memref_slice %arg5[%arg0, %mul3A_43, %dma_start3A] : memref<2x10240x128xf32, #tpu.memory_space<hbm>> -> memref<1x640x128xf32, #tpu.memory_space<hbm>>
      %dma_start3A_45 = tpu.memref_squeeze %dma_start3A_44 : memref<1x640x128xf32, #tpu.memory_space<hbm>> -> memref<640x128xf32, #tpu.memory_space<hbm>>
      %dma_start3A_46 = arith.constant 0 : i32
      %dma_start3A_47 = tpu.memref_slice %arg11[%mul3A_41, %dma_start3A_46] : memref<10240x128xf32, #tpu.memory_space<vmem_shared>> -> memref<640x128xf32, #tpu.memory_space<vmem_shared>>
      tpu.enqueue_dma source(%dma_start3A_47 : memref<640x128xf32, #tpu.memory_space<vmem_shared>>) target(%dma_start3A_45 : memref<640x128xf32, #tpu.memory_space<hbm>>) target_semaphore(%run_scoped3A : memref<!tpu.dma_semaphore, #tpu.memory_space<semaphore_mem>>)
      %dma_wait3A_48 = arith.constant 0 : i32
      %dma_wait3A_49 = tpu.memref_slice %arg5[%arg0, %mul3A_43, %dma_wait3A_48] : memref<2x10240x128xf32, #tpu.memory_space<hbm>> -> memref<1x640x128xf32, #tpu.memory_space<hbm>>
      %dma_wait3A_50 = tpu.memref_squeeze %dma_wait3A_49 : memref<1x640x128xf32, #tpu.memory_space<hbm>> -> memref<640x128xf32, #tpu.memory_space<hbm>>
      %dma_wait3A_51 = arith.constant 0 : i32
      %dma_wait3A_52 = tpu.memref_slice %arg11[%mul3A_41, %dma_wait3A_51] : memref<10240x128xf32, #tpu.memory_space<vmem_shared>> -> memref<640x128xf32, #tpu.memory_space<vmem_shared>>
      tpu.wait_dma2 semaphore(%run_scoped3A : memref<!tpu.dma_semaphore, #tpu.memory_space<semaphore_mem>>) src(%dma_wait3A_52 : memref<640x128xf32, #tpu.memory_space<vmem_shared>>) dst(%dma_wait3A_50 : memref<640x128xf32, #tpu.memory_space<hbm>>)
      tpu.yield
    }) : () -> ()
    return
  }
}

module attributes {stable_mosaic.version = 14 : i64} {
  func.func @body(%arg0: memref<32x10000xf32, #tpu.memory_space<vmem>>, %arg1: memref<10000x128xf32, #tpu.memory_space<vmem>>, %arg2: memref<10000x128xf32, #tpu.memory_space<vmem>>, %arg3: memref<10000x1xf32, #tpu.memory_space<vmem>>) attributes {dimension_semantics = [], scalar_prefetch = 0 : i64, scratch_operands = 0 : i64, tpu.core_type = #tpu.core_type<tc>} {
    %get3A = arith.constant 0 : index
    %get3A_0 = arith.constant 0 : index
    %get3A_1 = vector.load %arg0[%get3A, %get3A_0] : memref<32x10000xf32, #tpu.memory_space<vmem>>, vector<32x10000xf32>
    %reduce_sum3A = arith.constant dense<0.000000e+00> : vector<10000xf32>
    %reduce_sum3A_2 = vector.multi_reduction <add>, %get3A_1, %reduce_sum3A [0] : vector<32x10000xf32> to vector<10000xf32>
    %add3A = arith.constant 1.000000e+00 : f32
    %add3A_3 = vector.broadcast %add3A : f32 to vector<10000xf32>
    %add3A_4 = arith.addf %add3A_3, %reduce_sum3A_2 : vector<10000xf32>
    %rsqrt3A = math.rsqrt %add3A_4 : vector<10000xf32>
    %broadcast_in_dim3A = vector.shape_cast %rsqrt3A : vector<10000xf32> to vector<10000x1xf32>
    %get3A_5 = arith.constant 0 : index
    %get3A_6 = arith.constant 0 : index
    %get3A_7 = vector.load %arg1[%get3A_5, %get3A_6] : memref<10000x128xf32, #tpu.memory_space<vmem>>, vector<10000x128xf32>
    %mul3A = vector.broadcast %broadcast_in_dim3A : vector<10000x1xf32> to vector<10000x128xf32>
    %mul3A_8 = arith.mulf %get3A_7, %mul3A : vector<10000x128xf32>
    %swap3A = arith.constant 0 : index
    %swap3A_9 = arith.constant 0 : index
    %swap3A_10 = vector.load %arg2[%swap3A, %swap3A_9] : memref<10000x128xf32, #tpu.memory_space<vmem>>, vector<10000x128xf32>
    tpu.vector_store %arg2[%swap3A, %swap3A_9], %mul3A_8 {strides = array<i32>} : memref<10000x128xf32, #tpu.memory_space<vmem>>, vector<10000x128xf32>,
    %swap3A_11 = arith.constant 0 : index
    %swap3A_12 = arith.constant 0 : index
    %swap3A_13 = vector.load %arg3[%swap3A_11, %swap3A_12] : memref<10000x1xf32, #tpu.memory_space<vmem>>, vector<10000x1xf32>
    tpu.vector_store %arg3[%swap3A_11, %swap3A_12], %broadcast_in_dim3A {strides = array<i32>} : memref<10000x1xf32, #tpu.memory_space<vmem>>, vector<10000x1xf32>,
    return
  }
}

module attributes {stable_mosaic.version = 14 : i64} {
  func.func @body(%arg0: memref<2x10240x128xf32, #tpu.memory_space<vmem>>, %arg1: memref<10000x128xf32, #tpu.memory_space<vmem>>, %arg2: memref<10000x1xf32, #tpu.memory_space<vmem>>, %arg3: memref<128x128xf32, #tpu.memory_space<vmem>>, %arg4: memref<1x128xf32, #tpu.memory_space<vmem>>, %arg5: memref<10000x128xf32, #tpu.memory_space<vmem>>) attributes {dimension_semantics = [], scalar_prefetch = 0 : i64, scratch_operands = 0 : i64, tpu.core_type = #tpu.core_type<tc>} {
    %get3A = arith.constant 0 : index
    %get3A_0 = arith.constant 0 : index
    %get3A_1 = vector.load %arg2[%get3A, %get3A_0] : memref<10000x1xf32, #tpu.memory_space<vmem>>, vector<10000x1xf32>
    %get3A_2 = arith.constant 0 : index
    %get3A_3 = arith.constant 0 : index
    %get3A_4 = arith.constant 0 : index
    %get3A_5 = vector.load %arg0[%get3A_2, %get3A_3, %get3A_4] : memref<2x10240x128xf32, #tpu.memory_space<vmem>>, vector<1x10000x128xf32>
    %get3A_6 = vector.shape_cast %get3A_5 : vector<1x10000x128xf32> to vector<10000x128xf32>
    %get3A_7 = arith.constant 1 : index
    %get3A_8 = arith.constant 0 : index
    %get3A_9 = arith.constant 0 : index
    %get3A_10 = vector.load %arg0[%get3A_7, %get3A_8, %get3A_9] : memref<2x10240x128xf32, #tpu.memory_space<vmem>>, vector<1x10000x128xf32>
    %get3A_11 = vector.shape_cast %get3A_10 : vector<1x10000x128xf32> to vector<10000x128xf32>
    %add3A = arith.addf %get3A_6, %get3A_11 : vector<10000x128xf32>
    %get3A_12 = arith.constant 0 : index
    %get3A_13 = arith.constant 0 : index
    %get3A_14 = vector.load %arg1[%get3A_12, %get3A_13] : memref<10000x128xf32, #tpu.memory_space<vmem>>, vector<10000x128xf32>
    %add3A_15 = arith.addf %add3A, %get3A_14 : vector<10000x128xf32>
    %mul3A = vector.broadcast %get3A_1 : vector<10000x1xf32> to vector<10000x128xf32>
    %mul3A_16 = arith.mulf %add3A_15, %mul3A : vector<10000x128xf32>
    %get3A_17 = arith.constant 0 : index
    %get3A_18 = arith.constant 0 : index
    %get3A_19 = vector.load %arg3[%get3A_17, %get3A_18] : memref<128x128xf32, #tpu.memory_space<vmem>>, vector<128x128xf32>
    %dot_general3A = arith.constant dense<0.000000e+00> : vector<10000x128xf32>
    %dot_general3A_20 = tpu.matmul %mul3A_16, %get3A_19, %dot_general3A {dimension_numbers = #tpu.dot_dimension_numbers<[1], [0], [0], [1], [0, 0, 1, 1], [], []>, transpose_lhs_hint = false} : vector<10000x128xf32>, vector<128x128xf32>, vector<10000x128xf32> -> vector<10000x128xf32>
    %get3A_21 = arith.constant 0 : index
    %get3A_22 = arith.constant 0 : index
    %get3A_23 = vector.load %arg4[%get3A_21, %get3A_22] : memref<1x128xf32, #tpu.memory_space<vmem>>, vector<1x128xf32>
    %add3A_24 = vector.broadcast %get3A_23 : vector<1x128xf32> to vector<10000x128xf32>
    %add3A_25 = arith.addf %dot_general3A_20, %add3A_24 : vector<10000x128xf32>
    %max3A = arith.constant 0.000000e+00 : f32
    %max3A_26 = vector.broadcast %max3A : f32 to vector<10000x128xf32>
    %max3A_27 = arith.maximumf %add3A_25, %max3A_26 : vector<10000x128xf32>
    %mul3A_28 = vector.broadcast %get3A_1 : vector<10000x1xf32> to vector<10000x128xf32>
    %mul3A_29 = arith.mulf %max3A_27, %mul3A_28 : vector<10000x128xf32>
    %swap3A = arith.constant 0 : index
    %swap3A_30 = arith.constant 0 : index
    %swap3A_31 = vector.load %arg5[%swap3A, %swap3A_30] : memref<10000x128xf32, #tpu.memory_space<vmem>>, vector<10000x128xf32>
    tpu.vector_store %arg5[%swap3A, %swap3A_30], %mul3A_29 {strides = array<i32>} : memref<10000x128xf32, #tpu.memory_space<vmem>>, vector<10000x128xf32>,
    return
  }
}

module attributes {stable_mosaic.version = 14 : i64} {
  func.func @body(%arg0: memref<2x10240x128xf32, #tpu.memory_space<vmem>>, %arg1: memref<10000x128xf32, #tpu.memory_space<vmem>>, %arg2: memref<10000x1xf32, #tpu.memory_space<vmem>>, %arg3: memref<128x128xf32, #tpu.memory_space<vmem>>, %arg4: memref<1x128xf32, #tpu.memory_space<vmem>>, %arg5: memref<1x10000xi32, #tpu.memory_space<vmem>>, %arg6: memref<128x4xf32, #tpu.memory_space<vmem>>, %arg7: memref<1x4xf32, #tpu.memory_space<vmem>>, %arg8: memref<16x4xf32, #tpu.memory_space<vmem>>) attributes {dimension_semantics = [], scalar_prefetch = 0 : i64, scratch_operands = 0 : i64, tpu.core_type = #tpu.core_type<tc>} {
    %get3A = arith.constant 0 : index
    %get3A_0 = arith.constant 0 : index
    %get3A_1 = vector.load %arg2[%get3A, %get3A_0] : memref<10000x1xf32, #tpu.memory_space<vmem>>, vector<10000x1xf32>
    %get3A_2 = arith.constant 0 : index
    %get3A_3 = arith.constant 0 : index
    %get3A_4 = arith.constant 0 : index
    %get3A_5 = vector.load %arg0[%get3A_2, %get3A_3, %get3A_4] : memref<2x10240x128xf32, #tpu.memory_space<vmem>>, vector<1x10000x128xf32>
    %get3A_6 = vector.shape_cast %get3A_5 : vector<1x10000x128xf32> to vector<10000x128xf32>
    %get3A_7 = arith.constant 1 : index
    %get3A_8 = arith.constant 0 : index
    %get3A_9 = arith.constant 0 : index
    %get3A_10 = vector.load %arg0[%get3A_7, %get3A_8, %get3A_9] : memref<2x10240x128xf32, #tpu.memory_space<vmem>>, vector<1x10000x128xf32>
    %get3A_11 = vector.shape_cast %get3A_10 : vector<1x10000x128xf32> to vector<10000x128xf32>
    %add3A = arith.addf %get3A_6, %get3A_11 : vector<10000x128xf32>
    %get3A_12 = arith.constant 0 : index
    %get3A_13 = arith.constant 0 : index
    %get3A_14 = vector.load %arg1[%get3A_12, %get3A_13] : memref<10000x128xf32, #tpu.memory_space<vmem>>, vector<10000x128xf32>
    %add3A_15 = arith.addf %add3A, %get3A_14 : vector<10000x128xf32>
    %mul3A = vector.broadcast %get3A_1 : vector<10000x1xf32> to vector<10000x128xf32>
    %mul3A_16 = arith.mulf %add3A_15, %mul3A : vector<10000x128xf32>
    %get3A_17 = arith.constant 0 : index
    %get3A_18 = arith.constant 0 : index
    %get3A_19 = vector.load %arg3[%get3A_17, %get3A_18] : memref<128x128xf32, #tpu.memory_space<vmem>>, vector<128x128xf32>
    %dot_general3A = arith.constant dense<0.000000e+00> : vector<10000x128xf32>
    %dot_general3A_20 = tpu.matmul %mul3A_16, %get3A_19, %dot_general3A {dimension_numbers = #tpu.dot_dimension_numbers<[1], [0], [0], [1], [0, 0, 1, 1], [], []>, transpose_lhs_hint = false} : vector<10000x128xf32>, vector<128x128xf32>, vector<10000x128xf32> -> vector<10000x128xf32>
    %get3A_21 = arith.constant 0 : index
    %get3A_22 = arith.constant 0 : index
    %get3A_23 = vector.load %arg4[%get3A_21, %get3A_22] : memref<1x128xf32, #tpu.memory_space<vmem>>, vector<1x128xf32>
    %add3A_24 = vector.broadcast %get3A_23 : vector<1x128xf32> to vector<10000x128xf32>
    %add3A_25 = arith.addf %dot_general3A_20, %add3A_24 : vector<10000x128xf32>
    %max3A = arith.constant 0.000000e+00 : f32
    %max3A_26 = vector.broadcast %max3A : f32 to vector<10000x128xf32>
    %max3A_27 = arith.maximumf %add3A_25, %max3A_26 : vector<10000x128xf32>
    %get3A_28 = arith.constant 0 : index
    %get3A_29 = arith.constant 0 : index
    %get3A_30 = vector.load %arg5[%get3A_28, %get3A_29] : memref<1x10000xi32, #tpu.memory_space<vmem>>, vector<1x10000xi32>
    %iota3A = tpu.iota {dimensions = array<i32: 0>} : vector<16x10000xi32>
    %eq3A = vector.broadcast %get3A_30 : vector<1x10000xi32> to vector<16x10000xi32>
    %eq3A_31 = arith.cmpi eq, %eq3A, %iota3A : vector<16x10000xi32>
    %convert_element_type3A = arith.extui %eq3A_31 : vector<16x10000xi1> to vector<16x10000xi32>
    %convert_element_type3A_32 = arith.sitofp %convert_element_type3A : vector<16x10000xi32> to vector<16x10000xf32>
    %dot_general3A_33 = arith.constant dense<0.000000e+00> : vector<16x128xf32>
    %dot_general3A_34 = tpu.matmul %convert_element_type3A_32, %max3A_27, %dot_general3A_33 {dimension_numbers = #tpu.dot_dimension_numbers<[1], [0], [0], [1], [0, 0, 1, 1], [], []>, transpose_lhs_hint = false} : vector<16x10000xf32>, vector<10000x128xf32>, vector<16x128xf32> -> vector<16x128xf32>
    %reduce_sum3A = arith.constant dense<0.000000e+00> : vector<16xf32>
    %reduce_sum3A_35 = vector.multi_reduction <add>, %convert_element_type3A_32, %reduce_sum3A [1] : vector<16x10000xf32> to vector<16xf32>
    %max3A_36 = arith.constant 1.000000e+00 : f32
    %max3A_37 = vector.broadcast %max3A_36 : f32 to vector<16xf32>
    %max3A_38 = arith.maximumf %reduce_sum3A_35, %max3A_37 : vector<16xf32>
    %broadcast_in_dim3A = vector.shape_cast %max3A_38 : vector<16xf32> to vector<16x1xf32>
    %div3A = vector.broadcast %broadcast_in_dim3A : vector<16x1xf32> to vector<16x128xf32>
    %div3A_39 = arith.divf %dot_general3A_34, %div3A : vector<16x128xf32>
    %get3A_40 = arith.constant 0 : index
    %get3A_41 = arith.constant 0 : index
    %get3A_42 = vector.load %arg6[%get3A_40, %get3A_41] : memref<128x4xf32, #tpu.memory_space<vmem>>, vector<128x4xf32>
    %dot_general3A_43 = arith.constant dense<0.000000e+00> : vector<16x4xf32>
    %dot_general3A_44 = tpu.matmul %div3A_39, %get3A_42, %dot_general3A_43 {dimension_numbers = #tpu.dot_dimension_numbers<[1], [0], [0], [1], [0, 0, 1, 1], [], []>, transpose_lhs_hint = false} : vector<16x128xf32>, vector<128x4xf32>, vector<16x4xf32> -> vector<16x4xf32>
    %get3A_45 = arith.constant 0 : index
    %get3A_46 = arith.constant 0 : index
    %get3A_47 = vector.load %arg7[%get3A_45, %get3A_46] : memref<1x4xf32, #tpu.memory_space<vmem>>, vector<1x4xf32>
    %add3A_48 = vector.broadcast %get3A_47 : vector<1x4xf32> to vector<16x4xf32>
    %add3A_49 = arith.addf %dot_general3A_44, %add3A_48 : vector<16x4xf32>
    %swap3A = arith.constant 0 : index
    %swap3A_50 = arith.constant 0 : index
    %swap3A_51 = vector.load %arg8[%swap3A, %swap3A_50] : memref<16x4xf32, #tpu.memory_space<vmem>>, vector<16x4xf32>
    tpu.vector_store %arg8[%swap3A, %swap3A_50], %add3A_49 {strides = array<i32>} : memref<16x4xf32, #tpu.memory_space<vmem>>, vector<16x4xf32>,
    return
  }
}

</mosaic_0001>

<sc_bundles>
// kernel: kernel.11.cloned.1.call-start
scs
__scs_entry_jumppad:
0x0: {  	(pc) =	sbr.rel $0x88, $3  }
0x1: {  	(tag) =	ssettag $0x0;
	lr =	simm.s32 $0x1  }
0x2: {  	[smem:$0x3F98] =	sst lr;
	_ =	strace $0xD0000000  }
0x3: {  	_ = 	snop  }
0x4: {  	_ = 	snop  }
0x5: {  	_ = 	snop  }
0x6: {  	_ = 	snop  }
0x7: {  	_ = 	snop  }
__scs_overlays_trampoline_lowered:
0x8: {  	[smem:$0x3FA7] =	sst s0  }
0x9: {  	[smem:$0x3FA8] =	sst s1  }
0xa: {  	[smem:$0x3FA9] =	sst s2  }
0xb: {  	[smem:$0x3FAA] =	sst s3  }
0xc: {  	[smem:$0x3FAB] =	sst s4  }
0xd: {  	[smem:$0x3FAC] =	sst s5  }
0xe: {  	[smem:$0x3FAD] =	sst s6  }
0xf: {  	[smem:$0x3FAE] =	sst s7  }
0x10: {  	[smem:$0x3FAF] =	sst s8  }
0x11: {  	[smem:$0x3FB0] =	sst s9;
	s0 =	simm.s32 @!p0 $0x0  }
0x12: {  	s1 =	sld [smem:$0x3F96];
	s0 =	simm.s32 @p0 $0x1  }
0x13: {  	[smem:$0x3FB1] =	sst s0;
	s0 =	simm.s32 @!p1 $0x0  }
0x14: {  	s2 =	sld [smem:$0x3F95];
	s0 =	simm.s32 @p1 $0x1  }
0x15: {  	[smem:$0x3FB2] =	sst s0;
	s0 =	simm.s32 @!p2 $0x0  }
0x16: {  	s3 =	sld [smem:$0x3FDB];
	s0 =	simm.s32 @p2 $0x1  }
0x17: {  	s4 =	simm.s32 $0x1BF5;
	[smem:$0x3FB4] =	sst s0  }
0x18: {  	s0 =	sld [smem:$0x3F97];
	_ =	swait.ge [sflag:s4], $0x0  }
0x19: {  	s7 =	sld [smem:$0x3F98]  }
0x1a: {  	s8 =	sadd.s32 $0xFFFFE003, lr  }
0x1b: {  	s9 =	sadd.s32 $0xFFFFFEF7, lr;
	s5 =	simm.s32 $0xFFFFFFFF;
	p2 =	slt.u32 s8, $0xFFFFF086  }
0x1c: {  	p1 =	slt.u32 s9, $0xF7A;
	s5 =	simm.s32 @!p2 $0x0  }
0x1d: {  	s5 =	simm.s32 @p1 $0x1;
	p0 =	seq.s32 s7, s2  }
0x1e: {  	s7 =	smul.u32 @!p0 $0xF7A, s2;
	p2 =	seq.s32 @!p0 s5, $0x0  }
0x1f: {  	s9 =	smul.u32 $0xF7A, s1;
	s8 =	simm.s32 @!p0 $0x1BF5;
	p2 =	por !p2, p0  }
0x20: {  	[sflag:s8] =	ssyncset.s32 @!p0 $0xFFFFF086;
	s6 =	sadd.s32 @!p0 s3, s7;
	s7 =	simm.s32 @!p0 $0x108  }
0x21: {  	s3 =	sadd.s32 s3, s9;
	s6 =	sadd.s32 @!p0 $0x88, s6;
	s7 =	simm.s32 @p2 $0x1082  }
0x22: {  	[simem:s7], [sflag:s8] =	dma.local @!p0 [hbm:s6], $0xF7A  }
0x23: {  	s9 =	sor.u32 $0xD0000000, s2;
	s6 =	simm.s32 $0x108;
	_ =	swait.ge @!p0 [sflag:s8], $0x0  }
0x24: {  	s3 =	sadd.s32 $0x88, s3;
	s6 =	simm.s32 @!p1 $0x1082;
	[sflag:s4] =	ssyncset.s32 $0xFFFFF086  }
0x25: {  	[simem:s6], [sflag:s4] =	dma.local [hbm:s3], $0xF7A  }
0x26: {  	[smem:$0x3F98] =	sst s1;
	(tag) =	ssettag s2;
	_ =	strace s9  }
0x27: {  	s1 =	sld [smem:$0x3FA8]  }
0x28: {  	s2 =	sld [smem:$0x3FA9]  }
0x29: {  	s4 =	sld [smem:$0x3FAB]  }
0x2a: {  	p0 =	seq.s32 s5, $0x0;
	s5 =	sld [smem:$0x3FAC]  }
0x2b: {  	s6 =	sld [smem:$0x3FAD]  }
0x2c: {  	s7 =	sld [smem:$0x3FAE]  }
0x2d: {  	s3 =	simm.s32 $0x108;
	s8 =	sld [smem:$0x3FAF]  }
0x2e: {  	s3 =	simm.s32 @!p0 $0x1082;
	s9 =	sld [smem:$0x3FB0]  }
0x2f: {  	lr =	sadd.s32 s0, s3;
	s0 =	sld [smem:$0x3FA7]  }
0x30: {  	s3 =	sld [smem:$0x3FAA]  }
0x31: {  	[smem:$0x3FB3] =	sst s10  }
0x32: {  	s10 =	sld [smem:$0x3FB1];
	_ =	sdelay $0x3  }
0x33: {  	p0 =	seq.s32 s10, $0x1;
	s10 =	sld [smem:$0x3FB3];
	_ =	sdelay $0x3  }
0x34: {  	[smem:$0x3FB3] =	sst s10  }
0x35: {  	s10 =	sld [smem:$0x3FB2];
	_ =	sdelay $0x3  }
0x36: {  	p1 =	seq.s32 s10, $0x1;
	s10 =	sld [smem:$0x3FB3];
	_ =	sdelay $0x3  }
0x37: {  	[smem:$0x3FB3] =	sst s10  }
0x38: {  	s10 =	sld [smem:$0x3FB4]  }
0x39: {  	_ = 	snop;
	(pc) =	sbr.ind lr, $3  }
0x3a: {  	_ = 	snop  }
0x3b: {  	_ = 	snop  }
0x3c: {  	p2 =	seq.s32 s10, $0x1;
	s10 =	sld [smem:$0x3FB3]  }
0x3d: {  	_ =	shalt  }
0x3e: {  	_ =	shalt  }
0x3f: {  	_ =	shalt  }
0x40: {  	_ =	shalt  }
0x41: {  	_ =	shalt  }
0x42: {  	_ =	shalt  }
0x43: {  	_ =	shalt  }
0x44: {  	_ =	shalt  }
0x45: {  	_ =	shalt  }
0x46: {  	_ =	shalt  }
0x47: {  	_ =	shalt  }
0x48: {  	_ =	shalt  }
0x49: {  	_ =	shalt  }
0x4a: {  	_ =	shalt  }
0x4b: {  	_ =	shalt  }
0x4c: {  	_ =	shalt  }
0x4d: {  	_ =	shalt  }
0x4e: {  	_ =	shalt  }
0x4f: {  	_ =	shalt  }
0x50: {  	_ =	shalt  }
0x51: {  	_ =	shalt  }
0x52: {  	_ =	shalt  }
0x53: {  	_ =	shalt  }
0x54: {  	_ =	shalt  }
0x55: {  	_ =	shalt  }
0x56: {  	_ =	shalt  }
0x57: {  	_ =	shalt  }
0x58: {  	_ =	shalt  }
0x59: {  	_ =	shalt  }
0x5a: {  	_ =	shalt  }
0x5b: {  	_ =	shalt  }
0x5c: {  	_ =	shalt  }
0x5d: {  	_ =	shalt  }
0x5e: {  	_ =	shalt  }
0x5f: {  	_ =	shalt  }
0x60: {  	_ =	shalt  }
0x61: {  	_ =	shalt  }
0x62: {  	_ =	shalt  }
0x63: {  	_ =	shalt  }
0x64: {  	_ =	shalt  }
0x65: {  	_ =	shalt  }
0x66: {  	_ =	shalt  }
0x67: {  	_ =	shalt  }
0x68: {  	_ =	shalt  }
0x69: {  	_ =	shalt  }
0x6a: {  	_ =	shalt  }
0x6b: {  	_ =	shalt  }
0x6c: {  	_ =	shalt  }
0x6d: {  	_ =	shalt  }
0x6e: {  	_ =	shalt  }
0x6f: {  	_ =	shalt  }
0x70: {  	_ =	shalt  }
0x71: {  	_ =	shalt  }
0x72: {  	_ =	shalt  }
0x73: {  	_ =	shalt  }
0x74: {  	_ =	shalt  }
0x75: {  	_ =	shalt  }
0x76: {  	_ =	shalt  }
0x77: {  	_ =	shalt  }
0x78: {  	_ =	shalt  }
0x79: {  	_ =	shalt  }
0x7a: {  	_ =	shalt  }
0x7b: {  	_ =	shalt  }
0x7c: {  	_ =	shalt  }
0x7d: {  	_ =	shalt  }
0x7e: {  	_ =	shalt  }
0x7f: {  	_ =	shalt  }
0x80: {  	_ =	shalt  }
0x81: {  	_ =	shalt  }
0x82: {  	_ =	shalt  }
0x83: {  	_ =	shalt  }
0x84: {  	_ =	shalt  }
0x85: {  	_ =	shalt  }
0x86: {  	_ =	shalt  }
0x87: {  	_ =	shalt  }
.Lfunc_end0:
.L_simem_size_0:
called_computation.1_lowered:
.L_overlay_start_0:
0x88: {  	s2 =	sld [smem:$0x3FD9]  }
0x89: {  	s3 =	sld [smem:$0x3FFE];
	_ =	sdelay $0x1  }
0x8a: {  	s1 =	srdreg.scid  }
0x8b: {  	s0 =	sand.u32 $0x1, s1  }
0x8c: {  	s16 =	sshll.u32 s0, $0xA;
	s2 =	sadd.s32 s3, s2  }
0x8d: {  	s2 =	sadd.s32 s2, s16  }
0x8e: {  	[smem:$0x3FBF] =	sst s2  }
0x8f: {  	_ = 	snop  }
0x90: {  	(tm) =	ssettm $0x1  }
0x91: {  	s17 =	sld [smem:$0x3FFB];
	_ =	sdelay $0x3  }
0x92: {  	_ =	strace s17  }
0x93: {  	s2 =	sld [smem:$0x3FFC];
	_ =	sdelay $0x3  }
0x94: {  	_ =	strace s2  }
0x95: {  	s2 =	sld [smem:$0x3FFD];
	_ =	sdelay $0x3  }
0x96: {  	_ =	strace s2  }
0x97: {  	_ =	strace $0x8FFFFFFF  }
0x98: {  	s18 =	sld [smem:$0x3FDB];
	_ =	sdelay $0x1  }
0x99: {  	s19 =	simm.s32 $_scs_section_size  }
0x9a: {  	s4 =	simm.s32 $_size__tile_overlayer_lowered;
	s5 =	simm.s32 $_tile_overlayer_lowered  }
0x9b: {  	s22 =	simm.s32 $0x1BFF;
	s21 =	sshll.u32 s5, $0x1;
	s2 =	sadd.s32 s19, s18  }
0x9c: {  	s6 =	simm.s32 $0x0;
	s20 =	sshll.u32 s4, $0x1;
	s4 =	sadd.s32 s21, s2  }
0x9d: {  	[timem:s6], [sflag:s22] =	dma.local [hbm:s4], s20  }
0x9e: {  	_ =	swait.ge [sflag:s22], s20  }
0x9f: {  	s3 =	ssub.s32 $0x0, s20;
	[sflag:s22] =	ssyncset.done $0x0  }
0xa0: {  	[sflag:s22] =	ssyncadd.s32 s3;
	_ =	sdelay $0x1  }
0xa1: {  	s23 =	simm.s32 $0x1B8B  }
0xa2: {  	_ =	swait.ge [sflag:s23], $0x1  }
0xa3: {  	[sflag:s23] =	ssyncset.done $0x0  }
0xa4: {  	s25 =	simm.s32 $0x1B8E;
	s24 =	sld [smem:$0x3FFE];
	[sflag:s23] =	ssyncadd.s32 $0xFFFFFFFF  }
0xa5: {  	s26 =	simm.s32 $execute0_lowered;
	[smem:$0x3FD2] =	sst s25  }
0xa6: {  	s4 =	sshll.u32 s26, $0x1;
	_ =	strace $0x80000049;
	[dreg:$0x1] =	wrdreg $0xFFFFFFFF  }
0xa7: {  	s28 =	simm.s32 $_size_execute0_lowered;
	s2 =	sadd.s32 s2, s4;
	[dreg:$0x0] =	wrdreg $0x0  }
0xa8: {  	s4 =	sshll.u32 s28, $0x1;
	[dreg:$0x2] =	wrdreg s2  }
0xa9: {  	[dreg:$0x3] =	wrdreg s4  }
0xaa: {  	[dreg:$0x4] =	wrdreg $0xC0  }
0xab: {  	_ =	task [dreg:s6], $0x5FFFF  }
0xac: {  	[dreg:$0x1] =	wrdreg $0xFFFFFFFF  }
0xad: {  	[dreg:$0x0] =	wrdreg $0x60  }
0xae: {  	[dreg:$0x2] =	wrdreg s24  }
0xaf: {  	[dreg:$0x3] =	wrdreg $0xBC000  }
0xb0: {  	[dreg:$0x4] =	wrdreg $0x9  }
0xb1: {  	_ =	task.clear_ibuf [dreg:s6], $0x5FFFF;
	_ =	strace $0x90000049  }
0xb2: {  	s29 =	simm.s32 $0x9;
	_ =	strace $0x8000004B  }
0xb3: {  	_ =	swait.ge [sflag:s29], $0x1  }
0xb4: {  	[sflag:s29] =	ssyncadd.s32 $0xFFFFFFFF  }
0xb5: {  	_ =	strace $0x9000004B  }
0xb6: {  	_ =	sfence  }
0xb7: {  	s30 =	sld [smem:$0x0];
	_ =	sdelay $0x2  }
0xb8: {  	s31 =	sshll.u32 s1, $0xD;
	s1 =	sshrl.u32 s1, $0x2  }
0xb9: {  	s3 =	sand.u32 $0x4000, s31;
	s1 =	sadd.s32 s1, s30  }
0xba: {  	s0 =	sor.u32 s3, s0;
	s1 =	sshll.u32 s1, $0x11  }
0xbb: {  	s0 =	sor.u32 s1, s0  }
0xbc: {  	s0 =	sadd.s32 $0x8F2B, s0  }
0xbd: {  	[sflag:s0] =	ssyncadd.remote.s32 $0x1  }
0xbe: {  	_ =	sfence.sel $0xFFFF  }
0xbf: {  	[dreg:$0x0] =	wrdreg $0xFFFFFFFF;
	(pc) =	sbr.abs _section_cstart, $3  }
0xc0: {  	[dreg:$0x1] =	wrdreg $0xFFFFFFFF  }
0xc1: {  	_ =	task.clear_ibuf [dreg:s6], $0x2FFFF;
	_ =	strace $0x9FFFFFFF  }
0xc2: {  	(tm) =	ssettm $0x7FFFFFFF  }
0xc3: {  	_ =	shalt  }
tec
execute0_lowered:
.L_overlay_start_1:
0x0: {  	(tag) =	ssettag $0x1  }
0x1: {  	s5 =	rddreg [dreg:$0x0]  }
0x2: {  	s2 =	rddreg [dreg:$0x1];
	s3 =	srdreg.scid  }
0x3: {  	s0 =	rddreg [dreg:$0x2];
	s6 =	sand.u32 $0x1, s3;
	s3 =	simm.s32 $0x0  }
0x4: {  	s17 =	simm.s32 $0x100;
	[smem:$0x7FF] =	sst s3  }
0x5: {  	s18 =	simm.s32 $0x1080;
	_ =	strace $0x8000004A;
	[dreg:$0x5] =	wrdreg s17  }
0x6: {  	s19 =	simm.s32 $0x180;
	[dreg:$0x6] =	wrdreg s18  }
0x7: {  	s20 =	simm.s32 $0x1100;
	[dreg:$0x7] =	wrdreg s19  }
0x8: {  	s21 =	simm.s32 $0x200;
	[dreg:$0x8] =	wrdreg s20  }
0x9: {  	s22 =	simm.s32 $0x1180;
	[dreg:$0x9] =	wrdreg s21  }
0xa: {  	s23 =	simm.s32 $0x280;
	[dreg:$0xa] =	wrdreg s22  }
0xb: {  	s24 =	simm.s32 $0x1200;
	[dreg:$0xb] =	wrdreg s23  }
0xc: {  	s25 =	simm.s32 $0x300;
	[dreg:$0xc] =	wrdreg s24  }
0xd: {  	s26 =	simm.s32 $0x1280;
	[dreg:$0xd] =	wrdreg s25  }
0xe: {  	s28 =	simm.s32 $0x380;
	[dreg:$0xe] =	wrdreg s26  }
0xf: {  	s29 =	simm.s32 $0x1300;
	[dreg:$0xf] =	wrdreg s28  }
0x10: {  	s30 =	simm.s32 $0x400;
	[dreg:$0x10] =	wrdreg s29  }
0x11: {  	s31 =	simm.s32 $0x1380;
	[dreg:$0x11] =	wrdreg s30  }
0x12: {  	s8 =	simm.s32 $0x1400;
	[dreg:$0x12] =	wrdreg s31  }
0x13: {  	s9 =	simm.s32 $0x500;
	[dreg:$0x14] =	wrdreg s8  }
0x14: {  	s10 =	simm.s32 $0x1480;
	[dreg:$0x15] =	wrdreg s9  }
0x15: {  	s11 =	simm.s32 $0x580;
	[dreg:$0x16] =	wrdreg s10  }
0x16: {  	s12 =	simm.s32 $0x1500;
	[dreg:$0x17] =	wrdreg s11  }
0x17: {  	s13 =	simm.s32 $0x600;
	[dreg:$0x18] =	wrdreg s12  }
0x18: {  	s15 =	simm.s32 $0x1580;
	[dreg:$0x19] =	wrdreg s13  }
0x19: {  	s16 =	simm.s32 $0x1600;
	[dreg:$0x1a] =	wrdreg s15  }
0x1a: {  	s9 =	simm.s32 $0x680;
	[dreg:$0x1c] =	wrdreg s16  }
0x1b: {  	s17 =	simm.s32 $0x700;
	[dreg:$0x1b] =	wrdreg s9  }
0x1c: {  	s1 =	stileid.u32;
	s18 =	simm.s32 $0x1680;
	[dreg:$0x1d] =	wrdreg s17  }
0x1d: {  	s4 =	sshll.u32 s1, $0xC;
	s19 =	simm.s32 $0x780;
	[dreg:$0x1e] =	wrdreg s18  }
0x1e: {  	s4 =	sadd.s32 s4, s5;
	s20 =	simm.s32 $0x1700;
	[dreg:$0x1f] =	wrdreg s19  }
0x1f: {  	s7 =	sshll.u32 s6, $0xB;
	s22 =	simm.s32 $0x800;
	[smem:$0x7EC] =	sst s20  }
0x20: {  	s14 =	smul.u32 $0x140000, s6;
	s24 =	simm.s32 $0x1780;
	[smem:$0x7ED] =	sst s22  }
0x21: {  	s6 =	ssub.s32 $0x2, s6;
	s25 =	simm.s32 $0x880;
	[smem:$0x7EE] =	sst s24  }
0x22: {  	s4 =	sadd.s32 s7, s4;
	s28 =	simm.s32 $0x1800;
	[smem:$0x7EF] =	sst s25  }
0x23: {  	s8 =	smul.u32 $0x14000, s1;
	s29 =	simm.s32 $0x900;
	[smem:$0x7F0] =	sst s28  }
0x24: {  	s21 =	sshrl.u32 s6, $0x1;
	s30 =	simm.s32 $0x1880;
	[smem:$0x7F1] =	sst s29  }
0x25: {  	s23 =	smul.u32 $0x50000, s1;
	s31 =	simm.s32 $0x980;
	[smem:$0x7F2] =	sst s30  }
0x26: {  	s10 =	simm.s32 $0x1900;
	s11 =	simm.s32 $0xA00;
	[smem:$0x7F3] =	sst s31  }
0x27: {  	s12 =	simm.s32 $0x1980;
	s13 =	simm.s32 $0xA80;
	[smem:$0x7F4] =	sst s10  }
0x28: {  	s15 =	simm.s32 $0xB00;
	s16 =	simm.s32 $0x1A80;
	[smem:$0x7F5] =	sst s11  }
0x29: {  	s7 =	sadd.s32 $0x16A00, s4;
	s4 =	sadd.s32 $0x26A00, s4;
	[smem:$0x7F6] =	sst s12  }
0x2a: {  	s9 =	simm.s32 $0x7;
	s10 =	simm.s32 $0x1000;
	[smem:$0x7F7] =	sst s13  }
0x2b: {  	s11 =	simm.s32 $0x1;
	s12 =	simm.s32 $0x64;
	[smem:$0x7F9] =	sst s15  }
0x2c: {  	s13 =	simm.s32 $0x8800;
	s15 =	simm.s32 $0x5400;
	[smem:$0x7FA] =	sst s16  }
0x2d: {  	s17 =	simm.s32 $0xB80;
	s16 =	simm.s32 $0x4;
	[dreg:$0x3] =	wrdreg s7  }
0x2e: {  	s18 =	simm.s32 $0x1B00;
	s20 =	simm.s32 $0xC00;
	[dreg:$0x4] =	wrdreg s4  }
0x2f: {  	s19 =	simm.s32 $0x6;
	s22 =	simm.s32 $0x0;
	[smem:$0x7FB] =	sst s17  }
0x30: {  	s7 =	simm.s32 $0x480;
	s4 =	sadd.s32 $0x36A00, s5;
	[smem:$0x7FC] =	sst s18  }
0x31: {  	s26 =	sshrl.u32 s23, $0x2;
	s17 =	simm.s32 $0x3;
	[smem:$0x7FD] =	sst s20  }
0x32: {  	s18 =	simm.s32 $0x5;
	s20 =	simm.s32 $0x1B80;
	[dreg:$0x13] =	wrdreg s7  }
0x33: {  	s7 =	sadd.s32 s8, s14;
	s8 =	ssub.s32 s6, s21;
	s14 =	simm.s32 $0x1A00  }
0x34: {  	s21 =	simm.s32 $0x1C00;
	s7 =	sshrl.u32 s7, $0x3;
	[smem:$0x7F8] =	sst s14  }
0x35: {  	s14 =	simm.s32 $0x2;
	s7 =	sadd.s32 s7, s5;
	s5 =	sadd.s32 s26, s2  }
0x36: {  	v0 =	vimm.f32 $0.0e+00;
	s6 =	sadd.s32 $0x5DC00, s7;
	s7 =	smax.u32 s8, $0x1;
	s8 =	simm.s32 $0x2000  }
.LBB2_1:
0x37: {  	s23 =	simm.s32 $0x0;
	s24 =	simm.s32 $0x0  }
.LBB2_2:
0x38: {  	p0 =	sne.s32 s24, $0x1FC0  }
.Ltmp0:
0x39: {  	_ = 	snop;
	(pc) =	sbr.rel @p0 .LBB2_2-.Ltmp0, $4  }
0x3a: {  	s25 =	sand.u32 $0x1E00, s24  }
0x3b: {  	s26 =	sand.u32 $0x70, s23;
	s25 =	sshrl.u32 s25, $0x2  }
0x3c: {  	s25 =	sor.u32 s26, s25  }
0x3d: {  	s23 =	sadd.s32 $0x10, s23;
	s24 =	sadd.s32 $0x40, s24;
	[tilespmem:s25+$0x2000] =	vst v0  }
0x3e: {  	s23 =	sadd.s32 $0x0, s5  }
0x3f: {  	[spmem:s23] =	stream.linear.scatter [tilespmem:s8], [sflag:$0x7], $0x800, $0x38;
	[tilespmem:$0x1FC00] =	vst v63  }
0x40: {  	s23 =	simm.s32 $0x2000;
	_ =	swait.ge [sflag:s9], $0x800  }
.LBB2_4:
0x41: {  	s24 =	sshra.s32 s23, $0x2;
	[sflag:s9] =	ssyncset.done $0x0;
	p0 =	sne.s32 s23, $0x4E000  }
.Ltmp1:
0x42: {  	s24 =	sadd.s32 s24, s5;
	[sflag:s9] =	ssyncadd.s32 $0xFFFFF800;
	(pc) =	sbr.rel @p0 .LBB2_4-.Ltmp1, $3  }
0x43: {  	[spmem:s24] =	stream.linear.scatter [tilespmem:s8], [sflag:$0x7], $0x800, $0x38;
	[tilespmem:$0x1FC00] =	vst v63  }
0x44: {  	s23 =	sadd.s32 $0x2000, s23;
	_ =	sdelay $0x1  }
0x45: {  	_ =	swait.ge [sflag:s9], $0x800  }
0x46: {  	[sflag:s9] =	ssyncset.done $0x0  }
0x47: {  	[sflag:s9] =	ssyncadd.s32 $0xFFFFF800  }
0x48: {  	[bflag:$0x0] =	sbarrier.arrive $0xFFFF  }
0x49: {  	s23 =	rddreg [dreg:$0x4]  }
0x4a: {  	s23 =	sadd.s32 $0x0, s23  }
0x4b: {  	[tilespmem:s3], [sflag:$0x7] =	stream.linear.gather [hbm4b:s23+s3], $0xC80, $0x38;
	[tilespmem:$0x1FC00] =	vst v63  }
0x4c: {  	_ =	swait.ge [sflag:s9], $0xC80  }
0x4d: {  	p0 =	por $0x0, $0x0;
	[sflag:s9] =	ssyncset.done $0x0  }
0x4e: {  	s23 =	simm.s32 @p0 $0x4;
	[sflag:s9] =	ssyncadd.s32 $0xFFFFF380  }
0x4f: {  	_ =	swait.ge @p0 [sflag:s23], $0x3200  }
0x50: {  	s24 =	simm.s32 @p0 $0x2000;
	s25 =	simm.s32 @p0 $0x5;
	[sflag:s23] =	ssyncset.done @p0 $0x0  }
0x51: {  	s26 =	simm.s32 @p0 $0x0;
	[sflag:s23] =	ssyncadd.s32 @p0 $0xFFFFCE00;
	s23 =	simm.s32 @p0 $0x64  }
0x52: {  	[tilespmem:s24], [sflag:$0x1] =	stream.indirect.gather @p0 [hbm4b:s4+s23], $0x80, s26, s23, $0xb8;
	[tilespmem:$0x1FC00] =	vst v63  }
0x53: {  	_ =	swait.ge @p0 [sflag:s25], $0x3200  }
0x54: {  	s24 =	simm.s32 @p0 $0x6;
	[sflag:s25] =	ssyncset.done @p0 $0x0  }
0x55: {  	s26 =	simm.s32 @p0 $0x5400;
	[sflag:s25] =	ssyncadd.s32 @p0 $0xFFFFCE00;
	s25 =	simm.s32 @p0 $0x80  }
0x56: {  	[tilespmem:s26], [sflag:$0x2] =	stream.indirect.gather @p0 [hbm4b:s4+s23], $0x80, s25, s23, $0xb8;
	[tilespmem:$0x1FC00] =	vst v63  }
0x57: {  	_ =	swait.ge @p0 [sflag:s24], $0x3200  }
0x58: {  	s23 =	simm.s32 @!p0 $0x0;
	[sflag:s24] =	ssyncset.done @p0 $0x0  }
0x59: {  	s25 =	simm.s32 @!p0 $0x2000;
	[sflag:s24] =	ssyncadd.s32 @p0 $0xFFFFCE00;
	s24 =	simm.s32 @!p0 $0x64  }
0x5a: {  	[tilespmem:s25], [sflag:$0x1] =	stream.indirect.gather @!p0 [hbm4b:s4+s24], $0x80, s23, s24, $0xb8;
	[tilespmem:$0x1FC00] =	vst v63  }
0x5b: {  	s31 =	rddreg [dreg:$0x3];
	s23 =	simm.s32 @!p0 $0x80;
	s25 =	simm.s32 @!p0 $0x5400  }
0x5c: {  	[tilespmem:s25], [sflag:$0x2] =	stream.indirect.gather @!p0 [hbm4b:s4+s24], $0x80, s23, s24, $0xb8;
	[tilespmem:$0x1FC00] =	vst v63  }
0x5d: {  	s28 =	sadd.s32 $0x0, s31  }
0x5e: {  	[tilespmem:s10], [sflag:$0x7] =	stream.linear.gather [hbm4b:s28+s3], $0xC80, $0x38;
	[tilespmem:$0x1FC00] =	vst v63  }
0x5f: {  	_ =	swait.ge [sflag:s9], $0xC80  }
0x60: {  	[sflag:s9] =	ssyncset.done $0x0  }
0x61: {  	[sflag:s9] =	ssyncadd.s32 $0xFFFFF380  }
0x62: {  	_ =	swait.ge [sflag:s11], $0x3200  }
0x63: {  	[sflag:s11] =	ssyncset.done $0x0  }
0x64: {  	[sflag:s11] =	ssyncadd.s32 $0xFFFFCE00  }
0x65: {  	[spmem:s2] =	stream.indirect.scatter.add.f32 [tilespmem:s8], [sflag:$0x4], $0x80, s10, s12, $0xb8;
	[tilespmem:$0x1FC00] =	vst v63  }
0x66: {  	s29 =	rddreg [dreg:$0x5]  }
0x67: {  	[tilespmem:s13], [sflag:$0x3] =	stream.indirect.gather [hbm4b:s4+s12], $0x80, s29, s12, $0xb8;
	[tilespmem:$0x1FC00] =	vst v63  }
0x68: {  	_ =	swait.ge [sflag:s14], $0x3200  }
0x69: {  	[sflag:s14] =	ssyncset.done $0x0  }
0x6a: {  	s30 =	rddreg [dreg:$0x6];
	[sflag:s14] =	ssyncadd.s32 $0xFFFFCE00  }
0x6b: {  	[spmem:s2] =	stream.indirect.scatter.add.f32 [tilespmem:s15], [sflag:$0x5], $0x80, s30, s12, $0xb8;
	[tilespmem:$0x1FC00] =	vst v63  }
0x6c: {  	_ =	swait.ge [sflag:s16], $0x3200  }
0x6d: {  	[sflag:s16] =	ssyncset.done $0x0  }
0x6e: {  	s31 =	rddreg [dreg:$0x7];
	[sflag:s16] =	ssyncadd.s32 $0xFFFFCE00  }
0x6f: {  	[tilespmem:s8], [sflag:$0x1] =	stream.indirect.gather [hbm4b:s4+s12], $0x80, s31, s12, $0xb8;
	[tilespmem:$0x1FC00] =	vst v63  }
0x70: {  	_ =	swait.ge [sflag:s17], $0x3200  }
0x71: {  	[sflag:s17] =	ssyncset.done $0x0  }
0x72: {  	s24 =	rddreg [dreg:$0x8];
	[sflag:s17] =	ssyncadd.s32 $0xFFFFCE00  }
0x73: {  	[spmem:s2] =	stream.indirect.scatter.add.f32 [tilespmem:s13], [sflag:$0x6], $0x80, s24, s12, $0xb8;
	[tilespmem:$0x1FC00] =	vst v63  }
0x74: {  	_ =	swait.ge [sflag:s18], $0x3200  }
0x75: {  	[sflag:s18] =	ssyncset.done $0x0  }
0x76: {  	s25 =	rddreg [dreg:$0x9];
	[sflag:s18] =	ssyncadd.s32 $0xFFFFCE00  }
0x77: {  	[tilespmem:s15], [sflag:$0x2] =	stream.indirect.gather [hbm4b:s4+s12], $0x80, s25, s12, $0xb8;
	[tilespmem:$0x1FC00] =	vst v63  }
0x78: {  	_ =	swait.ge [sflag:s11], $0x3200  }
0x79: {  	[sflag:s11] =	ssyncset.done $0x0  }
0x7a: {  	s26 =	rddreg [dreg:$0xa];
	[sflag:s11] =	ssyncadd.s32 $0xFFFFCE00  }
0x7b: {  	[spmem:s2] =	stream.indirect.scatter.add.f32 [tilespmem:s8], [sflag:$0x4], $0x80, s26, s12, $0xb8;
	[tilespmem:$0x1FC00] =	vst v63  }
0x7c: {  	_ =	swait.ge [sflag:s19], $0x3200  }
0x7d: {  	[sflag:s19] =	ssyncset.done $0x0  }
0x7e: {  	s28 =	rddreg [dreg:$0xb];
	[sflag:s19] =	ssyncadd.s32 $0xFFFFCE00  }
0x7f: {  	[tilespmem:s13], [sflag:$0x3] =	stream.indirect.gather [hbm4b:s4+s12], $0x80, s28, s12, $0xb8;
	[tilespmem:$0x1FC00] =	vst v63  }
0x80: {  	_ =	swait.ge [sflag:s14], $0x3200  }
0x81: {  	[sflag:s14] =	ssyncset.done $0x0  }
0x82: {  	s29 =	rddreg [dreg:$0xc];
	[sflag:s14] =	ssyncadd.s32 $0xFFFFCE00  }
0x83: {  	[spmem:s2] =	stream.indirect.scatter.add.f32 [tilespmem:s15], [sflag:$0x5], $0x80, s29, s12, $0xb8;
	[tilespmem:$0x1FC00] =	vst v63  }
0x84: {  	_ =	swait.ge [sflag:s16], $0x3200  }
0x85: {  	[sflag:s16] =	ssyncset.done $0x0  }
0x86: {  	s30 =	rddreg [dreg:$0xd];
	[sflag:s16] =	ssyncadd.s32 $0xFFFFCE00  }
0x87: {  	[tilespmem:s8], [sflag:$0x1] =	stream.indirect.gather [hbm4b:s4+s12], $0x80, s30, s12, $0xb8;
	[tilespmem:$0x1FC00] =	vst v63  }
0x88: {  	_ =	swait.ge [sflag:s17], $0x3200  }
0x89: {  	[sflag:s17] =	ssyncset.done $0x0  }
0x8a: {  	s31 =	rddreg [dreg:$0xe];
	[sflag:s17] =	ssyncadd.s32 $0xFFFFCE00  }
0x8b: {  	[spmem:s2] =	stream.indirect.scatter.add.f32 [tilespmem:s13], [sflag:$0x6], $0x80, s31, s12, $0xb8;
	[tilespmem:$0x1FC00] =	vst v63  }
0x8c: {  	_ =	swait.ge [sflag:s18], $0x3200  }
0x8d: {  	[sflag:s18] =	ssyncset.done $0x0  }
0x8e: {  	s24 =	rddreg [dreg:$0xf];
	[sflag:s18] =	ssyncadd.s32 $0xFFFFCE00  }
0x8f: {  	[tilespmem:s15], [sflag:$0x2] =	stream.indirect.gather [hbm4b:s4+s12], $0x80, s24, s12, $0xb8;
	[tilespmem:$0x1FC00] =	vst v63  }
0x90: {  	_ =	swait.ge [sflag:s11], $0x3200  }
0x91: {  	[sflag:s11] =	ssyncset.done $0x0  }
0x92: {  	s25 =	rddreg [dreg:$0x10];
	[sflag:s11] =	ssyncadd.s32 $0xFFFFCE00  }
0x93: {  	[spmem:s2] =	stream.indirect.scatter.add.f32 [tilespmem:s8], [sflag:$0x4], $0x80, s25, s12, $0xb8;
	[tilespmem:$0x1FC00] =	vst v63  }
0x94: {  	_ =	swait.ge [sflag:s19], $0x3200  }
0x95: {  	[sflag:s19] =	ssyncset.done $0x0  }
0x96: {  	s26 =	rddreg [dreg:$0x11];
	[sflag:s19] =	ssyncadd.s32 $0xFFFFCE00  }
0x97: {  	[tilespmem:s13], [sflag:$0x3] =	stream.indirect.gather [hbm4b:s4+s12], $0x80, s26, s12, $0xb8;
	[tilespmem:$0x1FC00] =	vst v63  }
0x98: {  	_ =	swait.ge [sflag:s14], $0x3200  }
0x99: {  	[sflag:s14] =	ssyncset.done $0x0  }
0x9a: {  	s28 =	rddreg [dreg:$0x12];
	[sflag:s14] =	ssyncadd.s32 $0xFFFFCE00  }
0x9b: {  	[spmem:s2] =	stream.indirect.scatter.add.f32 [tilespmem:s15], [sflag:$0x5], $0x80, s28, s12, $0xb8;
	[tilespmem:$0x1FC00] =	vst v63  }
0x9c: {  	_ =	swait.ge [sflag:s16], $0x3200  }
0x9d: {  	[sflag:s16] =	ssyncset.done $0x0  }
0x9e: {  	s29 =	rddreg [dreg:$0x13];
	[sflag:s16] =	ssyncadd.s32 $0xFFFFCE00  }
0x9f: {  	[tilespmem:s8], [sflag:$0x1] =	stream.indirect.gather [hbm4b:s4+s12], $0x80, s29, s12, $0xb8;
	[tilespmem:$0x1FC00] =	vst v63  }
0xa0: {  	_ =	swait.ge [sflag:s17], $0x3200  }
0xa1: {  	[sflag:s17] =	ssyncset.done $0x0  }
0xa2: {  	s30 =	rddreg [dreg:$0x14];
	[sflag:s17] =	ssyncadd.s32 $0xFFFFCE00  }
0xa3: {  	[spmem:s2] =	stream.indirect.scatter.add.f32 [tilespmem:s13], [sflag:$0x6], $0x80, s30, s12, $0xb8;
	[tilespmem:$0x1FC00] =	vst v63  }
0xa4: {  	_ =	swait.ge [sflag:s18], $0x3200  }
0xa5: {  	[sflag:s18] =	ssyncset.done $0x0  }
0xa6: {  	s31 =	rddreg [dreg:$0x15];
	[sflag:s18] =	ssyncadd.s32 $0xFFFFCE00  }
0xa7: {  	[tilespmem:s15], [sflag:$0x2] =	stream.indirect.gather [hbm4b:s4+s12], $0x80, s31, s12, $0xb8;
	[tilespmem:$0x1FC00] =	vst v63  }
0xa8: {  	_ =	swait.ge [sflag:s11], $0x3200  }
0xa9: {  	[sflag:s11] =	ssyncset.done $0x0  }
0xaa: {  	s24 =	rddreg [dreg:$0x16];
	[sflag:s11] =	ssyncadd.s32 $0xFFFFCE00  }
0xab: {  	[spmem:s2] =	stream.indirect.scatter.add.f32 [tilespmem:s8], [sflag:$0x4], $0x80, s24, s12, $0xb8;
	[tilespmem:$0x1FC00] =	vst v63  }
0xac: {  	_ =	swait.ge [sflag:s19], $0x3200  }
0xad: {  	[sflag:s19] =	ssyncset.done $0x0  }
0xae: {  	s25 =	rddreg [dreg:$0x17];
	[sflag:s19] =	ssyncadd.s32 $0xFFFFCE00  }
0xaf: {  	[tilespmem:s13], [sflag:$0x3] =	stream.indirect.gather [hbm4b:s4+s12], $0x80, s25, s12, $0xb8;
	[tilespmem:$0x1FC00] =	vst v63  }
0xb0: {  	_ =	swait.ge [sflag:s14], $0x3200  }
0xb1: {  	[sflag:s14] =	ssyncset.done $0x0  }
0xb2: {  	s26 =	rddreg [dreg:$0x18];
	[sflag:s14] =	ssyncadd.s32 $0xFFFFCE00  }
0xb3: {  	[spmem:s2] =	stream.indirect.scatter.add.f32 [tilespmem:s15], [sflag:$0x5], $0x80, s26, s12, $0xb8;
	[tilespmem:$0x1FC00] =	vst v63  }
0xb4: {  	_ =	swait.ge [sflag:s16], $0x3200  }
0xb5: {  	[sflag:s16] =	ssyncset.done $0x0  }
0xb6: {  	s28 =	rddreg [dreg:$0x19];
	[sflag:s16] =	ssyncadd.s32 $0xFFFFCE00  }
0xb7: {  	[tilespmem:s8], [sflag:$0x1] =	stream.indirect.gather [hbm4b:s4+s12], $0x80, s28, s12, $0xb8;
	[tilespmem:$0x1FC00] =	vst v63  }
0xb8: {  	_ =	swait.ge [sflag:s17], $0x3200  }
0xb9: {  	[sflag:s17] =	ssyncset.done $0x0  }
0xba: {  	s29 =	rddreg [dreg:$0x1a];
	[sflag:s17] =	ssyncadd.s32 $0xFFFFCE00  }
0xbb: {  	[spmem:s2] =	stream.indirect.scatter.add.f32 [tilespmem:s13], [sflag:$0x6], $0x80, s29, s12, $0xb8;
	[tilespmem:$0x1FC00] =	vst v63  }
0xbc: {  	_ =	swait.ge [sflag:s18], $0x3200  }
0xbd: {  	[sflag:s18] =	ssyncset.done $0x0  }
0xbe: {  	s30 =	rddreg [dreg:$0x1b];
	[sflag:s18] =	ssyncadd.s32 $0xFFFFCE00  }
0xbf: {  	[tilespmem:s15], [sflag:$0x2] =	stream.indirect.gather [hbm4b:s4+s12], $0x80, s30, s12, $0xb8;
	[tilespmem:$0x1FC00] =	vst v63  }
0xc0: {  	_ =	swait.ge [sflag:s11], $0x3200  }
0xc1: {  	[sflag:s11] =	ssyncset.done $0x0  }
0xc2: {  	s31 =	rddreg [dreg:$0x1c];
	[sflag:s11] =	ssyncadd.s32 $0xFFFFCE00  }
0xc3: {  	[spmem:s2] =	stream.indirect.scatter.add.f32 [tilespmem:s8], [sflag:$0x4], $0x80, s31, s12, $0xb8;
	[tilespmem:$0x1FC00] =	vst v63  }
0xc4: {  	_ =	swait.ge [sflag:s19], $0x3200  }
0xc5: {  	[sflag:s19] =	ssyncset.done $0x0  }
0xc6: {  	s24 =	rddreg [dreg:$0x1d];
	[sflag:s19] =	ssyncadd.s32 $0xFFFFCE00  }
0xc7: {  	[tilespmem:s13], [sflag:$0x3] =	stream.indirect.gather [hbm4b:s4+s12], $0x80, s24, s12, $0xb8;
	[tilespmem:$0x1FC00] =	vst v63  }
0xc8: {  	_ =	swait.ge [sflag:s14], $0x3200  }
0xc9: {  	[sflag:s14] =	ssyncset.done $0x0  }
0xca: {  	s25 =	rddreg [dreg:$0x1e];
	[sflag:s14] =	ssyncadd.s32 $0xFFFFCE00  }
0xcb: {  	[spmem:s2] =	stream.indirect.scatter.add.f32 [tilespmem:s15], [sflag:$0x5], $0x80, s25, s12, $0xb8;
	[tilespmem:$0x1FC00] =	vst v63  }
0xcc: {  	_ =	swait.ge [sflag:s16], $0x3200  }
0xcd: {  	[sflag:s16] =	ssyncset.done $0x0  }
0xce: {  	s26 =	rddreg [dreg:$0x1f];
	[sflag:s16] =	ssyncadd.s32 $0xFFFFCE00  }
0xcf: {  	[tilespmem:s8], [sflag:$0x1] =	stream.indirect.gather [hbm4b:s4+s12], $0x80, s26, s12, $0xb8;
	[tilespmem:$0x1FC00] =	vst v63  }
0xd0: {  	_ =	swait.ge [sflag:s17], $0x3200  }
0xd1: {  	s28 =	sld [smem:$0x7EC]  }
0xd2: {  	[sflag:s17] =	ssyncset.done $0x0  }
0xd3: {  	[sflag:s17] =	ssyncadd.s32 $0xFFFFCE00  }
0xd4: {  	[spmem:s2] =	stream.indirect.scatter.add.f32 [tilespmem:s13], [sflag:$0x6], $0x80, s28, s12, $0xb8;
	[tilespmem:$0x1FC00] =	vst v63  }
0xd5: {  	_ =	swait.ge [sflag:s18], $0x3200  }
0xd6: {  	s29 =	sld [smem:$0x7ED]  }
0xd7: {  	[sflag:s18] =	ssyncset.done $0x0  }
0xd8: {  	[sflag:s18] =	ssyncadd.s32 $0xFFFFCE00  }
0xd9: {  	[tilespmem:s15], [sflag:$0x2] =	stream.indirect.gather [hbm4b:s4+s12], $0x80, s29, s12, $0xb8;
	[tilespmem:$0x1FC00] =	vst v63  }
0xda: {  	_ =	swait.ge [sflag:s11], $0x3200  }
0xdb: {  	s30 =	sld [smem:$0x7EE]  }
0xdc: {  	[sflag:s11] =	ssyncset.done $0x0  }
0xdd: {  	[sflag:s11] =	ssyncadd.s32 $0xFFFFCE00  }
0xde: {  	[spmem:s2] =	stream.indirect.scatter.add.f32 [tilespmem:s8], [sflag:$0x4], $0x80, s30, s12, $0xb8;
	[tilespmem:$0x1FC00] =	vst v63  }
0xdf: {  	_ =	swait.ge [sflag:s19], $0x3200  }
0xe0: {  	s31 =	sld [smem:$0x7EF]  }
0xe1: {  	[sflag:s19] =	ssyncset.done $0x0  }
0xe2: {  	[sflag:s19] =	ssyncadd.s32 $0xFFFFCE00  }
0xe3: {  	[tilespmem:s13], [sflag:$0x3] =	stream.indirect.gather [hbm4b:s4+s12], $0x80, s31, s12, $0xb8;
	[tilespmem:$0x1FC00] =	vst v63  }
0xe4: {  	_ =	swait.ge [sflag:s14], $0x3200  }
0xe5: {  	s24 =	sld [smem:$0x7F0]  }
0xe6: {  	[sflag:s14] =	ssyncset.done $0x0  }
0xe7: {  	[sflag:s14] =	ssyncadd.s32 $0xFFFFCE00  }
0xe8: {  	[spmem:s2] =	stream.indirect.scatter.add.f32 [tilespmem:s15], [sflag:$0x5], $0x80, s24, s12, $0xb8;
	[tilespmem:$0x1FC00] =	vst v63  }
0xe9: {  	_ =	swait.ge [sflag:s16], $0x3200  }
0xea: {  	s25 =	sld [smem:$0x7F1]  }
0xeb: {  	[sflag:s16] =	ssyncset.done $0x0  }
0xec: {  	[sflag:s16] =	ssyncadd.s32 $0xFFFFCE00  }
0xed: {  	[tilespmem:s8], [sflag:$0x1] =	stream.indirect.gather [hbm4b:s4+s12], $0x80, s25, s12, $0xb8;
	[tilespmem:$0x1FC00] =	vst v63  }
0xee: {  	_ =	swait.ge [sflag:s17], $0x3200  }
0xef: {  	s26 =	sld [smem:$0x7F2]  }
0xf0: {  	[sflag:s17] =	ssyncset.done $0x0  }
0xf1: {  	[sflag:s17] =	ssyncadd.s32 $0xFFFFCE00  }
0xf2: {  	[spmem:s2] =	stream.indirect.scatter.add.f32 [tilespmem:s13], [sflag:$0x6], $0x80, s26, s12, $0xb8;
	[tilespmem:$0x1FC00] =	vst v63  }
0xf3: {  	_ =	swait.ge [sflag:s18], $0x3200  }
0xf4: {  	s28 =	sld [smem:$0x7F3]  }
0xf5: {  	[sflag:s18] =	ssyncset.done $0x0  }
0xf6: {  	[sflag:s18] =	ssyncadd.s32 $0xFFFFCE00  }
0xf7: {  	[tilespmem:s15], [sflag:$0x2] =	stream.indirect.gather [hbm4b:s4+s12], $0x80, s28, s12, $0xb8;
	[tilespmem:$0x1FC00] =	vst v63  }
0xf8: {  	_ =	swait.ge [sflag:s11], $0x3200  }
0xf9: {  	s29 =	sld [smem:$0x7F4]  }
0xfa: {  	[sflag:s11] =	ssyncset.done $0x0  }
0xfb: {  	[sflag:s11] =	ssyncadd.s32 $0xFFFFCE00  }
0xfc: {  	[spmem:s2] =	stream.indirect.scatter.add.f32 [tilespmem:s8], [sflag:$0x4], $0x80, s29, s12, $0xb8;
	[tilespmem:$0x1FC00] =	vst v63  }
0xfd: {  	_ =	swait.ge [sflag:s19], $0x3200  }
0xfe: {  	s30 =	sld [smem:$0x7F5]  }
0xff: {  	[sflag:s19] =	ssyncset.done $0x0  }
0x100: {  	[sflag:s19] =	ssyncadd.s32 $0xFFFFCE00  }
0x101: {  	[tilespmem:s13], [sflag:$0x3] =	stream.indirect.gather [hbm4b:s4+s12], $0x80, s30, s12, $0xb8;
	[tilespmem:$0x1FC00] =	vst v63  }
0x102: {  	_ =	swait.ge [sflag:s14], $0x3200  }
0x103: {  	s31 =	sld [smem:$0x7F6]  }
0x104: {  	[sflag:s14] =	ssyncset.done $0x0  }
0x105: {  	[sflag:s14] =	ssyncadd.s32 $0xFFFFCE00  }
0x106: {  	[spmem:s2] =	stream.indirect.scatter.add.f32 [tilespmem:s15], [sflag:$0x5], $0x80, s31, s12, $0xb8;
	[tilespmem:$0x1FC00] =	vst v63  }
0x107: {  	_ =	swait.ge [sflag:s16], $0x3200  }
0x108: {  	s24 =	sld [smem:$0x7F7]  }
0x109: {  	[sflag:s16] =	ssyncset.done $0x0  }
0x10a: {  	[sflag:s16] =	ssyncadd.s32 $0xFFFFCE00  }
0x10b: {  	[tilespmem:s8], [sflag:$0x1] =	stream.indirect.gather [hbm4b:s4+s12], $0x80, s24, s12, $0xb8;
	[tilespmem:$0x1FC00] =	vst v63  }
0x10c: {  	_ =	swait.ge [sflag:s17], $0x3200  }
0x10d: {  	s25 =	sld [smem:$0x7F8]  }
0x10e: {  	[sflag:s17] =	ssyncset.done $0x0  }
0x10f: {  	[sflag:s17] =	ssyncadd.s32 $0xFFFFCE00  }
0x110: {  	[spmem:s2] =	stream.indirect.scatter.add.f32 [tilespmem:s13], [sflag:$0x6], $0x80, s25, s12, $0xb8;
	[tilespmem:$0x1FC00] =	vst v63  }
0x111: {  	_ =	swait.ge [sflag:s18], $0x3200  }
0x112: {  	s26 =	sld [smem:$0x7F9]  }
0x113: {  	[sflag:s18] =	ssyncset.done $0x0  }
0x114: {  	[sflag:s18] =	ssyncadd.s32 $0xFFFFCE00  }
0x115: {  	[tilespmem:s15], [sflag:$0x2] =	stream.indirect.gather [hbm4b:s4+s12], $0x80, s26, s12, $0xb8;
	[tilespmem:$0x1FC00] =	vst v63  }
0x116: {  	_ =	swait.ge [sflag:s11], $0x3200  }
0x117: {  	s28 =	sld [smem:$0x7FA]  }
0x118: {  	[sflag:s11] =	ssyncset.done $0x0  }
0x119: {  	[sflag:s11] =	ssyncadd.s32 $0xFFFFCE00  }
0x11a: {  	[spmem:s2] =	stream.indirect.scatter.add.f32 [tilespmem:s8], [sflag:$0x4], $0x80, s28, s12, $0xb8;
	[tilespmem:$0x1FC00] =	vst v63  }
0x11b: {  	_ =	swait.ge [sflag:s19], $0x3200  }
0x11c: {  	s29 =	sld [smem:$0x7FB]  }
0x11d: {  	[sflag:s19] =	ssyncset.done $0x0  }
0x11e: {  	[sflag:s19] =	ssyncadd.s32 $0xFFFFCE00  }
0x11f: {  	[tilespmem:s13], [sflag:$0x3] =	stream.indirect.gather [hbm4b:s4+s12], $0x80, s29, s12, $0xb8;
	[tilespmem:$0x1FC00] =	vst v63  }
0x120: {  	_ =	swait.ge [sflag:s14], $0x3200  }
0x121: {  	s30 =	sld [smem:$0x7FC]  }
0x122: {  	[sflag:s14] =	ssyncset.done $0x0  }
0x123: {  	[sflag:s14] =	ssyncadd.s32 $0xFFFFCE00  }
0x124: {  	[spmem:s2] =	stream.indirect.scatter.add.f32 [tilespmem:s15], [sflag:$0x5], $0x80, s30, s12, $0xb8;
	[tilespmem:$0x1FC00] =	vst v63  }
0x125: {  	_ =	swait.ge [sflag:s16], $0x3200  }
0x126: {  	s31 =	sld [smem:$0x7FD]  }
0x127: {  	[sflag:s16] =	ssyncset.done $0x0  }
0x128: {  	[sflag:s16] =	ssyncadd.s32 $0xFFFFCE00  }
0x129: {  	[tilespmem:s8], [sflag:$0x1] =	stream.indirect.gather [hbm4b:s4+s12], $0x80, s31, s12, $0xb8;
	[tilespmem:$0x1FC00] =	vst v63  }
0x12a: {  	_ =	swait.ge [sflag:s17], $0x3200  }
0x12b: {  	[sflag:s17] =	ssyncset.done $0x0  }
0x12c: {  	[sflag:s17] =	ssyncadd.s32 $0xFFFFCE00  }
0x12d: {  	[spmem:s2] =	stream.indirect.scatter.add.f32 [tilespmem:s13], [sflag:$0x6], $0x80, s20, s12, $0xb8;
	[tilespmem:$0x1FC00] =	vst v63  }
0x12e: {  	_ =	swait.ge [sflag:s11], $0x3200  }
0x12f: {  	s23 =	simm.s32 $0x200;
	[sflag:s11] =	ssyncset.done $0x0  }
0x130: {  	s24 =	simm.s32 $0x400;
	s25 =	rddreg [dreg:$0x4];
	[sflag:s11] =	ssyncadd.s32 $0xFFFFCE00  }
.LBB2_6:
0x131: {  	[spmem:s2] =	stream.indirect.scatter.add.f32 [tilespmem:s8], [sflag:$0x4], $0x80, s21, s12, $0xb8;
	[tilespmem:$0x1FC00] =	vst v63  }
0x132: {  	s25 =	sadd.s32 s23, s25  }
0x133: {  	[tilespmem:s3], [sflag:$0x7] =	stream.linear.gather [hbm4b:s25+s3], $0xC80, $0x38;
	[tilespmem:$0x1FC00] =	vst v63  }
0x134: {  	_ =	swait.ge [sflag:s9], $0xC80  }
0x135: {  	p1 =	sne.s32 s23, $0x0;
	[sflag:s9] =	ssyncset.done $0x0  }
0x136: {  	s25 =	simm.s32 @p1 $0x4;
	[sflag:s9] =	ssyncadd.s32 $0xFFFFF380  }
0x137: {  	_ =	swait.ge @p1 [sflag:s25], $0x3200  }
0x138: {  	s28 =	simm.s32 @p1 $0x2000;
	s29 =	simm.s32 @p1 $0x5;
	[sflag:s25] =	ssyncset.done @p1 $0x0  }
0x139: {  	s30 =	simm.s32 @p1 $0x0;
	[sflag:s25] =	ssyncadd.s32 @p1 $0xFFFFCE00;
	s25 =	simm.s32 @p1 $0x64  }
0x13a: {  	[tilespmem:s28], [sflag:$0x1] =	stream.indirect.gather @p1 [hbm4b:s4+s25], $0x80, s30, s25, $0xb8;
	[tilespmem:$0x1FC00] =	vst v63  }
0x13b: {  	_ =	swait.ge @p1 [sflag:s29], $0x3200  }
0x13c: {  	s28 =	simm.s32 @p1 $0x6;
	[sflag:s29] =	ssyncset.done @p1 $0x0  }
0x13d: {  	s30 =	simm.s32 @p1 $0x5400;
	[sflag:s29] =	ssyncadd.s32 @p1 $0xFFFFCE00;
	s29 =	simm.s32 @p1 $0x80  }
0x13e: {  	[tilespmem:s30], [sflag:$0x2] =	stream.indirect.gather @p1 [hbm4b:s4+s25], $0x80, s29, s25, $0xb8;
	[tilespmem:$0x1FC00] =	vst v63  }
0x13f: {  	_ =	swait.ge @p1 [sflag:s28], $0x3200  }
0x140: {  	s25 =	simm.s32 @!p1 $0x0;
	[sflag:s28] =	ssyncset.done @p1 $0x0  }
0x141: {  	s29 =	simm.s32 @!p1 $0x2000;
	[sflag:s28] =	ssyncadd.s32 @p1 $0xFFFFCE00;
	s28 =	simm.s32 @!p1 $0x64  }
0x142: {  	[tilespmem:s29], [sflag:$0x1] =	stream.indirect.gather @!p1 [hbm4b:s4+s28], $0x80, s25, s28, $0xb8;
	[tilespmem:$0x1FC00] =	vst v63  }
0x143: {  	s31 =	rddreg [dreg:$0x3];
	s25 =	simm.s32 @!p1 $0x80;
	s29 =	simm.s32 @!p1 $0x5400  }
0x144: {  	[tilespmem:s29], [sflag:$0x2] =	stream.indirect.gather @!p1 [hbm4b:s4+s28], $0x80, s25, s28, $0xb8;
	[tilespmem:$0x1FC00] =	vst v63  }
0x145: {  	s31 =	sadd.s32 s23, s31  }
0x146: {  	[tilespmem:s10], [sflag:$0x7] =	stream.linear.gather [hbm4b:s31+s3], $0xC80, $0x38;
	[tilespmem:$0x1FC00] =	vst v63  }
0x147: {  	_ =	swait.ge [sflag:s9], $0xC80  }
0x148: {  	[sflag:s9] =	ssyncset.done $0x0  }
0x149: {  	[sflag:s9] =	ssyncadd.s32 $0xFFFFF380  }
0x14a: {  	_ =	swait.ge [sflag:s11], $0x3200  }
0x14b: {  	[sflag:s11] =	ssyncset.done $0x0  }
0x14c: {  	s26 =	smov.u32 s24;
	[sflag:s11] =	ssyncadd.s32 $0xFFFFCE00  }
0x14d: {  	[spmem:s2] =	stream.indirect.scatter.add.f32 [tilespmem:s8], [sflag:$0x4], $0x80, s10, s12, $0xb8;
	[tilespmem:$0x1FC00] =	vst v63  }
0x14e: {  	s23 =	smov.u32 s26;
	s26 =	rddreg [dreg:$0x5]  }
0x14f: {  	[tilespmem:s13], [sflag:$0x3] =	stream.indirect.gather [hbm4b:s4+s12], $0x80, s26, s12, $0xb8;
	[tilespmem:$0x1FC00] =	vst v63  }
0x150: {  	_ =	swait.ge [sflag:s14], $0x3200  }
0x151: {  	[sflag:s14] =	ssyncset.done $0x0  }
0x152: {  	s28 =	rddreg [dreg:$0x6];
	[sflag:s14] =	ssyncadd.s32 $0xFFFFCE00  }
0x153: {  	[spmem:s2] =	stream.indirect.scatter.add.f32 [tilespmem:s15], [sflag:$0x5], $0x80, s28, s12, $0xb8;
	[tilespmem:$0x1FC00] =	vst v63  }
0x154: {  	_ =	swait.ge [sflag:s16], $0x3200  }
0x155: {  	[sflag:s16] =	ssyncset.done $0x0  }
0x156: {  	s29 =	rddreg [dreg:$0x7];
	[sflag:s16] =	ssyncadd.s32 $0xFFFFCE00  }
0x157: {  	[tilespmem:s8], [sflag:$0x1] =	stream.indirect.gather [hbm4b:s4+s12], $0x80, s29, s12, $0xb8;
	[tilespmem:$0x1FC00] =	vst v63  }
0x158: {  	_ =	swait.ge [sflag:s17], $0x3200  }
0x159: {  	[sflag:s17] =	ssyncset.done $0x0  }
0x15a: {  	s30 =	rddreg [dreg:$0x8];
	[sflag:s17] =	ssyncadd.s32 $0xFFFFCE00  }
0x15b: {  	[spmem:s2] =	stream.indirect.scatter.add.f32 [tilespmem:s13], [sflag:$0x6], $0x80, s30, s12, $0xb8;
	[tilespmem:$0x1FC00] =	vst v63  }
0x15c: {  	_ =	swait.ge [sflag:s18], $0x3200  }
0x15d: {  	[sflag:s18] =	ssyncset.done $0x0  }
0x15e: {  	s31 =	rddreg [dreg:$0x9];
	[sflag:s18] =	ssyncadd.s32 $0xFFFFCE00  }
0x15f: {  	[tilespmem:s15], [sflag:$0x2] =	stream.indirect.gather [hbm4b:s4+s12], $0x80, s31, s12, $0xb8;
	[tilespmem:$0x1FC00] =	vst v63  }
0x160: {  	_ =	swait.ge [sflag:s11], $0x3200  }
0x161: {  	[sflag:s11] =	ssyncset.done $0x0  }
0x162: {  	s26 =	rddreg [dreg:$0xa];
	[sflag:s11] =	ssyncadd.s32 $0xFFFFCE00  }
0x163: {  	[spmem:s2] =	stream.indirect.scatter.add.f32 [tilespmem:s8], [sflag:$0x4], $0x80, s26, s12, $0xb8;
	[tilespmem:$0x1FC00] =	vst v63  }
0x164: {  	_ =	swait.ge [sflag:s19], $0x3200  }
0x165: {  	[sflag:s19] =	ssyncset.done $0x0  }
0x166: {  	s28 =	rddreg [dreg:$0xb];
	[sflag:s19] =	ssyncadd.s32 $0xFFFFCE00  }
0x167: {  	[tilespmem:s13], [sflag:$0x3] =	stream.indirect.gather [hbm4b:s4+s12], $0x80, s28, s12, $0xb8;
	[tilespmem:$0x1FC00] =	vst v63  }
0x168: {  	_ =	swait.ge [sflag:s14], $0x3200  }
0x169: {  	[sflag:s14] =	ssyncset.done $0x0  }
0x16a: {  	s29 =	rddreg [dreg:$0xc];
	[sflag:s14] =	ssyncadd.s32 $0xFFFFCE00  }
0x16b: {  	[spmem:s2] =	stream.indirect.scatter.add.f32 [tilespmem:s15], [sflag:$0x5], $0x80, s29, s12, $0xb8;
	[tilespmem:$0x1FC00] =	vst v63  }
0x16c: {  	_ =	swait.ge [sflag:s16], $0x3200  }
0x16d: {  	[sflag:s16] =	ssyncset.done $0x0  }
0x16e: {  	s30 =	rddreg [dreg:$0xd];
	[sflag:s16] =	ssyncadd.s32 $0xFFFFCE00  }
0x16f: {  	[tilespmem:s8], [sflag:$0x1] =	stream.indirect.gather [hbm4b:s4+s12], $0x80, s30, s12, $0xb8;
	[tilespmem:$0x1FC00] =	vst v63  }
0x170: {  	_ =	swait.ge [sflag:s17], $0x3200  }
0x171: {  	[sflag:s17] =	ssyncset.done $0x0  }
0x172: {  	s31 =	rddreg [dreg:$0xe];
	[sflag:s17] =	ssyncadd.s32 $0xFFFFCE00  }
0x173: {  	[spmem:s2] =	stream.indirect.scatter.add.f32 [tilespmem:s13], [sflag:$0x6], $0x80, s31, s12, $0xb8;
	[tilespmem:$0x1FC00] =	vst v63  }
0x174: {  	_ =	swait.ge [sflag:s18], $0x3200  }
0x175: {  	[sflag:s18] =	ssyncset.done $0x0  }
0x176: {  	s26 =	rddreg [dreg:$0xf];
	[sflag:s18] =	ssyncadd.s32 $0xFFFFCE00  }
0x177: {  	[tilespmem:s15], [sflag:$0x2] =	stream.indirect.gather [hbm4b:s4+s12], $0x80, s26, s12, $0xb8;
	[tilespmem:$0x1FC00] =	vst v63  }
0x178: {  	_ =	swait.ge [sflag:s11], $0x3200  }
0x179: {  	[sflag:s11] =	ssyncset.done $0x0  }
0x17a: {  	s28 =	rddreg [dreg:$0x10];
	[sflag:s11] =	ssyncadd.s32 $0xFFFFCE00  }
0x17b: {  	[spmem:s2] =	stream.indirect.scatter.add.f32 [tilespmem:s8], [sflag:$0x4], $0x80, s28, s12, $0xb8;
	[tilespmem:$0x1FC00] =	vst v63  }
0x17c: {  	_ =	swait.ge [sflag:s19], $0x3200  }
0x17d: {  	[sflag:s19] =	ssyncset.done $0x0  }
0x17e: {  	s29 =	rddreg [dreg:$0x11];
	[sflag:s19] =	ssyncadd.s32 $0xFFFFCE00  }
0x17f: {  	[tilespmem:s13], [sflag:$0x3] =	stream.indirect.gather [hbm4b:s4+s12], $0x80, s29, s12, $0xb8;
	[tilespmem:$0x1FC00] =	vst v63  }
0x180: {  	_ =	swait.ge [sflag:s14], $0x3200  }
0x181: {  	[sflag:s14] =	ssyncset.done $0x0  }
0x182: {  	s30 =	rddreg [dreg:$0x12];
	[sflag:s14] =	ssyncadd.s32 $0xFFFFCE00  }
0x183: {  	[spmem:s2] =	stream.indirect.scatter.add.f32 [tilespmem:s15], [sflag:$0x5], $0x80, s30, s12, $0xb8;
	[tilespmem:$0x1FC00] =	vst v63  }
0x184: {  	_ =	swait.ge [sflag:s16], $0x3200  }
0x185: {  	[sflag:s16] =	ssyncset.done $0x0  }
0x186: {  	s31 =	rddreg [dreg:$0x13];
	[sflag:s16] =	ssyncadd.s32 $0xFFFFCE00  }
0x187: {  	[tilespmem:s8], [sflag:$0x1] =	stream.indirect.gather [hbm4b:s4+s12], $0x80, s31, s12, $0xb8;
	[tilespmem:$0x1FC00] =	vst v63  }
0x188: {  	_ =	swait.ge [sflag:s17], $0x3200  }
0x189: {  	[sflag:s17] =	ssyncset.done $0x0  }
0x18a: {  	s26 =	rddreg [dreg:$0x14];
	[sflag:s17] =	ssyncadd.s32 $0xFFFFCE00  }
0x18b: {  	[spmem:s2] =	stream.indirect.scatter.add.f32 [tilespmem:s13], [sflag:$0x6], $0x80, s26, s12, $0xb8;
	[tilespmem:$0x1FC00] =	vst v63  }
0x18c: {  	_ =	swait.ge [sflag:s18], $0x3200  }
0x18d: {  	[sflag:s18] =	ssyncset.done $0x0  }
0x18e: {  	s28 =	rddreg [dreg:$0x15];
	[sflag:s18] =	ssyncadd.s32 $0xFFFFCE00  }
0x18f: {  	[tilespmem:s15], [sflag:$0x2] =	stream.indirect.gather [hbm4b:s4+s12], $0x80, s28, s12, $0xb8;
	[tilespmem:$0x1FC00] =	vst v63  }
0x190: {  	_ =	swait.ge [sflag:s11], $0x3200  }
0x191: {  	[sflag:s11] =	ssyncset.done $0x0  }
0x192: {  	s29 =	rddreg [dreg:$0x16];
	[sflag:s11] =	ssyncadd.s32 $0xFFFFCE00  }
0x193: {  	[spmem:s2] =	stream.indirect.scatter.add.f32 [tilespmem:s8], [sflag:$0x4], $0x80, s29, s12, $0xb8;
	[tilespmem:$0x1FC00] =	vst v63  }
0x194: {  	_ =	swait.ge [sflag:s19], $0x3200  }
0x195: {  	[sflag:s19] =	ssyncset.done $0x0  }
0x196: {  	s30 =	rddreg [dreg:$0x17];
	[sflag:s19] =	ssyncadd.s32 $0xFFFFCE00  }
0x197: {  	[tilespmem:s13], [sflag:$0x3] =	stream.indirect.gather [hbm4b:s4+s12], $0x80, s30, s12, $0xb8;
	[tilespmem:$0x1FC00] =	vst v63  }
0x198: {  	_ =	swait.ge [sflag:s14], $0x3200  }
0x199: {  	[sflag:s14] =	ssyncset.done $0x0  }
0x19a: {  	s31 =	rddreg [dreg:$0x18];
	[sflag:s14] =	ssyncadd.s32 $0xFFFFCE00  }
0x19b: {  	[spmem:s2] =	stream.indirect.scatter.add.f32 [tilespmem:s15], [sflag:$0x5], $0x80, s31, s12, $0xb8;
	[tilespmem:$0x1FC00] =	vst v63  }
0x19c: {  	_ =	swait.ge [sflag:s16], $0x3200  }
0x19d: {  	[sflag:s16] =	ssyncset.done $0x0  }
0x19e: {  	s26 =	rddreg [dreg:$0x19];
	[sflag:s16] =	ssyncadd.s32 $0xFFFFCE00  }
0x19f: {  	[tilespmem:s8], [sflag:$0x1] =	stream.indirect.gather [hbm4b:s4+s12], $0x80, s26, s12, $0xb8;
	[tilespmem:$0x1FC00] =	vst v63  }
0x1a0: {  	_ =	swait.ge [sflag:s17], $0x3200  }
0x1a1: {  	[sflag:s17] =	ssyncset.done $0x0  }
0x1a2: {  	s28 =	rddreg [dreg:$0x1a];
	[sflag:s17] =	ssyncadd.s32 $0xFFFFCE00  }
0x1a3: {  	[spmem:s2] =	stream.indirect.scatter.add.f32 [tilespmem:s13], [sflag:$0x6], $0x80, s28, s12, $0xb8;
	[tilespmem:$0x1FC00] =	vst v63  }
0x1a4: {  	_ =	swait.ge [sflag:s18], $0x3200  }
0x1a5: {  	[sflag:s18] =	ssyncset.done $0x0  }
0x1a6: {  	s29 =	rddreg [dreg:$0x1b];
	[sflag:s18] =	ssyncadd.s32 $0xFFFFCE00  }
0x1a7: {  	[tilespmem:s15], [sflag:$0x2] =	stream.indirect.gather [hbm4b:s4+s12], $0x80, s29, s12, $0xb8;
	[tilespmem:$0x1FC00] =	vst v63  }
0x1a8: {  	_ =	swait.ge [sflag:s11], $0x3200  }
0x1a9: {  	[sflag:s11] =	ssyncset.done $0x0  }
0x1aa: {  	s30 =	rddreg [dreg:$0x1c];
	[sflag:s11] =	ssyncadd.s32 $0xFFFFCE00  }
0x1ab: {  	[spmem:s2] =	stream.indirect.scatter.add.f32 [tilespmem:s8], [sflag:$0x4], $0x80, s30, s12, $0xb8;
	[tilespmem:$0x1FC00] =	vst v63  }
0x1ac: {  	_ =	swait.ge [sflag:s19], $0x3200  }
0x1ad: {  	[sflag:s19] =	ssyncset.done $0x0  }
0x1ae: {  	s31 =	rddreg [dreg:$0x1d];
	[sflag:s19] =	ssyncadd.s32 $0xFFFFCE00  }
0x1af: {  	[tilespmem:s13], [sflag:$0x3] =	stream.indirect.gather [hbm4b:s4+s12], $0x80, s31, s12, $0xb8;
	[tilespmem:$0x1FC00] =	vst v63  }
0x1b0: {  	_ =	swait.ge [sflag:s14], $0x3200  }
0x1b1: {  	[sflag:s14] =	ssyncset.done $0x0  }
0x1b2: {  	s26 =	rddreg [dreg:$0x1e];
	[sflag:s14] =	ssyncadd.s32 $0xFFFFCE00  }
0x1b3: {  	[spmem:s2] =	stream.indirect.scatter.add.f32 [tilespmem:s15], [sflag:$0x5], $0x80, s26, s12, $0xb8;
	[tilespmem:$0x1FC00] =	vst v63  }
0x1b4: {  	_ =	swait.ge [sflag:s16], $0x3200  }
0x1b5: {  	[sflag:s16] =	ssyncset.done $0x0  }
0x1b6: {  	s28 =	rddreg [dreg:$0x1f];
	[sflag:s16] =	ssyncadd.s32 $0xFFFFCE00  }
0x1b7: {  	[tilespmem:s8], [sflag:$0x1] =	stream.indirect.gather [hbm4b:s4+s12], $0x80, s28, s12, $0xb8;
	[tilespmem:$0x1FC00] =	vst v63  }
0x1b8: {  	_ =	swait.ge [sflag:s17], $0x3200  }
0x1b9: {  	s29 =	sld [smem:$0x7EC]  }
0x1ba: {  	[sflag:s17] =	ssyncset.done $0x0  }
0x1bb: {  	[sflag:s17] =	ssyncadd.s32 $0xFFFFCE00  }
0x1bc: {  	[spmem:s2] =	stream.indirect.scatter.add.f32 [tilespmem:s13], [sflag:$0x6], $0x80, s29, s12, $0xb8;
	[tilespmem:$0x1FC00] =	vst v63  }
0x1bd: {  	_ =	swait.ge [sflag:s18], $0x3200  }
0x1be: {  	s30 =	sld [smem:$0x7ED]  }
0x1bf: {  	[sflag:s18] =	ssyncset.done $0x0  }
0x1c0: {  	[sflag:s18] =	ssyncadd.s32 $0xFFFFCE00  }
0x1c1: {  	[tilespmem:s15], [sflag:$0x2] =	stream.indirect.gather [hbm4b:s4+s12], $0x80, s30, s12, $0xb8;
	[tilespmem:$0x1FC00] =	vst v63  }
0x1c2: {  	_ =	swait.ge [sflag:s11], $0x3200  }
0x1c3: {  	s31 =	sld [smem:$0x7EE]  }
0x1c4: {  	[sflag:s11] =	ssyncset.done $0x0  }
0x1c5: {  	[sflag:s11] =	ssyncadd.s32 $0xFFFFCE00  }
0x1c6: {  	[spmem:s2] =	stream.indirect.scatter.add.f32 [tilespmem:s8], [sflag:$0x4], $0x80, s31, s12, $0xb8;
	[tilespmem:$0x1FC00] =	vst v63  }
0x1c7: {  	_ =	swait.ge [sflag:s19], $0x3200  }
0x1c8: {  	s26 =	sld [smem:$0x7EF]  }
0x1c9: {  	[sflag:s19] =	ssyncset.done $0x0  }
0x1ca: {  	[sflag:s19] =	ssyncadd.s32 $0xFFFFCE00  }
0x1cb: {  	[tilespmem:s13], [sflag:$0x3] =	stream.indirect.gather [hbm4b:s4+s12], $0x80, s26, s12, $0xb8;
	[tilespmem:$0x1FC00] =	vst v63  }
0x1cc: {  	_ =	swait.ge [sflag:s14], $0x3200  }
0x1cd: {  	s28 =	sld [smem:$0x7F0]  }
0x1ce: {  	[sflag:s14] =	ssyncset.done $0x0  }
0x1cf: {  	[sflag:s14] =	ssyncadd.s32 $0xFFFFCE00  }
0x1d0: {  	[spmem:s2] =	stream.indirect.scatter.add.f32 [tilespmem:s15], [sflag:$0x5], $0x80, s28, s12, $0xb8;
	[tilespmem:$0x1FC00] =	vst v63  }
0x1d1: {  	_ =	swait.ge [sflag:s16], $0x3200  }
0x1d2: {  	s29 =	sld [smem:$0x7F1]  }
0x1d3: {  	[sflag:s16] =	ssyncset.done $0x0  }
0x1d4: {  	[sflag:s16] =	ssyncadd.s32 $0xFFFFCE00  }
0x1d5: {  	[tilespmem:s8], [sflag:$0x1] =	stream.indirect.gather [hbm4b:s4+s12], $0x80, s29, s12, $0xb8;
	[tilespmem:$0x1FC00] =	vst v63  }
0x1d6: {  	_ =	swait.ge [sflag:s17], $0x3200  }
0x1d7: {  	s30 =	sld [smem:$0x7F2]  }
0x1d8: {  	[sflag:s17] =	ssyncset.done $0x0  }
0x1d9: {  	[sflag:s17] =	ssyncadd.s32 $0xFFFFCE00  }
0x1da: {  	[spmem:s2] =	stream.indirect.scatter.add.f32 [tilespmem:s13], [sflag:$0x6], $0x80, s30, s12, $0xb8;
	[tilespmem:$0x1FC00] =	vst v63  }
0x1db: {  	_ =	swait.ge [sflag:s18], $0x3200  }
0x1dc: {  	s31 =	sld [smem:$0x7F3]  }
0x1dd: {  	[sflag:s18] =	ssyncset.done $0x0  }
0x1de: {  	[sflag:s18] =	ssyncadd.s32 $0xFFFFCE00  }
0x1df: {  	[tilespmem:s15], [sflag:$0x2] =	stream.indirect.gather [hbm4b:s4+s12], $0x80, s31, s12, $0xb8;
	[tilespmem:$0x1FC00] =	vst v63  }
0x1e0: {  	_ =	swait.ge [sflag:s11], $0x3200  }
0x1e1: {  	s26 =	sld [smem:$0x7F4]  }
0x1e2: {  	[sflag:s11] =	ssyncset.done $0x0  }
0x1e3: {  	[sflag:s11] =	ssyncadd.s32 $0xFFFFCE00  }
0x1e4: {  	[spmem:s2] =	stream.indirect.scatter.add.f32 [tilespmem:s8], [sflag:$0x4], $0x80, s26, s12, $0xb8;
	[tilespmem:$0x1FC00] =	vst v63  }
0x1e5: {  	_ =	swait.ge [sflag:s19], $0x3200  }
0x1e6: {  	s28 =	sld [smem:$0x7F5]  }
0x1e7: {  	[sflag:s19] =	ssyncset.done $0x0  }
0x1e8: {  	[sflag:s19] =	ssyncadd.s32 $0xFFFFCE00  }
0x1e9: {  	[tilespmem:s13], [sflag:$0x3] =	stream.indirect.gather [hbm4b:s4+s12], $0x80, s28, s12, $0xb8;
	[tilespmem:$0x1FC00] =	vst v63  }
0x1ea: {  	_ =	swait.ge [sflag:s14], $0x3200  }
0x1eb: {  	s29 =	sld [smem:$0x7F6]  }
0x1ec: {  	[sflag:s14] =	ssyncset.done $0x0  }
0x1ed: {  	[sflag:s14] =	ssyncadd.s32 $0xFFFFCE00  }
0x1ee: {  	[spmem:s2] =	stream.indirect.scatter.add.f32 [tilespmem:s15], [sflag:$0x5], $0x80, s29, s12, $0xb8;
	[tilespmem:$0x1FC00] =	vst v63  }
0x1ef: {  	_ =	swait.ge [sflag:s16], $0x3200  }
0x1f0: {  	s30 =	sld [smem:$0x7F7]  }
0x1f1: {  	[sflag:s16] =	ssyncset.done $0x0  }
0x1f2: {  	[sflag:s16] =	ssyncadd.s32 $0xFFFFCE00  }
0x1f3: {  	[tilespmem:s8], [sflag:$0x1] =	stream.indirect.gather [hbm4b:s4+s12], $0x80, s30, s12, $0xb8;
	[tilespmem:$0x1FC00] =	vst v63  }
0x1f4: {  	_ =	swait.ge [sflag:s17], $0x3200  }
0x1f5: {  	s31 =	sld [smem:$0x7F8]  }
0x1f6: {  	[sflag:s17] =	ssyncset.done $0x0  }
0x1f7: {  	[sflag:s17] =	ssyncadd.s32 $0xFFFFCE00  }
0x1f8: {  	[spmem:s2] =	stream.indirect.scatter.add.f32 [tilespmem:s13], [sflag:$0x6], $0x80, s31, s12, $0xb8;
	[tilespmem:$0x1FC00] =	vst v63  }
0x1f9: {  	_ =	swait.ge [sflag:s18], $0x3200  }
0x1fa: {  	s26 =	sld [smem:$0x7F9]  }
0x1fb: {  	[sflag:s18] =	ssyncset.done $0x0  }
0x1fc: {  	[sflag:s18] =	ssyncadd.s32 $0xFFFFCE00  }
0x1fd: {  	[tilespmem:s15], [sflag:$0x2] =	stream.indirect.gather [hbm4b:s4+s12], $0x80, s26, s12, $0xb8;
	[tilespmem:$0x1FC00] =	vst v63  }
0x1fe: {  	_ =	swait.ge [sflag:s11], $0x3200  }
0x1ff: {  	s28 =	sld [smem:$0x7FA]  }
0x200: {  	[sflag:s11] =	ssyncset.done $0x0  }
0x201: {  	[sflag:s11] =	ssyncadd.s32 $0xFFFFCE00  }
0x202: {  	[spmem:s2] =	stream.indirect.scatter.add.f32 [tilespmem:s8], [sflag:$0x4], $0x80, s28, s12, $0xb8;
	[tilespmem:$0x1FC00] =	vst v63  }
0x203: {  	_ =	swait.ge [sflag:s19], $0x3200  }
0x204: {  	s29 =	sld [smem:$0x7FB]  }
0x205: {  	[sflag:s19] =	ssyncset.done $0x0  }
0x206: {  	[sflag:s19] =	ssyncadd.s32 $0xFFFFCE00  }
0x207: {  	[tilespmem:s13], [sflag:$0x3] =	stream.indirect.gather [hbm4b:s4+s12], $0x80, s29, s12, $0xb8;
	[tilespmem:$0x1FC00] =	vst v63  }
0x208: {  	_ =	swait.ge [sflag:s14], $0x3200  }
0x209: {  	s30 =	sld [smem:$0x7FC]  }
0x20a: {  	[sflag:s14] =	ssyncset.done $0x0  }
0x20b: {  	[sflag:s14] =	ssyncadd.s32 $0xFFFFCE00  }
0x20c: {  	[spmem:s2] =	stream.indirect.scatter.add.f32 [tilespmem:s15], [sflag:$0x5], $0x80, s30, s12, $0xb8;
	[tilespmem:$0x1FC00] =	vst v63  }
0x20d: {  	_ =	swait.ge [sflag:s16], $0x3200  }
0x20e: {  	s31 =	sld [smem:$0x7FD]  }
0x20f: {  	[sflag:s16] =	ssyncset.done $0x0  }
0x210: {  	[sflag:s16] =	ssyncadd.s32 $0xFFFFCE00  }
0x211: {  	[tilespmem:s8], [sflag:$0x1] =	stream.indirect.gather [hbm4b:s4+s12], $0x80, s31, s12, $0xb8;
	[tilespmem:$0x1FC00] =	vst v63  }
0x212: {  	s24 =	sadd.s32 $0x200, s24;
	_ =	swait.ge [sflag:s17], $0x3200  }
0x213: {  	p0 =	sne.s32 s24, $0x800;
	[sflag:s17] =	ssyncset.done $0x0  }
.Ltmp2:
0x214: {  	[sflag:s17] =	ssyncadd.s32 $0xFFFFCE00;
	(pc) =	sbr.rel @p0 .LBB2_6-.Ltmp2, $4  }
0x215: {  	[spmem:s2] =	stream.indirect.scatter.add.f32 [tilespmem:s13], [sflag:$0x6], $0x80, s20, s12, $0xb8;
	[tilespmem:$0x1FC00] =	vst v63  }
0x216: {  	_ =	swait.ge [sflag:s11], $0x3200  }
0x217: {  	[sflag:s11] =	ssyncset.done $0x0  }
0x218: {  	s25 =	rddreg [dreg:$0x4];
	[sflag:s11] =	ssyncadd.s32 $0xFFFFCE00  }
0x219: {  	[spmem:s2] =	stream.indirect.scatter.add.f32 [tilespmem:s8], [sflag:$0x4], $0x80, s21, s12, $0xb8;
	[tilespmem:$0x1FC00] =	vst v63  }
0x21a: {  	s24 =	sadd.s32 s23, s25  }
0x21b: {  	[tilespmem:s3], [sflag:$0x7] =	stream.linear.gather [hbm4b:s24+s3], $0xC80, $0x38;
	[tilespmem:$0x1FC00] =	vst v63  }
0x21c: {  	_ =	swait.ge [sflag:s9], $0xC80  }
0x21d: {  	p0 =	sne.s32 s23, $0x0;
	[sflag:s9] =	ssyncset.done $0x0  }
0x21e: {  	s24 =	simm.s32 @p0 $0x4;
	[sflag:s9] =	ssyncadd.s32 $0xFFFFF380  }
0x21f: {  	_ =	swait.ge @p0 [sflag:s24], $0x3200  }
0x220: {  	s25 =	simm.s32 @p0 $0x2000;
	s26 =	simm.s32 @p0 $0x5;
	[sflag:s24] =	ssyncset.done @p0 $0x0  }
0x221: {  	s28 =	simm.s32 @p0 $0x0;
	[sflag:s24] =	ssyncadd.s32 @p0 $0xFFFFCE00;
	s24 =	simm.s32 @p0 $0x64  }
0x222: {  	[tilespmem:s25], [sflag:$0x1] =	stream.indirect.gather @p0 [hbm4b:s4+s24], $0x80, s28, s24, $0xb8;
	[tilespmem:$0x1FC00] =	vst v63  }
0x223: {  	_ =	swait.ge @p0 [sflag:s26], $0x3200  }
0x224: {  	s25 =	simm.s32 @p0 $0x6;
	[sflag:s26] =	ssyncset.done @p0 $0x0  }
0x225: {  	s28 =	simm.s32 @p0 $0x5400;
	[sflag:s26] =	ssyncadd.s32 @p0 $0xFFFFCE00;
	s26 =	simm.s32 @p0 $0x80  }
0x226: {  	[tilespmem:s28], [sflag:$0x2] =	stream.indirect.gather @p0 [hbm4b:s4+s24], $0x80, s26, s24, $0xb8;
	[tilespmem:$0x1FC00] =	vst v63  }
0x227: {  	_ =	swait.ge @p0 [sflag:s25], $0x3200  }
0x228: {  	s24 =	simm.s32 @!p0 $0x0;
	[sflag:s25] =	ssyncset.done @p0 $0x0  }
0x229: {  	s26 =	simm.s32 @!p0 $0x2000;
	[sflag:s25] =	ssyncadd.s32 @p0 $0xFFFFCE00;
	s25 =	simm.s32 @!p0 $0x64  }
0x22a: {  	[tilespmem:s26], [sflag:$0x1] =	stream.indirect.gather @!p0 [hbm4b:s4+s25], $0x80, s24, s25, $0xb8;
	[tilespmem:$0x1FC00] =	vst v63  }
0x22b: {  	s31 =	rddreg [dreg:$0x3];
	s24 =	simm.s32 @!p0 $0x80;
	s26 =	simm.s32 @!p0 $0x5400  }
0x22c: {  	[tilespmem:s26], [sflag:$0x2] =	stream.indirect.gather @!p0 [hbm4b:s4+s25], $0x80, s24, s25, $0xb8;
	[tilespmem:$0x1FC00] =	vst v63  }
0x22d: {  	s25 =	sadd.s32 s23, s31  }
0x22e: {  	[tilespmem:s10], [sflag:$0x7] =	stream.linear.gather [hbm4b:s25+s3], $0xC80, $0x38;
	[tilespmem:$0x1FC00] =	vst v63  }
0x22f: {  	_ =	swait.ge [sflag:s9], $0xC80  }
0x230: {  	[sflag:s9] =	ssyncset.done $0x0  }
0x231: {  	[sflag:s9] =	ssyncadd.s32 $0xFFFFF380  }
0x232: {  	_ =	swait.ge [sflag:s11], $0x3200  }
0x233: {  	[sflag:s11] =	ssyncset.done $0x0  }
0x234: {  	[sflag:s11] =	ssyncadd.s32 $0xFFFFCE00  }
0x235: {  	[spmem:s2] =	stream.indirect.scatter.add.f32 [tilespmem:s8], [sflag:$0x4], $0x80, s10, s12, $0xb8;
	[tilespmem:$0x1FC00] =	vst v63  }
0x236: {  	s26 =	rddreg [dreg:$0x5]  }
0x237: {  	[tilespmem:s13], [sflag:$0x3] =	stream.indirect.gather [hbm4b:s4+s12], $0x80, s26, s12, $0xb8;
	[tilespmem:$0x1FC00] =	vst v63  }
0x238: {  	_ =	swait.ge [sflag:s14], $0x3200  }
0x239: {  	[sflag:s14] =	ssyncset.done $0x0  }
0x23a: {  	s28 =	rddreg [dreg:$0x6];
	[sflag:s14] =	ssyncadd.s32 $0xFFFFCE00  }
0x23b: {  	[spmem:s2] =	stream.indirect.scatter.add.f32 [tilespmem:s15], [sflag:$0x5], $0x80, s28, s12, $0xb8;
	[tilespmem:$0x1FC00] =	vst v63  }
0x23c: {  	_ =	swait.ge [sflag:s16], $0x3200  }
0x23d: {  	[sflag:s16] =	ssyncset.done $0x0  }
0x23e: {  	s29 =	rddreg [dreg:$0x7];
	[sflag:s16] =	ssyncadd.s32 $0xFFFFCE00  }
0x23f: {  	[tilespmem:s8], [sflag:$0x1] =	stream.indirect.gather [hbm4b:s4+s12], $0x80, s29, s12, $0xb8;
	[tilespmem:$0x1FC00] =	vst v63  }
0x240: {  	_ =	swait.ge [sflag:s17], $0x3200  }
0x241: {  	[sflag:s17] =	ssyncset.done $0x0  }
0x242: {  	s30 =	rddreg [dreg:$0x8];
	[sflag:s17] =	ssyncadd.s32 $0xFFFFCE00  }
0x243: {  	[spmem:s2] =	stream.indirect.scatter.add.f32 [tilespmem:s13], [sflag:$0x6], $0x80, s30, s12, $0xb8;
	[tilespmem:$0x1FC00] =	vst v63  }
0x244: {  	_ =	swait.ge [sflag:s18], $0x3200  }
0x245: {  	[sflag:s18] =	ssyncset.done $0x0  }
0x246: {  	s31 =	rddreg [dreg:$0x9];
	[sflag:s18] =	ssyncadd.s32 $0xFFFFCE00  }
0x247: {  	[tilespmem:s15], [sflag:$0x2] =	stream.indirect.gather [hbm4b:s4+s12], $0x80, s31, s12, $0xb8;
	[tilespmem:$0x1FC00] =	vst v63  }
0x248: {  	_ =	swait.ge [sflag:s11], $0x3200  }
0x249: {  	[sflag:s11] =	ssyncset.done $0x0  }
0x24a: {  	s24 =	rddreg [dreg:$0xa];
	[sflag:s11] =	ssyncadd.s32 $0xFFFFCE00  }
0x24b: {  	[spmem:s2] =	stream.indirect.scatter.add.f32 [tilespmem:s8], [sflag:$0x4], $0x80, s24, s12, $0xb8;
	[tilespmem:$0x1FC00] =	vst v63  }
0x24c: {  	_ =	swait.ge [sflag:s19], $0x3200  }
0x24d: {  	[sflag:s19] =	ssyncset.done $0x0  }
0x24e: {  	s25 =	rddreg [dreg:$0xb];
	[sflag:s19] =	ssyncadd.s32 $0xFFFFCE00  }
0x24f: {  	[tilespmem:s13], [sflag:$0x3] =	stream.indirect.gather [hbm4b:s4+s12], $0x80, s25, s12, $0xb8;
	[tilespmem:$0x1FC00] =	vst v63  }
0x250: {  	_ =	swait.ge [sflag:s14], $0x3200  }
0x251: {  	[sflag:s14] =	ssyncset.done $0x0  }
0x252: {  	s26 =	rddreg [dreg:$0xc];
	[sflag:s14] =	ssyncadd.s32 $0xFFFFCE00  }
0x253: {  	[spmem:s2] =	stream.indirect.scatter.add.f32 [tilespmem:s15], [sflag:$0x5], $0x80, s26, s12, $0xb8;
	[tilespmem:$0x1FC00] =	vst v63  }
0x254: {  	_ =	swait.ge [sflag:s16], $0x3200  }
0x255: {  	[sflag:s16] =	ssyncset.done $0x0  }
0x256: {  	s28 =	rddreg [dreg:$0xd];
	[sflag:s16] =	ssyncadd.s32 $0xFFFFCE00  }
0x257: {  	[tilespmem:s8], [sflag:$0x1] =	stream.indirect.gather [hbm4b:s4+s12], $0x80, s28, s12, $0xb8;
	[tilespmem:$0x1FC00] =	vst v63  }
0x258: {  	_ =	swait.ge [sflag:s17], $0x3200  }
0x259: {  	[sflag:s17] =	ssyncset.done $0x0  }
0x25a: {  	s29 =	rddreg [dreg:$0xe];
	[sflag:s17] =	ssyncadd.s32 $0xFFFFCE00  }
0x25b: {  	[spmem:s2] =	stream.indirect.scatter.add.f32 [tilespmem:s13], [sflag:$0x6], $0x80, s29, s12, $0xb8;
	[tilespmem:$0x1FC00] =	vst v63  }
0x25c: {  	_ =	swait.ge [sflag:s18], $0x3200  }
0x25d: {  	[sflag:s18] =	ssyncset.done $0x0  }
0x25e: {  	s30 =	rddreg [dreg:$0xf];
	[sflag:s18] =	ssyncadd.s32 $0xFFFFCE00  }
0x25f: {  	[tilespmem:s15], [sflag:$0x2] =	stream.indirect.gather [hbm4b:s4+s12], $0x80, s30, s12, $0xb8;
	[tilespmem:$0x1FC00] =	vst v63  }
0x260: {  	_ =	swait.ge [sflag:s11], $0x3200  }
0x261: {  	[sflag:s11] =	ssyncset.done $0x0  }
0x262: {  	s31 =	rddreg [dreg:$0x10];
	[sflag:s11] =	ssyncadd.s32 $0xFFFFCE00  }
0x263: {  	[spmem:s2] =	stream.indirect.scatter.add.f32 [tilespmem:s8], [sflag:$0x4], $0x80, s31, s12, $0xb8;
	[tilespmem:$0x1FC00] =	vst v63  }
0x264: {  	_ =	swait.ge [sflag:s19], $0x3200  }
0x265: {  	[sflag:s19] =	ssyncset.done $0x0  }
0x266: {  	s24 =	rddreg [dreg:$0x11];
	[sflag:s19] =	ssyncadd.s32 $0xFFFFCE00  }
0x267: {  	[tilespmem:s13], [sflag:$0x3] =	stream.indirect.gather [hbm4b:s4+s12], $0x80, s24, s12, $0xb8;
	[tilespmem:$0x1FC00] =	vst v63  }
0x268: {  	_ =	swait.ge [sflag:s14], $0x3200  }
0x269: {  	[sflag:s14] =	ssyncset.done $0x0  }
0x26a: {  	s25 =	rddreg [dreg:$0x12];
	[sflag:s14] =	ssyncadd.s32 $0xFFFFCE00  }
0x26b: {  	[spmem:s2] =	stream.indirect.scatter.add.f32 [tilespmem:s15], [sflag:$0x5], $0x80, s25, s12, $0xb8;
	[tilespmem:$0x1FC00] =	vst v63  }
0x26c: {  	_ =	swait.ge [sflag:s16], $0x3200  }
0x26d: {  	[sflag:s16] =	ssyncset.done $0x0  }
0x26e: {  	s26 =	rddreg [dreg:$0x13];
	[sflag:s16] =	ssyncadd.s32 $0xFFFFCE00  }
0x26f: {  	[tilespmem:s8], [sflag:$0x1] =	stream.indirect.gather [hbm4b:s4+s12], $0x80, s26, s12, $0xb8;
	[tilespmem:$0x1FC00] =	vst v63  }
0x270: {  	_ =	swait.ge [sflag:s17], $0x3200  }
0x271: {  	[sflag:s17] =	ssyncset.done $0x0  }
0x272: {  	s28 =	rddreg [dreg:$0x14];
	[sflag:s17] =	ssyncadd.s32 $0xFFFFCE00  }
0x273: {  	[spmem:s2] =	stream.indirect.scatter.add.f32 [tilespmem:s13], [sflag:$0x6], $0x80, s28, s12, $0xb8;
	[tilespmem:$0x1FC00] =	vst v63  }
0x274: {  	_ =	swait.ge [sflag:s18], $0x3200  }
0x275: {  	[sflag:s18] =	ssyncset.done $0x0  }
0x276: {  	s29 =	rddreg [dreg:$0x15];
	[sflag:s18] =	ssyncadd.s32 $0xFFFFCE00  }
0x277: {  	[tilespmem:s15], [sflag:$0x2] =	stream.indirect.gather [hbm4b:s4+s12], $0x80, s29, s12, $0xb8;
	[tilespmem:$0x1FC00] =	vst v63  }
0x278: {  	_ =	swait.ge [sflag:s11], $0x3200  }
0x279: {  	[sflag:s11] =	ssyncset.done $0x0  }
0x27a: {  	s30 =	rddreg [dreg:$0x16];
	[sflag:s11] =	ssyncadd.s32 $0xFFFFCE00  }
0x27b: {  	[spmem:s2] =	stream.indirect.scatter.add.f32 [tilespmem:s8], [sflag:$0x4], $0x80, s30, s12, $0xb8;
	[tilespmem:$0x1FC00] =	vst v63  }
0x27c: {  	_ =	swait.ge [sflag:s19], $0x3200  }
0x27d: {  	[sflag:s19] =	ssyncset.done $0x0  }
0x27e: {  	s31 =	rddreg [dreg:$0x17];
	[sflag:s19] =	ssyncadd.s32 $0xFFFFCE00  }
0x27f: {  	[tilespmem:s13], [sflag:$0x3] =	stream.indirect.gather [hbm4b:s4+s12], $0x80, s31, s12, $0xb8;
	[tilespmem:$0x1FC00] =	vst v63  }
0x280: {  	_ =	swait.ge [sflag:s14], $0x3200  }
0x281: {  	[sflag:s14] =	ssyncset.done $0x0  }
0x282: {  	s24 =	rddreg [dreg:$0x18];
	[sflag:s14] =	ssyncadd.s32 $0xFFFFCE00  }
0x283: {  	[spmem:s2] =	stream.indirect.scatter.add.f32 [tilespmem:s15], [sflag:$0x5], $0x80, s24, s12, $0xb8;
	[tilespmem:$0x1FC00] =	vst v63  }
0x284: {  	_ =	swait.ge [sflag:s16], $0x3200  }
0x285: {  	[sflag:s16] =	ssyncset.done $0x0  }
0x286: {  	s25 =	rddreg [dreg:$0x19];
	[sflag:s16] =	ssyncadd.s32 $0xFFFFCE00  }
0x287: {  	[tilespmem:s8], [sflag:$0x1] =	stream.indirect.gather [hbm4b:s4+s12], $0x80, s25, s12, $0xb8;
	[tilespmem:$0x1FC00] =	vst v63  }
0x288: {  	_ =	swait.ge [sflag:s17], $0x3200  }
0x289: {  	[sflag:s17] =	ssyncset.done $0x0  }
0x28a: {  	s26 =	rddreg [dreg:$0x1a];
	[sflag:s17] =	ssyncadd.s32 $0xFFFFCE00  }
0x28b: {  	[spmem:s2] =	stream.indirect.scatter.add.f32 [tilespmem:s13], [sflag:$0x6], $0x80, s26, s12, $0xb8;
	[tilespmem:$0x1FC00] =	vst v63  }
0x28c: {  	_ =	swait.ge [sflag:s18], $0x3200  }
0x28d: {  	[sflag:s18] =	ssyncset.done $0x0  }
0x28e: {  	s28 =	rddreg [dreg:$0x1b];
	[sflag:s18] =	ssyncadd.s32 $0xFFFFCE00  }
0x28f: {  	[tilespmem:s15], [sflag:$0x2] =	stream.indirect.gather [hbm4b:s4+s12], $0x80, s28, s12, $0xb8;
	[tilespmem:$0x1FC00] =	vst v63  }
0x290: {  	_ =	swait.ge [sflag:s11], $0x3200  }
0x291: {  	[sflag:s11] =	ssyncset.done $0x0  }
0x292: {  	s29 =	rddreg [dreg:$0x1c];
	[sflag:s11] =	ssyncadd.s32 $0xFFFFCE00  }
0x293: {  	[spmem:s2] =	stream.indirect.scatter.add.f32 [tilespmem:s8], [sflag:$0x4], $0x80, s29, s12, $0xb8;
	[tilespmem:$0x1FC00] =	vst v63  }
0x294: {  	_ =	swait.ge [sflag:s19], $0x3200  }
0x295: {  	[sflag:s19] =	ssyncset.done $0x0  }
0x296: {  	s30 =	rddreg [dreg:$0x1d];
	[sflag:s19] =	ssyncadd.s32 $0xFFFFCE00  }
0x297: {  	[tilespmem:s13], [sflag:$0x3] =	stream.indirect.gather [hbm4b:s4+s12], $0x80, s30, s12, $0xb8;
	[tilespmem:$0x1FC00] =	vst v63  }
0x298: {  	_ =	swait.ge [sflag:s14], $0x3200  }
0x299: {  	[sflag:s14] =	ssyncset.done $0x0  }
0x29a: {  	s31 =	rddreg [dreg:$0x1e];
	[sflag:s14] =	ssyncadd.s32 $0xFFFFCE00  }
0x29b: {  	[spmem:s2] =	stream.indirect.scatter.add.f32 [tilespmem:s15], [sflag:$0x5], $0x80, s31, s12, $0xb8;
	[tilespmem:$0x1FC00] =	vst v63  }
0x29c: {  	_ =	swait.ge [sflag:s16], $0x3200  }
0x29d: {  	[sflag:s16] =	ssyncset.done $0x0  }
0x29e: {  	s24 =	rddreg [dreg:$0x1f];
	[sflag:s16] =	ssyncadd.s32 $0xFFFFCE00  }
0x29f: {  	[tilespmem:s8], [sflag:$0x1] =	stream.indirect.gather [hbm4b:s4+s12], $0x80, s24, s12, $0xb8;
	[tilespmem:$0x1FC00] =	vst v63  }
0x2a0: {  	_ =	swait.ge [sflag:s17], $0x3200  }
0x2a1: {  	s25 =	sld [smem:$0x7EC]  }
0x2a2: {  	[sflag:s17] =	ssyncset.done $0x0  }
0x2a3: {  	[sflag:s17] =	ssyncadd.s32 $0xFFFFCE00  }
0x2a4: {  	[spmem:s2] =	stream.indirect.scatter.add.f32 [tilespmem:s13], [sflag:$0x6], $0x80, s25, s12, $0xb8;
	[tilespmem:$0x1FC00] =	vst v63  }
0x2a5: {  	_ =	swait.ge [sflag:s18], $0x3200  }
0x2a6: {  	s26 =	sld [smem:$0x7ED]  }
0x2a7: {  	[sflag:s18] =	ssyncset.done $0x0  }
0x2a8: {  	[sflag:s18] =	ssyncadd.s32 $0xFFFFCE00  }
0x2a9: {  	[tilespmem:s15], [sflag:$0x2] =	stream.indirect.gather [hbm4b:s4+s12], $0x80, s26, s12, $0xb8;
	[tilespmem:$0x1FC00] =	vst v63  }
0x2aa: {  	_ =	swait.ge [sflag:s11], $0x3200  }
0x2ab: {  	s28 =	sld [smem:$0x7EE]  }
0x2ac: {  	[sflag:s11] =	ssyncset.done $0x0  }
0x2ad: {  	[sflag:s11] =	ssyncadd.s32 $0xFFFFCE00  }
0x2ae: {  	[spmem:s2] =	stream.indirect.scatter.add.f32 [tilespmem:s8], [sflag:$0x4], $0x80, s28, s12, $0xb8;
	[tilespmem:$0x1FC00] =	vst v63  }
0x2af: {  	_ =	swait.ge [sflag:s19], $0x3200  }
0x2b0: {  	s29 =	sld [smem:$0x7EF]  }
0x2b1: {  	[sflag:s19] =	ssyncset.done $0x0  }
0x2b2: {  	[sflag:s19] =	ssyncadd.s32 $0xFFFFCE00  }
0x2b3: {  	[tilespmem:s13], [sflag:$0x3] =	stream.indirect.gather [hbm4b:s4+s12], $0x80, s29, s12, $0xb8;
	[tilespmem:$0x1FC00] =	vst v63  }
0x2b4: {  	_ =	swait.ge [sflag:s14], $0x3200  }
0x2b5: {  	s30 =	sld [smem:$0x7F0]  }
0x2b6: {  	[sflag:s14] =	ssyncset.done $0x0  }
0x2b7: {  	[sflag:s14] =	ssyncadd.s32 $0xFFFFCE00  }
0x2b8: {  	[spmem:s2] =	stream.indirect.scatter.add.f32 [tilespmem:s15], [sflag:$0x5], $0x80, s30, s12, $0xb8;
	[tilespmem:$0x1FC00] =	vst v63  }
0x2b9: {  	_ =	swait.ge [sflag:s16], $0x3200  }
0x2ba: {  	s31 =	sld [smem:$0x7F1]  }
0x2bb: {  	[sflag:s16] =	ssyncset.done $0x0  }
0x2bc: {  	[sflag:s16] =	ssyncadd.s32 $0xFFFFCE00  }
0x2bd: {  	[tilespmem:s8], [sflag:$0x1] =	stream.indirect.gather [hbm4b:s4+s12], $0x80, s31, s12, $0xb8;
	[tilespmem:$0x1FC00] =	vst v63  }
0x2be: {  	_ =	swait.ge [sflag:s17], $0x3200  }
0x2bf: {  	s24 =	sld [smem:$0x7F2]  }
0x2c0: {  	[sflag:s17] =	ssyncset.done $0x0  }
0x2c1: {  	[sflag:s17] =	ssyncadd.s32 $0xFFFFCE00  }
0x2c2: {  	[spmem:s2] =	stream.indirect.scatter.add.f32 [tilespmem:s13], [sflag:$0x6], $0x80, s24, s12, $0xb8;
	[tilespmem:$0x1FC00] =	vst v63  }
0x2c3: {  	_ =	swait.ge [sflag:s18], $0x3200  }
0x2c4: {  	s25 =	sld [smem:$0x7F3]  }
0x2c5: {  	[sflag:s18] =	ssyncset.done $0x0  }
0x2c6: {  	[sflag:s18] =	ssyncadd.s32 $0xFFFFCE00  }
0x2c7: {  	[tilespmem:s15], [sflag:$0x2] =	stream.indirect.gather [hbm4b:s4+s12], $0x80, s25, s12, $0xb8;
	[tilespmem:$0x1FC00] =	vst v63  }
0x2c8: {  	_ =	swait.ge [sflag:s11], $0x3200  }
0x2c9: {  	s26 =	sld [smem:$0x7F4]  }
0x2ca: {  	[sflag:s11] =	ssyncset.done $0x0  }
0x2cb: {  	[sflag:s11] =	ssyncadd.s32 $0xFFFFCE00  }
0x2cc: {  	[spmem:s2] =	stream.indirect.scatter.add.f32 [tilespmem:s8], [sflag:$0x4], $0x80, s26, s12, $0xb8;
	[tilespmem:$0x1FC00] =	vst v63  }
0x2cd: {  	_ =	swait.ge [sflag:s19], $0x3200  }
0x2ce: {  	s28 =	sld [smem:$0x7F5]  }
0x2cf: {  	[sflag:s19] =	ssyncset.done $0x0  }
0x2d0: {  	[sflag:s19] =	ssyncadd.s32 $0xFFFFCE00  }
0x2d1: {  	[tilespmem:s13], [sflag:$0x3] =	stream.indirect.gather [hbm4b:s4+s12], $0x80, s28, s12, $0xb8;
	[tilespmem:$0x1FC00] =	vst v63  }
0x2d2: {  	_ =	swait.ge [sflag:s14], $0x3200  }
0x2d3: {  	s29 =	sld [smem:$0x7F6]  }
0x2d4: {  	[sflag:s14] =	ssyncset.done $0x0  }
0x2d5: {  	[sflag:s14] =	ssyncadd.s32 $0xFFFFCE00  }
0x2d6: {  	[spmem:s2] =	stream.indirect.scatter.add.f32 [tilespmem:s15], [sflag:$0x5], $0x80, s29, s12, $0xb8;
	[tilespmem:$0x1FC00] =	vst v63  }
0x2d7: {  	_ =	swait.ge [sflag:s16], $0x3200  }
0x2d8: {  	s30 =	sld [smem:$0x7F7]  }
0x2d9: {  	[sflag:s16] =	ssyncset.done $0x0  }
0x2da: {  	[sflag:s16] =	ssyncadd.s32 $0xFFFFCE00  }
0x2db: {  	[tilespmem:s8], [sflag:$0x1] =	stream.indirect.gather [hbm4b:s4+s12], $0x80, s30, s12, $0xb8;
	[tilespmem:$0x1FC00] =	vst v63  }
0x2dc: {  	_ =	swait.ge [sflag:s17], $0x3200  }
0x2dd: {  	s31 =	sld [smem:$0x7F8]  }
0x2de: {  	[sflag:s17] =	ssyncset.done $0x0  }
0x2df: {  	[sflag:s17] =	ssyncadd.s32 $0xFFFFCE00  }
0x2e0: {  	[spmem:s2] =	stream.indirect.scatter.add.f32 [tilespmem:s13], [sflag:$0x6], $0x80, s31, s12, $0xb8;
	[tilespmem:$0x1FC00] =	vst v63  }
0x2e1: {  	_ =	swait.ge [sflag:s18], $0x3200  }
0x2e2: {  	s24 =	sld [smem:$0x7F9]  }
0x2e3: {  	[sflag:s18] =	ssyncset.done $0x0  }
0x2e4: {  	[sflag:s18] =	ssyncadd.s32 $0xFFFFCE00  }
0x2e5: {  	[tilespmem:s15], [sflag:$0x2] =	stream.indirect.gather [hbm4b:s4+s12], $0x80, s24, s12, $0xb8;
	[tilespmem:$0x1FC00] =	vst v63  }
0x2e6: {  	_ =	swait.ge [sflag:s11], $0x3200  }
0x2e7: {  	s25 =	sld [smem:$0x7FA]  }
0x2e8: {  	[sflag:s11] =	ssyncset.done $0x0  }
0x2e9: {  	[sflag:s11] =	ssyncadd.s32 $0xFFFFCE00  }
0x2ea: {  	[spmem:s2] =	stream.indirect.scatter.add.f32 [tilespmem:s8], [sflag:$0x4], $0x80, s25, s12, $0xb8;
	[tilespmem:$0x1FC00] =	vst v63  }
0x2eb: {  	_ =	swait.ge [sflag:s19], $0x3200  }
0x2ec: {  	s26 =	sld [smem:$0x7FB]  }
0x2ed: {  	[sflag:s19] =	ssyncset.done $0x0  }
0x2ee: {  	[sflag:s19] =	ssyncadd.s32 $0xFFFFCE00  }
0x2ef: {  	[tilespmem:s13], [sflag:$0x3] =	stream.indirect.gather [hbm4b:s4+s12], $0x80, s26, s12, $0xb8;
	[tilespmem:$0x1FC00] =	vst v63  }
0x2f0: {  	_ =	swait.ge [sflag:s14], $0x3200  }
0x2f1: {  	s28 =	sld [smem:$0x7FC]  }
0x2f2: {  	[sflag:s14] =	ssyncset.done $0x0  }
0x2f3: {  	[sflag:s14] =	ssyncadd.s32 $0xFFFFCE00  }
0x2f4: {  	[spmem:s2] =	stream.indirect.scatter.add.f32 [tilespmem:s15], [sflag:$0x5], $0x80, s28, s12, $0xb8;
	[tilespmem:$0x1FC00] =	vst v63  }
0x2f5: {  	_ =	swait.ge [sflag:s16], $0x3200  }
0x2f6: {  	s29 =	sld [smem:$0x7FD]  }
0x2f7: {  	[sflag:s16] =	ssyncset.done $0x0  }
0x2f8: {  	[sflag:s16] =	ssyncadd.s32 $0xFFFFCE00  }
0x2f9: {  	[tilespmem:s8], [sflag:$0x1] =	stream.indirect.gather [hbm4b:s4+s12], $0x80, s29, s12, $0xb8;
	[tilespmem:$0x1FC00] =	vst v63  }
0x2fa: {  	_ =	swait.ge [sflag:s17], $0x3200  }
0x2fb: {  	[sflag:s17] =	ssyncset.done $0x0  }
0x2fc: {  	[sflag:s17] =	ssyncadd.s32 $0xFFFFCE00  }
0x2fd: {  	[spmem:s2] =	stream.indirect.scatter.add.f32 [tilespmem:s13], [sflag:$0x6], $0x80, s20, s12, $0xb8;
	[tilespmem:$0x1FC00] =	vst v63  }
0x2fe: {  	_ =	swait.ge [sflag:s11], $0x3200  }
0x2ff: {  	[sflag:s11] =	ssyncset.done $0x0  }
0x300: {  	[sflag:s11] =	ssyncadd.s32 $0xFFFFCE00  }
0x301: {  	[spmem:s2] =	stream.indirect.scatter.add.f32 [tilespmem:s8], [sflag:$0x4], $0x80, s21, s12, $0xb8;
	[tilespmem:$0x1FC00] =	vst v63  }
0x302: {  	_ =	swait.ge [sflag:s16], $0x3200  }
0x303: {  	[sflag:s16] =	ssyncset.done $0x0  }
0x304: {  	[sflag:s16] =	ssyncadd.s32 $0xFFFFCE00  }
0x305: {  	_ =	swait.ge [sflag:s18], $0x3200  }
0x306: {  	[sflag:s18] =	ssyncset.done $0x0  }
0x307: {  	[sflag:s18] =	ssyncadd.s32 $0xFFFFCE00  }
0x308: {  	_ =	swait.ge [sflag:s19], $0x3200  }
0x309: {  	s22 =	sadd.s32 $0x1, s22;
	s30 =	sshll.u32 s1, $0x6;
	[sflag:s19] =	ssyncset.done $0x0  }
0x30a: {  	p0 =	sne.s32 s22, s7;
	s23 =	sor.u32 $0x1C07, s30;
	[sflag:s19] =	ssyncadd.s32 $0xFFFFCE00  }
.Ltmp3:
0x30b: {  	s31 =	sshrl.u32 s5, $0x3;
	[bflag:$0x0] =	sbarrier.arrive $0xFFFF;
	(pc) =	sbr.rel @p0 .LBB2_1-.Ltmp3, $4  }
0x30c: {  	[hbm:s6], [sflag:s23] =	dma.local [spmem:s31], $0x2800  }
0x30d: {  	_ =	swait.ge [sflag:s9], $0x2800  }
0x30e: {  	[sflag:s9] =	ssyncset.done $0x0  }
0x30f: {  	[sflag:s9] =	ssyncadd.s32 $0xFFFFD800  }
0x310: {  	_ =	sfence.sel $0x180000  }
0x311: {  	[bflag:$0x0] =	sbarrier.arrive $0xFFFF  }
0x312: {  	p0 =	sne.s32 s1, $0x0;
	_ =	strace $0x9000004A  }
0x313: {  	s0 =	sadd.s32 @!p0 $0x100000, s0;
	[bflag:$0x2] =	sbarrier.arrive $0xFFFF  }
0x314: {  	[sflag:s0] =	ssyncadd.tile.s32 @!p0 $0x1;
	_ =	shalt  }
.Lfunc_end2:
_tile_overlayer_lowered:
.L_overlay_start_2:
0x315: {  	(tag) =	ssettag $0x2  }
0x316: {  	s0 =	rddreg [dreg:$0x0];
	s2 =	stileid.u32  }
0x317: {  	s1 =	rddreg [dreg:$0x1];
	p0 =	sne.s32 s2, $0x0  }
0x318: {  	s3 =	rddreg [dreg:$0x2];
	[bflag:$0x3] =	sbarrier.arrive $0xFFFF;
	s2 =	simm.s32 @!p0 $0x1C07  }
0x319: {  	[timem:s3], [sflag:s2] =	dma.local @!p0 [hbm:s0], s1  }
0x31a: {  	s0 =	simm.s32 @!p0 $0x7  }
0x31b: {  	_ =	swait.ge @!p0 [sflag:s0], s1  }
0x31c: {  	s1 =	ssub.s32 @!p0 $0x0, s1;
	[sflag:s0] =	ssyncset.done @!p0 $0x0  }
0x31d: {  	[sflag:s0] =	ssyncadd.s32 @!p0 s1  }
0x31e: {  	[bflag:$0x3] =	sbarrier.arrive $0xFFFF  }
0x31f: {  	_ =	shalt  }

// kernel: kernel.14.cloned.1.call-start
scs
__scs_entry_jumppad:
0x0: {  	(pc) =	sbr.rel $0x88, $3  }
0x1: {  	(tag) =	ssettag $0x0;
	lr =	simm.s32 $0x1  }
0x2: {  	[smem:$0x3F98] =	sst lr;
	_ =	strace $0xD0000000  }
0x3: {  	_ = 	snop  }
0x4: {  	_ = 	snop  }
0x5: {  	_ = 	snop  }
0x6: {  	_ = 	snop  }
0x7: {  	_ = 	snop  }
__scs_overlays_trampoline_lowered:
0x8: {  	[smem:$0x3FA7] =	sst s0  }
0x9: {  	[smem:$0x3FA8] =	sst s1  }
0xa: {  	[smem:$0x3FA9] =	sst s2  }
0xb: {  	[smem:$0x3FAA] =	sst s3  }
0xc: {  	[smem:$0x3FAB] =	sst s4  }
0xd: {  	[smem:$0x3FAC] =	sst s5  }
0xe: {  	[smem:$0x3FAD] =	sst s6  }
0xf: {  	[smem:$0x3FAE] =	sst s7  }
0x10: {  	[smem:$0x3FAF] =	sst s8  }
0x11: {  	[smem:$0x3FB0] =	sst s9;
	s0 =	simm.s32 @!p0 $0x0  }
0x12: {  	s1 =	sld [smem:$0x3F96];
	s0 =	simm.s32 @p0 $0x1  }
0x13: {  	[smem:$0x3FB1] =	sst s0;
	s0 =	simm.s32 @!p1 $0x0  }
0x14: {  	s2 =	sld [smem:$0x3F95];
	s0 =	simm.s32 @p1 $0x1  }
0x15: {  	[smem:$0x3FB2] =	sst s0;
	s0 =	simm.s32 @!p2 $0x0  }
0x16: {  	s3 =	sld [smem:$0x3FDB];
	s0 =	simm.s32 @p2 $0x1  }
0x17: {  	s4 =	simm.s32 $0x1BF5;
	[smem:$0x3FB4] =	sst s0  }
0x18: {  	s0 =	sld [smem:$0x3F97];
	_ =	swait.ge [sflag:s4], $0x0  }
0x19: {  	s7 =	sld [smem:$0x3F98]  }
0x1a: {  	s8 =	sadd.s32 $0xFFFFE003, lr  }
0x1b: {  	s9 =	sadd.s32 $0xFFFFFEF7, lr;
	s5 =	simm.s32 $0xFFFFFFFF;
	p2 =	slt.u32 s8, $0xFFFFF086  }
0x1c: {  	p1 =	slt.u32 s9, $0xF7A;
	s5 =	simm.s32 @!p2 $0x0  }
0x1d: {  	s5 =	simm.s32 @p1 $0x1;
	p0 =	seq.s32 s7, s2  }
0x1e: {  	s7 =	smul.u32 @!p0 $0xF7A, s2;
	p2 =	seq.s32 @!p0 s5, $0x0  }
0x1f: {  	s9 =	smul.u32 $0xF7A, s1;
	s8 =	simm.s32 @!p0 $0x1BF5;
	p2 =	por !p2, p0  }
0x20: {  	[sflag:s8] =	ssyncset.s32 @!p0 $0xFFFFF086;
	s6 =	sadd.s32 @!p0 s3, s7;
	s7 =	simm.s32 @!p0 $0x108  }
0x21: {  	s3 =	sadd.s32 s3, s9;
	s6 =	sadd.s32 @!p0 $0x88, s6;
	s7 =	simm.s32 @p2 $0x1082  }
0x22: {  	[simem:s7], [sflag:s8] =	dma.local @!p0 [hbm:s6], $0xF7A  }
0x23: {  	s9 =	sor.u32 $0xD0000000, s2;
	s6 =	simm.s32 $0x108;
	_ =	swait.ge @!p0 [sflag:s8], $0x0  }
0x24: {  	s3 =	sadd.s32 $0x88, s3;
	s6 =	simm.s32 @!p1 $0x1082;
	[sflag:s4] =	ssyncset.s32 $0xFFFFF086  }
0x25: {  	[simem:s6], [sflag:s4] =	dma.local [hbm:s3], $0xF7A  }
0x26: {  	[smem:$0x3F98] =	sst s1;
	(tag) =	ssettag s2;
	_ =	strace s9  }
0x27: {  	s1 =	sld [smem:$0x3FA8]  }
0x28: {  	s2 =	sld [smem:$0x3FA9]  }
0x29: {  	s4 =	sld [smem:$0x3FAB]  }
0x2a: {  	p0 =	seq.s32 s5, $0x0;
	s5 =	sld [smem:$0x3FAC]  }
0x2b: {  	s6 =	sld [smem:$0x3FAD]  }
0x2c: {  	s7 =	sld [smem:$0x3FAE]  }
0x2d: {  	s3 =	simm.s32 $0x108;
	s8 =	sld [smem:$0x3FAF]  }
0x2e: {  	s3 =	simm.s32 @!p0 $0x1082;
	s9 =	sld [smem:$0x3FB0]  }
0x2f: {  	lr =	sadd.s32 s0, s3;
	s0 =	sld [smem:$0x3FA7]  }
0x30: {  	s3 =	sld [smem:$0x3FAA]  }
0x31: {  	[smem:$0x3FB3] =	sst s10  }
0x32: {  	s10 =	sld [smem:$0x3FB1];
	_ =	sdelay $0x3  }
0x33: {  	p0 =	seq.s32 s10, $0x1;
	s10 =	sld [smem:$0x3FB3];
	_ =	sdelay $0x3  }
0x34: {  	[smem:$0x3FB3] =	sst s10  }
0x35: {  	s10 =	sld [smem:$0x3FB2];
	_ =	sdelay $0x3  }
0x36: {  	p1 =	seq.s32 s10, $0x1;
	s10 =	sld [smem:$0x3FB3];
	_ =	sdelay $0x3  }
0x37: {  	[smem:$0x3FB3] =	sst s10  }
0x38: {  	s10 =	sld [smem:$0x3FB4]  }
0x39: {  	_ = 	snop;
	(pc) =	sbr.ind lr, $3  }
0x3a: {  	_ = 	snop  }
0x3b: {  	_ = 	snop  }
0x3c: {  	p2 =	seq.s32 s10, $0x1;
	s10 =	sld [smem:$0x3FB3]  }
0x3d: {  	_ =	shalt  }
0x3e: {  	_ =	shalt  }
0x3f: {  	_ =	shalt  }
0x40: {  	_ =	shalt  }
0x41: {  	_ =	shalt  }
0x42: {  	_ =	shalt  }
0x43: {  	_ =	shalt  }
0x44: {  	_ =	shalt  }
0x45: {  	_ =	shalt  }
0x46: {  	_ =	shalt  }
0x47: {  	_ =	shalt  }
0x48: {  	_ =	shalt  }
0x49: {  	_ =	shalt  }
0x4a: {  	_ =	shalt  }
0x4b: {  	_ =	shalt  }
0x4c: {  	_ =	shalt  }
0x4d: {  	_ =	shalt  }
0x4e: {  	_ =	shalt  }
0x4f: {  	_ =	shalt  }
0x50: {  	_ =	shalt  }
0x51: {  	_ =	shalt  }
0x52: {  	_ =	shalt  }
0x53: {  	_ =	shalt  }
0x54: {  	_ =	shalt  }
0x55: {  	_ =	shalt  }
0x56: {  	_ =	shalt  }
0x57: {  	_ =	shalt  }
0x58: {  	_ =	shalt  }
0x59: {  	_ =	shalt  }
0x5a: {  	_ =	shalt  }
0x5b: {  	_ =	shalt  }
0x5c: {  	_ =	shalt  }
0x5d: {  	_ =	shalt  }
0x5e: {  	_ =	shalt  }
0x5f: {  	_ =	shalt  }
0x60: {  	_ =	shalt  }
0x61: {  	_ =	shalt  }
0x62: {  	_ =	shalt  }
0x63: {  	_ =	shalt  }
0x64: {  	_ =	shalt  }
0x65: {  	_ =	shalt  }
0x66: {  	_ =	shalt  }
0x67: {  	_ =	shalt  }
0x68: {  	_ =	shalt  }
0x69: {  	_ =	shalt  }
0x6a: {  	_ =	shalt  }
0x6b: {  	_ =	shalt  }
0x6c: {  	_ =	shalt  }
0x6d: {  	_ =	shalt  }
0x6e: {  	_ =	shalt  }
0x6f: {  	_ =	shalt  }
0x70: {  	_ =	shalt  }
0x71: {  	_ =	shalt  }
0x72: {  	_ =	shalt  }
0x73: {  	_ =	shalt  }
0x74: {  	_ =	shalt  }
0x75: {  	_ =	shalt  }
0x76: {  	_ =	shalt  }
0x77: {  	_ =	shalt  }
0x78: {  	_ =	shalt  }
0x79: {  	_ =	shalt  }
0x7a: {  	_ =	shalt  }
0x7b: {  	_ =	shalt  }
0x7c: {  	_ =	shalt  }
0x7d: {  	_ =	shalt  }
0x7e: {  	_ =	shalt  }
0x7f: {  	_ =	shalt  }
0x80: {  	_ =	shalt  }
0x81: {  	_ =	shalt  }
0x82: {  	_ =	shalt  }
0x83: {  	_ =	shalt  }
0x84: {  	_ =	shalt  }
0x85: {  	_ =	shalt  }
0x86: {  	_ =	shalt  }
0x87: {  	_ =	shalt  }
.Lfunc_end0:
.L_simem_size_0:
called_computation.2_lowered:
.L_overlay_start_0:
0x88: {  	s2 =	sld [smem:$0x3FD9]  }
0x89: {  	s3 =	sld [smem:$0x3FFE];
	_ =	sdelay $0x1  }
0x8a: {  	s1 =	srdreg.scid  }
0x8b: {  	s0 =	sand.u32 $0x1, s1  }
0x8c: {  	s16 =	sshll.u32 s0, $0xA;
	s2 =	sadd.s32 s3, s2  }
0x8d: {  	s2 =	sadd.s32 s2, s16  }
0x8e: {  	[smem:$0x3FBF] =	sst s2  }
0x8f: {  	_ = 	snop  }
0x90: {  	(tm) =	ssettm $0x1  }
0x91: {  	s17 =	sld [smem:$0x3FFB];
	_ =	sdelay $0x3  }
0x92: {  	_ =	strace s17  }
0x93: {  	s2 =	sld [smem:$0x3FFC];
	_ =	sdelay $0x3  }
0x94: {  	_ =	strace s2  }
0x95: {  	s2 =	sld [smem:$0x3FFD];
	_ =	sdelay $0x3  }
0x96: {  	_ =	strace s2  }
0x97: {  	_ =	strace $0x8FFFFFFF  }
0x98: {  	s18 =	sld [smem:$0x3FDB];
	_ =	sdelay $0x1  }
0x99: {  	s19 =	simm.s32 $_scs_section_size  }
0x9a: {  	s4 =	simm.s32 $_size__tile_overlayer_lowered;
	s5 =	simm.s32 $_tile_overlayer_lowered  }
0x9b: {  	s22 =	simm.s32 $0x1BFF;
	s21 =	sshll.u32 s5, $0x1;
	s2 =	sadd.s32 s19, s18  }
0x9c: {  	s6 =	simm.s32 $0x0;
	s20 =	sshll.u32 s4, $0x1;
	s4 =	sadd.s32 s21, s2  }
0x9d: {  	[timem:s6], [sflag:s22] =	dma.local [hbm:s4], s20  }
0x9e: {  	_ =	swait.ge [sflag:s22], s20  }
0x9f: {  	s3 =	ssub.s32 $0x0, s20;
	[sflag:s22] =	ssyncset.done $0x0  }
0xa0: {  	[sflag:s22] =	ssyncadd.s32 s3;
	_ =	sdelay $0x1  }
0xa1: {  	s23 =	simm.s32 $0x1B8B  }
0xa2: {  	_ =	swait.ge [sflag:s23], $0x1  }
0xa3: {  	[sflag:s23] =	ssyncset.done $0x0  }
0xa4: {  	s25 =	simm.s32 $0x1B8E;
	s24 =	sld [smem:$0x3FFE];
	[sflag:s23] =	ssyncadd.s32 $0xFFFFFFFF  }
0xa5: {  	s26 =	simm.s32 $execute0_lowered;
	[smem:$0x3FD2] =	sst s25  }
0xa6: {  	s4 =	sshll.u32 s26, $0x1;
	_ =	strace $0x8000004C;
	[dreg:$0x1] =	wrdreg $0xFFFFFFFF  }
0xa7: {  	s28 =	simm.s32 $_size_execute0_lowered;
	s2 =	sadd.s32 s2, s4;
	[dreg:$0x0] =	wrdreg $0x0  }
0xa8: {  	s4 =	sshll.u32 s28, $0x1;
	[dreg:$0x2] =	wrdreg s2  }
0xa9: {  	[dreg:$0x3] =	wrdreg s4  }
0xaa: {  	[dreg:$0x4] =	wrdreg $0xC0  }
0xab: {  	_ =	task [dreg:s6], $0x5FFFF  }
0xac: {  	[dreg:$0x1] =	wrdreg $0xFFFFFFFF  }
0xad: {  	[dreg:$0x0] =	wrdreg $0x60  }
0xae: {  	[dreg:$0x2] =	wrdreg s24  }
0xaf: {  	[dreg:$0x3] =	wrdreg $0xBC000  }
0xb0: {  	[dreg:$0x4] =	wrdreg $0x9  }
0xb1: {  	_ =	task.clear_ibuf [dreg:s6], $0x5FFFF;
	_ =	strace $0x9000004C  }
0xb2: {  	s29 =	simm.s32 $0x9;
	_ =	strace $0x8000004E  }
0xb3: {  	_ =	swait.ge [sflag:s29], $0x1  }
0xb4: {  	[sflag:s29] =	ssyncadd.s32 $0xFFFFFFFF  }
0xb5: {  	_ =	strace $0x9000004E  }
0xb6: {  	_ =	sfence  }
0xb7: {  	s30 =	sld [smem:$0x0];
	_ =	sdelay $0x2  }
0xb8: {  	s31 =	sshll.u32 s1, $0xD;
	s1 =	sshrl.u32 s1, $0x2  }
0xb9: {  	s3 =	sand.u32 $0x4000, s31;
	s1 =	sadd.s32 s1, s30  }
0xba: {  	s0 =	sor.u32 s3, s0;
	s1 =	sshll.u32 s1, $0x11  }
0xbb: {  	s0 =	sor.u32 s1, s0  }
0xbc: {  	s0 =	sadd.s32 $0x8F2B, s0  }
0xbd: {  	[sflag:s0] =	ssyncadd.remote.s32 $0x1  }
0xbe: {  	_ =	sfence.sel $0xFFFF  }
0xbf: {  	[dreg:$0x0] =	wrdreg $0xFFFFFFFF;
	(pc) =	sbr.abs _section_cstart, $3  }
0xc0: {  	[dreg:$0x1] =	wrdreg $0xFFFFFFFF  }
0xc1: {  	_ =	task.clear_ibuf [dreg:s6], $0x2FFFF;
	_ =	strace $0x9FFFFFFF  }
0xc2: {  	(tm) =	ssettm $0x7FFFFFFF  }
0xc3: {  	_ =	shalt  }
tec
execute0_lowered:
.L_overlay_start_1:
0x0: {  	(tag) =	ssettag $0x1  }
0x1: {  	s5 =	rddreg [dreg:$0x0]  }
0x2: {  	s2 =	rddreg [dreg:$0x1];
	s3 =	srdreg.scid  }
0x3: {  	s0 =	rddreg [dreg:$0x2];
	s6 =	sand.u32 $0x1, s3;
	s3 =	simm.s32 $0x0  }
0x4: {  	s17 =	simm.s32 $0x100;
	[smem:$0x7FF] =	sst s3  }
0x5: {  	s18 =	simm.s32 $0x1080;
	_ =	strace $0x8000004D;
	[dreg:$0x5] =	wrdreg s17  }
0x6: {  	s19 =	simm.s32 $0x180;
	[dreg:$0x6] =	wrdreg s18  }
0x7: {  	s20 =	simm.s32 $0x1100;
	[dreg:$0x7] =	wrdreg s19  }
0x8: {  	s21 =	simm.s32 $0x200;
	[dreg:$0x8] =	wrdreg s20  }
0x9: {  	s22 =	simm.s32 $0x1180;
	[dreg:$0x9] =	wrdreg s21  }
0xa: {  	s23 =	simm.s32 $0x280;
	[dreg:$0xa] =	wrdreg s22  }
0xb: {  	s24 =	simm.s32 $0x1200;
	[dreg:$0xb] =	wrdreg s23  }
0xc: {  	s25 =	simm.s32 $0x300;
	[dreg:$0xc] =	wrdreg s24  }
0xd: {  	s26 =	simm.s32 $0x1280;
	[dreg:$0xd] =	wrdreg s25  }
0xe: {  	s28 =	simm.s32 $0x380;
	[dreg:$0xe] =	wrdreg s26  }
0xf: {  	s29 =	simm.s32 $0x1300;
	[dreg:$0xf] =	wrdreg s28  }
0x10: {  	s30 =	simm.s32 $0x400;
	[dreg:$0x10] =	wrdreg s29  }
0x11: {  	s31 =	simm.s32 $0x1380;
	[dreg:$0x11] =	wrdreg s30  }
0x12: {  	s8 =	simm.s32 $0x1400;
	[dreg:$0x12] =	wrdreg s31  }
0x13: {  	s9 =	simm.s32 $0x500;
	[dreg:$0x14] =	wrdreg s8  }
0x14: {  	s10 =	simm.s32 $0x1480;
	[dreg:$0x15] =	wrdreg s9  }
0x15: {  	s11 =	simm.s32 $0x580;
	[dreg:$0x16] =	wrdreg s10  }
0x16: {  	s12 =	simm.s32 $0x1500;
	[dreg:$0x17] =	wrdreg s11  }
0x17: {  	s13 =	simm.s32 $0x600;
	[dreg:$0x18] =	wrdreg s12  }
0x18: {  	s15 =	simm.s32 $0x1580;
	[dreg:$0x19] =	wrdreg s13  }
0x19: {  	s16 =	simm.s32 $0x1600;
	[dreg:$0x1a] =	wrdreg s15  }
0x1a: {  	s9 =	simm.s32 $0x680;
	[dreg:$0x1c] =	wrdreg s16  }
0x1b: {  	s17 =	simm.s32 $0x700;
	[dreg:$0x1b] =	wrdreg s9  }
0x1c: {  	s1 =	stileid.u32;
	s18 =	simm.s32 $0x1680;
	[dreg:$0x1d] =	wrdreg s17  }
0x1d: {  	s4 =	sshll.u32 s1, $0xC;
	s19 =	simm.s32 $0x780;
	[dreg:$0x1e] =	wrdreg s18  }
0x1e: {  	s4 =	sadd.s32 s4, s5;
	s20 =	simm.s32 $0x1700;
	[dreg:$0x1f] =	wrdreg s19  }
0x1f: {  	s7 =	sshll.u32 s6, $0xB;
	s22 =	simm.s32 $0x800;
	[smem:$0x7EC] =	sst s20  }
0x20: {  	s14 =	smul.u32 $0x140000, s6;
	s24 =	simm.s32 $0x1780;
	[smem:$0x7ED] =	sst s22  }
0x21: {  	s6 =	ssub.s32 $0x2, s6;
	s25 =	simm.s32 $0x880;
	[smem:$0x7EE] =	sst s24  }
0x22: {  	s4 =	sadd.s32 s7, s4;
	s28 =	simm.s32 $0x1800;
	[smem:$0x7EF] =	sst s25  }
0x23: {  	s8 =	smul.u32 $0x14000, s1;
	s29 =	simm.s32 $0x900;
	[smem:$0x7F0] =	sst s28  }
0x24: {  	s21 =	sshrl.u32 s6, $0x1;
	s30 =	simm.s32 $0x1880;
	[smem:$0x7F1] =	sst s29  }
0x25: {  	s23 =	smul.u32 $0x50000, s1;
	s31 =	simm.s32 $0x980;
	[smem:$0x7F2] =	sst s30  }
0x26: {  	s10 =	simm.s32 $0x1900;
	s11 =	simm.s32 $0xA00;
	[smem:$0x7F3] =	sst s31  }
0x27: {  	s12 =	simm.s32 $0x1980;
	s13 =	simm.s32 $0xA80;
	[smem:$0x7F4] =	sst s10  }
0x28: {  	s15 =	simm.s32 $0xB00;
	s16 =	simm.s32 $0x1A80;
	[smem:$0x7F5] =	sst s11  }
0x29: {  	s7 =	sadd.s32 $0x16A00, s4;
	s4 =	sadd.s32 $0x26A00, s4;
	[smem:$0x7F6] =	sst s12  }
0x2a: {  	s9 =	simm.s32 $0x7;
	s10 =	simm.s32 $0x1000;
	[smem:$0x7F7] =	sst s13  }
0x2b: {  	s11 =	simm.s32 $0x1;
	s12 =	simm.s32 $0x64;
	[smem:$0x7F9] =	sst s15  }
0x2c: {  	s13 =	simm.s32 $0x8800;
	s15 =	simm.s32 $0x5400;
	[smem:$0x7FA] =	sst s16  }
0x2d: {  	s17 =	simm.s32 $0xB80;
	s16 =	simm.s32 $0x4;
	[dreg:$0x3] =	wrdreg s7  }
0x2e: {  	s18 =	simm.s32 $0x1B00;
	s20 =	simm.s32 $0xC00;
	[dreg:$0x4] =	wrdreg s4  }
0x2f: {  	s19 =	simm.s32 $0x6;
	s22 =	simm.s32 $0x0;
	[smem:$0x7FB] =	sst s17  }
0x30: {  	s7 =	simm.s32 $0x480;
	s4 =	sadd.s32 $0x36A00, s5;
	[smem:$0x7FC] =	sst s18  }
0x31: {  	s26 =	sshrl.u32 s23, $0x2;
	s17 =	simm.s32 $0x3;
	[smem:$0x7FD] =	sst s20  }
0x32: {  	s18 =	simm.s32 $0x5;
	s20 =	simm.s32 $0x1B80;
	[dreg:$0x13] =	wrdreg s7  }
0x33: {  	s7 =	sadd.s32 s8, s14;
	s8 =	ssub.s32 s6, s21;
	s14 =	simm.s32 $0x1A00  }
0x34: {  	s21 =	simm.s32 $0x1C00;
	s7 =	sshrl.u32 s7, $0x3;
	[smem:$0x7F8] =	sst s14  }
0x35: {  	s14 =	simm.s32 $0x2;
	s7 =	sadd.s32 s7, s5;
	s5 =	sadd.s32 s26, s2  }
0x36: {  	v0 =	vimm.f32 $0.0e+00;
	s6 =	sadd.s32 $0x5DC00, s7;
	s7 =	smax.u32 s8, $0x1;
	s8 =	simm.s32 $0x2000  }
.LBB2_1:
0x37: {  	s23 =	simm.s32 $0x0;
	s24 =	simm.s32 $0x0  }
.LBB2_2:
0x38: {  	p0 =	sne.s32 s24, $0x1FC0  }
.Ltmp0:
0x39: {  	_ = 	snop;
	(pc) =	sbr.rel @p0 .LBB2_2-.Ltmp0, $4  }
0x3a: {  	s25 =	sand.u32 $0x1E00, s24  }
0x3b: {  	s26 =	sand.u32 $0x70, s23;
	s25 =	sshrl.u32 s25, $0x2  }
0x3c: {  	s25 =	sor.u32 s26, s25  }
0x3d: {  	s23 =	sadd.s32 $0x10, s23;
	s24 =	sadd.s32 $0x40, s24;
	[tilespmem:s25+$0x2000] =	vst v0  }
0x3e: {  	s23 =	sadd.s32 $0x0, s5  }
0x3f: {  	[spmem:s23] =	stream.linear.scatter [tilespmem:s8], [sflag:$0x7], $0x800, $0x38;
	[tilespmem:$0x1FC00] =	vst v63  }
0x40: {  	s23 =	simm.s32 $0x2000;
	_ =	swait.ge [sflag:s9], $0x800  }
.LBB2_4:
0x41: {  	s24 =	sshra.s32 s23, $0x2;
	[sflag:s9] =	ssyncset.done $0x0;
	p0 =	sne.s32 s23, $0x4E000  }
.Ltmp1:
0x42: {  	s24 =	sadd.s32 s24, s5;
	[sflag:s9] =	ssyncadd.s32 $0xFFFFF800;
	(pc) =	sbr.rel @p0 .LBB2_4-.Ltmp1, $3  }
0x43: {  	[spmem:s24] =	stream.linear.scatter [tilespmem:s8], [sflag:$0x7], $0x800, $0x38;
	[tilespmem:$0x1FC00] =	vst v63  }
0x44: {  	s23 =	sadd.s32 $0x2000, s23;
	_ =	sdelay $0x1  }
0x45: {  	_ =	swait.ge [sflag:s9], $0x800  }
0x46: {  	[sflag:s9] =	ssyncset.done $0x0  }
0x47: {  	[sflag:s9] =	ssyncadd.s32 $0xFFFFF800  }
0x48: {  	[bflag:$0x0] =	sbarrier.arrive $0xFFFF  }
0x49: {  	s23 =	rddreg [dreg:$0x4]  }
0x4a: {  	s23 =	sadd.s32 $0x0, s23  }
0x4b: {  	[tilespmem:s3], [sflag:$0x7] =	stream.linear.gather [hbm4b:s23+s3], $0xC80, $0x38;
	[tilespmem:$0x1FC00] =	vst v63  }
0x4c: {  	_ =	swait.ge [sflag:s9], $0xC80  }
0x4d: {  	p0 =	por $0x0, $0x0;
	[sflag:s9] =	ssyncset.done $0x0  }
0x4e: {  	s23 =	simm.s32 @p0 $0x4;
	[sflag:s9] =	ssyncadd.s32 $0xFFFFF380  }
0x4f: {  	_ =	swait.ge @p0 [sflag:s23], $0x3200  }
0x50: {  	s24 =	simm.s32 @p0 $0x2000;
	s25 =	simm.s32 @p0 $0x5;
	[sflag:s23] =	ssyncset.done @p0 $0x0  }
0x51: {  	s26 =	simm.s32 @p0 $0x0;
	[sflag:s23] =	ssyncadd.s32 @p0 $0xFFFFCE00;
	s23 =	simm.s32 @p0 $0x64  }
0x52: {  	[tilespmem:s24], [sflag:$0x1] =	stream.indirect.gather @p0 [hbm4b:s4+s23], $0x80, s26, s23, $0xb8;
	[tilespmem:$0x1FC00] =	vst v63  }
0x53: {  	_ =	swait.ge @p0 [sflag:s25], $0x3200  }
0x54: {  	s24 =	simm.s32 @p0 $0x6;
	[sflag:s25] =	ssyncset.done @p0 $0x0  }
0x55: {  	s26 =	simm.s32 @p0 $0x5400;
	[sflag:s25] =	ssyncadd.s32 @p0 $0xFFFFCE00;
	s25 =	simm.s32 @p0 $0x80  }
0x56: {  	[tilespmem:s26], [sflag:$0x2] =	stream.indirect.gather @p0 [hbm4b:s4+s23], $0x80, s25, s23, $0xb8;
	[tilespmem:$0x1FC00] =	vst v63  }
0x57: {  	_ =	swait.ge @p0 [sflag:s24], $0x3200  }
0x58: {  	s23 =	simm.s32 @!p0 $0x0;
	[sflag:s24] =	ssyncset.done @p0 $0x0  }
0x59: {  	s25 =	simm.s32 @!p0 $0x2000;
	[sflag:s24] =	ssyncadd.s32 @p0 $0xFFFFCE00;
	s24 =	simm.s32 @!p0 $0x64  }
0x5a: {  	[tilespmem:s25], [sflag:$0x1] =	stream.indirect.gather @!p0 [hbm4b:s4+s24], $0x80, s23, s24, $0xb8;
	[tilespmem:$0x1FC00] =	vst v63  }
0x5b: {  	s31 =	rddreg [dreg:$0x3];
	s23 =	simm.s32 @!p0 $0x80;
	s25 =	simm.s32 @!p0 $0x5400  }
0x5c: {  	[tilespmem:s25], [sflag:$0x2] =	stream.indirect.gather @!p0 [hbm4b:s4+s24], $0x80, s23, s24, $0xb8;
	[tilespmem:$0x1FC00] =	vst v63  }
0x5d: {  	s28 =	sadd.s32 $0x0, s31  }
0x5e: {  	[tilespmem:s10], [sflag:$0x7] =	stream.linear.gather [hbm4b:s28+s3], $0xC80, $0x38;
	[tilespmem:$0x1FC00] =	vst v63  }
0x5f: {  	_ =	swait.ge [sflag:s9], $0xC80  }
0x60: {  	[sflag:s9] =	ssyncset.done $0x0  }
0x61: {  	[sflag:s9] =	ssyncadd.s32 $0xFFFFF380  }
0x62: {  	_ =	swait.ge [sflag:s11], $0x3200  }
0x63: {  	[sflag:s11] =	ssyncset.done $0x0  }
0x64: {  	[sflag:s11] =	ssyncadd.s32 $0xFFFFCE00  }
0x65: {  	[spmem:s2] =	stream.indirect.scatter.add.f32 [tilespmem:s8], [sflag:$0x4], $0x80, s10, s12, $0xb8;
	[tilespmem:$0x1FC00] =	vst v63  }
0x66: {  	s29 =	rddreg [dreg:$0x5]  }
0x67: {  	[tilespmem:s13], [sflag:$0x3] =	stream.indirect.gather [hbm4b:s4+s12], $0x80, s29, s12, $0xb8;
	[tilespmem:$0x1FC00] =	vst v63  }
0x68: {  	_ =	swait.ge [sflag:s14], $0x3200  }
0x69: {  	[sflag:s14] =	ssyncset.done $0x0  }
0x6a: {  	s30 =	rddreg [dreg:$0x6];
	[sflag:s14] =	ssyncadd.s32 $0xFFFFCE00  }
0x6b: {  	[spmem:s2] =	stream.indirect.scatter.add.f32 [tilespmem:s15], [sflag:$0x5], $0x80, s30, s12, $0xb8;
	[tilespmem:$0x1FC00] =	vst v63  }
0x6c: {  	_ =	swait.ge [sflag:s16], $0x3200  }
0x6d: {  	[sflag:s16] =	ssyncset.done $0x0  }
0x6e: {  	s31 =	rddreg [dreg:$0x7];
	[sflag:s16] =	ssyncadd.s32 $0xFFFFCE00  }
0x6f: {  	[tilespmem:s8], [sflag:$0x1] =	stream.indirect.gather [hbm4b:s4+s12], $0x80, s31, s12, $0xb8;
	[tilespmem:$0x1FC00] =	vst v63  }
0x70: {  	_ =	swait.ge [sflag:s17], $0x3200  }
0x71: {  	[sflag:s17] =	ssyncset.done $0x0  }
0x72: {  	s24 =	rddreg [dreg:$0x8];
	[sflag:s17] =	ssyncadd.s32 $0xFFFFCE00  }
0x73: {  	[spmem:s2] =	stream.indirect.scatter.add.f32 [tilespmem:s13], [sflag:$0x6], $0x80, s24, s12, $0xb8;
	[tilespmem:$0x1FC00] =	vst v63  }
0x74: {  	_ =	swait.ge [sflag:s18], $0x3200  }
0x75: {  	[sflag:s18] =	ssyncset.done $0x0  }
0x76: {  	s25 =	rddreg [dreg:$0x9];
	[sflag:s18] =	ssyncadd.s32 $0xFFFFCE00  }
0x77: {  	[tilespmem:s15], [sflag:$0x2] =	stream.indirect.gather [hbm4b:s4+s12], $0x80, s25, s12, $0xb8;
	[tilespmem:$0x1FC00] =	vst v63  }
0x78: {  	_ =	swait.ge [sflag:s11], $0x3200  }
0x79: {  	[sflag:s11] =	ssyncset.done $0x0  }
0x7a: {  	s26 =	rddreg [dreg:$0xa];
	[sflag:s11] =	ssyncadd.s32 $0xFFFFCE00  }
0x7b: {  	[spmem:s2] =	stream.indirect.scatter.add.f32 [tilespmem:s8], [sflag:$0x4], $0x80, s26, s12, $0xb8;
	[tilespmem:$0x1FC00] =	vst v63  }
0x7c: {  	_ =	swait.ge [sflag:s19], $0x3200  }
0x7d: {  	[sflag:s19] =	ssyncset.done $0x0  }
0x7e: {  	s28 =	rddreg [dreg:$0xb];
	[sflag:s19] =	ssyncadd.s32 $0xFFFFCE00  }
0x7f: {  	[tilespmem:s13], [sflag:$0x3] =	stream.indirect.gather [hbm4b:s4+s12], $0x80, s28, s12, $0xb8;
	[tilespmem:$0x1FC00] =	vst v63  }
0x80: {  	_ =	swait.ge [sflag:s14], $0x3200  }
0x81: {  	[sflag:s14] =	ssyncset.done $0x0  }
0x82: {  	s29 =	rddreg [dreg:$0xc];
	[sflag:s14] =	ssyncadd.s32 $0xFFFFCE00  }
0x83: {  	[spmem:s2] =	stream.indirect.scatter.add.f32 [tilespmem:s15], [sflag:$0x5], $0x80, s29, s12, $0xb8;
	[tilespmem:$0x1FC00] =	vst v63  }
0x84: {  	_ =	swait.ge [sflag:s16], $0x3200  }
0x85: {  	[sflag:s16] =	ssyncset.done $0x0  }
0x86: {  	s30 =	rddreg [dreg:$0xd];
	[sflag:s16] =	ssyncadd.s32 $0xFFFFCE00  }
0x87: {  	[tilespmem:s8], [sflag:$0x1] =	stream.indirect.gather [hbm4b:s4+s12], $0x80, s30, s12, $0xb8;
	[tilespmem:$0x1FC00] =	vst v63  }
0x88: {  	_ =	swait.ge [sflag:s17], $0x3200  }
0x89: {  	[sflag:s17] =	ssyncset.done $0x0  }
0x8a: {  	s31 =	rddreg [dreg:$0xe];
	[sflag:s17] =	ssyncadd.s32 $0xFFFFCE00  }
0x8b: {  	[spmem:s2] =	stream.indirect.scatter.add.f32 [tilespmem:s13], [sflag:$0x6], $0x80, s31, s12, $0xb8;
	[tilespmem:$0x1FC00] =	vst v63  }
0x8c: {  	_ =	swait.ge [sflag:s18], $0x3200  }
0x8d: {  	[sflag:s18] =	ssyncset.done $0x0  }
0x8e: {  	s24 =	rddreg [dreg:$0xf];
	[sflag:s18] =	ssyncadd.s32 $0xFFFFCE00  }
0x8f: {  	[tilespmem:s15], [sflag:$0x2] =	stream.indirect.gather [hbm4b:s4+s12], $0x80, s24, s12, $0xb8;
	[tilespmem:$0x1FC00] =	vst v63  }
0x90: {  	_ =	swait.ge [sflag:s11], $0x3200  }
0x91: {  	[sflag:s11] =	ssyncset.done $0x0  }
0x92: {  	s25 =	rddreg [dreg:$0x10];
	[sflag:s11] =	ssyncadd.s32 $0xFFFFCE00  }
0x93: {  	[spmem:s2] =	stream.indirect.scatter.add.f32 [tilespmem:s8], [sflag:$0x4], $0x80, s25, s12, $0xb8;
	[tilespmem:$0x1FC00] =	vst v63  }
0x94: {  	_ =	swait.ge [sflag:s19], $0x3200  }
0x95: {  	[sflag:s19] =	ssyncset.done $0x0  }
0x96: {  	s26 =	rddreg [dreg:$0x11];
	[sflag:s19] =	ssyncadd.s32 $0xFFFFCE00  }
0x97: {  	[tilespmem:s13], [sflag:$0x3] =	stream.indirect.gather [hbm4b:s4+s12], $0x80, s26, s12, $0xb8;
	[tilespmem:$0x1FC00] =	vst v63  }
0x98: {  	_ =	swait.ge [sflag:s14], $0x3200  }
0x99: {  	[sflag:s14] =	ssyncset.done $0x0  }
0x9a: {  	s28 =	rddreg [dreg:$0x12];
	[sflag:s14] =	ssyncadd.s32 $0xFFFFCE00  }
0x9b: {  	[spmem:s2] =	stream.indirect.scatter.add.f32 [tilespmem:s15], [sflag:$0x5], $0x80, s28, s12, $0xb8;
	[tilespmem:$0x1FC00] =	vst v63  }
0x9c: {  	_ =	swait.ge [sflag:s16], $0x3200  }
0x9d: {  	[sflag:s16] =	ssyncset.done $0x0  }
0x9e: {  	s29 =	rddreg [dreg:$0x13];
	[sflag:s16] =	ssyncadd.s32 $0xFFFFCE00  }
0x9f: {  	[tilespmem:s8], [sflag:$0x1] =	stream.indirect.gather [hbm4b:s4+s12], $0x80, s29, s12, $0xb8;
	[tilespmem:$0x1FC00] =	vst v63  }
0xa0: {  	_ =	swait.ge [sflag:s17], $0x3200  }
0xa1: {  	[sflag:s17] =	ssyncset.done $0x0  }
0xa2: {  	s30 =	rddreg [dreg:$0x14];
	[sflag:s17] =	ssyncadd.s32 $0xFFFFCE00  }
0xa3: {  	[spmem:s2] =	stream.indirect.scatter.add.f32 [tilespmem:s13], [sflag:$0x6], $0x80, s30, s12, $0xb8;
	[tilespmem:$0x1FC00] =	vst v63  }
0xa4: {  	_ =	swait.ge [sflag:s18], $0x3200  }
0xa5: {  	[sflag:s18] =	ssyncset.done $0x0  }
0xa6: {  	s31 =	rddreg [dreg:$0x15];
	[sflag:s18] =	ssyncadd.s32 $0xFFFFCE00  }
0xa7: {  	[tilespmem:s15], [sflag:$0x2] =	stream.indirect.gather [hbm4b:s4+s12], $0x80, s31, s12, $0xb8;
	[tilespmem:$0x1FC00] =	vst v63  }
0xa8: {  	_ =	swait.ge [sflag:s11], $0x3200  }
0xa9: {  	[sflag:s11] =	ssyncset.done $0x0  }
0xaa: {  	s24 =	rddreg [dreg:$0x16];
	[sflag:s11] =	ssyncadd.s32 $0xFFFFCE00  }
0xab: {  	[spmem:s2] =	stream.indirect.scatter.add.f32 [tilespmem:s8], [sflag:$0x4], $0x80, s24, s12, $0xb8;
	[tilespmem:$0x1FC00] =	vst v63  }
0xac: {  	_ =	swait.ge [sflag:s19], $0x3200  }
0xad: {  	[sflag:s19] =	ssyncset.done $0x0  }
0xae: {  	s25 =	rddreg [dreg:$0x17];
	[sflag:s19] =	ssyncadd.s32 $0xFFFFCE00  }
0xaf: {  	[tilespmem:s13], [sflag:$0x3] =	stream.indirect.gather [hbm4b:s4+s12], $0x80, s25, s12, $0xb8;
	[tilespmem:$0x1FC00] =	vst v63  }
0xb0: {  	_ =	swait.ge [sflag:s14], $0x3200  }
0xb1: {  	[sflag:s14] =	ssyncset.done $0x0  }
0xb2: {  	s26 =	rddreg [dreg:$0x18];
	[sflag:s14] =	ssyncadd.s32 $0xFFFFCE00  }
0xb3: {  	[spmem:s2] =	stream.indirect.scatter.add.f32 [tilespmem:s15], [sflag:$0x5], $0x80, s26, s12, $0xb8;
	[tilespmem:$0x1FC00] =	vst v63  }
0xb4: {  	_ =	swait.ge [sflag:s16], $0x3200  }
0xb5: {  	[sflag:s16] =	ssyncset.done $0x0  }
0xb6: {  	s28 =	rddreg [dreg:$0x19];
	[sflag:s16] =	ssyncadd.s32 $0xFFFFCE00  }
0xb7: {  	[tilespmem:s8], [sflag:$0x1] =	stream.indirect.gather [hbm4b:s4+s12], $0x80, s28, s12, $0xb8;
	[tilespmem:$0x1FC00] =	vst v63  }
0xb8: {  	_ =	swait.ge [sflag:s17], $0x3200  }
0xb9: {  	[sflag:s17] =	ssyncset.done $0x0  }
0xba: {  	s29 =	rddreg [dreg:$0x1a];
	[sflag:s17] =	ssyncadd.s32 $0xFFFFCE00  }
0xbb: {  	[spmem:s2] =	stream.indirect.scatter.add.f32 [tilespmem:s13], [sflag:$0x6], $0x80, s29, s12, $0xb8;
	[tilespmem:$0x1FC00] =	vst v63  }
0xbc: {  	_ =	swait.ge [sflag:s18], $0x3200  }
0xbd: {  	[sflag:s18] =	ssyncset.done $0x0  }
0xbe: {  	s30 =	rddreg [dreg:$0x1b];
	[sflag:s18] =	ssyncadd.s32 $0xFFFFCE00  }
0xbf: {  	[tilespmem:s15], [sflag:$0x2] =	stream.indirect.gather [hbm4b:s4+s12], $0x80, s30, s12, $0xb8;
	[tilespmem:$0x1FC00] =	vst v63  }
0xc0: {  	_ =	swait.ge [sflag:s11], $0x3200  }
0xc1: {  	[sflag:s11] =	ssyncset.done $0x0  }
0xc2: {  	s31 =	rddreg [dreg:$0x1c];
	[sflag:s11] =	ssyncadd.s32 $0xFFFFCE00  }
0xc3: {  	[spmem:s2] =	stream.indirect.scatter.add.f32 [tilespmem:s8], [sflag:$0x4], $0x80, s31, s12, $0xb8;
	[tilespmem:$0x1FC00] =	vst v63  }
0xc4: {  	_ =	swait.ge [sflag:s19], $0x3200  }
0xc5: {  	[sflag:s19] =	ssyncset.done $0x0  }
0xc6: {  	s24 =	rddreg [dreg:$0x1d];
	[sflag:s19] =	ssyncadd.s32 $0xFFFFCE00  }
0xc7: {  	[tilespmem:s13], [sflag:$0x3] =	stream.indirect.gather [hbm4b:s4+s12], $0x80, s24, s12, $0xb8;
	[tilespmem:$0x1FC00] =	vst v63  }
0xc8: {  	_ =	swait.ge [sflag:s14], $0x3200  }
0xc9: {  	[sflag:s14] =	ssyncset.done $0x0  }
0xca: {  	s25 =	rddreg [dreg:$0x1e];
	[sflag:s14] =	ssyncadd.s32 $0xFFFFCE00  }
0xcb: {  	[spmem:s2] =	stream.indirect.scatter.add.f32 [tilespmem:s15], [sflag:$0x5], $0x80, s25, s12, $0xb8;
	[tilespmem:$0x1FC00] =	vst v63  }
0xcc: {  	_ =	swait.ge [sflag:s16], $0x3200  }
0xcd: {  	[sflag:s16] =	ssyncset.done $0x0  }
0xce: {  	s26 =	rddreg [dreg:$0x1f];
	[sflag:s16] =	ssyncadd.s32 $0xFFFFCE00  }
0xcf: {  	[tilespmem:s8], [sflag:$0x1] =	stream.indirect.gather [hbm4b:s4+s12], $0x80, s26, s12, $0xb8;
	[tilespmem:$0x1FC00] =	vst v63  }
0xd0: {  	_ =	swait.ge [sflag:s17], $0x3200  }
0xd1: {  	s28 =	sld [smem:$0x7EC]  }
0xd2: {  	[sflag:s17] =	ssyncset.done $0x0  }
0xd3: {  	[sflag:s17] =	ssyncadd.s32 $0xFFFFCE00  }
0xd4: {  	[spmem:s2] =	stream.indirect.scatter.add.f32 [tilespmem:s13], [sflag:$0x6], $0x80, s28, s12, $0xb8;
	[tilespmem:$0x1FC00] =	vst v63  }
0xd5: {  	_ =	swait.ge [sflag:s18], $0x3200  }
0xd6: {  	s29 =	sld [smem:$0x7ED]  }
0xd7: {  	[sflag:s18] =	ssyncset.done $0x0  }
0xd8: {  	[sflag:s18] =	ssyncadd.s32 $0xFFFFCE00  }
0xd9: {  	[tilespmem:s15], [sflag:$0x2] =	stream.indirect.gather [hbm4b:s4+s12], $0x80, s29, s12, $0xb8;
	[tilespmem:$0x1FC00] =	vst v63  }
0xda: {  	_ =	swait.ge [sflag:s11], $0x3200  }
0xdb: {  	s30 =	sld [smem:$0x7EE]  }
0xdc: {  	[sflag:s11] =	ssyncset.done $0x0  }
0xdd: {  	[sflag:s11] =	ssyncadd.s32 $0xFFFFCE00  }
0xde: {  	[spmem:s2] =	stream.indirect.scatter.add.f32 [tilespmem:s8], [sflag:$0x4], $0x80, s30, s12, $0xb8;
	[tilespmem:$0x1FC00] =	vst v63  }
0xdf: {  	_ =	swait.ge [sflag:s19], $0x3200  }
0xe0: {  	s31 =	sld [smem:$0x7EF]  }
0xe1: {  	[sflag:s19] =	ssyncset.done $0x0  }
0xe2: {  	[sflag:s19] =	ssyncadd.s32 $0xFFFFCE00  }
0xe3: {  	[tilespmem:s13], [sflag:$0x3] =	stream.indirect.gather [hbm4b:s4+s12], $0x80, s31, s12, $0xb8;
	[tilespmem:$0x1FC00] =	vst v63  }
0xe4: {  	_ =	swait.ge [sflag:s14], $0x3200  }
0xe5: {  	s24 =	sld [smem:$0x7F0]  }
0xe6: {  	[sflag:s14] =	ssyncset.done $0x0  }
0xe7: {  	[sflag:s14] =	ssyncadd.s32 $0xFFFFCE00  }
0xe8: {  	[spmem:s2] =	stream.indirect.scatter.add.f32 [tilespmem:s15], [sflag:$0x5], $0x80, s24, s12, $0xb8;
	[tilespmem:$0x1FC00] =	vst v63  }
0xe9: {  	_ =	swait.ge [sflag:s16], $0x3200  }
0xea: {  	s25 =	sld [smem:$0x7F1]  }
0xeb: {  	[sflag:s16] =	ssyncset.done $0x0  }
0xec: {  	[sflag:s16] =	ssyncadd.s32 $0xFFFFCE00  }
0xed: {  	[tilespmem:s8], [sflag:$0x1] =	stream.indirect.gather [hbm4b:s4+s12], $0x80, s25, s12, $0xb8;
	[tilespmem:$0x1FC00] =	vst v63  }
0xee: {  	_ =	swait.ge [sflag:s17], $0x3200  }
0xef: {  	s26 =	sld [smem:$0x7F2]  }
0xf0: {  	[sflag:s17] =	ssyncset.done $0x0  }
0xf1: {  	[sflag:s17] =	ssyncadd.s32 $0xFFFFCE00  }
0xf2: {  	[spmem:s2] =	stream.indirect.scatter.add.f32 [tilespmem:s13], [sflag:$0x6], $0x80, s26, s12, $0xb8;
	[tilespmem:$0x1FC00] =	vst v63  }
0xf3: {  	_ =	swait.ge [sflag:s18], $0x3200  }
0xf4: {  	s28 =	sld [smem:$0x7F3]  }
0xf5: {  	[sflag:s18] =	ssyncset.done $0x0  }
0xf6: {  	[sflag:s18] =	ssyncadd.s32 $0xFFFFCE00  }
0xf7: {  	[tilespmem:s15], [sflag:$0x2] =	stream.indirect.gather [hbm4b:s4+s12], $0x80, s28, s12, $0xb8;
	[tilespmem:$0x1FC00] =	vst v63  }
0xf8: {  	_ =	swait.ge [sflag:s11], $0x3200  }
0xf9: {  	s29 =	sld [smem:$0x7F4]  }
0xfa: {  	[sflag:s11] =	ssyncset.done $0x0  }
0xfb: {  	[sflag:s11] =	ssyncadd.s32 $0xFFFFCE00  }
0xfc: {  	[spmem:s2] =	stream.indirect.scatter.add.f32 [tilespmem:s8], [sflag:$0x4], $0x80, s29, s12, $0xb8;
	[tilespmem:$0x1FC00] =	vst v63  }
0xfd: {  	_ =	swait.ge [sflag:s19], $0x3200  }
0xfe: {  	s30 =	sld [smem:$0x7F5]  }
0xff: {  	[sflag:s19] =	ssyncset.done $0x0  }
0x100: {  	[sflag:s19] =	ssyncadd.s32 $0xFFFFCE00  }
0x101: {  	[tilespmem:s13], [sflag:$0x3] =	stream.indirect.gather [hbm4b:s4+s12], $0x80, s30, s12, $0xb8;
	[tilespmem:$0x1FC00] =	vst v63  }
0x102: {  	_ =	swait.ge [sflag:s14], $0x3200  }
0x103: {  	s31 =	sld [smem:$0x7F6]  }
0x104: {  	[sflag:s14] =	ssyncset.done $0x0  }
0x105: {  	[sflag:s14] =	ssyncadd.s32 $0xFFFFCE00  }
0x106: {  	[spmem:s2] =	stream.indirect.scatter.add.f32 [tilespmem:s15], [sflag:$0x5], $0x80, s31, s12, $0xb8;
	[tilespmem:$0x1FC00] =	vst v63  }
0x107: {  	_ =	swait.ge [sflag:s16], $0x3200  }
0x108: {  	s24 =	sld [smem:$0x7F7]  }
0x109: {  	[sflag:s16] =	ssyncset.done $0x0  }
0x10a: {  	[sflag:s16] =	ssyncadd.s32 $0xFFFFCE00  }
0x10b: {  	[tilespmem:s8], [sflag:$0x1] =	stream.indirect.gather [hbm4b:s4+s12], $0x80, s24, s12, $0xb8;
	[tilespmem:$0x1FC00] =	vst v63  }
0x10c: {  	_ =	swait.ge [sflag:s17], $0x3200  }
0x10d: {  	s25 =	sld [smem:$0x7F8]  }
0x10e: {  	[sflag:s17] =	ssyncset.done $0x0  }
0x10f: {  	[sflag:s17] =	ssyncadd.s32 $0xFFFFCE00  }
0x110: {  	[spmem:s2] =	stream.indirect.scatter.add.f32 [tilespmem:s13], [sflag:$0x6], $0x80, s25, s12, $0xb8;
	[tilespmem:$0x1FC00] =	vst v63  }
0x111: {  	_ =	swait.ge [sflag:s18], $0x3200  }
0x112: {  	s26 =	sld [smem:$0x7F9]  }
0x113: {  	[sflag:s18] =	ssyncset.done $0x0  }
0x114: {  	[sflag:s18] =	ssyncadd.s32 $0xFFFFCE00  }
0x115: {  	[tilespmem:s15], [sflag:$0x2] =	stream.indirect.gather [hbm4b:s4+s12], $0x80, s26, s12, $0xb8;
	[tilespmem:$0x1FC00] =	vst v63  }
0x116: {  	_ =	swait.ge [sflag:s11], $0x3200  }
0x117: {  	s28 =	sld [smem:$0x7FA]  }
0x118: {  	[sflag:s11] =	ssyncset.done $0x0  }
0x119: {  	[sflag:s11] =	ssyncadd.s32 $0xFFFFCE00  }
0x11a: {  	[spmem:s2] =	stream.indirect.scatter.add.f32 [tilespmem:s8], [sflag:$0x4], $0x80, s28, s12, $0xb8;
	[tilespmem:$0x1FC00] =	vst v63  }
0x11b: {  	_ =	swait.ge [sflag:s19], $0x3200  }
0x11c: {  	s29 =	sld [smem:$0x7FB]  }
0x11d: {  	[sflag:s19] =	ssyncset.done $0x0  }
0x11e: {  	[sflag:s19] =	ssyncadd.s32 $0xFFFFCE00  }
0x11f: {  	[tilespmem:s13], [sflag:$0x3] =	stream.indirect.gather [hbm4b:s4+s12], $0x80, s29, s12, $0xb8;
	[tilespmem:$0x1FC00] =	vst v63  }
0x120: {  	_ =	swait.ge [sflag:s14], $0x3200  }
0x121: {  	s30 =	sld [smem:$0x7FC]  }
0x122: {  	[sflag:s14] =	ssyncset.done $0x0  }
0x123: {  	[sflag:s14] =	ssyncadd.s32 $0xFFFFCE00  }
0x124: {  	[spmem:s2] =	stream.indirect.scatter.add.f32 [tilespmem:s15], [sflag:$0x5], $0x80, s30, s12, $0xb8;
	[tilespmem:$0x1FC00] =	vst v63  }
0x125: {  	_ =	swait.ge [sflag:s16], $0x3200  }
0x126: {  	s31 =	sld [smem:$0x7FD]  }
0x127: {  	[sflag:s16] =	ssyncset.done $0x0  }
0x128: {  	[sflag:s16] =	ssyncadd.s32 $0xFFFFCE00  }
0x129: {  	[tilespmem:s8], [sflag:$0x1] =	stream.indirect.gather [hbm4b:s4+s12], $0x80, s31, s12, $0xb8;
	[tilespmem:$0x1FC00] =	vst v63  }
0x12a: {  	_ =	swait.ge [sflag:s17], $0x3200  }
0x12b: {  	[sflag:s17] =	ssyncset.done $0x0  }
0x12c: {  	[sflag:s17] =	ssyncadd.s32 $0xFFFFCE00  }
0x12d: {  	[spmem:s2] =	stream.indirect.scatter.add.f32 [tilespmem:s13], [sflag:$0x6], $0x80, s20, s12, $0xb8;
	[tilespmem:$0x1FC00] =	vst v63  }
0x12e: {  	_ =	swait.ge [sflag:s11], $0x3200  }
0x12f: {  	s23 =	simm.s32 $0x200;
	[sflag:s11] =	ssyncset.done $0x0  }
0x130: {  	s24 =	simm.s32 $0x400;
	s25 =	rddreg [dreg:$0x4];
	[sflag:s11] =	ssyncadd.s32 $0xFFFFCE00  }
.LBB2_6:
0x131: {  	[spmem:s2] =	stream.indirect.scatter.add.f32 [tilespmem:s8], [sflag:$0x4], $0x80, s21, s12, $0xb8;
	[tilespmem:$0x1FC00] =	vst v63  }
0x132: {  	s25 =	sadd.s32 s23, s25  }
0x133: {  	[tilespmem:s3], [sflag:$0x7] =	stream.linear.gather [hbm4b:s25+s3], $0xC80, $0x38;
	[tilespmem:$0x1FC00] =	vst v63  }
0x134: {  	_ =	swait.ge [sflag:s9], $0xC80  }
0x135: {  	p1 =	sne.s32 s23, $0x0;
	[sflag:s9] =	ssyncset.done $0x0  }
0x136: {  	s25 =	simm.s32 @p1 $0x4;
	[sflag:s9] =	ssyncadd.s32 $0xFFFFF380  }
0x137: {  	_ =	swait.ge @p1 [sflag:s25], $0x3200  }
0x138: {  	s28 =	simm.s32 @p1 $0x2000;
	s29 =	simm.s32 @p1 $0x5;
	[sflag:s25] =	ssyncset.done @p1 $0x0  }
0x139: {  	s30 =	simm.s32 @p1 $0x0;
	[sflag:s25] =	ssyncadd.s32 @p1 $0xFFFFCE00;
	s25 =	simm.s32 @p1 $0x64  }
0x13a: {  	[tilespmem:s28], [sflag:$0x1] =	stream.indirect.gather @p1 [hbm4b:s4+s25], $0x80, s30, s25, $0xb8;
	[tilespmem:$0x1FC00] =	vst v63  }
0x13b: {  	_ =	swait.ge @p1 [sflag:s29], $0x3200  }
0x13c: {  	s28 =	simm.s32 @p1 $0x6;
	[sflag:s29] =	ssyncset.done @p1 $0x0  }
0x13d: {  	s30 =	simm.s32 @p1 $0x5400;
	[sflag:s29] =	ssyncadd.s32 @p1 $0xFFFFCE00;
	s29 =	simm.s32 @p1 $0x80  }
0x13e: {  	[tilespmem:s30], [sflag:$0x2] =	stream.indirect.gather @p1 [hbm4b:s4+s25], $0x80, s29, s25, $0xb8;
	[tilespmem:$0x1FC00] =	vst v63  }
0x13f: {  	_ =	swait.ge @p1 [sflag:s28], $0x3200  }
0x140: {  	s25 =	simm.s32 @!p1 $0x0;
	[sflag:s28] =	ssyncset.done @p1 $0x0  }
0x141: {  	s29 =	simm.s32 @!p1 $0x2000;
	[sflag:s28] =	ssyncadd.s32 @p1 $0xFFFFCE00;
	s28 =	simm.s32 @!p1 $0x64  }
0x142: {  	[tilespmem:s29], [sflag:$0x1] =	stream.indirect.gather @!p1 [hbm4b:s4+s28], $0x80, s25, s28, $0xb8;
	[tilespmem:$0x1FC00] =	vst v63  }
0x143: {  	s31 =	rddreg [dreg:$0x3];
	s25 =	simm.s32 @!p1 $0x80;
	s29 =	simm.s32 @!p1 $0x5400  }
0x144: {  	[tilespmem:s29], [sflag:$0x2] =	stream.indirect.gather @!p1 [hbm4b:s4+s28], $0x80, s25, s28, $0xb8;
	[tilespmem:$0x1FC00] =	vst v63  }
0x145: {  	s31 =	sadd.s32 s23, s31  }
0x146: {  	[tilespmem:s10], [sflag:$0x7] =	stream.linear.gather [hbm4b:s31+s3], $0xC80, $0x38;
	[tilespmem:$0x1FC00] =	vst v63  }
0x147: {  	_ =	swait.ge [sflag:s9], $0xC80  }
0x148: {  	[sflag:s9] =	ssyncset.done $0x0  }
0x149: {  	[sflag:s9] =	ssyncadd.s32 $0xFFFFF380  }
0x14a: {  	_ =	swait.ge [sflag:s11], $0x3200  }
0x14b: {  	[sflag:s11] =	ssyncset.done $0x0  }
0x14c: {  	s26 =	smov.u32 s24;
	[sflag:s11] =	ssyncadd.s32 $0xFFFFCE00  }
0x14d: {  	[spmem:s2] =	stream.indirect.scatter.add.f32 [tilespmem:s8], [sflag:$0x4], $0x80, s10, s12, $0xb8;
	[tilespmem:$0x1FC00] =	vst v63  }
0x14e: {  	s23 =	smov.u32 s26;
	s26 =	rddreg [dreg:$0x5]  }
0x14f: {  	[tilespmem:s13], [sflag:$0x3] =	stream.indirect.gather [hbm4b:s4+s12], $0x80, s26, s12, $0xb8;
	[tilespmem:$0x1FC00] =	vst v63  }
0x150: {  	_ =	swait.ge [sflag:s14], $0x3200  }
0x151: {  	[sflag:s14] =	ssyncset.done $0x0  }
0x152: {  	s28 =	rddreg [dreg:$0x6];
	[sflag:s14] =	ssyncadd.s32 $0xFFFFCE00  }
0x153: {  	[spmem:s2] =	stream.indirect.scatter.add.f32 [tilespmem:s15], [sflag:$0x5], $0x80, s28, s12, $0xb8;
	[tilespmem:$0x1FC00] =	vst v63  }
0x154: {  	_ =	swait.ge [sflag:s16], $0x3200  }
0x155: {  	[sflag:s16] =	ssyncset.done $0x0  }
0x156: {  	s29 =	rddreg [dreg:$0x7];
	[sflag:s16] =	ssyncadd.s32 $0xFFFFCE00  }
0x157: {  	[tilespmem:s8], [sflag:$0x1] =	stream.indirect.gather [hbm4b:s4+s12], $0x80, s29, s12, $0xb8;
	[tilespmem:$0x1FC00] =	vst v63  }
0x158: {  	_ =	swait.ge [sflag:s17], $0x3200  }
0x159: {  	[sflag:s17] =	ssyncset.done $0x0  }
0x15a: {  	s30 =	rddreg [dreg:$0x8];
	[sflag:s17] =	ssyncadd.s32 $0xFFFFCE00  }
0x15b: {  	[spmem:s2] =	stream.indirect.scatter.add.f32 [tilespmem:s13], [sflag:$0x6], $0x80, s30, s12, $0xb8;
	[tilespmem:$0x1FC00] =	vst v63  }
0x15c: {  	_ =	swait.ge [sflag:s18], $0x3200  }
0x15d: {  	[sflag:s18] =	ssyncset.done $0x0  }
0x15e: {  	s31 =	rddreg [dreg:$0x9];
	[sflag:s18] =	ssyncadd.s32 $0xFFFFCE00  }
0x15f: {  	[tilespmem:s15], [sflag:$0x2] =	stream.indirect.gather [hbm4b:s4+s12], $0x80, s31, s12, $0xb8;
	[tilespmem:$0x1FC00] =	vst v63  }
0x160: {  	_ =	swait.ge [sflag:s11], $0x3200  }
0x161: {  	[sflag:s11] =	ssyncset.done $0x0  }
0x162: {  	s26 =	rddreg [dreg:$0xa];
	[sflag:s11] =	ssyncadd.s32 $0xFFFFCE00  }
0x163: {  	[spmem:s2] =	stream.indirect.scatter.add.f32 [tilespmem:s8], [sflag:$0x4], $0x80, s26, s12, $0xb8;
	[tilespmem:$0x1FC00] =	vst v63  }
0x164: {  	_ =	swait.ge [sflag:s19], $0x3200  }
0x165: {  	[sflag:s19] =	ssyncset.done $0x0  }
0x166: {  	s28 =	rddreg [dreg:$0xb];
	[sflag:s19] =	ssyncadd.s32 $0xFFFFCE00  }
0x167: {  	[tilespmem:s13], [sflag:$0x3] =	stream.indirect.gather [hbm4b:s4+s12], $0x80, s28, s12, $0xb8;
	[tilespmem:$0x1FC00] =	vst v63  }
0x168: {  	_ =	swait.ge [sflag:s14], $0x3200  }
0x169: {  	[sflag:s14] =	ssyncset.done $0x0  }
0x16a: {  	s29 =	rddreg [dreg:$0xc];
	[sflag:s14] =	ssyncadd.s32 $0xFFFFCE00  }
0x16b: {  	[spmem:s2] =	stream.indirect.scatter.add.f32 [tilespmem:s15], [sflag:$0x5], $0x80, s29, s12, $0xb8;
	[tilespmem:$0x1FC00] =	vst v63  }
0x16c: {  	_ =	swait.ge [sflag:s16], $0x3200  }
0x16d: {  	[sflag:s16] =	ssyncset.done $0x0  }
0x16e: {  	s30 =	rddreg [dreg:$0xd];
	[sflag:s16] =	ssyncadd.s32 $0xFFFFCE00  }
0x16f: {  	[tilespmem:s8], [sflag:$0x1] =	stream.indirect.gather [hbm4b:s4+s12], $0x80, s30, s12, $0xb8;
	[tilespmem:$0x1FC00] =	vst v63  }
0x170: {  	_ =	swait.ge [sflag:s17], $0x3200  }
0x171: {  	[sflag:s17] =	ssyncset.done $0x0  }
0x172: {  	s31 =	rddreg [dreg:$0xe];
	[sflag:s17] =	ssyncadd.s32 $0xFFFFCE00  }
0x173: {  	[spmem:s2] =	stream.indirect.scatter.add.f32 [tilespmem:s13], [sflag:$0x6], $0x80, s31, s12, $0xb8;
	[tilespmem:$0x1FC00] =	vst v63  }
0x174: {  	_ =	swait.ge [sflag:s18], $0x3200  }
0x175: {  	[sflag:s18] =	ssyncset.done $0x0  }
0x176: {  	s26 =	rddreg [dreg:$0xf];
	[sflag:s18] =	ssyncadd.s32 $0xFFFFCE00  }
0x177: {  	[tilespmem:s15], [sflag:$0x2] =	stream.indirect.gather [hbm4b:s4+s12], $0x80, s26, s12, $0xb8;
	[tilespmem:$0x1FC00] =	vst v63  }
0x178: {  	_ =	swait.ge [sflag:s11], $0x3200  }
0x179: {  	[sflag:s11] =	ssyncset.done $0x0  }
0x17a: {  	s28 =	rddreg [dreg:$0x10];
	[sflag:s11] =	ssyncadd.s32 $0xFFFFCE00  }
0x17b: {  	[spmem:s2] =	stream.indirect.scatter.add.f32 [tilespmem:s8], [sflag:$0x4], $0x80, s28, s12, $0xb8;
	[tilespmem:$0x1FC00] =	vst v63  }
0x17c: {  	_ =	swait.ge [sflag:s19], $0x3200  }
0x17d: {  	[sflag:s19] =	ssyncset.done $0x0  }
0x17e: {  	s29 =	rddreg [dreg:$0x11];
	[sflag:s19] =	ssyncadd.s32 $0xFFFFCE00  }
0x17f: {  	[tilespmem:s13], [sflag:$0x3] =	stream.indirect.gather [hbm4b:s4+s12], $0x80, s29, s12, $0xb8;
	[tilespmem:$0x1FC00] =	vst v63  }
0x180: {  	_ =	swait.ge [sflag:s14], $0x3200  }
0x181: {  	[sflag:s14] =	ssyncset.done $0x0  }
0x182: {  	s30 =	rddreg [dreg:$0x12];
	[sflag:s14] =	ssyncadd.s32 $0xFFFFCE00  }
0x183: {  	[spmem:s2] =	stream.indirect.scatter.add.f32 [tilespmem:s15], [sflag:$0x5], $0x80, s30, s12, $0xb8;
	[tilespmem:$0x1FC00] =	vst v63  }
0x184: {  	_ =	swait.ge [sflag:s16], $0x3200  }
0x185: {  	[sflag:s16] =	ssyncset.done $0x0  }
0x186: {  	s31 =	rddreg [dreg:$0x13];
	[sflag:s16] =	ssyncadd.s32 $0xFFFFCE00  }
0x187: {  	[tilespmem:s8], [sflag:$0x1] =	stream.indirect.gather [hbm4b:s4+s12], $0x80, s31, s12, $0xb8;
	[tilespmem:$0x1FC00] =	vst v63  }
0x188: {  	_ =	swait.ge [sflag:s17], $0x3200  }
0x189: {  	[sflag:s17] =	ssyncset.done $0x0  }
0x18a: {  	s26 =	rddreg [dreg:$0x14];
	[sflag:s17] =	ssyncadd.s32 $0xFFFFCE00  }
0x18b: {  	[spmem:s2] =	stream.indirect.scatter.add.f32 [tilespmem:s13], [sflag:$0x6], $0x80, s26, s12, $0xb8;
	[tilespmem:$0x1FC00] =	vst v63  }
0x18c: {  	_ =	swait.ge [sflag:s18], $0x3200  }
0x18d: {  	[sflag:s18] =	ssyncset.done $0x0  }
0x18e: {  	s28 =	rddreg [dreg:$0x15];
	[sflag:s18] =	ssyncadd.s32 $0xFFFFCE00  }
0x18f: {  	[tilespmem:s15], [sflag:$0x2] =	stream.indirect.gather [hbm4b:s4+s12], $0x80, s28, s12, $0xb8;
	[tilespmem:$0x1FC00] =	vst v63  }
0x190: {  	_ =	swait.ge [sflag:s11], $0x3200  }
0x191: {  	[sflag:s11] =	ssyncset.done $0x0  }
0x192: {  	s29 =	rddreg [dreg:$0x16];
	[sflag:s11] =	ssyncadd.s32 $0xFFFFCE00  }
0x193: {  	[spmem:s2] =	stream.indirect.scatter.add.f32 [tilespmem:s8], [sflag:$0x4], $0x80, s29, s12, $0xb8;
	[tilespmem:$0x1FC00] =	vst v63  }
0x194: {  	_ =	swait.ge [sflag:s19], $0x3200  }
0x195: {  	[sflag:s19] =	ssyncset.done $0x0  }
0x196: {  	s30 =	rddreg [dreg:$0x17];
	[sflag:s19] =	ssyncadd.s32 $0xFFFFCE00  }
0x197: {  	[tilespmem:s13], [sflag:$0x3] =	stream.indirect.gather [hbm4b:s4+s12], $0x80, s30, s12, $0xb8;
	[tilespmem:$0x1FC00] =	vst v63  }
0x198: {  	_ =	swait.ge [sflag:s14], $0x3200  }
0x199: {  	[sflag:s14] =	ssyncset.done $0x0  }
0x19a: {  	s31 =	rddreg [dreg:$0x18];
	[sflag:s14] =	ssyncadd.s32 $0xFFFFCE00  }
0x19b: {  	[spmem:s2] =	stream.indirect.scatter.add.f32 [tilespmem:s15], [sflag:$0x5], $0x80, s31, s12, $0xb8;
	[tilespmem:$0x1FC00] =	vst v63  }
0x19c: {  	_ =	swait.ge [sflag:s16], $0x3200  }
0x19d: {  	[sflag:s16] =	ssyncset.done $0x0  }
0x19e: {  	s26 =	rddreg [dreg:$0x19];
	[sflag:s16] =	ssyncadd.s32 $0xFFFFCE00  }
0x19f: {  	[tilespmem:s8], [sflag:$0x1] =	stream.indirect.gather [hbm4b:s4+s12], $0x80, s26, s12, $0xb8;
	[tilespmem:$0x1FC00] =	vst v63  }
0x1a0: {  	_ =	swait.ge [sflag:s17], $0x3200  }
0x1a1: {  	[sflag:s17] =	ssyncset.done $0x0  }
0x1a2: {  	s28 =	rddreg [dreg:$0x1a];
	[sflag:s17] =	ssyncadd.s32 $0xFFFFCE00  }
0x1a3: {  	[spmem:s2] =	stream.indirect.scatter.add.f32 [tilespmem:s13], [sflag:$0x6], $0x80, s28, s12, $0xb8;
	[tilespmem:$0x1FC00] =	vst v63  }
0x1a4: {  	_ =	swait.ge [sflag:s18], $0x3200  }
0x1a5: {  	[sflag:s18] =	ssyncset.done $0x0  }
0x1a6: {  	s29 =	rddreg [dreg:$0x1b];
	[sflag:s18] =	ssyncadd.s32 $0xFFFFCE00  }
0x1a7: {  	[tilespmem:s15], [sflag:$0x2] =	stream.indirect.gather [hbm4b:s4+s12], $0x80, s29, s12, $0xb8;
	[tilespmem:$0x1FC00] =	vst v63  }
0x1a8: {  	_ =	swait.ge [sflag:s11], $0x3200  }
0x1a9: {  	[sflag:s11] =	ssyncset.done $0x0  }
0x1aa: {  	s30 =	rddreg [dreg:$0x1c];
	[sflag:s11] =	ssyncadd.s32 $0xFFFFCE00  }
0x1ab: {  	[spmem:s2] =	stream.indirect.scatter.add.f32 [tilespmem:s8], [sflag:$0x4], $0x80, s30, s12, $0xb8;
	[tilespmem:$0x1FC00] =	vst v63  }
0x1ac: {  	_ =	swait.ge [sflag:s19], $0x3200  }
0x1ad: {  	[sflag:s19] =	ssyncset.done $0x0  }
0x1ae: {  	s31 =	rddreg [dreg:$0x1d];
	[sflag:s19] =	ssyncadd.s32 $0xFFFFCE00  }
0x1af: {  	[tilespmem:s13], [sflag:$0x3] =	stream.indirect.gather [hbm4b:s4+s12], $0x80, s31, s12, $0xb8;
	[tilespmem:$0x1FC00] =	vst v63  }
0x1b0: {  	_ =	swait.ge [sflag:s14], $0x3200  }
0x1b1: {  	[sflag:s14] =	ssyncset.done $0x0  }
0x1b2: {  	s26 =	rddreg [dreg:$0x1e];
	[sflag:s14] =	ssyncadd.s32 $0xFFFFCE00  }
0x1b3: {  	[spmem:s2] =	stream.indirect.scatter.add.f32 [tilespmem:s15], [sflag:$0x5], $0x80, s26, s12, $0xb8;
	[tilespmem:$0x1FC00] =	vst v63  }
0x1b4: {  	_ =	swait.ge [sflag:s16], $0x3200  }
0x1b5: {  	[sflag:s16] =	ssyncset.done $0x0  }
0x1b6: {  	s28 =	rddreg [dreg:$0x1f];
	[sflag:s16] =	ssyncadd.s32 $0xFFFFCE00  }
0x1b7: {  	[tilespmem:s8], [sflag:$0x1] =	stream.indirect.gather [hbm4b:s4+s12], $0x80, s28, s12, $0xb8;
	[tilespmem:$0x1FC00] =	vst v63  }
0x1b8: {  	_ =	swait.ge [sflag:s17], $0x3200  }
0x1b9: {  	s29 =	sld [smem:$0x7EC]  }
0x1ba: {  	[sflag:s17] =	ssyncset.done $0x0  }
0x1bb: {  	[sflag:s17] =	ssyncadd.s32 $0xFFFFCE00  }
0x1bc: {  	[spmem:s2] =	stream.indirect.scatter.add.f32 [tilespmem:s13], [sflag:$0x6], $0x80, s29, s12, $0xb8;
	[tilespmem:$0x1FC00] =	vst v63  }
0x1bd: {  	_ =	swait.ge [sflag:s18], $0x3200  }
0x1be: {  	s30 =	sld [smem:$0x7ED]  }
0x1bf: {  	[sflag:s18] =	ssyncset.done $0x0  }
0x1c0: {  	[sflag:s18] =	ssyncadd.s32 $0xFFFFCE00  }
0x1c1: {  	[tilespmem:s15], [sflag:$0x2] =	stream.indirect.gather [hbm4b:s4+s12], $0x80, s30, s12, $0xb8;
	[tilespmem:$0x1FC00] =	vst v63  }
0x1c2: {  	_ =	swait.ge [sflag:s11], $0x3200  }
0x1c3: {  	s31 =	sld [smem:$0x7EE]  }
0x1c4: {  	[sflag:s11] =	ssyncset.done $0x0  }
0x1c5: {  	[sflag:s11] =	ssyncadd.s32 $0xFFFFCE00  }
0x1c6: {  	[spmem:s2] =	stream.indirect.scatter.add.f32 [tilespmem:s8], [sflag:$0x4], $0x80, s31, s12, $0xb8;
	[tilespmem:$0x1FC00] =	vst v63  }
0x1c7: {  	_ =	swait.ge [sflag:s19], $0x3200  }
0x1c8: {  	s26 =	sld [smem:$0x7EF]  }
0x1c9: {  	[sflag:s19] =	ssyncset.done $0x0  }
0x1ca: {  	[sflag:s19] =	ssyncadd.s32 $0xFFFFCE00  }
0x1cb: {  	[tilespmem:s13], [sflag:$0x3] =	stream.indirect.gather [hbm4b:s4+s12], $0x80, s26, s12, $0xb8;
	[tilespmem:$0x1FC00] =	vst v63  }
0x1cc: {  	_ =	swait.ge [sflag:s14], $0x3200  }
0x1cd: {  	s28 =	sld [smem:$0x7F0]  }
0x1ce: {  	[sflag:s14] =	ssyncset.done $0x0  }
0x1cf: {  	[sflag:s14] =	ssyncadd.s32 $0xFFFFCE00  }
0x1d0: {  	[spmem:s2] =	stream.indirect.scatter.add.f32 [tilespmem:s15], [sflag:$0x5], $0x80, s28, s12, $0xb8;
	[tilespmem:$0x1FC00] =	vst v63  }
0x1d1: {  	_ =	swait.ge [sflag:s16], $0x3200  }
0x1d2: {  	s29 =	sld [smem:$0x7F1]  }
0x1d3: {  	[sflag:s16] =	ssyncset.done $0x0  }
0x1d4: {  	[sflag:s16] =	ssyncadd.s32 $0xFFFFCE00  }
0x1d5: {  	[tilespmem:s8], [sflag:$0x1] =	stream.indirect.gather [hbm4b:s4+s12], $0x80, s29, s12, $0xb8;
	[tilespmem:$0x1FC00] =	vst v63  }
0x1d6: {  	_ =	swait.ge [sflag:s17], $0x3200  }
0x1d7: {  	s30 =	sld [smem:$0x7F2]  }
0x1d8: {  	[sflag:s17] =	ssyncset.done $0x0  }
0x1d9: {  	[sflag:s17] =	ssyncadd.s32 $0xFFFFCE00  }
0x1da: {  	[spmem:s2] =	stream.indirect.scatter.add.f32 [tilespmem:s13], [sflag:$0x6], $0x80, s30, s12, $0xb8;
	[tilespmem:$0x1FC00] =	vst v63  }
0x1db: {  	_ =	swait.ge [sflag:s18], $0x3200  }
0x1dc: {  	s31 =	sld [smem:$0x7F3]  }
0x1dd: {  	[sflag:s18] =	ssyncset.done $0x0  }
0x1de: {  	[sflag:s18] =	ssyncadd.s32 $0xFFFFCE00  }
0x1df: {  	[tilespmem:s15], [sflag:$0x2] =	stream.indirect.gather [hbm4b:s4+s12], $0x80, s31, s12, $0xb8;
	[tilespmem:$0x1FC00] =	vst v63  }
0x1e0: {  	_ =	swait.ge [sflag:s11], $0x3200  }
0x1e1: {  	s26 =	sld [smem:$0x7F4]  }
0x1e2: {  	[sflag:s11] =	ssyncset.done $0x0  }
0x1e3: {  	[sflag:s11] =	ssyncadd.s32 $0xFFFFCE00  }
0x1e4: {  	[spmem:s2] =	stream.indirect.scatter.add.f32 [tilespmem:s8], [sflag:$0x4], $0x80, s26, s12, $0xb8;
	[tilespmem:$0x1FC00] =	vst v63  }
0x1e5: {  	_ =	swait.ge [sflag:s19], $0x3200  }
0x1e6: {  	s28 =	sld [smem:$0x7F5]  }
0x1e7: {  	[sflag:s19] =	ssyncset.done $0x0  }
0x1e8: {  	[sflag:s19] =	ssyncadd.s32 $0xFFFFCE00  }
0x1e9: {  	[tilespmem:s13], [sflag:$0x3] =	stream.indirect.gather [hbm4b:s4+s12], $0x80, s28, s12, $0xb8;
	[tilespmem:$0x1FC00] =	vst v63  }
0x1ea: {  	_ =	swait.ge [sflag:s14], $0x3200  }
0x1eb: {  	s29 =	sld [smem:$0x7F6]  }
0x1ec: {  	[sflag:s14] =	ssyncset.done $0x0  }
0x1ed: {  	[sflag:s14] =	ssyncadd.s32 $0xFFFFCE00  }
0x1ee: {  	[spmem:s2] =	stream.indirect.scatter.add.f32 [tilespmem:s15], [sflag:$0x5], $0x80, s29, s12, $0xb8;
	[tilespmem:$0x1FC00] =	vst v63  }
0x1ef: {  	_ =	swait.ge [sflag:s16], $0x3200  }
0x1f0: {  	s30 =	sld [smem:$0x7F7]  }
0x1f1: {  	[sflag:s16] =	ssyncset.done $0x0  }
0x1f2: {  	[sflag:s16] =	ssyncadd.s32 $0xFFFFCE00  }
0x1f3: {  	[tilespmem:s8], [sflag:$0x1] =	stream.indirect.gather [hbm4b:s4+s12], $0x80, s30, s12, $0xb8;
	[tilespmem:$0x1FC00] =	vst v63  }
0x1f4: {  	_ =	swait.ge [sflag:s17], $0x3200  }
0x1f5: {  	s31 =	sld [smem:$0x7F8]  }
0x1f6: {  	[sflag:s17] =	ssyncset.done $0x0  }
0x1f7: {  	[sflag:s17] =	ssyncadd.s32 $0xFFFFCE00  }
0x1f8: {  	[spmem:s2] =	stream.indirect.scatter.add.f32 [tilespmem:s13], [sflag:$0x6], $0x80, s31, s12, $0xb8;
	[tilespmem:$0x1FC00] =	vst v63  }
0x1f9: {  	_ =	swait.ge [sflag:s18], $0x3200  }
0x1fa: {  	s26 =	sld [smem:$0x7F9]  }
0x1fb: {  	[sflag:s18] =	ssyncset.done $0x0  }
0x1fc: {  	[sflag:s18] =	ssyncadd.s32 $0xFFFFCE00  }
0x1fd: {  	[tilespmem:s15], [sflag:$0x2] =	stream.indirect.gather [hbm4b:s4+s12], $0x80, s26, s12, $0xb8;
	[tilespmem:$0x1FC00] =	vst v63  }
0x1fe: {  	_ =	swait.ge [sflag:s11], $0x3200  }
0x1ff: {  	s28 =	sld [smem:$0x7FA]  }
0x200: {  	[sflag:s11] =	ssyncset.done $0x0  }
0x201: {  	[sflag:s11] =	ssyncadd.s32 $0xFFFFCE00  }
0x202: {  	[spmem:s2] =	stream.indirect.scatter.add.f32 [tilespmem:s8], [sflag:$0x4], $0x80, s28, s12, $0xb8;
	[tilespmem:$0x1FC00] =	vst v63  }
0x203: {  	_ =	swait.ge [sflag:s19], $0x3200  }
0x204: {  	s29 =	sld [smem:$0x7FB]  }
0x205: {  	[sflag:s19] =	ssyncset.done $0x0  }
0x206: {  	[sflag:s19] =	ssyncadd.s32 $0xFFFFCE00  }
0x207: {  	[tilespmem:s13], [sflag:$0x3] =	stream.indirect.gather [hbm4b:s4+s12], $0x80, s29, s12, $0xb8;
	[tilespmem:$0x1FC00] =	vst v63  }
0x208: {  	_ =	swait.ge [sflag:s14], $0x3200  }
0x209: {  	s30 =	sld [smem:$0x7FC]  }
0x20a: {  	[sflag:s14] =	ssyncset.done $0x0  }
0x20b: {  	[sflag:s14] =	ssyncadd.s32 $0xFFFFCE00  }
0x20c: {  	[spmem:s2] =	stream.indirect.scatter.add.f32 [tilespmem:s15], [sflag:$0x5], $0x80, s30, s12, $0xb8;
	[tilespmem:$0x1FC00] =	vst v63  }
0x20d: {  	_ =	swait.ge [sflag:s16], $0x3200  }
0x20e: {  	s31 =	sld [smem:$0x7FD]  }
0x20f: {  	[sflag:s16] =	ssyncset.done $0x0  }
0x210: {  	[sflag:s16] =	ssyncadd.s32 $0xFFFFCE00  }
0x211: {  	[tilespmem:s8], [sflag:$0x1] =	stream.indirect.gather [hbm4b:s4+s12], $0x80, s31, s12, $0xb8;
	[tilespmem:$0x1FC00] =	vst v63  }
0x212: {  	s24 =	sadd.s32 $0x200, s24;
	_ =	swait.ge [sflag:s17], $0x3200  }
0x213: {  	p0 =	sne.s32 s24, $0x800;
	[sflag:s17] =	ssyncset.done $0x0  }
.Ltmp2:
0x214: {  	[sflag:s17] =	ssyncadd.s32 $0xFFFFCE00;
	(pc) =	sbr.rel @p0 .LBB2_6-.Ltmp2, $4  }
0x215: {  	[spmem:s2] =	stream.indirect.scatter.add.f32 [tilespmem:s13], [sflag:$0x6], $0x80, s20, s12, $0xb8;
	[tilespmem:$0x1FC00] =	vst v63  }
0x216: {  	_ =	swait.ge [sflag:s11], $0x3200  }
0x217: {  	[sflag:s11] =	ssyncset.done $0x0  }
0x218: {  	s25 =	rddreg [dreg:$0x4];
	[sflag:s11] =	ssyncadd.s32 $0xFFFFCE00  }
0x219: {  	[spmem:s2] =	stream.indirect.scatter.add.f32 [tilespmem:s8], [sflag:$0x4], $0x80, s21, s12, $0xb8;
	[tilespmem:$0x1FC00] =	vst v63  }
0x21a: {  	s24 =	sadd.s32 s23, s25  }
0x21b: {  	[tilespmem:s3], [sflag:$0x7] =	stream.linear.gather [hbm4b:s24+s3], $0xC80, $0x38;
	[tilespmem:$0x1FC00] =	vst v63  }
0x21c: {  	_ =	swait.ge [sflag:s9], $0xC80  }
0x21d: {  	p0 =	sne.s32 s23, $0x0;
	[sflag:s9] =	ssyncset.done $0x0  }
0x21e: {  	s24 =	simm.s32 @p0 $0x4;
	[sflag:s9] =	ssyncadd.s32 $0xFFFFF380  }
0x21f: {  	_ =	swait.ge @p0 [sflag:s24], $0x3200  }
0x220: {  	s25 =	simm.s32 @p0 $0x2000;
	s26 =	simm.s32 @p0 $0x5;
	[sflag:s24] =	ssyncset.done @p0 $0x0  }
0x221: {  	s28 =	simm.s32 @p0 $0x0;
	[sflag:s24] =	ssyncadd.s32 @p0 $0xFFFFCE00;
	s24 =	simm.s32 @p0 $0x64  }
0x222: {  	[tilespmem:s25], [sflag:$0x1] =	stream.indirect.gather @p0 [hbm4b:s4+s24], $0x80, s28, s24, $0xb8;
	[tilespmem:$0x1FC00] =	vst v63  }
0x223: {  	_ =	swait.ge @p0 [sflag:s26], $0x3200  }
0x224: {  	s25 =	simm.s32 @p0 $0x6;
	[sflag:s26] =	ssyncset.done @p0 $0x0  }
0x225: {  	s28 =	simm.s32 @p0 $0x5400;
	[sflag:s26] =	ssyncadd.s32 @p0 $0xFFFFCE00;
	s26 =	simm.s32 @p0 $0x80  }
0x226: {  	[tilespmem:s28], [sflag:$0x2] =	stream.indirect.gather @p0 [hbm4b:s4+s24], $0x80, s26, s24, $0xb8;
	[tilespmem:$0x1FC00] =	vst v63  }
0x227: {  	_ =	swait.ge @p0 [sflag:s25], $0x3200  }
0x228: {  	s24 =	simm.s32 @!p0 $0x0;
	[sflag:s25] =	ssyncset.done @p0 $0x0  }
0x229: {  	s26 =	simm.s32 @!p0 $0x2000;
	[sflag:s25] =	ssyncadd.s32 @p0 $0xFFFFCE00;
	s25 =	simm.s32 @!p0 $0x64  }
0x22a: {  	[tilespmem:s26], [sflag:$0x1] =	stream.indirect.gather @!p0 [hbm4b:s4+s25], $0x80, s24, s25, $0xb8;
	[tilespmem:$0x1FC00] =	vst v63  }
0x22b: {  	s31 =	rddreg [dreg:$0x3];
	s24 =	simm.s32 @!p0 $0x80;
	s26 =	simm.s32 @!p0 $0x5400  }
0x22c: {  	[tilespmem:s26], [sflag:$0x2] =	stream.indirect.gather @!p0 [hbm4b:s4+s25], $0x80, s24, s25, $0xb8;
	[tilespmem:$0x1FC00] =	vst v63  }
0x22d: {  	s25 =	sadd.s32 s23, s31  }
0x22e: {  	[tilespmem:s10], [sflag:$0x7] =	stream.linear.gather [hbm4b:s25+s3], $0xC80, $0x38;
	[tilespmem:$0x1FC00] =	vst v63  }
0x22f: {  	_ =	swait.ge [sflag:s9], $0xC80  }
0x230: {  	[sflag:s9] =	ssyncset.done $0x0  }
0x231: {  	[sflag:s9] =	ssyncadd.s32 $0xFFFFF380  }
0x232: {  	_ =	swait.ge [sflag:s11], $0x3200  }
0x233: {  	[sflag:s11] =	ssyncset.done $0x0  }
0x234: {  	[sflag:s11] =	ssyncadd.s32 $0xFFFFCE00  }
0x235: {  	[spmem:s2] =	stream.indirect.scatter.add.f32 [tilespmem:s8], [sflag:$0x4], $0x80, s10, s12, $0xb8;
	[tilespmem:$0x1FC00] =	vst v63  }
0x236: {  	s26 =	rddreg [dreg:$0x5]  }
0x237: {  	[tilespmem:s13], [sflag:$0x3] =	stream.indirect.gather [hbm4b:s4+s12], $0x80, s26, s12, $0xb8;
	[tilespmem:$0x1FC00] =	vst v63  }
0x238: {  	_ =	swait.ge [sflag:s14], $0x3200  }
0x239: {  	[sflag:s14] =	ssyncset.done $0x0  }
0x23a: {  	s28 =	rddreg [dreg:$0x6];
	[sflag:s14] =	ssyncadd.s32 $0xFFFFCE00  }
0x23b: {  	[spmem:s2] =	stream.indirect.scatter.add.f32 [tilespmem:s15], [sflag:$0x5], $0x80, s28, s12, $0xb8;
	[tilespmem:$0x1FC00] =	vst v63  }
0x23c: {  	_ =	swait.ge [sflag:s16], $0x3200  }
0x23d: {  	[sflag:s16] =	ssyncset.done $0x0  }
0x23e: {  	s29 =	rddreg [dreg:$0x7];
	[sflag:s16] =	ssyncadd.s32 $0xFFFFCE00  }
0x23f: {  	[tilespmem:s8], [sflag:$0x1] =	stream.indirect.gather [hbm4b:s4+s12], $0x80, s29, s12, $0xb8;
	[tilespmem:$0x1FC00] =	vst v63  }
0x240: {  	_ =	swait.ge [sflag:s17], $0x3200  }
0x241: {  	[sflag:s17] =	ssyncset.done $0x0  }
0x242: {  	s30 =	rddreg [dreg:$0x8];
	[sflag:s17] =	ssyncadd.s32 $0xFFFFCE00  }
0x243: {  	[spmem:s2] =	stream.indirect.scatter.add.f32 [tilespmem:s13], [sflag:$0x6], $0x80, s30, s12, $0xb8;
	[tilespmem:$0x1FC00] =	vst v63  }
0x244: {  	_ =	swait.ge [sflag:s18], $0x3200  }
0x245: {  	[sflag:s18] =	ssyncset.done $0x0  }
0x246: {  	s31 =	rddreg [dreg:$0x9];
	[sflag:s18] =	ssyncadd.s32 $0xFFFFCE00  }
0x247: {  	[tilespmem:s15], [sflag:$0x2] =	stream.indirect.gather [hbm4b:s4+s12], $0x80, s31, s12, $0xb8;
	[tilespmem:$0x1FC00] =	vst v63  }
0x248: {  	_ =	swait.ge [sflag:s11], $0x3200  }
0x249: {  	[sflag:s11] =	ssyncset.done $0x0  }
0x24a: {  	s24 =	rddreg [dreg:$0xa];
	[sflag:s11] =	ssyncadd.s32 $0xFFFFCE00  }
0x24b: {  	[spmem:s2] =	stream.indirect.scatter.add.f32 [tilespmem:s8], [sflag:$0x4], $0x80, s24, s12, $0xb8;
	[tilespmem:$0x1FC00] =	vst v63  }
0x24c: {  	_ =	swait.ge [sflag:s19], $0x3200  }
0x24d: {  	[sflag:s19] =	ssyncset.done $0x0  }
0x24e: {  	s25 =	rddreg [dreg:$0xb];
	[sflag:s19] =	ssyncadd.s32 $0xFFFFCE00  }
0x24f: {  	[tilespmem:s13], [sflag:$0x3] =	stream.indirect.gather [hbm4b:s4+s12], $0x80, s25, s12, $0xb8;
	[tilespmem:$0x1FC00] =	vst v63  }
0x250: {  	_ =	swait.ge [sflag:s14], $0x3200  }
0x251: {  	[sflag:s14] =	ssyncset.done $0x0  }
0x252: {  	s26 =	rddreg [dreg:$0xc];
	[sflag:s14] =	ssyncadd.s32 $0xFFFFCE00  }
0x253: {  	[spmem:s2] =	stream.indirect.scatter.add.f32 [tilespmem:s15], [sflag:$0x5], $0x80, s26, s12, $0xb8;
	[tilespmem:$0x1FC00] =	vst v63  }
0x254: {  	_ =	swait.ge [sflag:s16], $0x3200  }
0x255: {  	[sflag:s16] =	ssyncset.done $0x0  }
0x256: {  	s28 =	rddreg [dreg:$0xd];
	[sflag:s16] =	ssyncadd.s32 $0xFFFFCE00  }
0x257: {  	[tilespmem:s8], [sflag:$0x1] =	stream.indirect.gather [hbm4b:s4+s12], $0x80, s28, s12, $0xb8;
	[tilespmem:$0x1FC00] =	vst v63  }
0x258: {  	_ =	swait.ge [sflag:s17], $0x3200  }
0x259: {  	[sflag:s17] =	ssyncset.done $0x0  }
0x25a: {  	s29 =	rddreg [dreg:$0xe];
	[sflag:s17] =	ssyncadd.s32 $0xFFFFCE00  }
0x25b: {  	[spmem:s2] =	stream.indirect.scatter.add.f32 [tilespmem:s13], [sflag:$0x6], $0x80, s29, s12, $0xb8;
	[tilespmem:$0x1FC00] =	vst v63  }
0x25c: {  	_ =	swait.ge [sflag:s18], $0x3200  }
0x25d: {  	[sflag:s18] =	ssyncset.done $0x0  }
0x25e: {  	s30 =	rddreg [dreg:$0xf];
	[sflag:s18] =	ssyncadd.s32 $0xFFFFCE00  }
0x25f: {  	[tilespmem:s15], [sflag:$0x2] =	stream.indirect.gather [hbm4b:s4+s12], $0x80, s30, s12, $0xb8;
	[tilespmem:$0x1FC00] =	vst v63  }
0x260: {  	_ =	swait.ge [sflag:s11], $0x3200  }
0x261: {  	[sflag:s11] =	ssyncset.done $0x0  }
0x262: {  	s31 =	rddreg [dreg:$0x10];
	[sflag:s11] =	ssyncadd.s32 $0xFFFFCE00  }
0x263: {  	[spmem:s2] =	stream.indirect.scatter.add.f32 [tilespmem:s8], [sflag:$0x4], $0x80, s31, s12, $0xb8;
	[tilespmem:$0x1FC00] =	vst v63  }
0x264: {  	_ =	swait.ge [sflag:s19], $0x3200  }
0x265: {  	[sflag:s19] =	ssyncset.done $0x0  }
0x266: {  	s24 =	rddreg [dreg:$0x11];
	[sflag:s19] =	ssyncadd.s32 $0xFFFFCE00  }
0x267: {  	[tilespmem:s13], [sflag:$0x3] =	stream.indirect.gather [hbm4b:s4+s12], $0x80, s24, s12, $0xb8;
	[tilespmem:$0x1FC00] =	vst v63  }
0x268: {  	_ =	swait.ge [sflag:s14], $0x3200  }
0x269: {  	[sflag:s14] =	ssyncset.done $0x0  }
0x26a: {  	s25 =	rddreg [dreg:$0x12];
	[sflag:s14] =	ssyncadd.s32 $0xFFFFCE00  }
0x26b: {  	[spmem:s2] =	stream.indirect.scatter.add.f32 [tilespmem:s15], [sflag:$0x5], $0x80, s25, s12, $0xb8;
	[tilespmem:$0x1FC00] =	vst v63  }
0x26c: {  	_ =	swait.ge [sflag:s16], $0x3200  }
0x26d: {  	[sflag:s16] =	ssyncset.done $0x0  }
0x26e: {  	s26 =	rddreg [dreg:$0x13];
	[sflag:s16] =	ssyncadd.s32 $0xFFFFCE00  }
0x26f: {  	[tilespmem:s8], [sflag:$0x1] =	stream.indirect.gather [hbm4b:s4+s12], $0x80, s26, s12, $0xb8;
	[tilespmem:$0x1FC00] =	vst v63  }
0x270: {  	_ =	swait.ge [sflag:s17], $0x3200  }
0x271: {  	[sflag:s17] =	ssyncset.done $0x0  }
0x272: {  	s28 =	rddreg [dreg:$0x14];
	[sflag:s17] =	ssyncadd.s32 $0xFFFFCE00  }
0x273: {  	[spmem:s2] =	stream.indirect.scatter.add.f32 [tilespmem:s13], [sflag:$0x6], $0x80, s28, s12, $0xb8;
	[tilespmem:$0x1FC00] =	vst v63  }
0x274: {  	_ =	swait.ge [sflag:s18], $0x3200  }
0x275: {  	[sflag:s18] =	ssyncset.done $0x0  }
0x276: {  	s29 =	rddreg [dreg:$0x15];
	[sflag:s18] =	ssyncadd.s32 $0xFFFFCE00  }
0x277: {  	[tilespmem:s15], [sflag:$0x2] =	stream.indirect.gather [hbm4b:s4+s12], $0x80, s29, s12, $0xb8;
	[tilespmem:$0x1FC00] =	vst v63  }
0x278: {  	_ =	swait.ge [sflag:s11], $0x3200  }
0x279: {  	[sflag:s11] =	ssyncset.done $0x0  }
0x27a: {  	s30 =	rddreg [dreg:$0x16];
	[sflag:s11] =	ssyncadd.s32 $0xFFFFCE00  }
0x27b: {  	[spmem:s2] =	stream.indirect.scatter.add.f32 [tilespmem:s8], [sflag:$0x4], $0x80, s30, s12, $0xb8;
	[tilespmem:$0x1FC00] =	vst v63  }
0x27c: {  	_ =	swait.ge [sflag:s19], $0x3200  }
0x27d: {  	[sflag:s19] =	ssyncset.done $0x0  }
0x27e: {  	s31 =	rddreg [dreg:$0x17];
	[sflag:s19] =	ssyncadd.s32 $0xFFFFCE00  }
0x27f: {  	[tilespmem:s13], [sflag:$0x3] =	stream.indirect.gather [hbm4b:s4+s12], $0x80, s31, s12, $0xb8;
	[tilespmem:$0x1FC00] =	vst v63  }
0x280: {  	_ =	swait.ge [sflag:s14], $0x3200  }
0x281: {  	[sflag:s14] =	ssyncset.done $0x0  }
0x282: {  	s24 =	rddreg [dreg:$0x18];
	[sflag:s14] =	ssyncadd.s32 $0xFFFFCE00  }
0x283: {  	[spmem:s2] =	stream.indirect.scatter.add.f32 [tilespmem:s15], [sflag:$0x5], $0x80, s24, s12, $0xb8;
	[tilespmem:$0x1FC00] =	vst v63  }
0x284: {  	_ =	swait.ge [sflag:s16], $0x3200  }
0x285: {  	[sflag:s16] =	ssyncset.done $0x0  }
0x286: {  	s25 =	rddreg [dreg:$0x19];
	[sflag:s16] =	ssyncadd.s32 $0xFFFFCE00  }
0x287: {  	[tilespmem:s8], [sflag:$0x1] =	stream.indirect.gather [hbm4b:s4+s12], $0x80, s25, s12, $0xb8;
	[tilespmem:$0x1FC00] =	vst v63  }
0x288: {  	_ =	swait.ge [sflag:s17], $0x3200  }
0x289: {  	[sflag:s17] =	ssyncset.done $0x0  }
0x28a: {  	s26 =	rddreg [dreg:$0x1a];
	[sflag:s17] =	ssyncadd.s32 $0xFFFFCE00  }
0x28b: {  	[spmem:s2] =	stream.indirect.scatter.add.f32 [tilespmem:s13], [sflag:$0x6], $0x80, s26, s12, $0xb8;
	[tilespmem:$0x1FC00] =	vst v63  }
0x28c: {  	_ =	swait.ge [sflag:s18], $0x3200  }
0x28d: {  	[sflag:s18] =	ssyncset.done $0x0  }
0x28e: {  	s28 =	rddreg [dreg:$0x1b];
	[sflag:s18] =	ssyncadd.s32 $0xFFFFCE00  }
0x28f: {  	[tilespmem:s15], [sflag:$0x2] =	stream.indirect.gather [hbm4b:s4+s12], $0x80, s28, s12, $0xb8;
	[tilespmem:$0x1FC00] =	vst v63  }
0x290: {  	_ =	swait.ge [sflag:s11], $0x3200  }
0x291: {  	[sflag:s11] =	ssyncset.done $0x0  }
0x292: {  	s29 =	rddreg [dreg:$0x1c];
	[sflag:s11] =	ssyncadd.s32 $0xFFFFCE00  }
0x293: {  	[spmem:s2] =	stream.indirect.scatter.add.f32 [tilespmem:s8], [sflag:$0x4], $0x80, s29, s12, $0xb8;
	[tilespmem:$0x1FC00] =	vst v63  }
0x294: {  	_ =	swait.ge [sflag:s19], $0x3200  }
0x295: {  	[sflag:s19] =	ssyncset.done $0x0  }
0x296: {  	s30 =	rddreg [dreg:$0x1d];
	[sflag:s19] =	ssyncadd.s32 $0xFFFFCE00  }
0x297: {  	[tilespmem:s13], [sflag:$0x3] =	stream.indirect.gather [hbm4b:s4+s12], $0x80, s30, s12, $0xb8;
	[tilespmem:$0x1FC00] =	vst v63  }
0x298: {  	_ =	swait.ge [sflag:s14], $0x3200  }
0x299: {  	[sflag:s14] =	ssyncset.done $0x0  }
0x29a: {  	s31 =	rddreg [dreg:$0x1e];
	[sflag:s14] =	ssyncadd.s32 $0xFFFFCE00  }
0x29b: {  	[spmem:s2] =	stream.indirect.scatter.add.f32 [tilespmem:s15], [sflag:$0x5], $0x80, s31, s12, $0xb8;
	[tilespmem:$0x1FC00] =	vst v63  }
0x29c: {  	_ =	swait.ge [sflag:s16], $0x3200  }
0x29d: {  	[sflag:s16] =	ssyncset.done $0x0  }
0x29e: {  	s24 =	rddreg [dreg:$0x1f];
	[sflag:s16] =	ssyncadd.s32 $0xFFFFCE00  }
0x29f: {  	[tilespmem:s8], [sflag:$0x1] =	stream.indirect.gather [hbm4b:s4+s12], $0x80, s24, s12, $0xb8;
	[tilespmem:$0x1FC00] =	vst v63  }
0x2a0: {  	_ =	swait.ge [sflag:s17], $0x3200  }
0x2a1: {  	s25 =	sld [smem:$0x7EC]  }
0x2a2: {  	[sflag:s17] =	ssyncset.done $0x0  }
0x2a3: {  	[sflag:s17] =	ssyncadd.s32 $0xFFFFCE00  }
0x2a4: {  	[spmem:s2] =	stream.indirect.scatter.add.f32 [tilespmem:s13], [sflag:$0x6], $0x80, s25, s12, $0xb8;
	[tilespmem:$0x1FC00] =	vst v63  }
0x2a5: {  	_ =	swait.ge [sflag:s18], $0x3200  }
0x2a6: {  	s26 =	sld [smem:$0x7ED]  }
0x2a7: {  	[sflag:s18] =	ssyncset.done $0x0  }
0x2a8: {  	[sflag:s18] =	ssyncadd.s32 $0xFFFFCE00  }
0x2a9: {  	[tilespmem:s15], [sflag:$0x2] =	stream.indirect.gather [hbm4b:s4+s12], $0x80, s26, s12, $0xb8;
	[tilespmem:$0x1FC00] =	vst v63  }
0x2aa: {  	_ =	swait.ge [sflag:s11], $0x3200  }
0x2ab: {  	s28 =	sld [smem:$0x7EE]  }
0x2ac: {  	[sflag:s11] =	ssyncset.done $0x0  }
0x2ad: {  	[sflag:s11] =	ssyncadd.s32 $0xFFFFCE00  }
0x2ae: {  	[spmem:s2] =	stream.indirect.scatter.add.f32 [tilespmem:s8], [sflag:$0x4], $0x80, s28, s12, $0xb8;
	[tilespmem:$0x1FC00] =	vst v63  }
0x2af: {  	_ =	swait.ge [sflag:s19], $0x3200  }
0x2b0: {  	s29 =	sld [smem:$0x7EF]  }
0x2b1: {  	[sflag:s19] =	ssyncset.done $0x0  }
0x2b2: {  	[sflag:s19] =	ssyncadd.s32 $0xFFFFCE00  }
0x2b3: {  	[tilespmem:s13], [sflag:$0x3] =	stream.indirect.gather [hbm4b:s4+s12], $0x80, s29, s12, $0xb8;
	[tilespmem:$0x1FC00] =	vst v63  }
0x2b4: {  	_ =	swait.ge [sflag:s14], $0x3200  }
0x2b5: {  	s30 =	sld [smem:$0x7F0]  }
0x2b6: {  	[sflag:s14] =	ssyncset.done $0x0  }
0x2b7: {  	[sflag:s14] =	ssyncadd.s32 $0xFFFFCE00  }
0x2b8: {  	[spmem:s2] =	stream.indirect.scatter.add.f32 [tilespmem:s15], [sflag:$0x5], $0x80, s30, s12, $0xb8;
	[tilespmem:$0x1FC00] =	vst v63  }
0x2b9: {  	_ =	swait.ge [sflag:s16], $0x3200  }
0x2ba: {  	s31 =	sld [smem:$0x7F1]  }
0x2bb: {  	[sflag:s16] =	ssyncset.done $0x0  }
0x2bc: {  	[sflag:s16] =	ssyncadd.s32 $0xFFFFCE00  }
0x2bd: {  	[tilespmem:s8], [sflag:$0x1] =	stream.indirect.gather [hbm4b:s4+s12], $0x80, s31, s12, $0xb8;
	[tilespmem:$0x1FC00] =	vst v63  }
0x2be: {  	_ =	swait.ge [sflag:s17], $0x3200  }
0x2bf: {  	s24 =	sld [smem:$0x7F2]  }
0x2c0: {  	[sflag:s17] =	ssyncset.done $0x0  }
0x2c1: {  	[sflag:s17] =	ssyncadd.s32 $0xFFFFCE00  }
0x2c2: {  	[spmem:s2] =	stream.indirect.scatter.add.f32 [tilespmem:s13], [sflag:$0x6], $0x80, s24, s12, $0xb8;
	[tilespmem:$0x1FC00] =	vst v63  }
0x2c3: {  	_ =	swait.ge [sflag:s18], $0x3200  }
0x2c4: {  	s25 =	sld [smem:$0x7F3]  }
0x2c5: {  	[sflag:s18] =	ssyncset.done $0x0  }
0x2c6: {  	[sflag:s18] =	ssyncadd.s32 $0xFFFFCE00  }
0x2c7: {  	[tilespmem:s15], [sflag:$0x2] =	stream.indirect.gather [hbm4b:s4+s12], $0x80, s25, s12, $0xb8;
	[tilespmem:$0x1FC00] =	vst v63  }
0x2c8: {  	_ =	swait.ge [sflag:s11], $0x3200  }
0x2c9: {  	s26 =	sld [smem:$0x7F4]  }
0x2ca: {  	[sflag:s11] =	ssyncset.done $0x0  }
0x2cb: {  	[sflag:s11] =	ssyncadd.s32 $0xFFFFCE00  }
0x2cc: {  	[spmem:s2] =	stream.indirect.scatter.add.f32 [tilespmem:s8], [sflag:$0x4], $0x80, s26, s12, $0xb8;
	[tilespmem:$0x1FC00] =	vst v63  }
0x2cd: {  	_ =	swait.ge [sflag:s19], $0x3200  }
0x2ce: {  	s28 =	sld [smem:$0x7F5]  }
0x2cf: {  	[sflag:s19] =	ssyncset.done $0x0  }
0x2d0: {  	[sflag:s19] =	ssyncadd.s32 $0xFFFFCE00  }
0x2d1: {  	[tilespmem:s13], [sflag:$0x3] =	stream.indirect.gather [hbm4b:s4+s12], $0x80, s28, s12, $0xb8;
	[tilespmem:$0x1FC00] =	vst v63  }
0x2d2: {  	_ =	swait.ge [sflag:s14], $0x3200  }
0x2d3: {  	s29 =	sld [smem:$0x7F6]  }
0x2d4: {  	[sflag:s14] =	ssyncset.done $0x0  }
0x2d5: {  	[sflag:s14] =	ssyncadd.s32 $0xFFFFCE00  }
0x2d6: {  	[spmem:s2] =	stream.indirect.scatter.add.f32 [tilespmem:s15], [sflag:$0x5], $0x80, s29, s12, $0xb8;
	[tilespmem:$0x1FC00] =	vst v63  }
0x2d7: {  	_ =	swait.ge [sflag:s16], $0x3200  }
0x2d8: {  	s30 =	sld [smem:$0x7F7]  }
0x2d9: {  	[sflag:s16] =	ssyncset.done $0x0  }
0x2da: {  	[sflag:s16] =	ssyncadd.s32 $0xFFFFCE00  }
0x2db: {  	[tilespmem:s8], [sflag:$0x1] =	stream.indirect.gather [hbm4b:s4+s12], $0x80, s30, s12, $0xb8;
	[tilespmem:$0x1FC00] =	vst v63  }
0x2dc: {  	_ =	swait.ge [sflag:s17], $0x3200  }
0x2dd: {  	s31 =	sld [smem:$0x7F8]  }
0x2de: {  	[sflag:s17] =	ssyncset.done $0x0  }
0x2df: {  	[sflag:s17] =	ssyncadd.s32 $0xFFFFCE00  }
0x2e0: {  	[spmem:s2] =	stream.indirect.scatter.add.f32 [tilespmem:s13], [sflag:$0x6], $0x80, s31, s12, $0xb8;
	[tilespmem:$0x1FC00] =	vst v63  }
0x2e1: {  	_ =	swait.ge [sflag:s18], $0x3200  }
0x2e2: {  	s24 =	sld [smem:$0x7F9]  }
0x2e3: {  	[sflag:s18] =	ssyncset.done $0x0  }
0x2e4: {  	[sflag:s18] =	ssyncadd.s32 $0xFFFFCE00  }
0x2e5: {  	[tilespmem:s15], [sflag:$0x2] =	stream.indirect.gather [hbm4b:s4+s12], $0x80, s24, s12, $0xb8;
	[tilespmem:$0x1FC00] =	vst v63  }
0x2e6: {  	_ =	swait.ge [sflag:s11], $0x3200  }
0x2e7: {  	s25 =	sld [smem:$0x7FA]  }
0x2e8: {  	[sflag:s11] =	ssyncset.done $0x0  }
0x2e9: {  	[sflag:s11] =	ssyncadd.s32 $0xFFFFCE00  }
0x2ea: {  	[spmem:s2] =	stream.indirect.scatter.add.f32 [tilespmem:s8], [sflag:$0x4], $0x80, s25, s12, $0xb8;
	[tilespmem:$0x1FC00] =	vst v63  }
0x2eb: {  	_ =	swait.ge [sflag:s19], $0x3200  }
0x2ec: {  	s26 =	sld [smem:$0x7FB]  }
0x2ed: {  	[sflag:s19] =	ssyncset.done $0x0  }
0x2ee: {  	[sflag:s19] =	ssyncadd.s32 $0xFFFFCE00  }
0x2ef: {  	[tilespmem:s13], [sflag:$0x3] =	stream.indirect.gather [hbm4b:s4+s12], $0x80, s26, s12, $0xb8;
	[tilespmem:$0x1FC00] =	vst v63  }
0x2f0: {  	_ =	swait.ge [sflag:s14], $0x3200  }
0x2f1: {  	s28 =	sld [smem:$0x7FC]  }
0x2f2: {  	[sflag:s14] =	ssyncset.done $0x0  }
0x2f3: {  	[sflag:s14] =	ssyncadd.s32 $0xFFFFCE00  }
0x2f4: {  	[spmem:s2] =	stream.indirect.scatter.add.f32 [tilespmem:s15], [sflag:$0x5], $0x80, s28, s12, $0xb8;
	[tilespmem:$0x1FC00] =	vst v63  }
0x2f5: {  	_ =	swait.ge [sflag:s16], $0x3200  }
0x2f6: {  	s29 =	sld [smem:$0x7FD]  }
0x2f7: {  	[sflag:s16] =	ssyncset.done $0x0  }
0x2f8: {  	[sflag:s16] =	ssyncadd.s32 $0xFFFFCE00  }
0x2f9: {  	[tilespmem:s8], [sflag:$0x1] =	stream.indirect.gather [hbm4b:s4+s12], $0x80, s29, s12, $0xb8;
	[tilespmem:$0x1FC00] =	vst v63  }
0x2fa: {  	_ =	swait.ge [sflag:s17], $0x3200  }
0x2fb: {  	[sflag:s17] =	ssyncset.done $0x0  }
0x2fc: {  	[sflag:s17] =	ssyncadd.s32 $0xFFFFCE00  }
0x2fd: {  	[spmem:s2] =	stream.indirect.scatter.add.f32 [tilespmem:s13], [sflag:$0x6], $0x80, s20, s12, $0xb8;
	[tilespmem:$0x1FC00] =	vst v63  }
0x2fe: {  	_ =	swait.ge [sflag:s11], $0x3200  }
0x2ff: {  	[sflag:s11] =	ssyncset.done $0x0  }
0x300: {  	[sflag:s11] =	ssyncadd.s32 $0xFFFFCE00  }
0x301: {  	[spmem:s2] =	stream.indirect.scatter.add.f32 [tilespmem:s8], [sflag:$0x4], $0x80, s21, s12, $0xb8;
	[tilespmem:$0x1FC00] =	vst v63  }
0x302: {  	_ =	swait.ge [sflag:s16], $0x3200  }
0x303: {  	[sflag:s16] =	ssyncset.done $0x0  }
0x304: {  	[sflag:s16] =	ssyncadd.s32 $0xFFFFCE00  }
0x305: {  	_ =	swait.ge [sflag:s18], $0x3200  }
0x306: {  	[sflag:s18] =	ssyncset.done $0x0  }
0x307: {  	[sflag:s18] =	ssyncadd.s32 $0xFFFFCE00  }
0x308: {  	_ =	swait.ge [sflag:s19], $0x3200  }
0x309: {  	s22 =	sadd.s32 $0x1, s22;
	s30 =	sshll.u32 s1, $0x6;
	[sflag:s19] =	ssyncset.done $0x0  }
0x30a: {  	p0 =	sne.s32 s22, s7;
	s23 =	sor.u32 $0x1C07, s30;
	[sflag:s19] =	ssyncadd.s32 $0xFFFFCE00  }
.Ltmp3:
0x30b: {  	s31 =	sshrl.u32 s5, $0x3;
	[bflag:$0x0] =	sbarrier.arrive $0xFFFF;
	(pc) =	sbr.rel @p0 .LBB2_1-.Ltmp3, $4  }
0x30c: {  	[hbm:s6], [sflag:s23] =	dma.local [spmem:s31], $0x2800  }
0x30d: {  	_ =	swait.ge [sflag:s9], $0x2800  }
0x30e: {  	[sflag:s9] =	ssyncset.done $0x0  }
0x30f: {  	[sflag:s9] =	ssyncadd.s32 $0xFFFFD800  }
0x310: {  	_ =	sfence.sel $0x180000  }
0x311: {  	[bflag:$0x0] =	sbarrier.arrive $0xFFFF  }
0x312: {  	p0 =	sne.s32 s1, $0x0;
	_ =	strace $0x9000004D  }
0x313: {  	s0 =	sadd.s32 @!p0 $0x100000, s0;
	[bflag:$0x2] =	sbarrier.arrive $0xFFFF  }
0x314: {  	[sflag:s0] =	ssyncadd.tile.s32 @!p0 $0x1;
	_ =	shalt  }
.Lfunc_end2:
_tile_overlayer_lowered:
.L_overlay_start_2:
0x315: {  	(tag) =	ssettag $0x2  }
0x316: {  	s0 =	rddreg [dreg:$0x0];
	s2 =	stileid.u32  }
0x317: {  	s1 =	rddreg [dreg:$0x1];
	p0 =	sne.s32 s2, $0x0  }
0x318: {  	s3 =	rddreg [dreg:$0x2];
	[bflag:$0x3] =	sbarrier.arrive $0xFFFF;
	s2 =	simm.s32 @!p0 $0x1C07  }
0x319: {  	[timem:s3], [sflag:s2] =	dma.local @!p0 [hbm:s0], s1  }
0x31a: {  	s0 =	simm.s32 @!p0 $0x7  }
0x31b: {  	_ =	swait.ge @!p0 [sflag:s0], s1  }
0x31c: {  	s1 =	ssub.s32 @!p0 $0x0, s1;
	[sflag:s0] =	ssyncset.done @!p0 $0x0  }
0x31d: {  	[sflag:s0] =	ssyncadd.s32 @!p0 s1  }
0x31e: {  	[bflag:$0x3] =	sbarrier.arrive $0xFFFF  }
0x31f: {  	_ =	shalt  }

// kernel: kernel.8.cloned.1.call-start
scs
__scs_entry_jumppad:
0x0: {  	(pc) =	sbr.rel $0x88, $3  }
0x1: {  	(tag) =	ssettag $0x0;
	lr =	simm.s32 $0x1  }
0x2: {  	[smem:$0x3F98] =	sst lr;
	_ =	strace $0xD0000000  }
0x3: {  	_ = 	snop  }
0x4: {  	_ = 	snop  }
0x5: {  	_ = 	snop  }
0x6: {  	_ = 	snop  }
0x7: {  	_ = 	snop  }
__scs_overlays_trampoline_lowered:
0x8: {  	[smem:$0x3FA7] =	sst s0  }
0x9: {  	[smem:$0x3FA8] =	sst s1  }
0xa: {  	[smem:$0x3FA9] =	sst s2  }
0xb: {  	[smem:$0x3FAA] =	sst s3  }
0xc: {  	[smem:$0x3FAB] =	sst s4  }
0xd: {  	[smem:$0x3FAC] =	sst s5  }
0xe: {  	[smem:$0x3FAD] =	sst s6  }
0xf: {  	[smem:$0x3FAE] =	sst s7  }
0x10: {  	[smem:$0x3FAF] =	sst s8  }
0x11: {  	[smem:$0x3FB0] =	sst s9;
	s0 =	simm.s32 @!p0 $0x0  }
0x12: {  	s1 =	sld [smem:$0x3F96];
	s0 =	simm.s32 @p0 $0x1  }
0x13: {  	[smem:$0x3FB1] =	sst s0;
	s0 =	simm.s32 @!p1 $0x0  }
0x14: {  	s2 =	sld [smem:$0x3F95];
	s0 =	simm.s32 @p1 $0x1  }
0x15: {  	[smem:$0x3FB2] =	sst s0;
	s0 =	simm.s32 @!p2 $0x0  }
0x16: {  	s3 =	sld [smem:$0x3FDB];
	s0 =	simm.s32 @p2 $0x1  }
0x17: {  	s4 =	simm.s32 $0x1BF5;
	[smem:$0x3FB4] =	sst s0  }
0x18: {  	s0 =	sld [smem:$0x3F97];
	_ =	swait.ge [sflag:s4], $0x0  }
0x19: {  	s7 =	sld [smem:$0x3F98]  }
0x1a: {  	s8 =	sadd.s32 $0xFFFFE003, lr  }
0x1b: {  	s9 =	sadd.s32 $0xFFFFFEF7, lr;
	s5 =	simm.s32 $0xFFFFFFFF;
	p2 =	slt.u32 s8, $0xFFFFF086  }
0x1c: {  	p1 =	slt.u32 s9, $0xF7A;
	s5 =	simm.s32 @!p2 $0x0  }
0x1d: {  	s5 =	simm.s32 @p1 $0x1;
	p0 =	seq.s32 s7, s2  }
0x1e: {  	s7 =	smul.u32 @!p0 $0xF7A, s2;
	p2 =	seq.s32 @!p0 s5, $0x0  }
0x1f: {  	s9 =	smul.u32 $0xF7A, s1;
	s8 =	simm.s32 @!p0 $0x1BF5;
	p2 =	por !p2, p0  }
0x20: {  	[sflag:s8] =	ssyncset.s32 @!p0 $0xFFFFF086;
	s6 =	sadd.s32 @!p0 s3, s7;
	s7 =	simm.s32 @!p0 $0x108  }
0x21: {  	s3 =	sadd.s32 s3, s9;
	s6 =	sadd.s32 @!p0 $0x88, s6;
	s7 =	simm.s32 @p2 $0x1082  }
0x22: {  	[simem:s7], [sflag:s8] =	dma.local @!p0 [hbm:s6], $0xF7A  }
0x23: {  	s9 =	sor.u32 $0xD0000000, s2;
	s6 =	simm.s32 $0x108;
	_ =	swait.ge @!p0 [sflag:s8], $0x0  }
0x24: {  	s3 =	sadd.s32 $0x88, s3;
	s6 =	simm.s32 @!p1 $0x1082;
	[sflag:s4] =	ssyncset.s32 $0xFFFFF086  }
0x25: {  	[simem:s6], [sflag:s4] =	dma.local [hbm:s3], $0xF7A  }
0x26: {  	[smem:$0x3F98] =	sst s1;
	(tag) =	ssettag s2;
	_ =	strace s9  }
0x27: {  	s1 =	sld [smem:$0x3FA8]  }
0x28: {  	s2 =	sld [smem:$0x3FA9]  }
0x29: {  	s4 =	sld [smem:$0x3FAB]  }
0x2a: {  	p0 =	seq.s32 s5, $0x0;
	s5 =	sld [smem:$0x3FAC]  }
0x2b: {  	s6 =	sld [smem:$0x3FAD]  }
0x2c: {  	s7 =	sld [smem:$0x3FAE]  }
0x2d: {  	s3 =	simm.s32 $0x108;
	s8 =	sld [smem:$0x3FAF]  }
0x2e: {  	s3 =	simm.s32 @!p0 $0x1082;
	s9 =	sld [smem:$0x3FB0]  }
0x2f: {  	lr =	sadd.s32 s0, s3;
	s0 =	sld [smem:$0x3FA7]  }
0x30: {  	s3 =	sld [smem:$0x3FAA]  }
0x31: {  	[smem:$0x3FB3] =	sst s10  }
0x32: {  	s10 =	sld [smem:$0x3FB1];
	_ =	sdelay $0x3  }
0x33: {  	p0 =	seq.s32 s10, $0x1;
	s10 =	sld [smem:$0x3FB3];
	_ =	sdelay $0x3  }
0x34: {  	[smem:$0x3FB3] =	sst s10  }
0x35: {  	s10 =	sld [smem:$0x3FB2];
	_ =	sdelay $0x3  }
0x36: {  	p1 =	seq.s32 s10, $0x1;
	s10 =	sld [smem:$0x3FB3];
	_ =	sdelay $0x3  }
0x37: {  	[smem:$0x3FB3] =	sst s10  }
0x38: {  	s10 =	sld [smem:$0x3FB4]  }
0x39: {  	_ = 	snop;
	(pc) =	sbr.ind lr, $3  }
0x3a: {  	_ = 	snop  }
0x3b: {  	_ = 	snop  }
0x3c: {  	p2 =	seq.s32 s10, $0x1;
	s10 =	sld [smem:$0x3FB3]  }
0x3d: {  	_ =	shalt  }
0x3e: {  	_ =	shalt  }
0x3f: {  	_ =	shalt  }
0x40: {  	_ =	shalt  }
0x41: {  	_ =	shalt  }
0x42: {  	_ =	shalt  }
0x43: {  	_ =	shalt  }
0x44: {  	_ =	shalt  }
0x45: {  	_ =	shalt  }
0x46: {  	_ =	shalt  }
0x47: {  	_ =	shalt  }
0x48: {  	_ =	shalt  }
0x49: {  	_ =	shalt  }
0x4a: {  	_ =	shalt  }
0x4b: {  	_ =	shalt  }
0x4c: {  	_ =	shalt  }
0x4d: {  	_ =	shalt  }
0x4e: {  	_ =	shalt  }
0x4f: {  	_ =	shalt  }
0x50: {  	_ =	shalt  }
0x51: {  	_ =	shalt  }
0x52: {  	_ =	shalt  }
0x53: {  	_ =	shalt  }
0x54: {  	_ =	shalt  }
0x55: {  	_ =	shalt  }
0x56: {  	_ =	shalt  }
0x57: {  	_ =	shalt  }
0x58: {  	_ =	shalt  }
0x59: {  	_ =	shalt  }
0x5a: {  	_ =	shalt  }
0x5b: {  	_ =	shalt  }
0x5c: {  	_ =	shalt  }
0x5d: {  	_ =	shalt  }
0x5e: {  	_ =	shalt  }
0x5f: {  	_ =	shalt  }
0x60: {  	_ =	shalt  }
0x61: {  	_ =	shalt  }
0x62: {  	_ =	shalt  }
0x63: {  	_ =	shalt  }
0x64: {  	_ =	shalt  }
0x65: {  	_ =	shalt  }
0x66: {  	_ =	shalt  }
0x67: {  	_ =	shalt  }
0x68: {  	_ =	shalt  }
0x69: {  	_ =	shalt  }
0x6a: {  	_ =	shalt  }
0x6b: {  	_ =	shalt  }
0x6c: {  	_ =	shalt  }
0x6d: {  	_ =	shalt  }
0x6e: {  	_ =	shalt  }
0x6f: {  	_ =	shalt  }
0x70: {  	_ =	shalt  }
0x71: {  	_ =	shalt  }
0x72: {  	_ =	shalt  }
0x73: {  	_ =	shalt  }
0x74: {  	_ =	shalt  }
0x75: {  	_ =	shalt  }
0x76: {  	_ =	shalt  }
0x77: {  	_ =	shalt  }
0x78: {  	_ =	shalt  }
0x79: {  	_ =	shalt  }
0x7a: {  	_ =	shalt  }
0x7b: {  	_ =	shalt  }
0x7c: {  	_ =	shalt  }
0x7d: {  	_ =	shalt  }
0x7e: {  	_ =	shalt  }
0x7f: {  	_ =	shalt  }
0x80: {  	_ =	shalt  }
0x81: {  	_ =	shalt  }
0x82: {  	_ =	shalt  }
0x83: {  	_ =	shalt  }
0x84: {  	_ =	shalt  }
0x85: {  	_ =	shalt  }
0x86: {  	_ =	shalt  }
0x87: {  	_ =	shalt  }
.Lfunc_end0:
.L_simem_size_0:
called_computation_lowered:
.L_overlay_start_0:
0x88: {  	s2 =	sld [smem:$0x3FD9]  }
0x89: {  	s3 =	sld [smem:$0x3FFE];
	_ =	sdelay $0x1  }
0x8a: {  	s1 =	srdreg.scid  }
0x8b: {  	s0 =	sand.u32 $0x1, s1  }
0x8c: {  	s16 =	sshll.u32 s0, $0xA;
	s2 =	sadd.s32 s3, s2  }
0x8d: {  	s2 =	sadd.s32 s2, s16  }
0x8e: {  	[smem:$0x3FBF] =	sst s2  }
0x8f: {  	_ = 	snop  }
0x90: {  	(tm) =	ssettm $0x1  }
0x91: {  	s17 =	sld [smem:$0x3FFB];
	_ =	sdelay $0x3  }
0x92: {  	_ =	strace s17  }
0x93: {  	s2 =	sld [smem:$0x3FFC];
	_ =	sdelay $0x3  }
0x94: {  	_ =	strace s2  }
0x95: {  	s2 =	sld [smem:$0x3FFD];
	_ =	sdelay $0x3  }
0x96: {  	_ =	strace s2  }
0x97: {  	_ =	strace $0x8FFFFFFF  }
0x98: {  	s18 =	sld [smem:$0x3FDB];
	_ =	sdelay $0x1  }
0x99: {  	s19 =	simm.s32 $_scs_section_size  }
0x9a: {  	s4 =	simm.s32 $_size__tile_overlayer_lowered;
	s5 =	simm.s32 $_tile_overlayer_lowered  }
0x9b: {  	s22 =	simm.s32 $0x1BFF;
	s21 =	sshll.u32 s5, $0x1;
	s2 =	sadd.s32 s19, s18  }
0x9c: {  	s6 =	simm.s32 $0x0;
	s20 =	sshll.u32 s4, $0x1;
	s4 =	sadd.s32 s21, s2  }
0x9d: {  	[timem:s6], [sflag:s22] =	dma.local [hbm:s4], s20  }
0x9e: {  	_ =	swait.ge [sflag:s22], s20  }
0x9f: {  	s3 =	ssub.s32 $0x0, s20;
	[sflag:s22] =	ssyncset.done $0x0  }
0xa0: {  	[sflag:s22] =	ssyncadd.s32 s3;
	_ =	sdelay $0x1  }
0xa1: {  	s23 =	simm.s32 $0x1B8B  }
0xa2: {  	_ =	swait.ge [sflag:s23], $0x1  }
0xa3: {  	[sflag:s23] =	ssyncset.done $0x0  }
0xa4: {  	s25 =	simm.s32 $0x1B8E;
	s24 =	sld [smem:$0x3FFE];
	[sflag:s23] =	ssyncadd.s32 $0xFFFFFFFF  }
0xa5: {  	s26 =	simm.s32 $execute0_lowered;
	[smem:$0x3FD2] =	sst s25  }
0xa6: {  	s4 =	sshll.u32 s26, $0x1;
	_ =	strace $0x80000046;
	[dreg:$0x1] =	wrdreg $0xFFFFFFFF  }
0xa7: {  	s28 =	simm.s32 $_size_execute0_lowered;
	s2 =	sadd.s32 s2, s4;
	[dreg:$0x0] =	wrdreg $0x0  }
0xa8: {  	s4 =	sshll.u32 s28, $0x1;
	[dreg:$0x2] =	wrdreg s2  }
0xa9: {  	[dreg:$0x3] =	wrdreg s4  }
0xaa: {  	[dreg:$0x4] =	wrdreg $0xC0  }
0xab: {  	_ =	task [dreg:s6], $0x5FFFF  }
0xac: {  	[dreg:$0x1] =	wrdreg $0xFFFFFFFF  }
0xad: {  	[dreg:$0x0] =	wrdreg $0x60  }
0xae: {  	[dreg:$0x2] =	wrdreg s24  }
0xaf: {  	[dreg:$0x3] =	wrdreg $0x9  }
0xb0: {  	_ =	task.clear_ibuf [dreg:s6], $0x4FFFF;
	_ =	strace $0x90000046  }
0xb1: {  	s29 =	simm.s32 $0x9;
	_ =	strace $0x80000048  }
0xb2: {  	_ =	swait.ge [sflag:s29], $0x1  }
0xb3: {  	[sflag:s29] =	ssyncadd.s32 $0xFFFFFFFF  }
0xb4: {  	_ =	strace $0x90000048  }
0xb5: {  	_ =	sfence  }
0xb6: {  	s30 =	sld [smem:$0x0];
	_ =	sdelay $0x2  }
0xb7: {  	s31 =	sshll.u32 s1, $0xD;
	s1 =	sshrl.u32 s1, $0x2  }
0xb8: {  	s3 =	sand.u32 $0x4000, s31;
	s1 =	sadd.s32 s1, s30  }
0xb9: {  	s0 =	sor.u32 s3, s0;
	s1 =	sshll.u32 s1, $0x11  }
0xba: {  	s0 =	sor.u32 s1, s0  }
0xbb: {  	s0 =	sadd.s32 $0x8F2B, s0  }
0xbc: {  	[sflag:s0] =	ssyncadd.remote.s32 $0x1  }
0xbd: {  	_ =	sfence.sel $0xFFFF  }
0xbe: {  	[dreg:$0x0] =	wrdreg $0xFFFFFFFF;
	(pc) =	sbr.abs _section_cstart, $3  }
0xbf: {  	[dreg:$0x1] =	wrdreg $0xFFFFFFFF  }
0xc0: {  	_ =	task.clear_ibuf [dreg:s6], $0x2FFFF;
	_ =	strace $0x9FFFFFFF  }
0xc1: {  	(tm) =	ssettm $0x7FFFFFFF  }
tec
execute0_lowered:
.L_overlay_start_1:
0x0: {  	(tag) =	ssettag $0x1  }
0x1: {  	s1 =	srdreg.scid  }
0x2: {  	s0 =	stileid.u32;
	s5 =	rddreg [dreg:$0x0];
	s7 =	simm.s32 $0x400  }
0x3: {  	s8 =	simm.s32 $0x1;
	s9 =	simm.s32 $0x2780;
	s10 =	simm.s32 $0x0  }
0x4: {  	s3 =	sand.u32 $0x1, s1;
	s29 =	sshrl.u32 s0, $0x2;
	s2 =	sshll.u32 s0, $0x8  }
0x5: {  	s4 =	smul.u32 $0x13C00, s29;
	s30 =	sshll.u32 s3, $0x7;
	s2 =	sand.u32 $0x300, s2  }
0x6: {  	s1 =	rddreg [dreg:$0x1];
	s3 =	ssub.s32 $0x2, s3;
	s6 =	sor.u32 s30, s2  }
0x7: {  	s2 =	simm.s32 $0x0;
	s31 =	sshrl.u32 s3, $0x1;
	s4 =	sor.u32 s4, s6  }
0x8: {  	[smem:$0x7FF] =	sst s2;
	s6 =	simm.s32 $0x80;
	s4 =	sshrl.u32 s4, $0x3  }
0x9: {  	_ =	strace $0x80000047;
	s4 =	sadd.s32 s4, s5;
	s5 =	ssub.s32 s3, s31  }
0xa: {  	v0 =	vimm.f32 $0.0e+00;
	v1 =	vimm.f32 $1.000000000e+00;
	s3 =	sadd.s32 $0x2E00, s4;
	s4 =	sadd.s32 $0xCC00, s4;
	s5 =	smax.u32 s5, $0x1  }
.LBB2_1:
0xb: {  	[tilespmem:s2], [sflag:$0x1] =	stream.strided.gather [hbm4b:s3+s6], $0x2780, s7, s6, $0x38;
	[tilespmem:$0x4F00] =	vst v63  }
0xc: {  	_ =	swait.ge [sflag:s8], $0x2780  }
0xd: {  	[sflag:s8] =	ssyncset.done $0x0  }
0xe: {  	s11 =	simm.s32 $0x0;
	[sflag:s8] =	ssyncadd.s32 $0xFFFFD880  }
.LBB2_2:
0xf: {  	p0 =	sne.s32 s11, $0x9C00  }
.Ltmp0:
0x10: {  	_ = 	snop;
	(pc) =	sbr.rel @p0 .LBB2_2-.Ltmp0, $3  }
0x11: {  	_ =	sdelay $0x1  }
0x12: {  	s12 =	sshra.s32 s11, $0x2  }
0x13: {  	s11 =	sadd.s32 $0x40, s11;
	[tilespmem:s12+$0x2780] =	vst v0  }
0x14: {  	s12 =	simm.s32 $0x0;
	s11 =	simm.s32 $0x40  }
.LBB2_4:
0x15: {  	p0 =	sne.s32 s11, $0x9C00;
	v2 =	vld [tilespmem:s12+$0x0];
	_ =	sdelay $0x3  }
.Ltmp1:
0x16: {  	(pc) =	sbr.rel @p0 .LBB2_4-.Ltmp1, $2  }
0x17: {  	_ =	sdelay $0x2  }
0x18: {  	s12 =	sshra.s32 s11, $0x2;
	s11 =	sadd.s32 $0x40, s11;
	[tilespmem:v2+s9+$0x0] =	vst.idx.add.f32.msk $0xffff, v1  }
0x19: {  	v2 =	vld [tilespmem:s12+$0x0];
	_ =	sdelay $0x5  }
0x1a: {  	s10 =	sadd.s32 $0x1, s10  }
0x1b: {  	p0 =	sne.s32 s10, s5  }
.Ltmp2:
0x1c: {  	[tilespmem:v2+s9+$0x0] =	vst.idx.add.f32.msk $0xffff, v1;
	(pc) =	sbr.rel @p0 .LBB2_1-.Ltmp2, $4  }
0x1d: {  	[hbm4b:s4+s6] =	stream.strided.scatter [tilespmem:s9], [sflag:$0x1], $0x2780, s7, s6, $0x38;
	[tilespmem:$0x4F00] =	vst v63  }
0x1e: {  	_ =	swait.ge [sflag:s8], $0x2780  }
0x1f: {  	[sflag:s8] =	ssyncset.done $0x0  }
0x20: {  	[sflag:s8] =	ssyncadd.s32 $0xFFFFD880  }
0x21: {  	_ =	sfence.sel $0x180000  }
0x22: {  	[bflag:$0x0] =	sbarrier.arrive $0xFFFF  }
0x23: {  	p0 =	sne.s32 s0, $0x0;
	_ =	strace $0x90000047  }
0x24: {  	s0 =	sadd.s32 @!p0 $0x100000, s1;
	[bflag:$0x2] =	sbarrier.arrive $0xFFFF  }
0x25: {  	[sflag:s0] =	ssyncadd.tile.s32 @!p0 $0x1;
	_ =	shalt  }
.Lfunc_end2:
_tile_overlayer_lowered:
.L_overlay_start_2:
0x26: {  	(tag) =	ssettag $0x2  }
0x27: {  	s0 =	rddreg [dreg:$0x0];
	s2 =	stileid.u32  }
0x28: {  	s1 =	rddreg [dreg:$0x1];
	p0 =	sne.s32 s2, $0x0  }
0x29: {  	s3 =	rddreg [dreg:$0x2];
	[bflag:$0x3] =	sbarrier.arrive $0xFFFF;
	s2 =	simm.s32 @!p0 $0x1C01  }
0x2a: {  	[timem:s3], [sflag:s2] =	dma.local @!p0 [hbm:s0], s1  }
0x2b: {  	s0 =	simm.s32 @!p0 $0x1  }
0x2c: {  	_ =	swait.ge @!p0 [sflag:s0], s1  }
0x2d: {  	s1 =	ssub.s32 @!p0 $0x0, s1;
	[sflag:s0] =	ssyncset.done @!p0 $0x0  }
0x2e: {  	[sflag:s0] =	ssyncadd.s32 @!p0 s1  }
0x2f: {  	[bflag:$0x3] =	sbarrier.arrive $0xFFFF  }
0x30: {  	_ =	shalt  }

</sc_bundles>
